<compile_context>
chip_gen: v7x
topology: tpu7x:2x2x1
jax: 0.10.2.dev20260603
libtpu: 0.0.44.dev20260713+nightly
codegen_flags: <defaults>
</compile_context>

<pallas_src>
import functools

import jax
import jax.numpy as jnp
from jax import lax
from jax.experimental import pallas as pl
from jax.experimental.pallas import tpu as pltpu
from jax.experimental.pallas import tpu_sc as plsc

N = 10000
IN_CH = 128
OUT_CH = 128

NC = 2
NS = 16
CH = 128
LANES = 16

NP = 2
NQ = NC * NP
Q = 2500
ACC_ROWS = 2560
RPT = ACC_ROWS // NS
DROWS = 32
DRPT = DROWS // NS
APAD = 10016


def _proj_body(x_ref, w_ref, a2_ref, h_ref, a_ref):
    h = jnp.dot(x_ref[...], w_ref[...], preferred_element_type=jnp.float32)
    h_ref[...] = h
    a_ref[...] = jnp.dot(h, a2_ref[...], preferred_element_type=jnp.float32)


def _project(x, W, A2):
    blk = 1000
    grid = N // blk
    return pl.pallas_call(
        _proj_body,
        grid=(grid,),
        in_specs=[
            pl.BlockSpec((blk, IN_CH), lambda i: (i, 0)),
            pl.BlockSpec((IN_CH, OUT_CH), lambda i: (0, 0)),
            pl.BlockSpec((OUT_CH, 128), lambda i: (0, 0)),
        ],
        out_specs=[
            pl.BlockSpec((blk, OUT_CH), lambda i: (i, 0)),
            pl.BlockSpec((blk, 128), lambda i: (i, 0)),
        ],
        out_shape=[
            jax.ShapeDtypeStruct((N, OUT_CH), jnp.float32),
            jax.ShapeDtypeStruct((N, 128), jnp.float32),
        ],
    )(x, W, A2)


def _edge_body(h_hbm, asrc_hbm, adst_hbm, srci_hbm, dsti_hbm, zeros_hbm,
               msg_hbm, den_hbm, asrc_v, adst_v, sidx_v, didx_v, didxloc_v,
               rows_v, denloc_v, dloc_v, dexp_v, idv_v, acc_sh, accd_sh,
               gsem0, gsem1):
    c = lax.axis_index("c")
    s = lax.axis_index("s")
    nchunk = srci_hbm.shape[1] - 2
    r0 = s * RPT

    pltpu.sync_copy(asrc_hbm, asrc_v)
    pltpu.sync_copy(adst_hbm, adst_v)
    pltpu.sync_copy(srci_hbm.at[s], sidx_v)
    pltpu.sync_copy(dsti_hbm.at[s], didx_v)
    for t in range(DROWS // 16):
        idv_v[pl.ds(t * 16, 16)] = lax.iota(jnp.int32, 16) + t * 16
    zero16 = jnp.zeros((16,), jnp.float32)

    def pass_body(p, _):
        q = NC * p + c
        base = q * Q

        def zinit_body(z, _):
            pltpu.sync_copy(zeros_hbm, acc_sh.at[pl.ds(r0 + z * 32, 32)])
            return 0

        lax.fori_loop(0, RPT // 32, zinit_body, 0)
        pltpu.sync_copy(zeros_hbm.at[pl.ds(0, DRPT)],
                        accd_sh.at[pl.ds(s * DRPT, DRPT)])

        def zero_body(r, _):
            for t in range(8):
                denloc_v[r, pl.ds(t * 16, 16)] = zero16
            return 0

        lax.fori_loop(0, DROWS, zero_body, 0)
        plsc.subcore_barrier()

        def chunk_body(g, _):
            pltpu.async_copy(h_hbm.at[sidx_v.at[g]], rows_v.at[0], gsem0).wait()

            def group_body(j, _):
                si = sidx_v[g, pl.ds(j * LANES, LANES)]
                di = didx_v[g, pl.ds(j * LANES, LANES)]
                a = (plsc.load_gather(asrc_v, [si])
                     + plsc.load_gather(adst_v, [di]))
                a = jnp.where(a >= 0.0, a, 0.2 * a)
                e16 = jnp.exp(a)
                dil = di - base
                dil = jnp.where((dil >= 0) & (dil < Q), dil, Q)
                didxloc_v[0, pl.ds(j * LANES, LANES)] = dil
                plsc.addupdate_scatter(
                    denloc_v,
                    [lax.shift_right_logical(dil, 7),
                     lax.bitwise_and(dil, 127)],
                    e16)
                for l in range(LANES):
                    je = j * LANES + l
                    eb = jnp.full((16,), e16[l], jnp.float32)
                    for k in range(OUT_CH // 16):
                        rows_v[0, je, pl.ds(k * 16, 16)] = (
                            rows_v[0, je, pl.ds(k * 16, 16)] * eb)
                return 0

            lax.fori_loop(0, CH // LANES, group_body, 0)
            pltpu.sync_copy(rows_v.at[0], acc_sh.at[didxloc_v.at[0]], add=True)
            return 0

        lax.fori_loop(0, nchunk, chunk_body, 0)

        pltpu.sync_copy(denloc_v, accd_sh.at[idv_v], add=True)
        plsc.subcore_barrier()

        pltpu.sync_copy(acc_sh.at[pl.ds(r0, RPT)],
                        msg_hbm.at[q, pl.ds(r0, RPT)])
        pltpu.sync_copy(accd_sh, dloc_v)

        def exp_body(b, _):
            for t in range(2):
                o = r0 + b * 32 + t * 16
                dv = dloc_v[lax.shift_right_logical(o, 7),
                            pl.ds(lax.bitwise_and(o, 127), 16)]
                for l in range(LANES):
                    db = jnp.full((16,), dv[l], jnp.float32)
                    for k in range(OUT_CH // 16):
                        dexp_v[t * 16 + l, pl.ds(k * 16, 16)] = db
            pltpu.sync_copy(dexp_v, den_hbm.at[q, pl.ds(r0 + b * 32, 32)])
            return 0

        lax.fori_loop(0, RPT // 32, exp_body, 0)
        plsc.subcore_barrier()
        return 0

    lax.fori_loop(0, NP, pass_body, 0)


def _edge_pass(h, asrc, adst, srci, dsti):
    zeros = jnp.zeros((32, OUT_CH), jnp.float32)
    mesh = plsc.VectorSubcoreMesh(core_axis_name="c", subcore_axis_name="s")
    nchunk = srci.shape[1]
    kern = functools.partial(
        pl.kernel,
        mesh=mesh,
        compiler_params=pltpu.CompilerParams(needs_layout_passes=False),
        out_type=[
            jax.ShapeDtypeStruct((NQ, ACC_ROWS, OUT_CH), jnp.float32),
            jax.ShapeDtypeStruct((NQ, ACC_ROWS, OUT_CH), jnp.float32),
        ],
        scratch_types=[
            pltpu.VMEM((APAD,), jnp.float32),
            pltpu.VMEM((APAD,), jnp.float32),
            pltpu.VMEM((nchunk, CH), jnp.int32),
            pltpu.VMEM((nchunk, CH), jnp.int32),
            pltpu.VMEM((2, CH), jnp.int32),
            pltpu.VMEM((2, CH, OUT_CH), jnp.float32),
            pltpu.VMEM((DROWS, 128), jnp.float32),
            pltpu.VMEM((DROWS, 128), jnp.float32),
            pltpu.VMEM((32, OUT_CH), jnp.float32),
            pltpu.VMEM((DROWS,), jnp.int32),
            pltpu.VMEM_SHARED((ACC_ROWS, OUT_CH), jnp.float32),
            pltpu.VMEM_SHARED((DROWS, 128), jnp.float32),
            pltpu.SemaphoreType.DMA,
            pltpu.SemaphoreType.DMA,
        ],
    )(_edge_body)
    return kern(h, asrc, adst, srci, dsti, zeros)


def _fin_body(m_ref, d_ref, b_ref, o_ref):
    o_ref[...] = m_ref[...] / (d_ref[...] + 1e-16) + b_ref[...]


def _finalize(msg, den, bias):
    blk = 1024
    rows = msg.shape[0]
    grid = rows // blk
    return pl.pallas_call(
        _fin_body,
        grid=(grid,),
        in_specs=[
            pl.BlockSpec((blk, OUT_CH), lambda i: (i, 0)),
            pl.BlockSpec((blk, OUT_CH), lambda i: (i, 0)),
            pl.BlockSpec((1, OUT_CH), lambda i: (0, 0)),
        ],
        out_specs=pl.BlockSpec((blk, OUT_CH), lambda i: (i, 0)),
        out_shape=jax.ShapeDtypeStruct((rows, OUT_CH), jnp.float32),
    )(msg, den, bias)


def kernel(x, edge_index, W, att_src, att_dst, bias):
    A2 = jnp.zeros((OUT_CH, 128), jnp.float32)
    A2 = A2.at[:, 0].set(att_src[0].astype(jnp.float32))
    A2 = A2.at[:, 1].set(att_dst[0].astype(jnp.float32))

    h, a = _project(x, W, A2)
    asrc = jnp.pad(a[:, 0], (0, APAD - N))
    adst = jnp.pad(a[:, 1], (0, APAD - N))

    ei = edge_index.astype(jnp.int32)
    loop = jnp.arange(N, dtype=jnp.int32)
    e_tot = ei.shape[1] + N
    per = NS * CH
    nchunk = 2 * (-(-e_tot // (2 * per)))
    e_pad = nchunk * per
    src = jnp.concatenate([ei[0], loop, jnp.zeros((e_pad - e_tot,), jnp.int32)])
    dst = jnp.concatenate([ei[1], loop,
                           jnp.full((e_pad - e_tot,), N, jnp.int32)])
    srci = src.reshape(NS, nchunk, CH)
    dsti = dst.reshape(NS, nchunk, CH)
    srci = jnp.pad(srci, ((0, 0), (0, 2), (0, 0)))
    dsti = jnp.pad(dsti, ((0, 0), (0, 2), (0, 0)), constant_values=N)

    msg, den = _edge_pass(h, asrc, adst, srci, dsti)
    out = _finalize(msg.reshape(NQ * ACC_ROWS, OUT_CH),
                    den.reshape(NQ * ACC_ROWS, OUT_CH),
                    bias.reshape(1, OUT_CH))
    return jnp.concatenate(
        [out[i * ACC_ROWS:i * ACC_ROWS + Q] for i in range(NQ)])[:N]

# --- scband reference (transcript-rebuilt; emitter-appended) ---
"""Pipeline reference for scband-simple-gat-69088843924163 (READ-ONLY COPY).

The authoritative reference and input builder live on the scoring server;
editing this copy changes nothing except your own understanding.
"""

import jax, jax.numpy as jnp
import numpy as np

N_NODES = 10000
N_EDGES = 320000
IN_CH = 128
OUT_CH = 128
HEADS = 1


def setup_inputs(seed: int = 0) -> dict:
    key = jax.random.key(seed)
    k1, k2, k3, k4, k5, k6 = jax.random.split(key, 6)
    x = jax.random.normal(k1, (N_NODES, IN_CH), dtype=jnp.float32)
    edge_index = jax.random.randint(k2, (2, N_EDGES), 0, N_NODES, dtype=jnp.int64)
    # GATConv parameters (PyG-style): lin weight, attention vectors, bias
    scale = 1.0 / np.sqrt(IN_CH)
    W = jax.random.normal(k3, (IN_CH, HEADS * OUT_CH), dtype=jnp.float32) * scale
    att_src = jax.random.normal(k4, (HEADS, OUT_CH), dtype=jnp.float32) * (1.0 / np.sqrt(OUT_CH))
    att_dst = jax.random.normal(k5, (HEADS, OUT_CH), dtype=jnp.float32) * (1.0 / np.sqrt(OUT_CH))
    bias = jnp.zeros((HEADS * OUT_CH,), dtype=jnp.float32)
    return {"x": x, "edge_index": edge_index, "W": W, "att_src": att_src, "att_dst": att_dst, "bias": bias}


def reference(x, edge_index, W, att_src, att_dst, bias):
    N = x.shape[0]
    H, C = HEADS, OUT_CH
    # PyG GATConv default: add self loops
    loop = jnp.arange(N, dtype=edge_index.dtype)
    ei = jnp.concatenate([edge_index, jnp.stack([loop, loop], axis=0)], axis=1)
    src, dst = ei[0], ei[1]
    # linear projection
    h = (x @ W).reshape(N, H, C)
    # per-node attention logits
    a_src = (h * att_src[None, :, :]).sum(-1)  # [N, H]
    a_dst = (h * att_dst[None, :, :]).sum(-1)  # [N, H]
    # per-edge logits (gather)
    alpha = a_src[src] + a_dst[dst]            # [E, H]
    alpha = jax.nn.leaky_relu(alpha, negative_slope=0.2)
    # segment softmax over incoming edges of each dst node
    amax = jax.ops.segment_max(alpha, dst, num_segments=N)
    alpha = jnp.exp(alpha - amax[dst])
    denom = jax.ops.segment_sum(alpha, dst, num_segments=N)
    alpha = alpha / (denom[dst] + 1e-16)
    # weighted message aggregation (scatter-add)
    msg = h[src] * alpha[:, :, None]           # [E, H, C]
    out = jax.ops.segment_sum(msg, dst, num_segments=N)  # [N, H, C]
    out = out.reshape(N, H * C) + bias
    return out

if __name__ == "__main__":
    import jax
    _d = setup_inputs()
    print(jax.jit(kernel)(*tuple(_d.values())))

</pallas_src>

<mosaic_0001>
#map = affine_map<(d0, d1) -> (0, 0)>
#map1 = affine_map<(d0, d1) -> (0)>
#map2 = affine_map<(d0, d1) -> (0, 0, 0)>
module attributes {stable_mosaic.version = 14 : i64} {
  func.func @_edge_body(%arg0: i32, %arg1: i32, %arg2: memref<10000x128xf32, #tpu.memory_space<hbm>>, %arg3: memref<10016xf32, #tpu.memory_space<hbm>>, %arg4: memref<10016xf32, #tpu.memory_space<hbm>>, %arg5: memref<16x164x128xi32, #tpu.memory_space<hbm>>, %arg6: memref<16x164x128xi32, #tpu.memory_space<hbm>>, %arg7: memref<32x128xf32, #tpu.memory_space<hbm>>, %arg8: memref<4x2560x128xf32, #tpu.memory_space<hbm>>, %arg9: memref<4x2560x128xf32, #tpu.memory_space<hbm>>, %arg10: memref<10016xf32, #tpu.memory_space<vmem>>, %arg11: memref<10016xf32, #tpu.memory_space<vmem>>, %arg12: memref<164x128xi32, #tpu.memory_space<vmem>>, %arg13: memref<164x128xi32, #tpu.memory_space<vmem>>, %arg14: memref<2x128xi32, #tpu.memory_space<vmem>>, %arg15: memref<2x128x128xf32, #tpu.memory_space<vmem>>, %arg16: memref<32x128xf32, #tpu.memory_space<vmem>>, %arg17: memref<32x128xf32, #tpu.memory_space<vmem>>, %arg18: memref<32x128xf32, #tpu.memory_space<vmem>>, %arg19: memref<32xi32, #tpu.memory_space<vmem>>, %arg20: memref<2560x128xf32, #tpu.memory_space<vmem_shared>>, %arg21: memref<32x128xf32, #tpu.memory_space<vmem_shared>>, %arg22: memref<!tpu.dma_semaphore, #tpu.memory_space<semaphore_mem>>, %arg23: memref<!tpu.dma_semaphore, #tpu.memory_space<semaphore_mem>>) attributes {dimension_semantics = [#tpu.dimension_semantics<core_parallel>, #tpu.dimension_semantics<subcore_parallel>], iteration_bounds = array<i64: 2, 16>, scalar_prefetch = 0 : i64, scratch_operands = 14 : i64, tpu.core_type = #tpu.core_type<sc_vector_subcore>, window_params = [{transform_indices = #map}, {transform_indices = #map1}, {transform_indices = #map1}, {transform_indices = #map2}, {transform_indices = #map2}, {transform_indices = #map}, {transform_indices = #map2}, {transform_indices = #map2}]} {
    %mul3A = arith.constant 160 : i32
    %mul3A_0 = arith.muli %arg1, %mul3A : i32
    "tpu.region"() ({
      %run_scoped3A = tpu.sem_alloc : memref<!tpu.dma_semaphore, #tpu.memory_space<semaphore_mem>>
      tpu.enqueue_dma source(%arg3 : memref<10016xf32, #tpu.memory_space<hbm>>) target(%arg10 : memref<10016xf32, #tpu.memory_space<vmem>>) target_semaphore(%run_scoped3A : memref<!tpu.dma_semaphore, #tpu.memory_space<semaphore_mem>>)
      tpu.wait_dma2 semaphore(%run_scoped3A : memref<!tpu.dma_semaphore, #tpu.memory_space<semaphore_mem>>) src(%arg3 : memref<10016xf32, #tpu.memory_space<hbm>>) dst(%arg10 : memref<10016xf32, #tpu.memory_space<vmem>>)
      tpu.yield
    }) : () -> ()
    "tpu.region"() ({
      %run_scoped3A = tpu.sem_alloc : memref<!tpu.dma_semaphore, #tpu.memory_space<semaphore_mem>>
      tpu.enqueue_dma source(%arg4 : memref<10016xf32, #tpu.memory_space<hbm>>) target(%arg11 : memref<10016xf32, #tpu.memory_space<vmem>>) target_semaphore(%run_scoped3A : memref<!tpu.dma_semaphore, #tpu.memory_space<semaphore_mem>>)
      tpu.wait_dma2 semaphore(%run_scoped3A : memref<!tpu.dma_semaphore, #tpu.memory_space<semaphore_mem>>) src(%arg4 : memref<10016xf32, #tpu.memory_space<hbm>>) dst(%arg11 : memref<10016xf32, #tpu.memory_space<vmem>>)
      tpu.yield
    }) : () -> ()
    "tpu.region"() ({
      %run_scoped3A = tpu.sem_alloc : memref<!tpu.dma_semaphore, #tpu.memory_space<semaphore_mem>>
      %dma_start3A = arith.constant 0 : i32
      %dma_start3A_17 = arith.constant 0 : i32
      %dma_start3A_18 = tpu.memref_slice %arg5[%arg1, %dma_start3A, %dma_start3A_17] : memref<16x164x128xi32, #tpu.memory_space<hbm>> -> memref<1x164x128xi32, #tpu.memory_space<hbm>>
      %dma_start3A_19 = tpu.memref_squeeze %dma_start3A_18 : memref<1x164x128xi32, #tpu.memory_space<hbm>> -> memref<164x128xi32, #tpu.memory_space<hbm>>
      %dma_start3A_20 = arith.constant 0 : i32
      %dma_start3A_21 = arith.constant 0 : i32
      %dma_start3A_22 = tpu.memref_slice %arg5[%arg1, %dma_start3A_20, %dma_start3A_21] : memref<16x164x128xi32, #tpu.memory_space<hbm>> -> memref<1x164x128xi32, #tpu.memory_space<hbm>>
      %dma_start3A_23 = tpu.memref_squeeze %dma_start3A_22 : memref<1x164x128xi32, #tpu.memory_space<hbm>> -> memref<164x128xi32, #tpu.memory_space<hbm>>
      tpu.enqueue_dma source(%dma_start3A_23 : memref<164x128xi32, #tpu.memory_space<hbm>>) target(%arg12 : memref<164x128xi32, #tpu.memory_space<vmem>>) target_semaphore(%run_scoped3A : memref<!tpu.dma_semaphore, #tpu.memory_space<semaphore_mem>>)
      %dma_wait3A = arith.constant 0 : i32
      %dma_wait3A_24 = arith.constant 0 : i32
      %dma_wait3A_25 = tpu.memref_slice %arg5[%arg1, %dma_wait3A, %dma_wait3A_24] : memref<16x164x128xi32, #tpu.memory_space<hbm>> -> memref<1x164x128xi32, #tpu.memory_space<hbm>>
      %dma_wait3A_26 = tpu.memref_squeeze %dma_wait3A_25 : memref<1x164x128xi32, #tpu.memory_space<hbm>> -> memref<164x128xi32, #tpu.memory_space<hbm>>
      %dma_wait3A_27 = arith.constant 0 : i32
      %dma_wait3A_28 = arith.constant 0 : i32
      %dma_wait3A_29 = tpu.memref_slice %arg5[%arg1, %dma_wait3A_27, %dma_wait3A_28] : memref<16x164x128xi32, #tpu.memory_space<hbm>> -> memref<1x164x128xi32, #tpu.memory_space<hbm>>
      %dma_wait3A_30 = tpu.memref_squeeze %dma_wait3A_29 : memref<1x164x128xi32, #tpu.memory_space<hbm>> -> memref<164x128xi32, #tpu.memory_space<hbm>>
      tpu.wait_dma2 semaphore(%run_scoped3A : memref<!tpu.dma_semaphore, #tpu.memory_space<semaphore_mem>>) src(%dma_wait3A_30 : memref<164x128xi32, #tpu.memory_space<hbm>>) dst(%arg12 : memref<164x128xi32, #tpu.memory_space<vmem>>)
      tpu.yield
    }) : () -> ()
    "tpu.region"() ({
      %run_scoped3A = tpu.sem_alloc : memref<!tpu.dma_semaphore, #tpu.memory_space<semaphore_mem>>
      %dma_start3A = arith.constant 0 : i32
      %dma_start3A_17 = arith.constant 0 : i32
      %dma_start3A_18 = tpu.memref_slice %arg6[%arg1, %dma_start3A, %dma_start3A_17] : memref<16x164x128xi32, #tpu.memory_space<hbm>> -> memref<1x164x128xi32, #tpu.memory_space<hbm>>
      %dma_start3A_19 = tpu.memref_squeeze %dma_start3A_18 : memref<1x164x128xi32, #tpu.memory_space<hbm>> -> memref<164x128xi32, #tpu.memory_space<hbm>>
      %dma_start3A_20 = arith.constant 0 : i32
      %dma_start3A_21 = arith.constant 0 : i32
      %dma_start3A_22 = tpu.memref_slice %arg6[%arg1, %dma_start3A_20, %dma_start3A_21] : memref<16x164x128xi32, #tpu.memory_space<hbm>> -> memref<1x164x128xi32, #tpu.memory_space<hbm>>
      %dma_start3A_23 = tpu.memref_squeeze %dma_start3A_22 : memref<1x164x128xi32, #tpu.memory_space<hbm>> -> memref<164x128xi32, #tpu.memory_space<hbm>>
      tpu.enqueue_dma source(%dma_start3A_23 : memref<164x128xi32, #tpu.memory_space<hbm>>) target(%arg13 : memref<164x128xi32, #tpu.memory_space<vmem>>) target_semaphore(%run_scoped3A : memref<!tpu.dma_semaphore, #tpu.memory_space<semaphore_mem>>)
      %dma_wait3A = arith.constant 0 : i32
      %dma_wait3A_24 = arith.constant 0 : i32
      %dma_wait3A_25 = tpu.memref_slice %arg6[%arg1, %dma_wait3A, %dma_wait3A_24] : memref<16x164x128xi32, #tpu.memory_space<hbm>> -> memref<1x164x128xi32, #tpu.memory_space<hbm>>
      %dma_wait3A_26 = tpu.memref_squeeze %dma_wait3A_25 : memref<1x164x128xi32, #tpu.memory_space<hbm>> -> memref<164x128xi32, #tpu.memory_space<hbm>>
      %dma_wait3A_27 = arith.constant 0 : i32
      %dma_wait3A_28 = arith.constant 0 : i32
      %dma_wait3A_29 = tpu.memref_slice %arg6[%arg1, %dma_wait3A_27, %dma_wait3A_28] : memref<16x164x128xi32, #tpu.memory_space<hbm>> -> memref<1x164x128xi32, #tpu.memory_space<hbm>>
      %dma_wait3A_30 = tpu.memref_squeeze %dma_wait3A_29 : memref<1x164x128xi32, #tpu.memory_space<hbm>> -> memref<164x128xi32, #tpu.memory_space<hbm>>
      tpu.wait_dma2 semaphore(%run_scoped3A : memref<!tpu.dma_semaphore, #tpu.memory_space<semaphore_mem>>) src(%dma_wait3A_30 : memref<164x128xi32, #tpu.memory_space<hbm>>) dst(%arg13 : memref<164x128xi32, #tpu.memory_space<vmem>>)
      tpu.yield
    }) : () -> ()
    %iota3A = tpu.iota {dimensions = array<i32: 0>} : vector<16xi32>
    %add3A = arith.constant 0 : i32
    %add3A_1 = vector.broadcast %add3A : i32 to vector<16xi32>
    %add3A_2 = arith.addi %iota3A, %add3A_1 : vector<16xi32>
    %swap3A = arith.constant 0 : index
    %swap3A_3 = tpu.vector_load %arg19[%swap3A] {strides = array<i32>} : memref<32xi32, #tpu.memory_space<vmem>>, vector<16xi32>,
    tpu.vector_store %arg19[%swap3A], %add3A_2 {strides = array<i32>} : memref<32xi32, #tpu.memory_space<vmem>>, vector<16xi32>,
    %iota3A_4 = tpu.iota {dimensions = array<i32: 0>} : vector<16xi32>
    %add3A_5 = arith.constant 16 : i32
    %add3A_6 = vector.broadcast %add3A_5 : i32 to vector<16xi32>
    %add3A_7 = arith.addi %iota3A_4, %add3A_6 : vector<16xi32>
    %swap3A_8 = arith.constant 16 : index
    %swap3A_9 = tpu.vector_load %arg19[%swap3A_8] {strides = array<i32>} : memref<32xi32, #tpu.memory_space<vmem>>, vector<16xi32>,
    tpu.vector_store %arg19[%swap3A_8], %add3A_7 {strides = array<i32>} : memref<32xi32, #tpu.memory_space<vmem>>, vector<16xi32>,
    %broadcast_in_dim3A = arith.constant 0.000000e+00 : f32
    %broadcast_in_dim3A_10 = vector.broadcast %broadcast_in_dim3A : f32 to vector<16xf32>
    %scan3A = arith.constant 0 : i32
    %scan3A_11 = arith.constant 0 : i32
    %scan3A_12 = arith.constant 2 : i32
    %scan3A_13 = arith.addi %scan3A_11, %scan3A_12 : i32
    %scan3A_14 = arith.constant 1 : i32
    %scan3A_15 = scf.for %scan3A_17 = %scan3A_11 to %scan3A_13 step %scan3A_14 iter_args(%scan3A_18 = %scan3A) -> (i32)  : i32 {
      %mul3A_19 = arith.constant 2 : i32
      %mul3A_20 = arith.muli %mul3A_19, %scan3A_17 : i32
      %add3A_21 = arith.addi %mul3A_20, %arg0 : i32
      %mul3A_22 = arith.constant 2500 : i32
      %mul3A_23 = arith.muli %add3A_21, %mul3A_22 : i32
      %scan3A_24 = arith.constant 0 : i32
      %scan3A_25 = arith.constant 0 : i32
      %scan3A_26 = arith.constant 5 : i32
      %scan3A_27 = arith.addi %scan3A_25, %scan3A_26 : i32
      %scan3A_28 = arith.constant 1 : i32
      %scan3A_29 = scf.for %scan3A_57 = %scan3A_25 to %scan3A_27 step %scan3A_28 iter_args(%scan3A_58 = %scan3A_24) -> (i32)  : i32 {
        %mul3A_59 = arith.constant 32 : i32
        %mul3A_60 = arith.muli %scan3A_57, %mul3A_59 : i32
        %add3A_61 = arith.addi %mul3A_0, %mul3A_60 : i32
        "tpu.region"() ({
          %run_scoped3A = tpu.sem_alloc : memref<!tpu.dma_semaphore, #tpu.memory_space<semaphore_mem>>
          %dma_start3A = arith.constant 0 : i32
          %dma_start3A_63 = tpu.memref_slice %arg20[%add3A_61, %dma_start3A] : memref<2560x128xf32, #tpu.memory_space<vmem_shared>> -> memref<32x128xf32, #tpu.memory_space<vmem_shared>>
          tpu.enqueue_dma source(%arg7 : memref<32x128xf32, #tpu.memory_space<hbm>>) target(%dma_start3A_63 : memref<32x128xf32, #tpu.memory_space<vmem_shared>>) target_semaphore(%run_scoped3A : memref<!tpu.dma_semaphore, #tpu.memory_space<semaphore_mem>>)
          %dma_wait3A = arith.constant 0 : i32
          %dma_wait3A_64 = tpu.memref_slice %arg20[%add3A_61, %dma_wait3A] : memref<2560x128xf32, #tpu.memory_space<vmem_shared>> -> memref<32x128xf32, #tpu.memory_space<vmem_shared>>
          tpu.wait_dma2 semaphore(%run_scoped3A : memref<!tpu.dma_semaphore, #tpu.memory_space<semaphore_mem>>) src(%arg7 : memref<32x128xf32, #tpu.memory_space<hbm>>) dst(%dma_wait3A_64 : memref<32x128xf32, #tpu.memory_space<vmem_shared>>)
          tpu.yield
        }) : () -> ()
        %scan3A_62 = arith.constant 0 : i32
        scf.yield %scan3A_62 : i32
      }
      %scan3A_30 = arith.constant 5 : i32
      %mul3A_31 = arith.constant 2 : i32
      %mul3A_32 = arith.muli %arg1, %mul3A_31 : i32
      "tpu.region"() ({
        %run_scoped3A = tpu.sem_alloc : memref<!tpu.dma_semaphore, #tpu.memory_space<semaphore_mem>>
        %dma_start3A = arith.constant 0 : i32
        %dma_start3A_57 = tpu.memref_slice %arg21[%mul3A_32, %dma_start3A] : memref<32x128xf32, #tpu.memory_space<vmem_shared>> -> memref<2x128xf32, #tpu.memory_space<vmem_shared>>
        %dma_start3A_58 = arith.constant 0 : i32
        %dma_start3A_59 = arith.constant 0 : i32
        %dma_start3A_60 = tpu.memref_slice %arg7[%dma_start3A_58, %dma_start3A_59] : memref<32x128xf32, #tpu.memory_space<hbm>> -> memref<2x128xf32, #tpu.memory_space<hbm>>
        tpu.enqueue_dma source(%dma_start3A_60 : memref<2x128xf32, #tpu.memory_space<hbm>>) target(%dma_start3A_57 : memref<2x128xf32, #tpu.memory_space<vmem_shared>>) target_semaphore(%run_scoped3A : memref<!tpu.dma_semaphore, #tpu.memory_space<semaphore_mem>>)
        %dma_wait3A = arith.constant 0 : i32
        %dma_wait3A_61 = tpu.memref_slice %arg21[%mul3A_32, %dma_wait3A] : memref<32x128xf32, #tpu.memory_space<vmem_shared>> -> memref<2x128xf32, #tpu.memory_space<vmem_shared>>
        %dma_wait3A_62 = arith.constant 0 : i32
        %dma_wait3A_63 = arith.constant 0 : i32
        %dma_wait3A_64 = tpu.memref_slice %arg7[%dma_wait3A_62, %dma_wait3A_63] : memref<32x128xf32, #tpu.memory_space<hbm>> -> memref<2x128xf32, #tpu.memory_space<hbm>>
        tpu.wait_dma2 semaphore(%run_scoped3A : memref<!tpu.dma_semaphore, #tpu.memory_space<semaphore_mem>>) src(%dma_wait3A_64 : memref<2x128xf32, #tpu.memory_space<hbm>>) dst(%dma_wait3A_61 : memref<2x128xf32, #tpu.memory_space<vmem_shared>>)
        tpu.yield
      }) : () -> ()
      %scan3A_33 = arith.constant 0 : i32
      %scan3A_34 = arith.constant 0 : i32
      %scan3A_35 = arith.constant 32 : i32
      %scan3A_36 = arith.addi %scan3A_34, %scan3A_35 : i32
      %scan3A_37 = arith.constant 1 : i32
      %scan3A_38 = scf.for %scan3A_57 = %scan3A_34 to %scan3A_36 step %scan3A_37 iter_args(%scan3A_58 = %scan3A_33) -> (i32)  : i32 {
        %swap3A_59 = arith.index_cast %scan3A_57 : i32 to index
        %swap3A_60 = arith.constant 0 : index
        %swap3A_61 = tpu.vector_load %arg16[%swap3A_59, %swap3A_60] {strides = array<i32>} : memref<32x128xf32, #tpu.memory_space<vmem>>, vector<16xf32>,
        tpu.vector_store %arg16[%swap3A_59, %swap3A_60], %broadcast_in_dim3A_10 {strides = array<i32>} : memref<32x128xf32, #tpu.memory_space<vmem>>, vector<16xf32>,
        %swap3A_62 = arith.index_cast %scan3A_57 : i32 to index
        %swap3A_63 = arith.constant 16 : index
        %swap3A_64 = tpu.vector_load %arg16[%swap3A_62, %swap3A_63] {strides = array<i32>} : memref<32x128xf32, #tpu.memory_space<vmem>>, vector<16xf32>,
        tpu.vector_store %arg16[%swap3A_62, %swap3A_63], %broadcast_in_dim3A_10 {strides = array<i32>} : memref<32x128xf32, #tpu.memory_space<vmem>>, vector<16xf32>,
        %swap3A_65 = arith.index_cast %scan3A_57 : i32 to index
        %swap3A_66 = arith.constant 32 : index
        %swap3A_67 = tpu.vector_load %arg16[%swap3A_65, %swap3A_66] {strides = array<i32>} : memref<32x128xf32, #tpu.memory_space<vmem>>, vector<16xf32>,
        tpu.vector_store %arg16[%swap3A_65, %swap3A_66], %broadcast_in_dim3A_10 {strides = array<i32>} : memref<32x128xf32, #tpu.memory_space<vmem>>, vector<16xf32>,
        %swap3A_68 = arith.index_cast %scan3A_57 : i32 to index
        %swap3A_69 = arith.constant 48 : index
        %swap3A_70 = tpu.vector_load %arg16[%swap3A_68, %swap3A_69] {strides = array<i32>} : memref<32x128xf32, #tpu.memory_space<vmem>>, vector<16xf32>,
        tpu.vector_store %arg16[%swap3A_68, %swap3A_69], %broadcast_in_dim3A_10 {strides = array<i32>} : memref<32x128xf32, #tpu.memory_space<vmem>>, vector<16xf32>,
        %swap3A_71 = arith.index_cast %scan3A_57 : i32 to index
        %swap3A_72 = arith.constant 64 : index
        %swap3A_73 = tpu.vector_load %arg16[%swap3A_71, %swap3A_72] {strides = array<i32>} : memref<32x128xf32, #tpu.memory_space<vmem>>, vector<16xf32>,
        tpu.vector_store %arg16[%swap3A_71, %swap3A_72], %broadcast_in_dim3A_10 {strides = array<i32>} : memref<32x128xf32, #tpu.memory_space<vmem>>, vector<16xf32>,
        %swap3A_74 = arith.index_cast %scan3A_57 : i32 to index
        %swap3A_75 = arith.constant 80 : index
        %swap3A_76 = tpu.vector_load %arg16[%swap3A_74, %swap3A_75] {strides = array<i32>} : memref<32x128xf32, #tpu.memory_space<vmem>>, vector<16xf32>,
        tpu.vector_store %arg16[%swap3A_74, %swap3A_75], %broadcast_in_dim3A_10 {strides = array<i32>} : memref<32x128xf32, #tpu.memory_space<vmem>>, vector<16xf32>,
        %swap3A_77 = arith.index_cast %scan3A_57 : i32 to index
        %swap3A_78 = arith.constant 96 : index
        %swap3A_79 = tpu.vector_load %arg16[%swap3A_77, %swap3A_78] {strides = array<i32>} : memref<32x128xf32, #tpu.memory_space<vmem>>, vector<16xf32>,
        tpu.vector_store %arg16[%swap3A_77, %swap3A_78], %broadcast_in_dim3A_10 {strides = array<i32>} : memref<32x128xf32, #tpu.memory_space<vmem>>, vector<16xf32>,
        %swap3A_80 = arith.index_cast %scan3A_57 : i32 to index
        %swap3A_81 = arith.constant 112 : index
        %swap3A_82 = tpu.vector_load %arg16[%swap3A_80, %swap3A_81] {strides = array<i32>} : memref<32x128xf32, #tpu.memory_space<vmem>>, vector<16xf32>,
        tpu.vector_store %arg16[%swap3A_80, %swap3A_81], %broadcast_in_dim3A_10 {strides = array<i32>} : memref<32x128xf32, #tpu.memory_space<vmem>>, vector<16xf32>,
        %scan3A_83 = arith.constant 0 : i32
        scf.yield %scan3A_83 : i32
      }
      %scan3A_39 = arith.constant 32 : i32
      %barrier3A = arith.constant 0 : index
      tpu.barrier barrier_id(%barrier3A)
      %scan3A_40 = arith.constant 0 : i32
      %scan3A_41 = arith.constant 0 : i32
      %scan3A_42 = arith.constant 162 : i32
      %scan3A_43 = arith.addi %scan3A_41, %scan3A_42 : i32
      %scan3A_44 = arith.constant 1 : i32
      %scan3A_45 = scf.for %scan3A_57 = %scan3A_41 to %scan3A_43 step %scan3A_44 iter_args(%scan3A_58 = %scan3A_40) -> (i32)  : i32 {
        %dma_start3A = arith.constant 0 : i32
        %dma_start3A_59 = arith.constant 0 : i32
        %dma_start3A_60 = arith.constant 0 : i32
        %dma_start3A_61 = tpu.memref_slice %arg15[%dma_start3A, %dma_start3A_59, %dma_start3A_60] : memref<2x128x128xf32, #tpu.memory_space<vmem>> -> memref<1x128x128xf32, #tpu.memory_space<vmem>>
        %dma_start3A_62 = tpu.memref_squeeze %dma_start3A_61 : memref<1x128x128xf32, #tpu.memory_space<vmem>> -> memref<128x128xf32, #tpu.memory_space<vmem>>
        %dma_start3A_63 = arith.constant 0 : i32
        %dma_start3A_64 = tpu.memref_slice %arg12[%scan3A_57, %dma_start3A_63] : memref<164x128xi32, #tpu.memory_space<vmem>> -> memref<1x128xi32, #tpu.memory_space<vmem>>
        %dma_start3A_65 = tpu.memref_squeeze %dma_start3A_64 : memref<1x128xi32, #tpu.memory_space<vmem>> -> memref<128xi32, #tpu.memory_space<vmem>>
        %dma_start3A_66 = arith.constant 0 : i32
        %dma_start3A_67 = arith.constant 0 : i32
        %dma_start3A_68 = tpu.memref_slice %arg2[%dma_start3A_66, %dma_start3A_67] : memref<10000x128xf32, #tpu.memory_space<hbm>> -> memref<10000x128xf32, #tpu.memory_space<hbm>>
        tpu.enqueue_indirect_dma source(%dma_start3A_68 : memref<10000x128xf32, #tpu.memory_space<hbm>>) target(%dma_start3A_62 : memref<128x128xf32, #tpu.memory_space<vmem>>) offsets(%dma_start3A_65 : memref<128xi32, #tpu.memory_space<vmem>>) semaphore(%arg22 : memref<!tpu.dma_semaphore, #tpu.memory_space<semaphore_mem>>)
        %dma_wait3A = arith.constant 0 : i32
        %dma_wait3A_69 = arith.constant 0 : i32
        %dma_wait3A_70 = arith.constant 0 : i32
        %dma_wait3A_71 = tpu.memref_slice %arg15[%dma_wait3A, %dma_wait3A_69, %dma_wait3A_70] : memref<2x128x128xf32, #tpu.memory_space<vmem>> -> memref<1x128x128xf32, #tpu.memory_space<vmem>>
        %dma_wait3A_72 = tpu.memref_squeeze %dma_wait3A_71 : memref<1x128x128xf32, #tpu.memory_space<vmem>> -> memref<128x128xf32, #tpu.memory_space<vmem>>
        %dma_wait3A_73 = arith.constant 0 : i32
        %dma_wait3A_74 = tpu.memref_slice %arg12[%scan3A_57, %dma_wait3A_73] : memref<164x128xi32, #tpu.memory_space<vmem>> -> memref<1x128xi32, #tpu.memory_space<vmem>>
        %dma_wait3A_75 = tpu.memref_squeeze %dma_wait3A_74 : memref<1x128xi32, #tpu.memory_space<vmem>> -> memref<128xi32, #tpu.memory_space<vmem>>
        %dma_wait3A_76 = arith.constant 0 : i32
        %dma_wait3A_77 = arith.constant 0 : i32
        %dma_wait3A_78 = tpu.memref_slice %arg2[%dma_wait3A_76, %dma_wait3A_77] : memref<10000x128xf32, #tpu.memory_space<hbm>> -> memref<10000x128xf32, #tpu.memory_space<hbm>>
        tpu.wait_indirect_dma semaphore(%arg22 : memref<!tpu.dma_semaphore, #tpu.memory_space<semaphore_mem>>) src(%dma_wait3A_78 : memref<10000x128xf32, #tpu.memory_space<hbm>>) dst(%dma_wait3A_72 : memref<128x128xf32, #tpu.memory_space<vmem>>)
        %scan3A_79 = arith.constant 0 : i32
        %scan3A_80 = arith.constant 0 : i32
        %scan3A_81 = arith.constant 8 : i32
        %scan3A_82 = arith.addi %scan3A_80, %scan3A_81 : i32
        %scan3A_83 = arith.constant 1 : i32
        %scan3A_84 = scf.for %scan3A_88 = %scan3A_80 to %scan3A_82 step %scan3A_83 iter_args(%scan3A_89 = %scan3A_79) -> (i32)  : i32 {
          %mul3A_90 = arith.constant 16 : i32
          %mul3A_91 = arith.muli %scan3A_88, %mul3A_90 : i32
          %get3A = arith.index_cast %scan3A_57 : i32 to index
          %get3A_92 = arith.index_cast %mul3A_91 : i32 to index
          %get3A_93 = tpu.vector_load %arg12[%get3A, %get3A_92] {strides = array<i32>} : memref<164x128xi32, #tpu.memory_space<vmem>>, vector<16xi32>,
          %mul3A_94 = arith.constant 16 : i32
          %mul3A_95 = arith.muli %scan3A_88, %mul3A_94 : i32
          %get3A_96 = arith.index_cast %scan3A_57 : i32 to index
          %get3A_97 = arith.index_cast %mul3A_95 : i32 to index
          %get3A_98 = tpu.vector_load %arg13[%get3A_96, %get3A_97] {strides = array<i32>} : memref<164x128xi32, #tpu.memory_space<vmem>>, vector<16xi32>,
          %gather3A = tpu.vector_load_idx %arg10[%get3A_93] : memref<10016xf32, #tpu.memory_space<vmem>>[vector<16xi32>], vector<16xf32>,
          %gather3A_99 = tpu.vector_load_idx %arg11[%get3A_98] : memref<10016xf32, #tpu.memory_space<vmem>>[vector<16xi32>], vector<16xf32>,
          %add3A_100 = arith.addf %gather3A, %gather3A_99 : vector<16xf32>
          %ge3A = arith.constant 0.000000e+00 : f32
          %ge3A_101 = vector.broadcast %ge3A : f32 to vector<16xf32>
          %ge3A_102 = arith.cmpf oge, %add3A_100, %ge3A_101 : vector<16xf32>
          %mul3A_103 = arith.constant 2.000000e-01 : f32
          %mul3A_104 = vector.broadcast %mul3A_103 : f32 to vector<16xf32>
          %mul3A_105 = arith.mulf %mul3A_104, %add3A_100 : vector<16xf32>
          %select_n3A = arith.select %ge3A_102, %add3A_100, %mul3A_105 : vector<16xi1>, vector<16xf32>
          %exp3A = math.exp %select_n3A : vector<16xf32>
          %sub3A = vector.broadcast %mul3A_23 : i32 to vector<16xi32>
          %sub3A_106 = arith.subi %get3A_98, %sub3A : vector<16xi32>
          %ge3A_107 = arith.constant 0 : i32
          %ge3A_108 = vector.broadcast %ge3A_107 : i32 to vector<16xi32>
          %ge3A_109 = arith.cmpi sge, %sub3A_106, %ge3A_108 : vector<16xi32>
          %lt3A = arith.constant 2500 : i32
          %lt3A_110 = vector.broadcast %lt3A : i32 to vector<16xi32>
          %lt3A_111 = arith.cmpi slt, %sub3A_106, %lt3A_110 : vector<16xi32>
          %and3A = arith.andi %ge3A_109, %lt3A_111 : vector<16xi1>
          %jit3A = arith.constant 2500 : i32
          %broadcast_in_dim3A_112 = vector.broadcast %jit3A : i32 to vector<16xi32>
          %select_n3A_113 = arith.select %and3A, %sub3A_106, %broadcast_in_dim3A_112 : vector<16xi1>, vector<16xi32>
          %mul3A_114 = arith.constant 16 : i32
          %mul3A_115 = arith.muli %scan3A_88, %mul3A_114 : i32
          %swap3A_116 = arith.constant 0 : i32
          %swap3A_117 = arith.index_cast %swap3A_116 : i32 to index
          %swap3A_118 = arith.index_cast %mul3A_115 : i32 to index
          %swap3A_119 = tpu.vector_load %arg14[%swap3A_117, %swap3A_118] {strides = array<i32>} : memref<2x128xi32, #tpu.memory_space<vmem>>, vector<16xi32>,
          tpu.vector_store %arg14[%swap3A_117, %swap3A_118], %select_n3A_113 {strides = array<i32>} : memref<2x128xi32, #tpu.memory_space<vmem>>, vector<16xi32>,
          %shift_right_logical3A = arith.constant 7 : i32
          %shift_right_logical3A_120 = vector.broadcast %shift_right_logical3A : i32 to vector<16xi32>
          %shift_right_logical3A_121 = arith.shrui %select_n3A_113, %shift_right_logical3A_120 : vector<16xi32>
          %and3A_122 = arith.constant 127 : i32
          %and3A_123 = vector.broadcast %and3A_122 : i32 to vector<16xi32>
          %and3A_124 = arith.andi %select_n3A_113, %and3A_123 : vector<16xi32>
          tpu.vector_store_idx %arg16[%shift_right_logical3A_121, %and3A_124], %exp3A {add = true} : memref<32x128xf32, #tpu.memory_space<vmem>>[vector<16xi32>, vector<16xi32>], vector<16xf32>,
          %mul3A_125 = arith.constant 16 : i32
          %mul3A_126 = arith.muli %scan3A_88, %mul3A_125 : i32
          %add3A_127 = arith.constant 0 : i32
          %add3A_128 = arith.addi %mul3A_126, %add3A_127 : i32
          %slice3A = vector.extract_strided_slice %exp3A {offsets = [0], sizes = [1], strides = [1]} : vector<16xf32> to vector<1xf32>
          %squeeze3A = vector.extract %slice3A[0] : f32 from vector<1xf32>
          %broadcast_in_dim3A_129 = vector.broadcast %squeeze3A : f32 to vector<16xf32>
          %get3A_130 = arith.constant 0 : i32
          %get3A_131 = arith.index_cast %get3A_130 : i32 to index
          %get3A_132 = arith.index_cast %add3A_128 : i32 to index
          %get3A_133 = arith.constant 0 : index
          %get3A_134 = tpu.vector_load %arg15[%get3A_131, %get3A_132, %get3A_133] {strides = array<i32>} : memref<2x128x128xf32, #tpu.memory_space<vmem>>, vector<16xf32>,
          %mul3A_135 = arith.mulf %get3A_134, %broadcast_in_dim3A_129 : vector<16xf32>
          %swap3A_136 = arith.constant 0 : i32
          %swap3A_137 = arith.index_cast %swap3A_136 : i32 to index
          %swap3A_138 = arith.index_cast %add3A_128 : i32 to index
          %swap3A_139 = arith.constant 0 : index
          %swap3A_140 = tpu.vector_load %arg15[%swap3A_137, %swap3A_138, %swap3A_139] {strides = array<i32>} : memref<2x128x128xf32, #tpu.memory_space<vmem>>, vector<16xf32>,
          tpu.vector_store %arg15[%swap3A_137, %swap3A_138, %swap3A_139], %mul3A_135 {strides = array<i32>} : memref<2x128x128xf32, #tpu.memory_space<vmem>>, vector<16xf32>,
          %get3A_141 = arith.constant 0 : i32
          %get3A_142 = arith.index_cast %get3A_141 : i32 to index
          %get3A_143 = arith.index_cast %add3A_128 : i32 to index
          %get3A_144 = arith.constant 16 : index
          %get3A_145 = tpu.vector_load %arg15[%get3A_142, %get3A_143, %get3A_144] {strides = array<i32>} : memref<2x128x128xf32, #tpu.memory_space<vmem>>, vector<16xf32>,
          %mul3A_146 = arith.mulf %get3A_145, %broadcast_in_dim3A_129 : vector<16xf32>
          %swap3A_147 = arith.constant 0 : i32
          %swap3A_148 = arith.index_cast %swap3A_147 : i32 to index
          %swap3A_149 = arith.index_cast %add3A_128 : i32 to index
          %swap3A_150 = arith.constant 16 : index
          %swap3A_151 = tpu.vector_load %arg15[%swap3A_148, %swap3A_149, %swap3A_150] {strides = array<i32>} : memref<2x128x128xf32, #tpu.memory_space<vmem>>, vector<16xf32>,
          tpu.vector_store %arg15[%swap3A_148, %swap3A_149, %swap3A_150], %mul3A_146 {strides = array<i32>} : memref<2x128x128xf32, #tpu.memory_space<vmem>>, vector<16xf32>,
          %get3A_152 = arith.constant 0 : i32
          %get3A_153 = arith.index_cast %get3A_152 : i32 to index
          %get3A_154 = arith.index_cast %add3A_128 : i32 to index
          %get3A_155 = arith.constant 32 : index
          %get3A_156 = tpu.vector_load %arg15[%get3A_153, %get3A_154, %get3A_155] {strides = array<i32>} : memref<2x128x128xf32, #tpu.memory_space<vmem>>, vector<16xf32>,
          %mul3A_157 = arith.mulf %get3A_156, %broadcast_in_dim3A_129 : vector<16xf32>
          %swap3A_158 = arith.constant 0 : i32
          %swap3A_159 = arith.index_cast %swap3A_158 : i32 to index
          %swap3A_160 = arith.index_cast %add3A_128 : i32 to index
          %swap3A_161 = arith.constant 32 : index
          %swap3A_162 = tpu.vector_load %arg15[%swap3A_159, %swap3A_160, %swap3A_161] {strides = array<i32>} : memref<2x128x128xf32, #tpu.memory_space<vmem>>, vector<16xf32>,
          tpu.vector_store %arg15[%swap3A_159, %swap3A_160, %swap3A_161], %mul3A_157 {strides = array<i32>} : memref<2x128x128xf32, #tpu.memory_space<vmem>>, vector<16xf32>,
          %get3A_163 = arith.constant 0 : i32
          %get3A_164 = arith.index_cast %get3A_163 : i32 to index
          %get3A_165 = arith.index_cast %add3A_128 : i32 to index
          %get3A_166 = arith.constant 48 : index
          %get3A_167 = tpu.vector_load %arg15[%get3A_164, %get3A_165, %get3A_166] {strides = array<i32>} : memref<2x128x128xf32, #tpu.memory_space<vmem>>, vector<16xf32>,
          %mul3A_168 = arith.mulf %get3A_167, %broadcast_in_dim3A_129 : vector<16xf32>
          %swap3A_169 = arith.constant 0 : i32
          %swap3A_170 = arith.index_cast %swap3A_169 : i32 to index
          %swap3A_171 = arith.index_cast %add3A_128 : i32 to index
          %swap3A_172 = arith.constant 48 : index
          %swap3A_173 = tpu.vector_load %arg15[%swap3A_170, %swap3A_171, %swap3A_172] {strides = array<i32>} : memref<2x128x128xf32, #tpu.memory_space<vmem>>, vector<16xf32>,
          tpu.vector_store %arg15[%swap3A_170, %swap3A_171, %swap3A_172], %mul3A_168 {strides = array<i32>} : memref<2x128x128xf32, #tpu.memory_space<vmem>>, vector<16xf32>,
          %get3A_174 = arith.constant 0 : i32
          %get3A_175 = arith.index_cast %get3A_174 : i32 to index
          %get3A_176 = arith.index_cast %add3A_128 : i32 to index
          %get3A_177 = arith.constant 64 : index
          %get3A_178 = tpu.vector_load %arg15[%get3A_175, %get3A_176, %get3A_177] {strides = array<i32>} : memref<2x128x128xf32, #tpu.memory_space<vmem>>, vector<16xf32>,
          %mul3A_179 = arith.mulf %get3A_178, %broadcast_in_dim3A_129 : vector<16xf32>
          %swap3A_180 = arith.constant 0 : i32
          %swap3A_181 = arith.index_cast %swap3A_180 : i32 to index
          %swap3A_182 = arith.index_cast %add3A_128 : i32 to index
          %swap3A_183 = arith.constant 64 : index
          %swap3A_184 = tpu.vector_load %arg15[%swap3A_181, %swap3A_182, %swap3A_183] {strides = array<i32>} : memref<2x128x128xf32, #tpu.memory_space<vmem>>, vector<16xf32>,
          tpu.vector_store %arg15[%swap3A_181, %swap3A_182, %swap3A_183], %mul3A_179 {strides = array<i32>} : memref<2x128x128xf32, #tpu.memory_space<vmem>>, vector<16xf32>,
          %get3A_185 = arith.constant 0 : i32
          %get3A_186 = arith.index_cast %get3A_185 : i32 to index
          %get3A_187 = arith.index_cast %add3A_128 : i32 to index
          %get3A_188 = arith.constant 80 : index
          %get3A_189 = tpu.vector_load %arg15[%get3A_186, %get3A_187, %get3A_188] {strides = array<i32>} : memref<2x128x128xf32, #tpu.memory_space<vmem>>, vector<16xf32>,
          %mul3A_190 = arith.mulf %get3A_189, %broadcast_in_dim3A_129 : vector<16xf32>
          %swap3A_191 = arith.constant 0 : i32
          %swap3A_192 = arith.index_cast %swap3A_191 : i32 to index
          %swap3A_193 = arith.index_cast %add3A_128 : i32 to index
          %swap3A_194 = arith.constant 80 : index
          %swap3A_195 = tpu.vector_load %arg15[%swap3A_192, %swap3A_193, %swap3A_194] {strides = array<i32>} : memref<2x128x128xf32, #tpu.memory_space<vmem>>, vector<16xf32>,
          tpu.vector_store %arg15[%swap3A_192, %swap3A_193, %swap3A_194], %mul3A_190 {strides = array<i32>} : memref<2x128x128xf32, #tpu.memory_space<vmem>>, vector<16xf32>,
          %get3A_196 = arith.constant 0 : i32
          %get3A_197 = arith.index_cast %get3A_196 : i32 to index
          %get3A_198 = arith.index_cast %add3A_128 : i32 to index
          %get3A_199 = arith.constant 96 : index
          %get3A_200 = tpu.vector_load %arg15[%get3A_197, %get3A_198, %get3A_199] {strides = array<i32>} : memref<2x128x128xf32, #tpu.memory_space<vmem>>, vector<16xf32>,
          %mul3A_201 = arith.mulf %get3A_200, %broadcast_in_dim3A_129 : vector<16xf32>
          %swap3A_202 = arith.constant 0 : i32
          %swap3A_203 = arith.index_cast %swap3A_202 : i32 to index
          %swap3A_204 = arith.index_cast %add3A_128 : i32 to index
          %swap3A_205 = arith.constant 96 : index
          %swap3A_206 = tpu.vector_load %arg15[%swap3A_203, %swap3A_204, %swap3A_205] {strides = array<i32>} : memref<2x128x128xf32, #tpu.memory_space<vmem>>, vector<16xf32>,
          tpu.vector_store %arg15[%swap3A_203, %swap3A_204, %swap3A_205], %mul3A_201 {strides = array<i32>} : memref<2x128x128xf32, #tpu.memory_space<vmem>>, vector<16xf32>,
          %get3A_207 = arith.constant 0 : i32
          %get3A_208 = arith.index_cast %get3A_207 : i32 to index
          %get3A_209 = arith.index_cast %add3A_128 : i32 to index
          %get3A_210 = arith.constant 112 : index
          %get3A_211 = tpu.vector_load %arg15[%get3A_208, %get3A_209, %get3A_210] {strides = array<i32>} : memref<2x128x128xf32, #tpu.memory_space<vmem>>, vector<16xf32>,
          %mul3A_212 = arith.mulf %get3A_211, %broadcast_in_dim3A_129 : vector<16xf32>
          %swap3A_213 = arith.constant 0 : i32
          %swap3A_214 = arith.index_cast %swap3A_213 : i32 to index
          %swap3A_215 = arith.index_cast %add3A_128 : i32 to index
          %swap3A_216 = arith.constant 112 : index
          %swap3A_217 = tpu.vector_load %arg15[%swap3A_214, %swap3A_215, %swap3A_216] {strides = array<i32>} : memref<2x128x128xf32, #tpu.memory_space<vmem>>, vector<16xf32>,
          tpu.vector_store %arg15[%swap3A_214, %swap3A_215, %swap3A_216], %mul3A_212 {strides = array<i32>} : memref<2x128x128xf32, #tpu.memory_space<vmem>>, vector<16xf32>,
          %mul3A_218 = arith.constant 16 : i32
          %mul3A_219 = arith.muli %scan3A_88, %mul3A_218 : i32
          %add3A_220 = arith.constant 1 : i32
          %add3A_221 = arith.addi %mul3A_219, %add3A_220 : i32
          %slice3A_222 = vector.extract_strided_slice %exp3A {offsets = [1], sizes = [1], strides = [1]} : vector<16xf32> to vector<1xf32>
          %squeeze3A_223 = vector.extract %slice3A_222[0] : f32 from vector<1xf32>
          %broadcast_in_dim3A_224 = vector.broadcast %squeeze3A_223 : f32 to vector<16xf32>
          %get3A_225 = arith.constant 0 : i32
          %get3A_226 = arith.index_cast %get3A_225 : i32 to index
          %get3A_227 = arith.index_cast %add3A_221 : i32 to index
          %get3A_228 = arith.constant 0 : index
          %get3A_229 = tpu.vector_load %arg15[%get3A_226, %get3A_227, %get3A_228] {strides = array<i32>} : memref<2x128x128xf32, #tpu.memory_space<vmem>>, vector<16xf32>,
          %mul3A_230 = arith.mulf %get3A_229, %broadcast_in_dim3A_224 : vector<16xf32>
          %swap3A_231 = arith.constant 0 : i32
          %swap3A_232 = arith.index_cast %swap3A_231 : i32 to index
          %swap3A_233 = arith.index_cast %add3A_221 : i32 to index
          %swap3A_234 = arith.constant 0 : index
          %swap3A_235 = tpu.vector_load %arg15[%swap3A_232, %swap3A_233, %swap3A_234] {strides = array<i32>} : memref<2x128x128xf32, #tpu.memory_space<vmem>>, vector<16xf32>,
          tpu.vector_store %arg15[%swap3A_232, %swap3A_233, %swap3A_234], %mul3A_230 {strides = array<i32>} : memref<2x128x128xf32, #tpu.memory_space<vmem>>, vector<16xf32>,
          %get3A_236 = arith.constant 0 : i32
          %get3A_237 = arith.index_cast %get3A_236 : i32 to index
          %get3A_238 = arith.index_cast %add3A_221 : i32 to index
          %get3A_239 = arith.constant 16 : index
          %get3A_240 = tpu.vector_load %arg15[%get3A_237, %get3A_238, %get3A_239] {strides = array<i32>} : memref<2x128x128xf32, #tpu.memory_space<vmem>>, vector<16xf32>,
          %mul3A_241 = arith.mulf %get3A_240, %broadcast_in_dim3A_224 : vector<16xf32>
          %swap3A_242 = arith.constant 0 : i32
          %swap3A_243 = arith.index_cast %swap3A_242 : i32 to index
          %swap3A_244 = arith.index_cast %add3A_221 : i32 to index
          %swap3A_245 = arith.constant 16 : index
          %swap3A_246 = tpu.vector_load %arg15[%swap3A_243, %swap3A_244, %swap3A_245] {strides = array<i32>} : memref<2x128x128xf32, #tpu.memory_space<vmem>>, vector<16xf32>,
          tpu.vector_store %arg15[%swap3A_243, %swap3A_244, %swap3A_245], %mul3A_241 {strides = array<i32>} : memref<2x128x128xf32, #tpu.memory_space<vmem>>, vector<16xf32>,
          %get3A_247 = arith.constant 0 : i32
          %get3A_248 = arith.index_cast %get3A_247 : i32 to index
          %get3A_249 = arith.index_cast %add3A_221 : i32 to index
          %get3A_250 = arith.constant 32 : index
          %get3A_251 = tpu.vector_load %arg15[%get3A_248, %get3A_249, %get3A_250] {strides = array<i32>} : memref<2x128x128xf32, #tpu.memory_space<vmem>>, vector<16xf32>,
          %mul3A_252 = arith.mulf %get3A_251, %broadcast_in_dim3A_224 : vector<16xf32>
          %swap3A_253 = arith.constant 0 : i32
          %swap3A_254 = arith.index_cast %swap3A_253 : i32 to index
          %swap3A_255 = arith.index_cast %add3A_221 : i32 to index
          %swap3A_256 = arith.constant 32 : index
          %swap3A_257 = tpu.vector_load %arg15[%swap3A_254, %swap3A_255, %swap3A_256] {strides = array<i32>} : memref<2x128x128xf32, #tpu.memory_space<vmem>>, vector<16xf32>,
          tpu.vector_store %arg15[%swap3A_254, %swap3A_255, %swap3A_256], %mul3A_252 {strides = array<i32>} : memref<2x128x128xf32, #tpu.memory_space<vmem>>, vector<16xf32>,
          %get3A_258 = arith.constant 0 : i32
          %get3A_259 = arith.index_cast %get3A_258 : i32 to index
          %get3A_260 = arith.index_cast %add3A_221 : i32 to index
          %get3A_261 = arith.constant 48 : index
          %get3A_262 = tpu.vector_load %arg15[%get3A_259, %get3A_260, %get3A_261] {strides = array<i32>} : memref<2x128x128xf32, #tpu.memory_space<vmem>>, vector<16xf32>,
          %mul3A_263 = arith.mulf %get3A_262, %broadcast_in_dim3A_224 : vector<16xf32>
          %swap3A_264 = arith.constant 0 : i32
          %swap3A_265 = arith.index_cast %swap3A_264 : i32 to index
          %swap3A_266 = arith.index_cast %add3A_221 : i32 to index
          %swap3A_267 = arith.constant 48 : index
          %swap3A_268 = tpu.vector_load %arg15[%swap3A_265, %swap3A_266, %swap3A_267] {strides = array<i32>} : memref<2x128x128xf32, #tpu.memory_space<vmem>>, vector<16xf32>,
          tpu.vector_store %arg15[%swap3A_265, %swap3A_266, %swap3A_267], %mul3A_263 {strides = array<i32>} : memref<2x128x128xf32, #tpu.memory_space<vmem>>, vector<16xf32>,
          %get3A_269 = arith.constant 0 : i32
          %get3A_270 = arith.index_cast %get3A_269 : i32 to index
          %get3A_271 = arith.index_cast %add3A_221 : i32 to index
          %get3A_272 = arith.constant 64 : index
          %get3A_273 = tpu.vector_load %arg15[%get3A_270, %get3A_271, %get3A_272] {strides = array<i32>} : memref<2x128x128xf32, #tpu.memory_space<vmem>>, vector<16xf32>,
          %mul3A_274 = arith.mulf %get3A_273, %broadcast_in_dim3A_224 : vector<16xf32>
          %swap3A_275 = arith.constant 0 : i32
          %swap3A_276 = arith.index_cast %swap3A_275 : i32 to index
          %swap3A_277 = arith.index_cast %add3A_221 : i32 to index
          %swap3A_278 = arith.constant 64 : index
          %swap3A_279 = tpu.vector_load %arg15[%swap3A_276, %swap3A_277, %swap3A_278] {strides = array<i32>} : memref<2x128x128xf32, #tpu.memory_space<vmem>>, vector<16xf32>,
          tpu.vector_store %arg15[%swap3A_276, %swap3A_277, %swap3A_278], %mul3A_274 {strides = array<i32>} : memref<2x128x128xf32, #tpu.memory_space<vmem>>, vector<16xf32>,
          %get3A_280 = arith.constant 0 : i32
          %get3A_281 = arith.index_cast %get3A_280 : i32 to index
          %get3A_282 = arith.index_cast %add3A_221 : i32 to index
          %get3A_283 = arith.constant 80 : index
          %get3A_284 = tpu.vector_load %arg15[%get3A_281, %get3A_282, %get3A_283] {strides = array<i32>} : memref<2x128x128xf32, #tpu.memory_space<vmem>>, vector<16xf32>,
          %mul3A_285 = arith.mulf %get3A_284, %broadcast_in_dim3A_224 : vector<16xf32>
          %swap3A_286 = arith.constant 0 : i32
          %swap3A_287 = arith.index_cast %swap3A_286 : i32 to index
          %swap3A_288 = arith.index_cast %add3A_221 : i32 to index
          %swap3A_289 = arith.constant 80 : index
          %swap3A_290 = tpu.vector_load %arg15[%swap3A_287, %swap3A_288, %swap3A_289] {strides = array<i32>} : memref<2x128x128xf32, #tpu.memory_space<vmem>>, vector<16xf32>,
          tpu.vector_store %arg15[%swap3A_287, %swap3A_288, %swap3A_289], %mul3A_285 {strides = array<i32>} : memref<2x128x128xf32, #tpu.memory_space<vmem>>, vector<16xf32>,
          %get3A_291 = arith.constant 0 : i32
          %get3A_292 = arith.index_cast %get3A_291 : i32 to index
          %get3A_293 = arith.index_cast %add3A_221 : i32 to index
          %get3A_294 = arith.constant 96 : index
          %get3A_295 = tpu.vector_load %arg15[%get3A_292, %get3A_293, %get3A_294] {strides = array<i32>} : memref<2x128x128xf32, #tpu.memory_space<vmem>>, vector<16xf32>,
          %mul3A_296 = arith.mulf %get3A_295, %broadcast_in_dim3A_224 : vector<16xf32>
          %swap3A_297 = arith.constant 0 : i32
          %swap3A_298 = arith.index_cast %swap3A_297 : i32 to index
          %swap3A_299 = arith.index_cast %add3A_221 : i32 to index
          %swap3A_300 = arith.constant 96 : index
          %swap3A_301 = tpu.vector_load %arg15[%swap3A_298, %swap3A_299, %swap3A_300] {strides = array<i32>} : memref<2x128x128xf32, #tpu.memory_space<vmem>>, vector<16xf32>,
          tpu.vector_store %arg15[%swap3A_298, %swap3A_299, %swap3A_300], %mul3A_296 {strides = array<i32>} : memref<2x128x128xf32, #tpu.memory_space<vmem>>, vector<16xf32>,
          %get3A_302 = arith.constant 0 : i32
          %get3A_303 = arith.index_cast %get3A_302 : i32 to index
          %get3A_304 = arith.index_cast %add3A_221 : i32 to index
          %get3A_305 = arith.constant 112 : index
          %get3A_306 = tpu.vector_load %arg15[%get3A_303, %get3A_304, %get3A_305] {strides = array<i32>} : memref<2x128x128xf32, #tpu.memory_space<vmem>>, vector<16xf32>,
          %mul3A_307 = arith.mulf %get3A_306, %broadcast_in_dim3A_224 : vector<16xf32>
          %swap3A_308 = arith.constant 0 : i32
          %swap3A_309 = arith.index_cast %swap3A_308 : i32 to index
          %swap3A_310 = arith.index_cast %add3A_221 : i32 to index
          %swap3A_311 = arith.constant 112 : index
          %swap3A_312 = tpu.vector_load %arg15[%swap3A_309, %swap3A_310, %swap3A_311] {strides = array<i32>} : memref<2x128x128xf32, #tpu.memory_space<vmem>>, vector<16xf32>,
          tpu.vector_store %arg15[%swap3A_309, %swap3A_310, %swap3A_311], %mul3A_307 {strides = array<i32>} : memref<2x128x128xf32, #tpu.memory_space<vmem>>, vector<16xf32>,
          %mul3A_313 = arith.constant 16 : i32
          %mul3A_314 = arith.muli %scan3A_88, %mul3A_313 : i32
          %add3A_315 = arith.constant 2 : i32
          %add3A_316 = arith.addi %mul3A_314, %add3A_315 : i32
          %slice3A_317 = vector.extract_strided_slice %exp3A {offsets = [2], sizes = [1], strides = [1]} : vector<16xf32> to vector<1xf32>
          %squeeze3A_318 = vector.extract %slice3A_317[0] : f32 from vector<1xf32>
          %broadcast_in_dim3A_319 = vector.broadcast %squeeze3A_318 : f32 to vector<16xf32>
          %get3A_320 = arith.constant 0 : i32
          %get3A_321 = arith.index_cast %get3A_320 : i32 to index
          %get3A_322 = arith.index_cast %add3A_316 : i32 to index
          %get3A_323 = arith.constant 0 : index
          %get3A_324 = tpu.vector_load %arg15[%get3A_321, %get3A_322, %get3A_323] {strides = array<i32>} : memref<2x128x128xf32, #tpu.memory_space<vmem>>, vector<16xf32>,
          %mul3A_325 = arith.mulf %get3A_324, %broadcast_in_dim3A_319 : vector<16xf32>
          %swap3A_326 = arith.constant 0 : i32
          %swap3A_327 = arith.index_cast %swap3A_326 : i32 to index
          %swap3A_328 = arith.index_cast %add3A_316 : i32 to index
          %swap3A_329 = arith.constant 0 : index
          %swap3A_330 = tpu.vector_load %arg15[%swap3A_327, %swap3A_328, %swap3A_329] {strides = array<i32>} : memref<2x128x128xf32, #tpu.memory_space<vmem>>, vector<16xf32>,
          tpu.vector_store %arg15[%swap3A_327, %swap3A_328, %swap3A_329], %mul3A_325 {strides = array<i32>} : memref<2x128x128xf32, #tpu.memory_space<vmem>>, vector<16xf32>,
          %get3A_331 = arith.constant 0 : i32
          %get3A_332 = arith.index_cast %get3A_331 : i32 to index
          %get3A_333 = arith.index_cast %add3A_316 : i32 to index
          %get3A_334 = arith.constant 16 : index
          %get3A_335 = tpu.vector_load %arg15[%get3A_332, %get3A_333, %get3A_334] {strides = array<i32>} : memref<2x128x128xf32, #tpu.memory_space<vmem>>, vector<16xf32>,
          %mul3A_336 = arith.mulf %get3A_335, %broadcast_in_dim3A_319 : vector<16xf32>
          %swap3A_337 = arith.constant 0 : i32
          %swap3A_338 = arith.index_cast %swap3A_337 : i32 to index
          %swap3A_339 = arith.index_cast %add3A_316 : i32 to index
          %swap3A_340 = arith.constant 16 : index
          %swap3A_341 = tpu.vector_load %arg15[%swap3A_338, %swap3A_339, %swap3A_340] {strides = array<i32>} : memref<2x128x128xf32, #tpu.memory_space<vmem>>, vector<16xf32>,
          tpu.vector_store %arg15[%swap3A_338, %swap3A_339, %swap3A_340], %mul3A_336 {strides = array<i32>} : memref<2x128x128xf32, #tpu.memory_space<vmem>>, vector<16xf32>,
          %get3A_342 = arith.constant 0 : i32
          %get3A_343 = arith.index_cast %get3A_342 : i32 to index
          %get3A_344 = arith.index_cast %add3A_316 : i32 to index
          %get3A_345 = arith.constant 32 : index
          %get3A_346 = tpu.vector_load %arg15[%get3A_343, %get3A_344, %get3A_345] {strides = array<i32>} : memref<2x128x128xf32, #tpu.memory_space<vmem>>, vector<16xf32>,
          %mul3A_347 = arith.mulf %get3A_346, %broadcast_in_dim3A_319 : vector<16xf32>
          %swap3A_348 = arith.constant 0 : i32
          %swap3A_349 = arith.index_cast %swap3A_348 : i32 to index
          %swap3A_350 = arith.index_cast %add3A_316 : i32 to index
          %swap3A_351 = arith.constant 32 : index
          %swap3A_352 = tpu.vector_load %arg15[%swap3A_349, %swap3A_350, %swap3A_351] {strides = array<i32>} : memref<2x128x128xf32, #tpu.memory_space<vmem>>, vector<16xf32>,
          tpu.vector_store %arg15[%swap3A_349, %swap3A_350, %swap3A_351], %mul3A_347 {strides = array<i32>} : memref<2x128x128xf32, #tpu.memory_space<vmem>>, vector<16xf32>,
          %get3A_353 = arith.constant 0 : i32
          %get3A_354 = arith.index_cast %get3A_353 : i32 to index
          %get3A_355 = arith.index_cast %add3A_316 : i32 to index
          %get3A_356 = arith.constant 48 : index
          %get3A_357 = tpu.vector_load %arg15[%get3A_354, %get3A_355, %get3A_356] {strides = array<i32>} : memref<2x128x128xf32, #tpu.memory_space<vmem>>, vector<16xf32>,
          %mul3A_358 = arith.mulf %get3A_357, %broadcast_in_dim3A_319 : vector<16xf32>
          %swap3A_359 = arith.constant 0 : i32
          %swap3A_360 = arith.index_cast %swap3A_359 : i32 to index
          %swap3A_361 = arith.index_cast %add3A_316 : i32 to index
          %swap3A_362 = arith.constant 48 : index
          %swap3A_363 = tpu.vector_load %arg15[%swap3A_360, %swap3A_361, %swap3A_362] {strides = array<i32>} : memref<2x128x128xf32, #tpu.memory_space<vmem>>, vector<16xf32>,
          tpu.vector_store %arg15[%swap3A_360, %swap3A_361, %swap3A_362], %mul3A_358 {strides = array<i32>} : memref<2x128x128xf32, #tpu.memory_space<vmem>>, vector<16xf32>,
          %get3A_364 = arith.constant 0 : i32
          %get3A_365 = arith.index_cast %get3A_364 : i32 to index
          %get3A_366 = arith.index_cast %add3A_316 : i32 to index
          %get3A_367 = arith.constant 64 : index
          %get3A_368 = tpu.vector_load %arg15[%get3A_365, %get3A_366, %get3A_367] {strides = array<i32>} : memref<2x128x128xf32, #tpu.memory_space<vmem>>, vector<16xf32>,
          %mul3A_369 = arith.mulf %get3A_368, %broadcast_in_dim3A_319 : vector<16xf32>
          %swap3A_370 = arith.constant 0 : i32
          %swap3A_371 = arith.index_cast %swap3A_370 : i32 to index
          %swap3A_372 = arith.index_cast %add3A_316 : i32 to index
          %swap3A_373 = arith.constant 64 : index
          %swap3A_374 = tpu.vector_load %arg15[%swap3A_371, %swap3A_372, %swap3A_373] {strides = array<i32>} : memref<2x128x128xf32, #tpu.memory_space<vmem>>, vector<16xf32>,
          tpu.vector_store %arg15[%swap3A_371, %swap3A_372, %swap3A_373], %mul3A_369 {strides = array<i32>} : memref<2x128x128xf32, #tpu.memory_space<vmem>>, vector<16xf32>,
          %get3A_375 = arith.constant 0 : i32
          %get3A_376 = arith.index_cast %get3A_375 : i32 to index
          %get3A_377 = arith.index_cast %add3A_316 : i32 to index
          %get3A_378 = arith.constant 80 : index
          %get3A_379 = tpu.vector_load %arg15[%get3A_376, %get3A_377, %get3A_378] {strides = array<i32>} : memref<2x128x128xf32, #tpu.memory_space<vmem>>, vector<16xf32>,
          %mul3A_380 = arith.mulf %get3A_379, %broadcast_in_dim3A_319 : vector<16xf32>
          %swap3A_381 = arith.constant 0 : i32
          %swap3A_382 = arith.index_cast %swap3A_381 : i32 to index
          %swap3A_383 = arith.index_cast %add3A_316 : i32 to index
          %swap3A_384 = arith.constant 80 : index
          %swap3A_385 = tpu.vector_load %arg15[%swap3A_382, %swap3A_383, %swap3A_384] {strides = array<i32>} : memref<2x128x128xf32, #tpu.memory_space<vmem>>, vector<16xf32>,
          tpu.vector_store %arg15[%swap3A_382, %swap3A_383, %swap3A_384], %mul3A_380 {strides = array<i32>} : memref<2x128x128xf32, #tpu.memory_space<vmem>>, vector<16xf32>,
          %get3A_386 = arith.constant 0 : i32
          %get3A_387 = arith.index_cast %get3A_386 : i32 to index
          %get3A_388 = arith.index_cast %add3A_316 : i32 to index
          %get3A_389 = arith.constant 96 : index
          %get3A_390 = tpu.vector_load %arg15[%get3A_387, %get3A_388, %get3A_389] {strides = array<i32>} : memref<2x128x128xf32, #tpu.memory_space<vmem>>, vector<16xf32>,
          %mul3A_391 = arith.mulf %get3A_390, %broadcast_in_dim3A_319 : vector<16xf32>
          %swap3A_392 = arith.constant 0 : i32
          %swap3A_393 = arith.index_cast %swap3A_392 : i32 to index
          %swap3A_394 = arith.index_cast %add3A_316 : i32 to index
          %swap3A_395 = arith.constant 96 : index
          %swap3A_396 = tpu.vector_load %arg15[%swap3A_393, %swap3A_394, %swap3A_395] {strides = array<i32>} : memref<2x128x128xf32, #tpu.memory_space<vmem>>, vector<16xf32>,
          tpu.vector_store %arg15[%swap3A_393, %swap3A_394, %swap3A_395], %mul3A_391 {strides = array<i32>} : memref<2x128x128xf32, #tpu.memory_space<vmem>>, vector<16xf32>,
          %get3A_397 = arith.constant 0 : i32
          %get3A_398 = arith.index_cast %get3A_397 : i32 to index
          %get3A_399 = arith.index_cast %add3A_316 : i32 to index
          %get3A_400 = arith.constant 112 : index
          %get3A_401 = tpu.vector_load %arg15[%get3A_398, %get3A_399, %get3A_400] {strides = array<i32>} : memref<2x128x128xf32, #tpu.memory_space<vmem>>, vector<16xf32>,
          %mul3A_402 = arith.mulf %get3A_401, %broadcast_in_dim3A_319 : vector<16xf32>
          %swap3A_403 = arith.constant 0 : i32
          %swap3A_404 = arith.index_cast %swap3A_403 : i32 to index
          %swap3A_405 = arith.index_cast %add3A_316 : i32 to index
          %swap3A_406 = arith.constant 112 : index
          %swap3A_407 = tpu.vector_load %arg15[%swap3A_404, %swap3A_405, %swap3A_406] {strides = array<i32>} : memref<2x128x128xf32, #tpu.memory_space<vmem>>, vector<16xf32>,
          tpu.vector_store %arg15[%swap3A_404, %swap3A_405, %swap3A_406], %mul3A_402 {strides = array<i32>} : memref<2x128x128xf32, #tpu.memory_space<vmem>>, vector<16xf32>,
          %mul3A_408 = arith.constant 16 : i32
          %mul3A_409 = arith.muli %scan3A_88, %mul3A_408 : i32
          %add3A_410 = arith.constant 3 : i32
          %add3A_411 = arith.addi %mul3A_409, %add3A_410 : i32
          %slice3A_412 = vector.extract_strided_slice %exp3A {offsets = [3], sizes = [1], strides = [1]} : vector<16xf32> to vector<1xf32>
          %squeeze3A_413 = vector.extract %slice3A_412[0] : f32 from vector<1xf32>
          %broadcast_in_dim3A_414 = vector.broadcast %squeeze3A_413 : f32 to vector<16xf32>
          %get3A_415 = arith.constant 0 : i32
          %get3A_416 = arith.index_cast %get3A_415 : i32 to index
          %get3A_417 = arith.index_cast %add3A_411 : i32 to index
          %get3A_418 = arith.constant 0 : index
          %get3A_419 = tpu.vector_load %arg15[%get3A_416, %get3A_417, %get3A_418] {strides = array<i32>} : memref<2x128x128xf32, #tpu.memory_space<vmem>>, vector<16xf32>,
          %mul3A_420 = arith.mulf %get3A_419, %broadcast_in_dim3A_414 : vector<16xf32>
          %swap3A_421 = arith.constant 0 : i32
          %swap3A_422 = arith.index_cast %swap3A_421 : i32 to index
          %swap3A_423 = arith.index_cast %add3A_411 : i32 to index
          %swap3A_424 = arith.constant 0 : index
          %swap3A_425 = tpu.vector_load %arg15[%swap3A_422, %swap3A_423, %swap3A_424] {strides = array<i32>} : memref<2x128x128xf32, #tpu.memory_space<vmem>>, vector<16xf32>,
          tpu.vector_store %arg15[%swap3A_422, %swap3A_423, %swap3A_424], %mul3A_420 {strides = array<i32>} : memref<2x128x128xf32, #tpu.memory_space<vmem>>, vector<16xf32>,
          %get3A_426 = arith.constant 0 : i32
          %get3A_427 = arith.index_cast %get3A_426 : i32 to index
          %get3A_428 = arith.index_cast %add3A_411 : i32 to index
          %get3A_429 = arith.constant 16 : index
          %get3A_430 = tpu.vector_load %arg15[%get3A_427, %get3A_428, %get3A_429] {strides = array<i32>} : memref<2x128x128xf32, #tpu.memory_space<vmem>>, vector<16xf32>,
          %mul3A_431 = arith.mulf %get3A_430, %broadcast_in_dim3A_414 : vector<16xf32>
          %swap3A_432 = arith.constant 0 : i32
          %swap3A_433 = arith.index_cast %swap3A_432 : i32 to index
          %swap3A_434 = arith.index_cast %add3A_411 : i32 to index
          %swap3A_435 = arith.constant 16 : index
          %swap3A_436 = tpu.vector_load %arg15[%swap3A_433, %swap3A_434, %swap3A_435] {strides = array<i32>} : memref<2x128x128xf32, #tpu.memory_space<vmem>>, vector<16xf32>,
          tpu.vector_store %arg15[%swap3A_433, %swap3A_434, %swap3A_435], %mul3A_431 {strides = array<i32>} : memref<2x128x128xf32, #tpu.memory_space<vmem>>, vector<16xf32>,
          %get3A_437 = arith.constant 0 : i32
          %get3A_438 = arith.index_cast %get3A_437 : i32 to index
          %get3A_439 = arith.index_cast %add3A_411 : i32 to index
          %get3A_440 = arith.constant 32 : index
          %get3A_441 = tpu.vector_load %arg15[%get3A_438, %get3A_439, %get3A_440] {strides = array<i32>} : memref<2x128x128xf32, #tpu.memory_space<vmem>>, vector<16xf32>,
          %mul3A_442 = arith.mulf %get3A_441, %broadcast_in_dim3A_414 : vector<16xf32>
          %swap3A_443 = arith.constant 0 : i32
          %swap3A_444 = arith.index_cast %swap3A_443 : i32 to index
          %swap3A_445 = arith.index_cast %add3A_411 : i32 to index
          %swap3A_446 = arith.constant 32 : index
          %swap3A_447 = tpu.vector_load %arg15[%swap3A_444, %swap3A_445, %swap3A_446] {strides = array<i32>} : memref<2x128x128xf32, #tpu.memory_space<vmem>>, vector<16xf32>,
          tpu.vector_store %arg15[%swap3A_444, %swap3A_445, %swap3A_446], %mul3A_442 {strides = array<i32>} : memref<2x128x128xf32, #tpu.memory_space<vmem>>, vector<16xf32>,
          %get3A_448 = arith.constant 0 : i32
          %get3A_449 = arith.index_cast %get3A_448 : i32 to index
          %get3A_450 = arith.index_cast %add3A_411 : i32 to index
          %get3A_451 = arith.constant 48 : index
          %get3A_452 = tpu.vector_load %arg15[%get3A_449, %get3A_450, %get3A_451] {strides = array<i32>} : memref<2x128x128xf32, #tpu.memory_space<vmem>>, vector<16xf32>,
          %mul3A_453 = arith.mulf %get3A_452, %broadcast_in_dim3A_414 : vector<16xf32>
          %swap3A_454 = arith.constant 0 : i32
          %swap3A_455 = arith.index_cast %swap3A_454 : i32 to index
          %swap3A_456 = arith.index_cast %add3A_411 : i32 to index
          %swap3A_457 = arith.constant 48 : index
          %swap3A_458 = tpu.vector_load %arg15[%swap3A_455, %swap3A_456, %swap3A_457] {strides = array<i32>} : memref<2x128x128xf32, #tpu.memory_space<vmem>>, vector<16xf32>,
          tpu.vector_store %arg15[%swap3A_455, %swap3A_456, %swap3A_457], %mul3A_453 {strides = array<i32>} : memref<2x128x128xf32, #tpu.memory_space<vmem>>, vector<16xf32>,
          %get3A_459 = arith.constant 0 : i32
          %get3A_460 = arith.index_cast %get3A_459 : i32 to index
          %get3A_461 = arith.index_cast %add3A_411 : i32 to index
          %get3A_462 = arith.constant 64 : index
          %get3A_463 = tpu.vector_load %arg15[%get3A_460, %get3A_461, %get3A_462] {strides = array<i32>} : memref<2x128x128xf32, #tpu.memory_space<vmem>>, vector<16xf32>,
          %mul3A_464 = arith.mulf %get3A_463, %broadcast_in_dim3A_414 : vector<16xf32>
          %swap3A_465 = arith.constant 0 : i32
          %swap3A_466 = arith.index_cast %swap3A_465 : i32 to index
          %swap3A_467 = arith.index_cast %add3A_411 : i32 to index
          %swap3A_468 = arith.constant 64 : index
          %swap3A_469 = tpu.vector_load %arg15[%swap3A_466, %swap3A_467, %swap3A_468] {strides = array<i32>} : memref<2x128x128xf32, #tpu.memory_space<vmem>>, vector<16xf32>,
          tpu.vector_store %arg15[%swap3A_466, %swap3A_467, %swap3A_468], %mul3A_464 {strides = array<i32>} : memref<2x128x128xf32, #tpu.memory_space<vmem>>, vector<16xf32>,
          %get3A_470 = arith.constant 0 : i32
          %get3A_471 = arith.index_cast %get3A_470 : i32 to index
          %get3A_472 = arith.index_cast %add3A_411 : i32 to index
          %get3A_473 = arith.constant 80 : index
          %get3A_474 = tpu.vector_load %arg15[%get3A_471, %get3A_472, %get3A_473] {strides = array<i32>} : memref<2x128x128xf32, #tpu.memory_space<vmem>>, vector<16xf32>,
          %mul3A_475 = arith.mulf %get3A_474, %broadcast_in_dim3A_414 : vector<16xf32>
          %swap3A_476 = arith.constant 0 : i32
          %swap3A_477 = arith.index_cast %swap3A_476 : i32 to index
          %swap3A_478 = arith.index_cast %add3A_411 : i32 to index
          %swap3A_479 = arith.constant 80 : index
          %swap3A_480 = tpu.vector_load %arg15[%swap3A_477, %swap3A_478, %swap3A_479] {strides = array<i32>} : memref<2x128x128xf32, #tpu.memory_space<vmem>>, vector<16xf32>,
          tpu.vector_store %arg15[%swap3A_477, %swap3A_478, %swap3A_479], %mul3A_475 {strides = array<i32>} : memref<2x128x128xf32, #tpu.memory_space<vmem>>, vector<16xf32>,
          %get3A_481 = arith.constant 0 : i32
          %get3A_482 = arith.index_cast %get3A_481 : i32 to index
          %get3A_483 = arith.index_cast %add3A_411 : i32 to index
          %get3A_484 = arith.constant 96 : index
          %get3A_485 = tpu.vector_load %arg15[%get3A_482, %get3A_483, %get3A_484] {strides = array<i32>} : memref<2x128x128xf32, #tpu.memory_space<vmem>>, vector<16xf32>,
          %mul3A_486 = arith.mulf %get3A_485, %broadcast_in_dim3A_414 : vector<16xf32>
          %swap3A_487 = arith.constant 0 : i32
          %swap3A_488 = arith.index_cast %swap3A_487 : i32 to index
          %swap3A_489 = arith.index_cast %add3A_411 : i32 to index
          %swap3A_490 = arith.constant 96 : index
          %swap3A_491 = tpu.vector_load %arg15[%swap3A_488, %swap3A_489, %swap3A_490] {strides = array<i32>} : memref<2x128x128xf32, #tpu.memory_space<vmem>>, vector<16xf32>,
          tpu.vector_store %arg15[%swap3A_488, %swap3A_489, %swap3A_490], %mul3A_486 {strides = array<i32>} : memref<2x128x128xf32, #tpu.memory_space<vmem>>, vector<16xf32>,
          %get3A_492 = arith.constant 0 : i32
          %get3A_493 = arith.index_cast %get3A_492 : i32 to index
          %get3A_494 = arith.index_cast %add3A_411 : i32 to index
          %get3A_495 = arith.constant 112 : index
          %get3A_496 = tpu.vector_load %arg15[%get3A_493, %get3A_494, %get3A_495] {strides = array<i32>} : memref<2x128x128xf32, #tpu.memory_space<vmem>>, vector<16xf32>,
          %mul3A_497 = arith.mulf %get3A_496, %broadcast_in_dim3A_414 : vector<16xf32>
          %swap3A_498 = arith.constant 0 : i32
          %swap3A_499 = arith.index_cast %swap3A_498 : i32 to index
          %swap3A_500 = arith.index_cast %add3A_411 : i32 to index
          %swap3A_501 = arith.constant 112 : index
          %swap3A_502 = tpu.vector_load %arg15[%swap3A_499, %swap3A_500, %swap3A_501] {strides = array<i32>} : memref<2x128x128xf32, #tpu.memory_space<vmem>>, vector<16xf32>,
          tpu.vector_store %arg15[%swap3A_499, %swap3A_500, %swap3A_501], %mul3A_497 {strides = array<i32>} : memref<2x128x128xf32, #tpu.memory_space<vmem>>, vector<16xf32>,
          %mul3A_503 = arith.constant 16 : i32
          %mul3A_504 = arith.muli %scan3A_88, %mul3A_503 : i32
          %add3A_505 = arith.constant 4 : i32
          %add3A_506 = arith.addi %mul3A_504, %add3A_505 : i32
          %slice3A_507 = vector.extract_strided_slice %exp3A {offsets = [4], sizes = [1], strides = [1]} : vector<16xf32> to vector<1xf32>
          %squeeze3A_508 = vector.extract %slice3A_507[0] : f32 from vector<1xf32>
          %broadcast_in_dim3A_509 = vector.broadcast %squeeze3A_508 : f32 to vector<16xf32>
          %get3A_510 = arith.constant 0 : i32
          %get3A_511 = arith.index_cast %get3A_510 : i32 to index
          %get3A_512 = arith.index_cast %add3A_506 : i32 to index
          %get3A_513 = arith.constant 0 : index
          %get3A_514 = tpu.vector_load %arg15[%get3A_511, %get3A_512, %get3A_513] {strides = array<i32>} : memref<2x128x128xf32, #tpu.memory_space<vmem>>, vector<16xf32>,
          %mul3A_515 = arith.mulf %get3A_514, %broadcast_in_dim3A_509 : vector<16xf32>
          %swap3A_516 = arith.constant 0 : i32
          %swap3A_517 = arith.index_cast %swap3A_516 : i32 to index
          %swap3A_518 = arith.index_cast %add3A_506 : i32 to index
          %swap3A_519 = arith.constant 0 : index
          %swap3A_520 = tpu.vector_load %arg15[%swap3A_517, %swap3A_518, %swap3A_519] {strides = array<i32>} : memref<2x128x128xf32, #tpu.memory_space<vmem>>, vector<16xf32>,
          tpu.vector_store %arg15[%swap3A_517, %swap3A_518, %swap3A_519], %mul3A_515 {strides = array<i32>} : memref<2x128x128xf32, #tpu.memory_space<vmem>>, vector<16xf32>,
          %get3A_521 = arith.constant 0 : i32
          %get3A_522 = arith.index_cast %get3A_521 : i32 to index
          %get3A_523 = arith.index_cast %add3A_506 : i32 to index
          %get3A_524 = arith.constant 16 : index
          %get3A_525 = tpu.vector_load %arg15[%get3A_522, %get3A_523, %get3A_524] {strides = array<i32>} : memref<2x128x128xf32, #tpu.memory_space<vmem>>, vector<16xf32>,
          %mul3A_526 = arith.mulf %get3A_525, %broadcast_in_dim3A_509 : vector<16xf32>
          %swap3A_527 = arith.constant 0 : i32
          %swap3A_528 = arith.index_cast %swap3A_527 : i32 to index
          %swap3A_529 = arith.index_cast %add3A_506 : i32 to index
          %swap3A_530 = arith.constant 16 : index
          %swap3A_531 = tpu.vector_load %arg15[%swap3A_528, %swap3A_529, %swap3A_530] {strides = array<i32>} : memref<2x128x128xf32, #tpu.memory_space<vmem>>, vector<16xf32>,
          tpu.vector_store %arg15[%swap3A_528, %swap3A_529, %swap3A_530], %mul3A_526 {strides = array<i32>} : memref<2x128x128xf32, #tpu.memory_space<vmem>>, vector<16xf32>,
          %get3A_532 = arith.constant 0 : i32
          %get3A_533 = arith.index_cast %get3A_532 : i32 to index
          %get3A_534 = arith.index_cast %add3A_506 : i32 to index
          %get3A_535 = arith.constant 32 : index
          %get3A_536 = tpu.vector_load %arg15[%get3A_533, %get3A_534, %get3A_535] {strides = array<i32>} : memref<2x128x128xf32, #tpu.memory_space<vmem>>, vector<16xf32>,
          %mul3A_537 = arith.mulf %get3A_536, %broadcast_in_dim3A_509 : vector<16xf32>
          %swap3A_538 = arith.constant 0 : i32
          %swap3A_539 = arith.index_cast %swap3A_538 : i32 to index
          %swap3A_540 = arith.index_cast %add3A_506 : i32 to index
          %swap3A_541 = arith.constant 32 : index
          %swap3A_542 = tpu.vector_load %arg15[%swap3A_539, %swap3A_540, %swap3A_541] {strides = array<i32>} : memref<2x128x128xf32, #tpu.memory_space<vmem>>, vector<16xf32>,
          tpu.vector_store %arg15[%swap3A_539, %swap3A_540, %swap3A_541], %mul3A_537 {strides = array<i32>} : memref<2x128x128xf32, #tpu.memory_space<vmem>>, vector<16xf32>,
          %get3A_543 = arith.constant 0 : i32
          %get3A_544 = arith.index_cast %get3A_543 : i32 to index
          %get3A_545 = arith.index_cast %add3A_506 : i32 to index
          %get3A_546 = arith.constant 48 : index
          %get3A_547 = tpu.vector_load %arg15[%get3A_544, %get3A_545, %get3A_546] {strides = array<i32>} : memref<2x128x128xf32, #tpu.memory_space<vmem>>, vector<16xf32>,
          %mul3A_548 = arith.mulf %get3A_547, %broadcast_in_dim3A_509 : vector<16xf32>
          %swap3A_549 = arith.constant 0 : i32
          %swap3A_550 = arith.index_cast %swap3A_549 : i32 to index
          %swap3A_551 = arith.index_cast %add3A_506 : i32 to index
          %swap3A_552 = arith.constant 48 : index
          %swap3A_553 = tpu.vector_load %arg15[%swap3A_550, %swap3A_551, %swap3A_552] {strides = array<i32>} : memref<2x128x128xf32, #tpu.memory_space<vmem>>, vector<16xf32>,
          tpu.vector_store %arg15[%swap3A_550, %swap3A_551, %swap3A_552], %mul3A_548 {strides = array<i32>} : memref<2x128x128xf32, #tpu.memory_space<vmem>>, vector<16xf32>,
          %get3A_554 = arith.constant 0 : i32
          %get3A_555 = arith.index_cast %get3A_554 : i32 to index
          %get3A_556 = arith.index_cast %add3A_506 : i32 to index
          %get3A_557 = arith.constant 64 : index
          %get3A_558 = tpu.vector_load %arg15[%get3A_555, %get3A_556, %get3A_557] {strides = array<i32>} : memref<2x128x128xf32, #tpu.memory_space<vmem>>, vector<16xf32>,
          %mul3A_559 = arith.mulf %get3A_558, %broadcast_in_dim3A_509 : vector<16xf32>
          %swap3A_560 = arith.constant 0 : i32
          %swap3A_561 = arith.index_cast %swap3A_560 : i32 to index
          %swap3A_562 = arith.index_cast %add3A_506 : i32 to index
          %swap3A_563 = arith.constant 64 : index
          %swap3A_564 = tpu.vector_load %arg15[%swap3A_561, %swap3A_562, %swap3A_563] {strides = array<i32>} : memref<2x128x128xf32, #tpu.memory_space<vmem>>, vector<16xf32>,
          tpu.vector_store %arg15[%swap3A_561, %swap3A_562, %swap3A_563], %mul3A_559 {strides = array<i32>} : memref<2x128x128xf32, #tpu.memory_space<vmem>>, vector<16xf32>,
          %get3A_565 = arith.constant 0 : i32
          %get3A_566 = arith.index_cast %get3A_565 : i32 to index
          %get3A_567 = arith.index_cast %add3A_506 : i32 to index
          %get3A_568 = arith.constant 80 : index
          %get3A_569 = tpu.vector_load %arg15[%get3A_566, %get3A_567, %get3A_568] {strides = array<i32>} : memref<2x128x128xf32, #tpu.memory_space<vmem>>, vector<16xf32>,
          %mul3A_570 = arith.mulf %get3A_569, %broadcast_in_dim3A_509 : vector<16xf32>
          %swap3A_571 = arith.constant 0 : i32
          %swap3A_572 = arith.index_cast %swap3A_571 : i32 to index
          %swap3A_573 = arith.index_cast %add3A_506 : i32 to index
          %swap3A_574 = arith.constant 80 : index
          %swap3A_575 = tpu.vector_load %arg15[%swap3A_572, %swap3A_573, %swap3A_574] {strides = array<i32>} : memref<2x128x128xf32, #tpu.memory_space<vmem>>, vector<16xf32>,
          tpu.vector_store %arg15[%swap3A_572, %swap3A_573, %swap3A_574], %mul3A_570 {strides = array<i32>} : memref<2x128x128xf32, #tpu.memory_space<vmem>>, vector<16xf32>,
          %get3A_576 = arith.constant 0 : i32
          %get3A_577 = arith.index_cast %get3A_576 : i32 to index
          %get3A_578 = arith.index_cast %add3A_506 : i32 to index
          %get3A_579 = arith.constant 96 : index
          %get3A_580 = tpu.vector_load %arg15[%get3A_577, %get3A_578, %get3A_579] {strides = array<i32>} : memref<2x128x128xf32, #tpu.memory_space<vmem>>, vector<16xf32>,
          %mul3A_581 = arith.mulf %get3A_580, %broadcast_in_dim3A_509 : vector<16xf32>
          %swap3A_582 = arith.constant 0 : i32
          %swap3A_583 = arith.index_cast %swap3A_582 : i32 to index
          %swap3A_584 = arith.index_cast %add3A_506 : i32 to index
          %swap3A_585 = arith.constant 96 : index
          %swap3A_586 = tpu.vector_load %arg15[%swap3A_583, %swap3A_584, %swap3A_585] {strides = array<i32>} : memref<2x128x128xf32, #tpu.memory_space<vmem>>, vector<16xf32>,
          tpu.vector_store %arg15[%swap3A_583, %swap3A_584, %swap3A_585], %mul3A_581 {strides = array<i32>} : memref<2x128x128xf32, #tpu.memory_space<vmem>>, vector<16xf32>,
          %get3A_587 = arith.constant 0 : i32
          %get3A_588 = arith.index_cast %get3A_587 : i32 to index
          %get3A_589 = arith.index_cast %add3A_506 : i32 to index
          %get3A_590 = arith.constant 112 : index
          %get3A_591 = tpu.vector_load %arg15[%get3A_588, %get3A_589, %get3A_590] {strides = array<i32>} : memref<2x128x128xf32, #tpu.memory_space<vmem>>, vector<16xf32>,
          %mul3A_592 = arith.mulf %get3A_591, %broadcast_in_dim3A_509 : vector<16xf32>
          %swap3A_593 = arith.constant 0 : i32
          %swap3A_594 = arith.index_cast %swap3A_593 : i32 to index
          %swap3A_595 = arith.index_cast %add3A_506 : i32 to index
          %swap3A_596 = arith.constant 112 : index
          %swap3A_597 = tpu.vector_load %arg15[%swap3A_594, %swap3A_595, %swap3A_596] {strides = array<i32>} : memref<2x128x128xf32, #tpu.memory_space<vmem>>, vector<16xf32>,
          tpu.vector_store %arg15[%swap3A_594, %swap3A_595, %swap3A_596], %mul3A_592 {strides = array<i32>} : memref<2x128x128xf32, #tpu.memory_space<vmem>>, vector<16xf32>,
          %mul3A_598 = arith.constant 16 : i32
          %mul3A_599 = arith.muli %scan3A_88, %mul3A_598 : i32
          %add3A_600 = arith.constant 5 : i32
          %add3A_601 = arith.addi %mul3A_599, %add3A_600 : i32
          %slice3A_602 = vector.extract_strided_slice %exp3A {offsets = [5], sizes = [1], strides = [1]} : vector<16xf32> to vector<1xf32>
          %squeeze3A_603 = vector.extract %slice3A_602[0] : f32 from vector<1xf32>
          %broadcast_in_dim3A_604 = vector.broadcast %squeeze3A_603 : f32 to vector<16xf32>
          %get3A_605 = arith.constant 0 : i32
          %get3A_606 = arith.index_cast %get3A_605 : i32 to index
          %get3A_607 = arith.index_cast %add3A_601 : i32 to index
          %get3A_608 = arith.constant 0 : index
          %get3A_609 = tpu.vector_load %arg15[%get3A_606, %get3A_607, %get3A_608] {strides = array<i32>} : memref<2x128x128xf32, #tpu.memory_space<vmem>>, vector<16xf32>,
          %mul3A_610 = arith.mulf %get3A_609, %broadcast_in_dim3A_604 : vector<16xf32>
          %swap3A_611 = arith.constant 0 : i32
          %swap3A_612 = arith.index_cast %swap3A_611 : i32 to index
          %swap3A_613 = arith.index_cast %add3A_601 : i32 to index
          %swap3A_614 = arith.constant 0 : index
          %swap3A_615 = tpu.vector_load %arg15[%swap3A_612, %swap3A_613, %swap3A_614] {strides = array<i32>} : memref<2x128x128xf32, #tpu.memory_space<vmem>>, vector<16xf32>,
          tpu.vector_store %arg15[%swap3A_612, %swap3A_613, %swap3A_614], %mul3A_610 {strides = array<i32>} : memref<2x128x128xf32, #tpu.memory_space<vmem>>, vector<16xf32>,
          %get3A_616 = arith.constant 0 : i32
          %get3A_617 = arith.index_cast %get3A_616 : i32 to index
          %get3A_618 = arith.index_cast %add3A_601 : i32 to index
          %get3A_619 = arith.constant 16 : index
          %get3A_620 = tpu.vector_load %arg15[%get3A_617, %get3A_618, %get3A_619] {strides = array<i32>} : memref<2x128x128xf32, #tpu.memory_space<vmem>>, vector<16xf32>,
          %mul3A_621 = arith.mulf %get3A_620, %broadcast_in_dim3A_604 : vector<16xf32>
          %swap3A_622 = arith.constant 0 : i32
          %swap3A_623 = arith.index_cast %swap3A_622 : i32 to index
          %swap3A_624 = arith.index_cast %add3A_601 : i32 to index
          %swap3A_625 = arith.constant 16 : index
          %swap3A_626 = tpu.vector_load %arg15[%swap3A_623, %swap3A_624, %swap3A_625] {strides = array<i32>} : memref<2x128x128xf32, #tpu.memory_space<vmem>>, vector<16xf32>,
          tpu.vector_store %arg15[%swap3A_623, %swap3A_624, %swap3A_625], %mul3A_621 {strides = array<i32>} : memref<2x128x128xf32, #tpu.memory_space<vmem>>, vector<16xf32>,
          %get3A_627 = arith.constant 0 : i32
          %get3A_628 = arith.index_cast %get3A_627 : i32 to index
          %get3A_629 = arith.index_cast %add3A_601 : i32 to index
          %get3A_630 = arith.constant 32 : index
          %get3A_631 = tpu.vector_load %arg15[%get3A_628, %get3A_629, %get3A_630] {strides = array<i32>} : memref<2x128x128xf32, #tpu.memory_space<vmem>>, vector<16xf32>,
          %mul3A_632 = arith.mulf %get3A_631, %broadcast_in_dim3A_604 : vector<16xf32>
          %swap3A_633 = arith.constant 0 : i32
          %swap3A_634 = arith.index_cast %swap3A_633 : i32 to index
          %swap3A_635 = arith.index_cast %add3A_601 : i32 to index
          %swap3A_636 = arith.constant 32 : index
          %swap3A_637 = tpu.vector_load %arg15[%swap3A_634, %swap3A_635, %swap3A_636] {strides = array<i32>} : memref<2x128x128xf32, #tpu.memory_space<vmem>>, vector<16xf32>,
          tpu.vector_store %arg15[%swap3A_634, %swap3A_635, %swap3A_636], %mul3A_632 {strides = array<i32>} : memref<2x128x128xf32, #tpu.memory_space<vmem>>, vector<16xf32>,
          %get3A_638 = arith.constant 0 : i32
          %get3A_639 = arith.index_cast %get3A_638 : i32 to index
          %get3A_640 = arith.index_cast %add3A_601 : i32 to index
          %get3A_641 = arith.constant 48 : index
          %get3A_642 = tpu.vector_load %arg15[%get3A_639, %get3A_640, %get3A_641] {strides = array<i32>} : memref<2x128x128xf32, #tpu.memory_space<vmem>>, vector<16xf32>,
          %mul3A_643 = arith.mulf %get3A_642, %broadcast_in_dim3A_604 : vector<16xf32>
          %swap3A_644 = arith.constant 0 : i32
          %swap3A_645 = arith.index_cast %swap3A_644 : i32 to index
          %swap3A_646 = arith.index_cast %add3A_601 : i32 to index
          %swap3A_647 = arith.constant 48 : index
          %swap3A_648 = tpu.vector_load %arg15[%swap3A_645, %swap3A_646, %swap3A_647] {strides = array<i32>} : memref<2x128x128xf32, #tpu.memory_space<vmem>>, vector<16xf32>,
          tpu.vector_store %arg15[%swap3A_645, %swap3A_646, %swap3A_647], %mul3A_643 {strides = array<i32>} : memref<2x128x128xf32, #tpu.memory_space<vmem>>, vector<16xf32>,
          %get3A_649 = arith.constant 0 : i32
          %get3A_650 = arith.index_cast %get3A_649 : i32 to index
          %get3A_651 = arith.index_cast %add3A_601 : i32 to index
          %get3A_652 = arith.constant 64 : index
          %get3A_653 = tpu.vector_load %arg15[%get3A_650, %get3A_651, %get3A_652] {strides = array<i32>} : memref<2x128x128xf32, #tpu.memory_space<vmem>>, vector<16xf32>,
          %mul3A_654 = arith.mulf %get3A_653, %broadcast_in_dim3A_604 : vector<16xf32>
          %swap3A_655 = arith.constant 0 : i32
          %swap3A_656 = arith.index_cast %swap3A_655 : i32 to index
          %swap3A_657 = arith.index_cast %add3A_601 : i32 to index
          %swap3A_658 = arith.constant 64 : index
          %swap3A_659 = tpu.vector_load %arg15[%swap3A_656, %swap3A_657, %swap3A_658] {strides = array<i32>} : memref<2x128x128xf32, #tpu.memory_space<vmem>>, vector<16xf32>,
          tpu.vector_store %arg15[%swap3A_656, %swap3A_657, %swap3A_658], %mul3A_654 {strides = array<i32>} : memref<2x128x128xf32, #tpu.memory_space<vmem>>, vector<16xf32>,
          %get3A_660 = arith.constant 0 : i32
          %get3A_661 = arith.index_cast %get3A_660 : i32 to index
          %get3A_662 = arith.index_cast %add3A_601 : i32 to index
          %get3A_663 = arith.constant 80 : index
          %get3A_664 = tpu.vector_load %arg15[%get3A_661, %get3A_662, %get3A_663] {strides = array<i32>} : memref<2x128x128xf32, #tpu.memory_space<vmem>>, vector<16xf32>,
          %mul3A_665 = arith.mulf %get3A_664, %broadcast_in_dim3A_604 : vector<16xf32>
          %swap3A_666 = arith.constant 0 : i32
          %swap3A_667 = arith.index_cast %swap3A_666 : i32 to index
          %swap3A_668 = arith.index_cast %add3A_601 : i32 to index
          %swap3A_669 = arith.constant 80 : index
          %swap3A_670 = tpu.vector_load %arg15[%swap3A_667, %swap3A_668, %swap3A_669] {strides = array<i32>} : memref<2x128x128xf32, #tpu.memory_space<vmem>>, vector<16xf32>,
          tpu.vector_store %arg15[%swap3A_667, %swap3A_668, %swap3A_669], %mul3A_665 {strides = array<i32>} : memref<2x128x128xf32, #tpu.memory_space<vmem>>, vector<16xf32>,
          %get3A_671 = arith.constant 0 : i32
          %get3A_672 = arith.index_cast %get3A_671 : i32 to index
          %get3A_673 = arith.index_cast %add3A_601 : i32 to index
          %get3A_674 = arith.constant 96 : index
          %get3A_675 = tpu.vector_load %arg15[%get3A_672, %get3A_673, %get3A_674] {strides = array<i32>} : memref<2x128x128xf32, #tpu.memory_space<vmem>>, vector<16xf32>,
          %mul3A_676 = arith.mulf %get3A_675, %broadcast_in_dim3A_604 : vector<16xf32>
          %swap3A_677 = arith.constant 0 : i32
          %swap3A_678 = arith.index_cast %swap3A_677 : i32 to index
          %swap3A_679 = arith.index_cast %add3A_601 : i32 to index
          %swap3A_680 = arith.constant 96 : index
          %swap3A_681 = tpu.vector_load %arg15[%swap3A_678, %swap3A_679, %swap3A_680] {strides = array<i32>} : memref<2x128x128xf32, #tpu.memory_space<vmem>>, vector<16xf32>,
          tpu.vector_store %arg15[%swap3A_678, %swap3A_679, %swap3A_680], %mul3A_676 {strides = array<i32>} : memref<2x128x128xf32, #tpu.memory_space<vmem>>, vector<16xf32>,
          %get3A_682 = arith.constant 0 : i32
          %get3A_683 = arith.index_cast %get3A_682 : i32 to index
          %get3A_684 = arith.index_cast %add3A_601 : i32 to index
          %get3A_685 = arith.constant 112 : index
          %get3A_686 = tpu.vector_load %arg15[%get3A_683, %get3A_684, %get3A_685] {strides = array<i32>} : memref<2x128x128xf32, #tpu.memory_space<vmem>>, vector<16xf32>,
          %mul3A_687 = arith.mulf %get3A_686, %broadcast_in_dim3A_604 : vector<16xf32>
          %swap3A_688 = arith.constant 0 : i32
          %swap3A_689 = arith.index_cast %swap3A_688 : i32 to index
          %swap3A_690 = arith.index_cast %add3A_601 : i32 to index
          %swap3A_691 = arith.constant 112 : index
          %swap3A_692 = tpu.vector_load %arg15[%swap3A_689, %swap3A_690, %swap3A_691] {strides = array<i32>} : memref<2x128x128xf32, #tpu.memory_space<vmem>>, vector<16xf32>,
          tpu.vector_store %arg15[%swap3A_689, %swap3A_690, %swap3A_691], %mul3A_687 {strides = array<i32>} : memref<2x128x128xf32, #tpu.memory_space<vmem>>, vector<16xf32>,
          %mul3A_693 = arith.constant 16 : i32
          %mul3A_694 = arith.muli %scan3A_88, %mul3A_693 : i32
          %add3A_695 = arith.constant 6 : i32
          %add3A_696 = arith.addi %mul3A_694, %add3A_695 : i32
          %slice3A_697 = vector.extract_strided_slice %exp3A {offsets = [6], sizes = [1], strides = [1]} : vector<16xf32> to vector<1xf32>
          %squeeze3A_698 = vector.extract %slice3A_697[0] : f32 from vector<1xf32>
          %broadcast_in_dim3A_699 = vector.broadcast %squeeze3A_698 : f32 to vector<16xf32>
          %get3A_700 = arith.constant 0 : i32
          %get3A_701 = arith.index_cast %get3A_700 : i32 to index
          %get3A_702 = arith.index_cast %add3A_696 : i32 to index
          %get3A_703 = arith.constant 0 : index
          %get3A_704 = tpu.vector_load %arg15[%get3A_701, %get3A_702, %get3A_703] {strides = array<i32>} : memref<2x128x128xf32, #tpu.memory_space<vmem>>, vector<16xf32>,
          %mul3A_705 = arith.mulf %get3A_704, %broadcast_in_dim3A_699 : vector<16xf32>
          %swap3A_706 = arith.constant 0 : i32
          %swap3A_707 = arith.index_cast %swap3A_706 : i32 to index
          %swap3A_708 = arith.index_cast %add3A_696 : i32 to index
          %swap3A_709 = arith.constant 0 : index
          %swap3A_710 = tpu.vector_load %arg15[%swap3A_707, %swap3A_708, %swap3A_709] {strides = array<i32>} : memref<2x128x128xf32, #tpu.memory_space<vmem>>, vector<16xf32>,
          tpu.vector_store %arg15[%swap3A_707, %swap3A_708, %swap3A_709], %mul3A_705 {strides = array<i32>} : memref<2x128x128xf32, #tpu.memory_space<vmem>>, vector<16xf32>,
          %get3A_711 = arith.constant 0 : i32
          %get3A_712 = arith.index_cast %get3A_711 : i32 to index
          %get3A_713 = arith.index_cast %add3A_696 : i32 to index
          %get3A_714 = arith.constant 16 : index
          %get3A_715 = tpu.vector_load %arg15[%get3A_712, %get3A_713, %get3A_714] {strides = array<i32>} : memref<2x128x128xf32, #tpu.memory_space<vmem>>, vector<16xf32>,
          %mul3A_716 = arith.mulf %get3A_715, %broadcast_in_dim3A_699 : vector<16xf32>
          %swap3A_717 = arith.constant 0 : i32
          %swap3A_718 = arith.index_cast %swap3A_717 : i32 to index
          %swap3A_719 = arith.index_cast %add3A_696 : i32 to index
          %swap3A_720 = arith.constant 16 : index
          %swap3A_721 = tpu.vector_load %arg15[%swap3A_718, %swap3A_719, %swap3A_720] {strides = array<i32>} : memref<2x128x128xf32, #tpu.memory_space<vmem>>, vector<16xf32>,
          tpu.vector_store %arg15[%swap3A_718, %swap3A_719, %swap3A_720], %mul3A_716 {strides = array<i32>} : memref<2x128x128xf32, #tpu.memory_space<vmem>>, vector<16xf32>,
          %get3A_722 = arith.constant 0 : i32
          %get3A_723 = arith.index_cast %get3A_722 : i32 to index
          %get3A_724 = arith.index_cast %add3A_696 : i32 to index
          %get3A_725 = arith.constant 32 : index
          %get3A_726 = tpu.vector_load %arg15[%get3A_723, %get3A_724, %get3A_725] {strides = array<i32>} : memref<2x128x128xf32, #tpu.memory_space<vmem>>, vector<16xf32>,
          %mul3A_727 = arith.mulf %get3A_726, %broadcast_in_dim3A_699 : vector<16xf32>
          %swap3A_728 = arith.constant 0 : i32
          %swap3A_729 = arith.index_cast %swap3A_728 : i32 to index
          %swap3A_730 = arith.index_cast %add3A_696 : i32 to index
          %swap3A_731 = arith.constant 32 : index
          %swap3A_732 = tpu.vector_load %arg15[%swap3A_729, %swap3A_730, %swap3A_731] {strides = array<i32>} : memref<2x128x128xf32, #tpu.memory_space<vmem>>, vector<16xf32>,
          tpu.vector_store %arg15[%swap3A_729, %swap3A_730, %swap3A_731], %mul3A_727 {strides = array<i32>} : memref<2x128x128xf32, #tpu.memory_space<vmem>>, vector<16xf32>,
          %get3A_733 = arith.constant 0 : i32
          %get3A_734 = arith.index_cast %get3A_733 : i32 to index
          %get3A_735 = arith.index_cast %add3A_696 : i32 to index
          %get3A_736 = arith.constant 48 : index
          %get3A_737 = tpu.vector_load %arg15[%get3A_734, %get3A_735, %get3A_736] {strides = array<i32>} : memref<2x128x128xf32, #tpu.memory_space<vmem>>, vector<16xf32>,
          %mul3A_738 = arith.mulf %get3A_737, %broadcast_in_dim3A_699 : vector<16xf32>
          %swap3A_739 = arith.constant 0 : i32
          %swap3A_740 = arith.index_cast %swap3A_739 : i32 to index
          %swap3A_741 = arith.index_cast %add3A_696 : i32 to index
          %swap3A_742 = arith.constant 48 : index
          %swap3A_743 = tpu.vector_load %arg15[%swap3A_740, %swap3A_741, %swap3A_742] {strides = array<i32>} : memref<2x128x128xf32, #tpu.memory_space<vmem>>, vector<16xf32>,
          tpu.vector_store %arg15[%swap3A_740, %swap3A_741, %swap3A_742], %mul3A_738 {strides = array<i32>} : memref<2x128x128xf32, #tpu.memory_space<vmem>>, vector<16xf32>,
          %get3A_744 = arith.constant 0 : i32
          %get3A_745 = arith.index_cast %get3A_744 : i32 to index
          %get3A_746 = arith.index_cast %add3A_696 : i32 to index
          %get3A_747 = arith.constant 64 : index
          %get3A_748 = tpu.vector_load %arg15[%get3A_745, %get3A_746, %get3A_747] {strides = array<i32>} : memref<2x128x128xf32, #tpu.memory_space<vmem>>, vector<16xf32>,
          %mul3A_749 = arith.mulf %get3A_748, %broadcast_in_dim3A_699 : vector<16xf32>
          %swap3A_750 = arith.constant 0 : i32
          %swap3A_751 = arith.index_cast %swap3A_750 : i32 to index
          %swap3A_752 = arith.index_cast %add3A_696 : i32 to index
          %swap3A_753 = arith.constant 64 : index
          %swap3A_754 = tpu.vector_load %arg15[%swap3A_751, %swap3A_752, %swap3A_753] {strides = array<i32>} : memref<2x128x128xf32, #tpu.memory_space<vmem>>, vector<16xf32>,
          tpu.vector_store %arg15[%swap3A_751, %swap3A_752, %swap3A_753], %mul3A_749 {strides = array<i32>} : memref<2x128x128xf32, #tpu.memory_space<vmem>>, vector<16xf32>,
          %get3A_755 = arith.constant 0 : i32
          %get3A_756 = arith.index_cast %get3A_755 : i32 to index
          %get3A_757 = arith.index_cast %add3A_696 : i32 to index
          %get3A_758 = arith.constant 80 : index
          %get3A_759 = tpu.vector_load %arg15[%get3A_756, %get3A_757, %get3A_758] {strides = array<i32>} : memref<2x128x128xf32, #tpu.memory_space<vmem>>, vector<16xf32>,
          %mul3A_760 = arith.mulf %get3A_759, %broadcast_in_dim3A_699 : vector<16xf32>
          %swap3A_761 = arith.constant 0 : i32
          %swap3A_762 = arith.index_cast %swap3A_761 : i32 to index
          %swap3A_763 = arith.index_cast %add3A_696 : i32 to index
          %swap3A_764 = arith.constant 80 : index
          %swap3A_765 = tpu.vector_load %arg15[%swap3A_762, %swap3A_763, %swap3A_764] {strides = array<i32>} : memref<2x128x128xf32, #tpu.memory_space<vmem>>, vector<16xf32>,
          tpu.vector_store %arg15[%swap3A_762, %swap3A_763, %swap3A_764], %mul3A_760 {strides = array<i32>} : memref<2x128x128xf32, #tpu.memory_space<vmem>>, vector<16xf32>,
          %get3A_766 = arith.constant 0 : i32
          %get3A_767 = arith.index_cast %get3A_766 : i32 to index
          %get3A_768 = arith.index_cast %add3A_696 : i32 to index
          %get3A_769 = arith.constant 96 : index
          %get3A_770 = tpu.vector_load %arg15[%get3A_767, %get3A_768, %get3A_769] {strides = array<i32>} : memref<2x128x128xf32, #tpu.memory_space<vmem>>, vector<16xf32>,
          %mul3A_771 = arith.mulf %get3A_770, %broadcast_in_dim3A_699 : vector<16xf32>
          %swap3A_772 = arith.constant 0 : i32
          %swap3A_773 = arith.index_cast %swap3A_772 : i32 to index
          %swap3A_774 = arith.index_cast %add3A_696 : i32 to index
          %swap3A_775 = arith.constant 96 : index
          %swap3A_776 = tpu.vector_load %arg15[%swap3A_773, %swap3A_774, %swap3A_775] {strides = array<i32>} : memref<2x128x128xf32, #tpu.memory_space<vmem>>, vector<16xf32>,
          tpu.vector_store %arg15[%swap3A_773, %swap3A_774, %swap3A_775], %mul3A_771 {strides = array<i32>} : memref<2x128x128xf32, #tpu.memory_space<vmem>>, vector<16xf32>,
          %get3A_777 = arith.constant 0 : i32
          %get3A_778 = arith.index_cast %get3A_777 : i32 to index
          %get3A_779 = arith.index_cast %add3A_696 : i32 to index
          %get3A_780 = arith.constant 112 : index
          %get3A_781 = tpu.vector_load %arg15[%get3A_778, %get3A_779, %get3A_780] {strides = array<i32>} : memref<2x128x128xf32, #tpu.memory_space<vmem>>, vector<16xf32>,
          %mul3A_782 = arith.mulf %get3A_781, %broadcast_in_dim3A_699 : vector<16xf32>
          %swap3A_783 = arith.constant 0 : i32
          %swap3A_784 = arith.index_cast %swap3A_783 : i32 to index
          %swap3A_785 = arith.index_cast %add3A_696 : i32 to index
          %swap3A_786 = arith.constant 112 : index
          %swap3A_787 = tpu.vector_load %arg15[%swap3A_784, %swap3A_785, %swap3A_786] {strides = array<i32>} : memref<2x128x128xf32, #tpu.memory_space<vmem>>, vector<16xf32>,
          tpu.vector_store %arg15[%swap3A_784, %swap3A_785, %swap3A_786], %mul3A_782 {strides = array<i32>} : memref<2x128x128xf32, #tpu.memory_space<vmem>>, vector<16xf32>,
          %mul3A_788 = arith.constant 16 : i32
          %mul3A_789 = arith.muli %scan3A_88, %mul3A_788 : i32
          %add3A_790 = arith.constant 7 : i32
          %add3A_791 = arith.addi %mul3A_789, %add3A_790 : i32
          %slice3A_792 = vector.extract_strided_slice %exp3A {offsets = [7], sizes = [1], strides = [1]} : vector<16xf32> to vector<1xf32>
          %squeeze3A_793 = vector.extract %slice3A_792[0] : f32 from vector<1xf32>
          %broadcast_in_dim3A_794 = vector.broadcast %squeeze3A_793 : f32 to vector<16xf32>
          %get3A_795 = arith.constant 0 : i32
          %get3A_796 = arith.index_cast %get3A_795 : i32 to index
          %get3A_797 = arith.index_cast %add3A_791 : i32 to index
          %get3A_798 = arith.constant 0 : index
          %get3A_799 = tpu.vector_load %arg15[%get3A_796, %get3A_797, %get3A_798] {strides = array<i32>} : memref<2x128x128xf32, #tpu.memory_space<vmem>>, vector<16xf32>,
          %mul3A_800 = arith.mulf %get3A_799, %broadcast_in_dim3A_794 : vector<16xf32>
          %swap3A_801 = arith.constant 0 : i32
          %swap3A_802 = arith.index_cast %swap3A_801 : i32 to index
          %swap3A_803 = arith.index_cast %add3A_791 : i32 to index
          %swap3A_804 = arith.constant 0 : index
          %swap3A_805 = tpu.vector_load %arg15[%swap3A_802, %swap3A_803, %swap3A_804] {strides = array<i32>} : memref<2x128x128xf32, #tpu.memory_space<vmem>>, vector<16xf32>,
          tpu.vector_store %arg15[%swap3A_802, %swap3A_803, %swap3A_804], %mul3A_800 {strides = array<i32>} : memref<2x128x128xf32, #tpu.memory_space<vmem>>, vector<16xf32>,
          %get3A_806 = arith.constant 0 : i32
          %get3A_807 = arith.index_cast %get3A_806 : i32 to index
          %get3A_808 = arith.index_cast %add3A_791 : i32 to index
          %get3A_809 = arith.constant 16 : index
          %get3A_810 = tpu.vector_load %arg15[%get3A_807, %get3A_808, %get3A_809] {strides = array<i32>} : memref<2x128x128xf32, #tpu.memory_space<vmem>>, vector<16xf32>,
          %mul3A_811 = arith.mulf %get3A_810, %broadcast_in_dim3A_794 : vector<16xf32>
          %swap3A_812 = arith.constant 0 : i32
          %swap3A_813 = arith.index_cast %swap3A_812 : i32 to index
          %swap3A_814 = arith.index_cast %add3A_791 : i32 to index
          %swap3A_815 = arith.constant 16 : index
          %swap3A_816 = tpu.vector_load %arg15[%swap3A_813, %swap3A_814, %swap3A_815] {strides = array<i32>} : memref<2x128x128xf32, #tpu.memory_space<vmem>>, vector<16xf32>,
          tpu.vector_store %arg15[%swap3A_813, %swap3A_814, %swap3A_815], %mul3A_811 {strides = array<i32>} : memref<2x128x128xf32, #tpu.memory_space<vmem>>, vector<16xf32>,
          %get3A_817 = arith.constant 0 : i32
          %get3A_818 = arith.index_cast %get3A_817 : i32 to index
          %get3A_819 = arith.index_cast %add3A_791 : i32 to index
          %get3A_820 = arith.constant 32 : index
          %get3A_821 = tpu.vector_load %arg15[%get3A_818, %get3A_819, %get3A_820] {strides = array<i32>} : memref<2x128x128xf32, #tpu.memory_space<vmem>>, vector<16xf32>,
          %mul3A_822 = arith.mulf %get3A_821, %broadcast_in_dim3A_794 : vector<16xf32>
          %swap3A_823 = arith.constant 0 : i32
          %swap3A_824 = arith.index_cast %swap3A_823 : i32 to index
          %swap3A_825 = arith.index_cast %add3A_791 : i32 to index
          %swap3A_826 = arith.constant 32 : index
          %swap3A_827 = tpu.vector_load %arg15[%swap3A_824, %swap3A_825, %swap3A_826] {strides = array<i32>} : memref<2x128x128xf32, #tpu.memory_space<vmem>>, vector<16xf32>,
          tpu.vector_store %arg15[%swap3A_824, %swap3A_825, %swap3A_826], %mul3A_822 {strides = array<i32>} : memref<2x128x128xf32, #tpu.memory_space<vmem>>, vector<16xf32>,
          %get3A_828 = arith.constant 0 : i32
          %get3A_829 = arith.index_cast %get3A_828 : i32 to index
          %get3A_830 = arith.index_cast %add3A_791 : i32 to index
          %get3A_831 = arith.constant 48 : index
          %get3A_832 = tpu.vector_load %arg15[%get3A_829, %get3A_830, %get3A_831] {strides = array<i32>} : memref<2x128x128xf32, #tpu.memory_space<vmem>>, vector<16xf32>,
          %mul3A_833 = arith.mulf %get3A_832, %broadcast_in_dim3A_794 : vector<16xf32>
          %swap3A_834 = arith.constant 0 : i32
          %swap3A_835 = arith.index_cast %swap3A_834 : i32 to index
          %swap3A_836 = arith.index_cast %add3A_791 : i32 to index
          %swap3A_837 = arith.constant 48 : index
          %swap3A_838 = tpu.vector_load %arg15[%swap3A_835, %swap3A_836, %swap3A_837] {strides = array<i32>} : memref<2x128x128xf32, #tpu.memory_space<vmem>>, vector<16xf32>,
          tpu.vector_store %arg15[%swap3A_835, %swap3A_836, %swap3A_837], %mul3A_833 {strides = array<i32>} : memref<2x128x128xf32, #tpu.memory_space<vmem>>, vector<16xf32>,
          %get3A_839 = arith.constant 0 : i32
          %get3A_840 = arith.index_cast %get3A_839 : i32 to index
          %get3A_841 = arith.index_cast %add3A_791 : i32 to index
          %get3A_842 = arith.constant 64 : index
          %get3A_843 = tpu.vector_load %arg15[%get3A_840, %get3A_841, %get3A_842] {strides = array<i32>} : memref<2x128x128xf32, #tpu.memory_space<vmem>>, vector<16xf32>,
          %mul3A_844 = arith.mulf %get3A_843, %broadcast_in_dim3A_794 : vector<16xf32>
          %swap3A_845 = arith.constant 0 : i32
          %swap3A_846 = arith.index_cast %swap3A_845 : i32 to index
          %swap3A_847 = arith.index_cast %add3A_791 : i32 to index
          %swap3A_848 = arith.constant 64 : index
          %swap3A_849 = tpu.vector_load %arg15[%swap3A_846, %swap3A_847, %swap3A_848] {strides = array<i32>} : memref<2x128x128xf32, #tpu.memory_space<vmem>>, vector<16xf32>,
          tpu.vector_store %arg15[%swap3A_846, %swap3A_847, %swap3A_848], %mul3A_844 {strides = array<i32>} : memref<2x128x128xf32, #tpu.memory_space<vmem>>, vector<16xf32>,
          %get3A_850 = arith.constant 0 : i32
          %get3A_851 = arith.index_cast %get3A_850 : i32 to index
          %get3A_852 = arith.index_cast %add3A_791 : i32 to index
          %get3A_853 = arith.constant 80 : index
          %get3A_854 = tpu.vector_load %arg15[%get3A_851, %get3A_852, %get3A_853] {strides = array<i32>} : memref<2x128x128xf32, #tpu.memory_space<vmem>>, vector<16xf32>,
          %mul3A_855 = arith.mulf %get3A_854, %broadcast_in_dim3A_794 : vector<16xf32>
          %swap3A_856 = arith.constant 0 : i32
          %swap3A_857 = arith.index_cast %swap3A_856 : i32 to index
          %swap3A_858 = arith.index_cast %add3A_791 : i32 to index
          %swap3A_859 = arith.constant 80 : index
          %swap3A_860 = tpu.vector_load %arg15[%swap3A_857, %swap3A_858, %swap3A_859] {strides = array<i32>} : memref<2x128x128xf32, #tpu.memory_space<vmem>>, vector<16xf32>,
          tpu.vector_store %arg15[%swap3A_857, %swap3A_858, %swap3A_859], %mul3A_855 {strides = array<i32>} : memref<2x128x128xf32, #tpu.memory_space<vmem>>, vector<16xf32>,
          %get3A_861 = arith.constant 0 : i32
          %get3A_862 = arith.index_cast %get3A_861 : i32 to index
          %get3A_863 = arith.index_cast %add3A_791 : i32 to index
          %get3A_864 = arith.constant 96 : index
          %get3A_865 = tpu.vector_load %arg15[%get3A_862, %get3A_863, %get3A_864] {strides = array<i32>} : memref<2x128x128xf32, #tpu.memory_space<vmem>>, vector<16xf32>,
          %mul3A_866 = arith.mulf %get3A_865, %broadcast_in_dim3A_794 : vector<16xf32>
          %swap3A_867 = arith.constant 0 : i32
          %swap3A_868 = arith.index_cast %swap3A_867 : i32 to index
          %swap3A_869 = arith.index_cast %add3A_791 : i32 to index
          %swap3A_870 = arith.constant 96 : index
          %swap3A_871 = tpu.vector_load %arg15[%swap3A_868, %swap3A_869, %swap3A_870] {strides = array<i32>} : memref<2x128x128xf32, #tpu.memory_space<vmem>>, vector<16xf32>,
          tpu.vector_store %arg15[%swap3A_868, %swap3A_869, %swap3A_870], %mul3A_866 {strides = array<i32>} : memref<2x128x128xf32, #tpu.memory_space<vmem>>, vector<16xf32>,
          %get3A_872 = arith.constant 0 : i32
          %get3A_873 = arith.index_cast %get3A_872 : i32 to index
          %get3A_874 = arith.index_cast %add3A_791 : i32 to index
          %get3A_875 = arith.constant 112 : index
          %get3A_876 = tpu.vector_load %arg15[%get3A_873, %get3A_874, %get3A_875] {strides = array<i32>} : memref<2x128x128xf32, #tpu.memory_space<vmem>>, vector<16xf32>,
          %mul3A_877 = arith.mulf %get3A_876, %broadcast_in_dim3A_794 : vector<16xf32>
          %swap3A_878 = arith.constant 0 : i32
          %swap3A_879 = arith.index_cast %swap3A_878 : i32 to index
          %swap3A_880 = arith.index_cast %add3A_791 : i32 to index
          %swap3A_881 = arith.constant 112 : index
          %swap3A_882 = tpu.vector_load %arg15[%swap3A_879, %swap3A_880, %swap3A_881] {strides = array<i32>} : memref<2x128x128xf32, #tpu.memory_space<vmem>>, vector<16xf32>,
          tpu.vector_store %arg15[%swap3A_879, %swap3A_880, %swap3A_881], %mul3A_877 {strides = array<i32>} : memref<2x128x128xf32, #tpu.memory_space<vmem>>, vector<16xf32>,
          %mul3A_883 = arith.constant 16 : i32
          %mul3A_884 = arith.muli %scan3A_88, %mul3A_883 : i32
          %add3A_885 = arith.constant 8 : i32
          %add3A_886 = arith.addi %mul3A_884, %add3A_885 : i32
          %slice3A_887 = vector.extract_strided_slice %exp3A {offsets = [8], sizes = [1], strides = [1]} : vector<16xf32> to vector<1xf32>
          %squeeze3A_888 = vector.extract %slice3A_887[0] : f32 from vector<1xf32>
          %broadcast_in_dim3A_889 = vector.broadcast %squeeze3A_888 : f32 to vector<16xf32>
          %get3A_890 = arith.constant 0 : i32
          %get3A_891 = arith.index_cast %get3A_890 : i32 to index
          %get3A_892 = arith.index_cast %add3A_886 : i32 to index
          %get3A_893 = arith.constant 0 : index
          %get3A_894 = tpu.vector_load %arg15[%get3A_891, %get3A_892, %get3A_893] {strides = array<i32>} : memref<2x128x128xf32, #tpu.memory_space<vmem>>, vector<16xf32>,
          %mul3A_895 = arith.mulf %get3A_894, %broadcast_in_dim3A_889 : vector<16xf32>
          %swap3A_896 = arith.constant 0 : i32
          %swap3A_897 = arith.index_cast %swap3A_896 : i32 to index
          %swap3A_898 = arith.index_cast %add3A_886 : i32 to index
          %swap3A_899 = arith.constant 0 : index
          %swap3A_900 = tpu.vector_load %arg15[%swap3A_897, %swap3A_898, %swap3A_899] {strides = array<i32>} : memref<2x128x128xf32, #tpu.memory_space<vmem>>, vector<16xf32>,
          tpu.vector_store %arg15[%swap3A_897, %swap3A_898, %swap3A_899], %mul3A_895 {strides = array<i32>} : memref<2x128x128xf32, #tpu.memory_space<vmem>>, vector<16xf32>,
          %get3A_901 = arith.constant 0 : i32
          %get3A_902 = arith.index_cast %get3A_901 : i32 to index
          %get3A_903 = arith.index_cast %add3A_886 : i32 to index
          %get3A_904 = arith.constant 16 : index
          %get3A_905 = tpu.vector_load %arg15[%get3A_902, %get3A_903, %get3A_904] {strides = array<i32>} : memref<2x128x128xf32, #tpu.memory_space<vmem>>, vector<16xf32>,
          %mul3A_906 = arith.mulf %get3A_905, %broadcast_in_dim3A_889 : vector<16xf32>
          %swap3A_907 = arith.constant 0 : i32
          %swap3A_908 = arith.index_cast %swap3A_907 : i32 to index
          %swap3A_909 = arith.index_cast %add3A_886 : i32 to index
          %swap3A_910 = arith.constant 16 : index
          %swap3A_911 = tpu.vector_load %arg15[%swap3A_908, %swap3A_909, %swap3A_910] {strides = array<i32>} : memref<2x128x128xf32, #tpu.memory_space<vmem>>, vector<16xf32>,
          tpu.vector_store %arg15[%swap3A_908, %swap3A_909, %swap3A_910], %mul3A_906 {strides = array<i32>} : memref<2x128x128xf32, #tpu.memory_space<vmem>>, vector<16xf32>,
          %get3A_912 = arith.constant 0 : i32
          %get3A_913 = arith.index_cast %get3A_912 : i32 to index
          %get3A_914 = arith.index_cast %add3A_886 : i32 to index
          %get3A_915 = arith.constant 32 : index
          %get3A_916 = tpu.vector_load %arg15[%get3A_913, %get3A_914, %get3A_915] {strides = array<i32>} : memref<2x128x128xf32, #tpu.memory_space<vmem>>, vector<16xf32>,
          %mul3A_917 = arith.mulf %get3A_916, %broadcast_in_dim3A_889 : vector<16xf32>
          %swap3A_918 = arith.constant 0 : i32
          %swap3A_919 = arith.index_cast %swap3A_918 : i32 to index
          %swap3A_920 = arith.index_cast %add3A_886 : i32 to index
          %swap3A_921 = arith.constant 32 : index
          %swap3A_922 = tpu.vector_load %arg15[%swap3A_919, %swap3A_920, %swap3A_921] {strides = array<i32>} : memref<2x128x128xf32, #tpu.memory_space<vmem>>, vector<16xf32>,
          tpu.vector_store %arg15[%swap3A_919, %swap3A_920, %swap3A_921], %mul3A_917 {strides = array<i32>} : memref<2x128x128xf32, #tpu.memory_space<vmem>>, vector<16xf32>,
          %get3A_923 = arith.constant 0 : i32
          %get3A_924 = arith.index_cast %get3A_923 : i32 to index
          %get3A_925 = arith.index_cast %add3A_886 : i32 to index
          %get3A_926 = arith.constant 48 : index
          %get3A_927 = tpu.vector_load %arg15[%get3A_924, %get3A_925, %get3A_926] {strides = array<i32>} : memref<2x128x128xf32, #tpu.memory_space<vmem>>, vector<16xf32>,
          %mul3A_928 = arith.mulf %get3A_927, %broadcast_in_dim3A_889 : vector<16xf32>
          %swap3A_929 = arith.constant 0 : i32
          %swap3A_930 = arith.index_cast %swap3A_929 : i32 to index
          %swap3A_931 = arith.index_cast %add3A_886 : i32 to index
          %swap3A_932 = arith.constant 48 : index
          %swap3A_933 = tpu.vector_load %arg15[%swap3A_930, %swap3A_931, %swap3A_932] {strides = array<i32>} : memref<2x128x128xf32, #tpu.memory_space<vmem>>, vector<16xf32>,
          tpu.vector_store %arg15[%swap3A_930, %swap3A_931, %swap3A_932], %mul3A_928 {strides = array<i32>} : memref<2x128x128xf32, #tpu.memory_space<vmem>>, vector<16xf32>,
          %get3A_934 = arith.constant 0 : i32
          %get3A_935 = arith.index_cast %get3A_934 : i32 to index
          %get3A_936 = arith.index_cast %add3A_886 : i32 to index
          %get3A_937 = arith.constant 64 : index
          %get3A_938 = tpu.vector_load %arg15[%get3A_935, %get3A_936, %get3A_937] {strides = array<i32>} : memref<2x128x128xf32, #tpu.memory_space<vmem>>, vector<16xf32>,
          %mul3A_939 = arith.mulf %get3A_938, %broadcast_in_dim3A_889 : vector<16xf32>
          %swap3A_940 = arith.constant 0 : i32
          %swap3A_941 = arith.index_cast %swap3A_940 : i32 to index
          %swap3A_942 = arith.index_cast %add3A_886 : i32 to index
          %swap3A_943 = arith.constant 64 : index
          %swap3A_944 = tpu.vector_load %arg15[%swap3A_941, %swap3A_942, %swap3A_943] {strides = array<i32>} : memref<2x128x128xf32, #tpu.memory_space<vmem>>, vector<16xf32>,
          tpu.vector_store %arg15[%swap3A_941, %swap3A_942, %swap3A_943], %mul3A_939 {strides = array<i32>} : memref<2x128x128xf32, #tpu.memory_space<vmem>>, vector<16xf32>,
          %get3A_945 = arith.constant 0 : i32
          %get3A_946 = arith.index_cast %get3A_945 : i32 to index
          %get3A_947 = arith.index_cast %add3A_886 : i32 to index
          %get3A_948 = arith.constant 80 : index
          %get3A_949 = tpu.vector_load %arg15[%get3A_946, %get3A_947, %get3A_948] {strides = array<i32>} : memref<2x128x128xf32, #tpu.memory_space<vmem>>, vector<16xf32>,
          %mul3A_950 = arith.mulf %get3A_949, %broadcast_in_dim3A_889 : vector<16xf32>
          %swap3A_951 = arith.constant 0 : i32
          %swap3A_952 = arith.index_cast %swap3A_951 : i32 to index
          %swap3A_953 = arith.index_cast %add3A_886 : i32 to index
          %swap3A_954 = arith.constant 80 : index
          %swap3A_955 = tpu.vector_load %arg15[%swap3A_952, %swap3A_953, %swap3A_954] {strides = array<i32>} : memref<2x128x128xf32, #tpu.memory_space<vmem>>, vector<16xf32>,
          tpu.vector_store %arg15[%swap3A_952, %swap3A_953, %swap3A_954], %mul3A_950 {strides = array<i32>} : memref<2x128x128xf32, #tpu.memory_space<vmem>>, vector<16xf32>,
          %get3A_956 = arith.constant 0 : i32
          %get3A_957 = arith.index_cast %get3A_956 : i32 to index
          %get3A_958 = arith.index_cast %add3A_886 : i32 to index
          %get3A_959 = arith.constant 96 : index
          %get3A_960 = tpu.vector_load %arg15[%get3A_957, %get3A_958, %get3A_959] {strides = array<i32>} : memref<2x128x128xf32, #tpu.memory_space<vmem>>, vector<16xf32>,
          %mul3A_961 = arith.mulf %get3A_960, %broadcast_in_dim3A_889 : vector<16xf32>
          %swap3A_962 = arith.constant 0 : i32
          %swap3A_963 = arith.index_cast %swap3A_962 : i32 to index
          %swap3A_964 = arith.index_cast %add3A_886 : i32 to index
          %swap3A_965 = arith.constant 96 : index
          %swap3A_966 = tpu.vector_load %arg15[%swap3A_963, %swap3A_964, %swap3A_965] {strides = array<i32>} : memref<2x128x128xf32, #tpu.memory_space<vmem>>, vector<16xf32>,
          tpu.vector_store %arg15[%swap3A_963, %swap3A_964, %swap3A_965], %mul3A_961 {strides = array<i32>} : memref<2x128x128xf32, #tpu.memory_space<vmem>>, vector<16xf32>,
          %get3A_967 = arith.constant 0 : i32
          %get3A_968 = arith.index_cast %get3A_967 : i32 to index
          %get3A_969 = arith.index_cast %add3A_886 : i32 to index
          %get3A_970 = arith.constant 112 : index
          %get3A_971 = tpu.vector_load %arg15[%get3A_968, %get3A_969, %get3A_970] {strides = array<i32>} : memref<2x128x128xf32, #tpu.memory_space<vmem>>, vector<16xf32>,
          %mul3A_972 = arith.mulf %get3A_971, %broadcast_in_dim3A_889 : vector<16xf32>
          %swap3A_973 = arith.constant 0 : i32
          %swap3A_974 = arith.index_cast %swap3A_973 : i32 to index
          %swap3A_975 = arith.index_cast %add3A_886 : i32 to index
          %swap3A_976 = arith.constant 112 : index
          %swap3A_977 = tpu.vector_load %arg15[%swap3A_974, %swap3A_975, %swap3A_976] {strides = array<i32>} : memref<2x128x128xf32, #tpu.memory_space<vmem>>, vector<16xf32>,
          tpu.vector_store %arg15[%swap3A_974, %swap3A_975, %swap3A_976], %mul3A_972 {strides = array<i32>} : memref<2x128x128xf32, #tpu.memory_space<vmem>>, vector<16xf32>,
          %mul3A_978 = arith.constant 16 : i32
          %mul3A_979 = arith.muli %scan3A_88, %mul3A_978 : i32
          %add3A_980 = arith.constant 9 : i32
          %add3A_981 = arith.addi %mul3A_979, %add3A_980 : i32
          %slice3A_982 = vector.extract_strided_slice %exp3A {offsets = [9], sizes = [1], strides = [1]} : vector<16xf32> to vector<1xf32>
          %squeeze3A_983 = vector.extract %slice3A_982[0] : f32 from vector<1xf32>
          %broadcast_in_dim3A_984 = vector.broadcast %squeeze3A_983 : f32 to vector<16xf32>
          %get3A_985 = arith.constant 0 : i32
          %get3A_986 = arith.index_cast %get3A_985 : i32 to index
          %get3A_987 = arith.index_cast %add3A_981 : i32 to index
          %get3A_988 = arith.constant 0 : index
          %get3A_989 = tpu.vector_load %arg15[%get3A_986, %get3A_987, %get3A_988] {strides = array<i32>} : memref<2x128x128xf32, #tpu.memory_space<vmem>>, vector<16xf32>,
          %mul3A_990 = arith.mulf %get3A_989, %broadcast_in_dim3A_984 : vector<16xf32>
          %swap3A_991 = arith.constant 0 : i32
          %swap3A_992 = arith.index_cast %swap3A_991 : i32 to index
          %swap3A_993 = arith.index_cast %add3A_981 : i32 to index
          %swap3A_994 = arith.constant 0 : index
          %swap3A_995 = tpu.vector_load %arg15[%swap3A_992, %swap3A_993, %swap3A_994] {strides = array<i32>} : memref<2x128x128xf32, #tpu.memory_space<vmem>>, vector<16xf32>,
          tpu.vector_store %arg15[%swap3A_992, %swap3A_993, %swap3A_994], %mul3A_990 {strides = array<i32>} : memref<2x128x128xf32, #tpu.memory_space<vmem>>, vector<16xf32>,
          %get3A_996 = arith.constant 0 : i32
          %get3A_997 = arith.index_cast %get3A_996 : i32 to index
          %get3A_998 = arith.index_cast %add3A_981 : i32 to index
          %get3A_999 = arith.constant 16 : index
          %get3A_1000 = tpu.vector_load %arg15[%get3A_997, %get3A_998, %get3A_999] {strides = array<i32>} : memref<2x128x128xf32, #tpu.memory_space<vmem>>, vector<16xf32>,
          %mul3A_1001 = arith.mulf %get3A_1000, %broadcast_in_dim3A_984 : vector<16xf32>
          %swap3A_1002 = arith.constant 0 : i32
          %swap3A_1003 = arith.index_cast %swap3A_1002 : i32 to index
          %swap3A_1004 = arith.index_cast %add3A_981 : i32 to index
          %swap3A_1005 = arith.constant 16 : index
          %swap3A_1006 = tpu.vector_load %arg15[%swap3A_1003, %swap3A_1004, %swap3A_1005] {strides = array<i32>} : memref<2x128x128xf32, #tpu.memory_space<vmem>>, vector<16xf32>,
          tpu.vector_store %arg15[%swap3A_1003, %swap3A_1004, %swap3A_1005], %mul3A_1001 {strides = array<i32>} : memref<2x128x128xf32, #tpu.memory_space<vmem>>, vector<16xf32>,
          %get3A_1007 = arith.constant 0 : i32
          %get3A_1008 = arith.index_cast %get3A_1007 : i32 to index
          %get3A_1009 = arith.index_cast %add3A_981 : i32 to index
          %get3A_1010 = arith.constant 32 : index
          %get3A_1011 = tpu.vector_load %arg15[%get3A_1008, %get3A_1009, %get3A_1010] {strides = array<i32>} : memref<2x128x128xf32, #tpu.memory_space<vmem>>, vector<16xf32>,
          %mul3A_1012 = arith.mulf %get3A_1011, %broadcast_in_dim3A_984 : vector<16xf32>
          %swap3A_1013 = arith.constant 0 : i32
          %swap3A_1014 = arith.index_cast %swap3A_1013 : i32 to index
          %swap3A_1015 = arith.index_cast %add3A_981 : i32 to index
          %swap3A_1016 = arith.constant 32 : index
          %swap3A_1017 = tpu.vector_load %arg15[%swap3A_1014, %swap3A_1015, %swap3A_1016] {strides = array<i32>} : memref<2x128x128xf32, #tpu.memory_space<vmem>>, vector<16xf32>,
          tpu.vector_store %arg15[%swap3A_1014, %swap3A_1015, %swap3A_1016], %mul3A_1012 {strides = array<i32>} : memref<2x128x128xf32, #tpu.memory_space<vmem>>, vector<16xf32>,
          %get3A_1018 = arith.constant 0 : i32
          %get3A_1019 = arith.index_cast %get3A_1018 : i32 to index
          %get3A_1020 = arith.index_cast %add3A_981 : i32 to index
          %get3A_1021 = arith.constant 48 : index
          %get3A_1022 = tpu.vector_load %arg15[%get3A_1019, %get3A_1020, %get3A_1021] {strides = array<i32>} : memref<2x128x128xf32, #tpu.memory_space<vmem>>, vector<16xf32>,
          %mul3A_1023 = arith.mulf %get3A_1022, %broadcast_in_dim3A_984 : vector<16xf32>
          %swap3A_1024 = arith.constant 0 : i32
          %swap3A_1025 = arith.index_cast %swap3A_1024 : i32 to index
          %swap3A_1026 = arith.index_cast %add3A_981 : i32 to index
          %swap3A_1027 = arith.constant 48 : index
          %swap3A_1028 = tpu.vector_load %arg15[%swap3A_1025, %swap3A_1026, %swap3A_1027] {strides = array<i32>} : memref<2x128x128xf32, #tpu.memory_space<vmem>>, vector<16xf32>,
          tpu.vector_store %arg15[%swap3A_1025, %swap3A_1026, %swap3A_1027], %mul3A_1023 {strides = array<i32>} : memref<2x128x128xf32, #tpu.memory_space<vmem>>, vector<16xf32>,
          %get3A_1029 = arith.constant 0 : i32
          %get3A_1030 = arith.index_cast %get3A_1029 : i32 to index
          %get3A_1031 = arith.index_cast %add3A_981 : i32 to index
          %get3A_1032 = arith.constant 64 : index
          %get3A_1033 = tpu.vector_load %arg15[%get3A_1030, %get3A_1031, %get3A_1032] {strides = array<i32>} : memref<2x128x128xf32, #tpu.memory_space<vmem>>, vector<16xf32>,
          %mul3A_1034 = arith.mulf %get3A_1033, %broadcast_in_dim3A_984 : vector<16xf32>
          %swap3A_1035 = arith.constant 0 : i32
          %swap3A_1036 = arith.index_cast %swap3A_1035 : i32 to index
          %swap3A_1037 = arith.index_cast %add3A_981 : i32 to index
          %swap3A_1038 = arith.constant 64 : index
          %swap3A_1039 = tpu.vector_load %arg15[%swap3A_1036, %swap3A_1037, %swap3A_1038] {strides = array<i32>} : memref<2x128x128xf32, #tpu.memory_space<vmem>>, vector<16xf32>,
          tpu.vector_store %arg15[%swap3A_1036, %swap3A_1037, %swap3A_1038], %mul3A_1034 {strides = array<i32>} : memref<2x128x128xf32, #tpu.memory_space<vmem>>, vector<16xf32>,
          %get3A_1040 = arith.constant 0 : i32
          %get3A_1041 = arith.index_cast %get3A_1040 : i32 to index
          %get3A_1042 = arith.index_cast %add3A_981 : i32 to index
          %get3A_1043 = arith.constant 80 : index
          %get3A_1044 = tpu.vector_load %arg15[%get3A_1041, %get3A_1042, %get3A_1043] {strides = array<i32>} : memref<2x128x128xf32, #tpu.memory_space<vmem>>, vector<16xf32>,
          %mul3A_1045 = arith.mulf %get3A_1044, %broadcast_in_dim3A_984 : vector<16xf32>
          %swap3A_1046 = arith.constant 0 : i32
          %swap3A_1047 = arith.index_cast %swap3A_1046 : i32 to index
          %swap3A_1048 = arith.index_cast %add3A_981 : i32 to index
          %swap3A_1049 = arith.constant 80 : index
          %swap3A_1050 = tpu.vector_load %arg15[%swap3A_1047, %swap3A_1048, %swap3A_1049] {strides = array<i32>} : memref<2x128x128xf32, #tpu.memory_space<vmem>>, vector<16xf32>,
          tpu.vector_store %arg15[%swap3A_1047, %swap3A_1048, %swap3A_1049], %mul3A_1045 {strides = array<i32>} : memref<2x128x128xf32, #tpu.memory_space<vmem>>, vector<16xf32>,
          %get3A_1051 = arith.constant 0 : i32
          %get3A_1052 = arith.index_cast %get3A_1051 : i32 to index
          %get3A_1053 = arith.index_cast %add3A_981 : i32 to index
          %get3A_1054 = arith.constant 96 : index
          %get3A_1055 = tpu.vector_load %arg15[%get3A_1052, %get3A_1053, %get3A_1054] {strides = array<i32>} : memref<2x128x128xf32, #tpu.memory_space<vmem>>, vector<16xf32>,
          %mul3A_1056 = arith.mulf %get3A_1055, %broadcast_in_dim3A_984 : vector<16xf32>
          %swap3A_1057 = arith.constant 0 : i32
          %swap3A_1058 = arith.index_cast %swap3A_1057 : i32 to index
          %swap3A_1059 = arith.index_cast %add3A_981 : i32 to index
          %swap3A_1060 = arith.constant 96 : index
          %swap3A_1061 = tpu.vector_load %arg15[%swap3A_1058, %swap3A_1059, %swap3A_1060] {strides = array<i32>} : memref<2x128x128xf32, #tpu.memory_space<vmem>>, vector<16xf32>,
          tpu.vector_store %arg15[%swap3A_1058, %swap3A_1059, %swap3A_1060], %mul3A_1056 {strides = array<i32>} : memref<2x128x128xf32, #tpu.memory_space<vmem>>, vector<16xf32>,
          %get3A_1062 = arith.constant 0 : i32
          %get3A_1063 = arith.index_cast %get3A_1062 : i32 to index
          %get3A_1064 = arith.index_cast %add3A_981 : i32 to index
          %get3A_1065 = arith.constant 112 : index
          %get3A_1066 = tpu.vector_load %arg15[%get3A_1063, %get3A_1064, %get3A_1065] {strides = array<i32>} : memref<2x128x128xf32, #tpu.memory_space<vmem>>, vector<16xf32>,
          %mul3A_1067 = arith.mulf %get3A_1066, %broadcast_in_dim3A_984 : vector<16xf32>
          %swap3A_1068 = arith.constant 0 : i32
          %swap3A_1069 = arith.index_cast %swap3A_1068 : i32 to index
          %swap3A_1070 = arith.index_cast %add3A_981 : i32 to index
          %swap3A_1071 = arith.constant 112 : index
          %swap3A_1072 = tpu.vector_load %arg15[%swap3A_1069, %swap3A_1070, %swap3A_1071] {strides = array<i32>} : memref<2x128x128xf32, #tpu.memory_space<vmem>>, vector<16xf32>,
          tpu.vector_store %arg15[%swap3A_1069, %swap3A_1070, %swap3A_1071], %mul3A_1067 {strides = array<i32>} : memref<2x128x128xf32, #tpu.memory_space<vmem>>, vector<16xf32>,
          %mul3A_1073 = arith.constant 16 : i32
          %mul3A_1074 = arith.muli %scan3A_88, %mul3A_1073 : i32
          %add3A_1075 = arith.constant 10 : i32
          %add3A_1076 = arith.addi %mul3A_1074, %add3A_1075 : i32
          %slice3A_1077 = vector.extract_strided_slice %exp3A {offsets = [10], sizes = [1], strides = [1]} : vector<16xf32> to vector<1xf32>
          %squeeze3A_1078 = vector.extract %slice3A_1077[0] : f32 from vector<1xf32>
          %broadcast_in_dim3A_1079 = vector.broadcast %squeeze3A_1078 : f32 to vector<16xf32>
          %get3A_1080 = arith.constant 0 : i32
          %get3A_1081 = arith.index_cast %get3A_1080 : i32 to index
          %get3A_1082 = arith.index_cast %add3A_1076 : i32 to index
          %get3A_1083 = arith.constant 0 : index
          %get3A_1084 = tpu.vector_load %arg15[%get3A_1081, %get3A_1082, %get3A_1083] {strides = array<i32>} : memref<2x128x128xf32, #tpu.memory_space<vmem>>, vector<16xf32>,
          %mul3A_1085 = arith.mulf %get3A_1084, %broadcast_in_dim3A_1079 : vector<16xf32>
          %swap3A_1086 = arith.constant 0 : i32
          %swap3A_1087 = arith.index_cast %swap3A_1086 : i32 to index
          %swap3A_1088 = arith.index_cast %add3A_1076 : i32 to index
          %swap3A_1089 = arith.constant 0 : index
          %swap3A_1090 = tpu.vector_load %arg15[%swap3A_1087, %swap3A_1088, %swap3A_1089] {strides = array<i32>} : memref<2x128x128xf32, #tpu.memory_space<vmem>>, vector<16xf32>,
          tpu.vector_store %arg15[%swap3A_1087, %swap3A_1088, %swap3A_1089], %mul3A_1085 {strides = array<i32>} : memref<2x128x128xf32, #tpu.memory_space<vmem>>, vector<16xf32>,
          %get3A_1091 = arith.constant 0 : i32
          %get3A_1092 = arith.index_cast %get3A_1091 : i32 to index
          %get3A_1093 = arith.index_cast %add3A_1076 : i32 to index
          %get3A_1094 = arith.constant 16 : index
          %get3A_1095 = tpu.vector_load %arg15[%get3A_1092, %get3A_1093, %get3A_1094] {strides = array<i32>} : memref<2x128x128xf32, #tpu.memory_space<vmem>>, vector<16xf32>,
          %mul3A_1096 = arith.mulf %get3A_1095, %broadcast_in_dim3A_1079 : vector<16xf32>
          %swap3A_1097 = arith.constant 0 : i32
          %swap3A_1098 = arith.index_cast %swap3A_1097 : i32 to index
          %swap3A_1099 = arith.index_cast %add3A_1076 : i32 to index
          %swap3A_1100 = arith.constant 16 : index
          %swap3A_1101 = tpu.vector_load %arg15[%swap3A_1098, %swap3A_1099, %swap3A_1100] {strides = array<i32>} : memref<2x128x128xf32, #tpu.memory_space<vmem>>, vector<16xf32>,
          tpu.vector_store %arg15[%swap3A_1098, %swap3A_1099, %swap3A_1100], %mul3A_1096 {strides = array<i32>} : memref<2x128x128xf32, #tpu.memory_space<vmem>>, vector<16xf32>,
          %get3A_1102 = arith.constant 0 : i32
          %get3A_1103 = arith.index_cast %get3A_1102 : i32 to index
          %get3A_1104 = arith.index_cast %add3A_1076 : i32 to index
          %get3A_1105 = arith.constant 32 : index
          %get3A_1106 = tpu.vector_load %arg15[%get3A_1103, %get3A_1104, %get3A_1105] {strides = array<i32>} : memref<2x128x128xf32, #tpu.memory_space<vmem>>, vector<16xf32>,
          %mul3A_1107 = arith.mulf %get3A_1106, %broadcast_in_dim3A_1079 : vector<16xf32>
          %swap3A_1108 = arith.constant 0 : i32
          %swap3A_1109 = arith.index_cast %swap3A_1108 : i32 to index
          %swap3A_1110 = arith.index_cast %add3A_1076 : i32 to index
          %swap3A_1111 = arith.constant 32 : index
          %swap3A_1112 = tpu.vector_load %arg15[%swap3A_1109, %swap3A_1110, %swap3A_1111] {strides = array<i32>} : memref<2x128x128xf32, #tpu.memory_space<vmem>>, vector<16xf32>,
          tpu.vector_store %arg15[%swap3A_1109, %swap3A_1110, %swap3A_1111], %mul3A_1107 {strides = array<i32>} : memref<2x128x128xf32, #tpu.memory_space<vmem>>, vector<16xf32>,
          %get3A_1113 = arith.constant 0 : i32
          %get3A_1114 = arith.index_cast %get3A_1113 : i32 to index
          %get3A_1115 = arith.index_cast %add3A_1076 : i32 to index
          %get3A_1116 = arith.constant 48 : index
          %get3A_1117 = tpu.vector_load %arg15[%get3A_1114, %get3A_1115, %get3A_1116] {strides = array<i32>} : memref<2x128x128xf32, #tpu.memory_space<vmem>>, vector<16xf32>,
          %mul3A_1118 = arith.mulf %get3A_1117, %broadcast_in_dim3A_1079 : vector<16xf32>
          %swap3A_1119 = arith.constant 0 : i32
          %swap3A_1120 = arith.index_cast %swap3A_1119 : i32 to index
          %swap3A_1121 = arith.index_cast %add3A_1076 : i32 to index
          %swap3A_1122 = arith.constant 48 : index
          %swap3A_1123 = tpu.vector_load %arg15[%swap3A_1120, %swap3A_1121, %swap3A_1122] {strides = array<i32>} : memref<2x128x128xf32, #tpu.memory_space<vmem>>, vector<16xf32>,
          tpu.vector_store %arg15[%swap3A_1120, %swap3A_1121, %swap3A_1122], %mul3A_1118 {strides = array<i32>} : memref<2x128x128xf32, #tpu.memory_space<vmem>>, vector<16xf32>,
          %get3A_1124 = arith.constant 0 : i32
          %get3A_1125 = arith.index_cast %get3A_1124 : i32 to index
          %get3A_1126 = arith.index_cast %add3A_1076 : i32 to index
          %get3A_1127 = arith.constant 64 : index
          %get3A_1128 = tpu.vector_load %arg15[%get3A_1125, %get3A_1126, %get3A_1127] {strides = array<i32>} : memref<2x128x128xf32, #tpu.memory_space<vmem>>, vector<16xf32>,
          %mul3A_1129 = arith.mulf %get3A_1128, %broadcast_in_dim3A_1079 : vector<16xf32>
          %swap3A_1130 = arith.constant 0 : i32
          %swap3A_1131 = arith.index_cast %swap3A_1130 : i32 to index
          %swap3A_1132 = arith.index_cast %add3A_1076 : i32 to index
          %swap3A_1133 = arith.constant 64 : index
          %swap3A_1134 = tpu.vector_load %arg15[%swap3A_1131, %swap3A_1132, %swap3A_1133] {strides = array<i32>} : memref<2x128x128xf32, #tpu.memory_space<vmem>>, vector<16xf32>,
          tpu.vector_store %arg15[%swap3A_1131, %swap3A_1132, %swap3A_1133], %mul3A_1129 {strides = array<i32>} : memref<2x128x128xf32, #tpu.memory_space<vmem>>, vector<16xf32>,
          %get3A_1135 = arith.constant 0 : i32
          %get3A_1136 = arith.index_cast %get3A_1135 : i32 to index
          %get3A_1137 = arith.index_cast %add3A_1076 : i32 to index
          %get3A_1138 = arith.constant 80 : index
          %get3A_1139 = tpu.vector_load %arg15[%get3A_1136, %get3A_1137, %get3A_1138] {strides = array<i32>} : memref<2x128x128xf32, #tpu.memory_space<vmem>>, vector<16xf32>,
          %mul3A_1140 = arith.mulf %get3A_1139, %broadcast_in_dim3A_1079 : vector<16xf32>
          %swap3A_1141 = arith.constant 0 : i32
          %swap3A_1142 = arith.index_cast %swap3A_1141 : i32 to index
          %swap3A_1143 = arith.index_cast %add3A_1076 : i32 to index
          %swap3A_1144 = arith.constant 80 : index
          %swap3A_1145 = tpu.vector_load %arg15[%swap3A_1142, %swap3A_1143, %swap3A_1144] {strides = array<i32>} : memref<2x128x128xf32, #tpu.memory_space<vmem>>, vector<16xf32>,
          tpu.vector_store %arg15[%swap3A_1142, %swap3A_1143, %swap3A_1144], %mul3A_1140 {strides = array<i32>} : memref<2x128x128xf32, #tpu.memory_space<vmem>>, vector<16xf32>,
          %get3A_1146 = arith.constant 0 : i32
          %get3A_1147 = arith.index_cast %get3A_1146 : i32 to index
          %get3A_1148 = arith.index_cast %add3A_1076 : i32 to index
          %get3A_1149 = arith.constant 96 : index
          %get3A_1150 = tpu.vector_load %arg15[%get3A_1147, %get3A_1148, %get3A_1149] {strides = array<i32>} : memref<2x128x128xf32, #tpu.memory_space<vmem>>, vector<16xf32>,
          %mul3A_1151 = arith.mulf %get3A_1150, %broadcast_in_dim3A_1079 : vector<16xf32>
          %swap3A_1152 = arith.constant 0 : i32
          %swap3A_1153 = arith.index_cast %swap3A_1152 : i32 to index
          %swap3A_1154 = arith.index_cast %add3A_1076 : i32 to index
          %swap3A_1155 = arith.constant 96 : index
          %swap3A_1156 = tpu.vector_load %arg15[%swap3A_1153, %swap3A_1154, %swap3A_1155] {strides = array<i32>} : memref<2x128x128xf32, #tpu.memory_space<vmem>>, vector<16xf32>,
          tpu.vector_store %arg15[%swap3A_1153, %swap3A_1154, %swap3A_1155], %mul3A_1151 {strides = array<i32>} : memref<2x128x128xf32, #tpu.memory_space<vmem>>, vector<16xf32>,
          %get3A_1157 = arith.constant 0 : i32
          %get3A_1158 = arith.index_cast %get3A_1157 : i32 to index
          %get3A_1159 = arith.index_cast %add3A_1076 : i32 to index
          %get3A_1160 = arith.constant 112 : index
          %get3A_1161 = tpu.vector_load %arg15[%get3A_1158, %get3A_1159, %get3A_1160] {strides = array<i32>} : memref<2x128x128xf32, #tpu.memory_space<vmem>>, vector<16xf32>,
          %mul3A_1162 = arith.mulf %get3A_1161, %broadcast_in_dim3A_1079 : vector<16xf32>
          %swap3A_1163 = arith.constant 0 : i32
          %swap3A_1164 = arith.index_cast %swap3A_1163 : i32 to index
          %swap3A_1165 = arith.index_cast %add3A_1076 : i32 to index
          %swap3A_1166 = arith.constant 112 : index
          %swap3A_1167 = tpu.vector_load %arg15[%swap3A_1164, %swap3A_1165, %swap3A_1166] {strides = array<i32>} : memref<2x128x128xf32, #tpu.memory_space<vmem>>, vector<16xf32>,
          tpu.vector_store %arg15[%swap3A_1164, %swap3A_1165, %swap3A_1166], %mul3A_1162 {strides = array<i32>} : memref<2x128x128xf32, #tpu.memory_space<vmem>>, vector<16xf32>,
          %mul3A_1168 = arith.constant 16 : i32
          %mul3A_1169 = arith.muli %scan3A_88, %mul3A_1168 : i32
          %add3A_1170 = arith.constant 11 : i32
          %add3A_1171 = arith.addi %mul3A_1169, %add3A_1170 : i32
          %slice3A_1172 = vector.extract_strided_slice %exp3A {offsets = [11], sizes = [1], strides = [1]} : vector<16xf32> to vector<1xf32>
          %squeeze3A_1173 = vector.extract %slice3A_1172[0] : f32 from vector<1xf32>
          %broadcast_in_dim3A_1174 = vector.broadcast %squeeze3A_1173 : f32 to vector<16xf32>
          %get3A_1175 = arith.constant 0 : i32
          %get3A_1176 = arith.index_cast %get3A_1175 : i32 to index
          %get3A_1177 = arith.index_cast %add3A_1171 : i32 to index
          %get3A_1178 = arith.constant 0 : index
          %get3A_1179 = tpu.vector_load %arg15[%get3A_1176, %get3A_1177, %get3A_1178] {strides = array<i32>} : memref<2x128x128xf32, #tpu.memory_space<vmem>>, vector<16xf32>,
          %mul3A_1180 = arith.mulf %get3A_1179, %broadcast_in_dim3A_1174 : vector<16xf32>
          %swap3A_1181 = arith.constant 0 : i32
          %swap3A_1182 = arith.index_cast %swap3A_1181 : i32 to index
          %swap3A_1183 = arith.index_cast %add3A_1171 : i32 to index
          %swap3A_1184 = arith.constant 0 : index
          %swap3A_1185 = tpu.vector_load %arg15[%swap3A_1182, %swap3A_1183, %swap3A_1184] {strides = array<i32>} : memref<2x128x128xf32, #tpu.memory_space<vmem>>, vector<16xf32>,
          tpu.vector_store %arg15[%swap3A_1182, %swap3A_1183, %swap3A_1184], %mul3A_1180 {strides = array<i32>} : memref<2x128x128xf32, #tpu.memory_space<vmem>>, vector<16xf32>,
          %get3A_1186 = arith.constant 0 : i32
          %get3A_1187 = arith.index_cast %get3A_1186 : i32 to index
          %get3A_1188 = arith.index_cast %add3A_1171 : i32 to index
          %get3A_1189 = arith.constant 16 : index
          %get3A_1190 = tpu.vector_load %arg15[%get3A_1187, %get3A_1188, %get3A_1189] {strides = array<i32>} : memref<2x128x128xf32, #tpu.memory_space<vmem>>, vector<16xf32>,
          %mul3A_1191 = arith.mulf %get3A_1190, %broadcast_in_dim3A_1174 : vector<16xf32>
          %swap3A_1192 = arith.constant 0 : i32
          %swap3A_1193 = arith.index_cast %swap3A_1192 : i32 to index
          %swap3A_1194 = arith.index_cast %add3A_1171 : i32 to index
          %swap3A_1195 = arith.constant 16 : index
          %swap3A_1196 = tpu.vector_load %arg15[%swap3A_1193, %swap3A_1194, %swap3A_1195] {strides = array<i32>} : memref<2x128x128xf32, #tpu.memory_space<vmem>>, vector<16xf32>,
          tpu.vector_store %arg15[%swap3A_1193, %swap3A_1194, %swap3A_1195], %mul3A_1191 {strides = array<i32>} : memref<2x128x128xf32, #tpu.memory_space<vmem>>, vector<16xf32>,
          %get3A_1197 = arith.constant 0 : i32
          %get3A_1198 = arith.index_cast %get3A_1197 : i32 to index
          %get3A_1199 = arith.index_cast %add3A_1171 : i32 to index
          %get3A_1200 = arith.constant 32 : index
          %get3A_1201 = tpu.vector_load %arg15[%get3A_1198, %get3A_1199, %get3A_1200] {strides = array<i32>} : memref<2x128x128xf32, #tpu.memory_space<vmem>>, vector<16xf32>,
          %mul3A_1202 = arith.mulf %get3A_1201, %broadcast_in_dim3A_1174 : vector<16xf32>
          %swap3A_1203 = arith.constant 0 : i32
          %swap3A_1204 = arith.index_cast %swap3A_1203 : i32 to index
          %swap3A_1205 = arith.index_cast %add3A_1171 : i32 to index
          %swap3A_1206 = arith.constant 32 : index
          %swap3A_1207 = tpu.vector_load %arg15[%swap3A_1204, %swap3A_1205, %swap3A_1206] {strides = array<i32>} : memref<2x128x128xf32, #tpu.memory_space<vmem>>, vector<16xf32>,
          tpu.vector_store %arg15[%swap3A_1204, %swap3A_1205, %swap3A_1206], %mul3A_1202 {strides = array<i32>} : memref<2x128x128xf32, #tpu.memory_space<vmem>>, vector<16xf32>,
          %get3A_1208 = arith.constant 0 : i32
          %get3A_1209 = arith.index_cast %get3A_1208 : i32 to index
          %get3A_1210 = arith.index_cast %add3A_1171 : i32 to index
          %get3A_1211 = arith.constant 48 : index
          %get3A_1212 = tpu.vector_load %arg15[%get3A_1209, %get3A_1210, %get3A_1211] {strides = array<i32>} : memref<2x128x128xf32, #tpu.memory_space<vmem>>, vector<16xf32>,
          %mul3A_1213 = arith.mulf %get3A_1212, %broadcast_in_dim3A_1174 : vector<16xf32>
          %swap3A_1214 = arith.constant 0 : i32
          %swap3A_1215 = arith.index_cast %swap3A_1214 : i32 to index
          %swap3A_1216 = arith.index_cast %add3A_1171 : i32 to index
          %swap3A_1217 = arith.constant 48 : index
          %swap3A_1218 = tpu.vector_load %arg15[%swap3A_1215, %swap3A_1216, %swap3A_1217] {strides = array<i32>} : memref<2x128x128xf32, #tpu.memory_space<vmem>>, vector<16xf32>,
          tpu.vector_store %arg15[%swap3A_1215, %swap3A_1216, %swap3A_1217], %mul3A_1213 {strides = array<i32>} : memref<2x128x128xf32, #tpu.memory_space<vmem>>, vector<16xf32>,
          %get3A_1219 = arith.constant 0 : i32
          %get3A_1220 = arith.index_cast %get3A_1219 : i32 to index
          %get3A_1221 = arith.index_cast %add3A_1171 : i32 to index
          %get3A_1222 = arith.constant 64 : index
          %get3A_1223 = tpu.vector_load %arg15[%get3A_1220, %get3A_1221, %get3A_1222] {strides = array<i32>} : memref<2x128x128xf32, #tpu.memory_space<vmem>>, vector<16xf32>,
          %mul3A_1224 = arith.mulf %get3A_1223, %broadcast_in_dim3A_1174 : vector<16xf32>
          %swap3A_1225 = arith.constant 0 : i32
          %swap3A_1226 = arith.index_cast %swap3A_1225 : i32 to index
          %swap3A_1227 = arith.index_cast %add3A_1171 : i32 to index
          %swap3A_1228 = arith.constant 64 : index
          %swap3A_1229 = tpu.vector_load %arg15[%swap3A_1226, %swap3A_1227, %swap3A_1228] {strides = array<i32>} : memref<2x128x128xf32, #tpu.memory_space<vmem>>, vector<16xf32>,
          tpu.vector_store %arg15[%swap3A_1226, %swap3A_1227, %swap3A_1228], %mul3A_1224 {strides = array<i32>} : memref<2x128x128xf32, #tpu.memory_space<vmem>>, vector<16xf32>,
          %get3A_1230 = arith.constant 0 : i32
          %get3A_1231 = arith.index_cast %get3A_1230 : i32 to index
          %get3A_1232 = arith.index_cast %add3A_1171 : i32 to index
          %get3A_1233 = arith.constant 80 : index
          %get3A_1234 = tpu.vector_load %arg15[%get3A_1231, %get3A_1232, %get3A_1233] {strides = array<i32>} : memref<2x128x128xf32, #tpu.memory_space<vmem>>, vector<16xf32>,
          %mul3A_1235 = arith.mulf %get3A_1234, %broadcast_in_dim3A_1174 : vector<16xf32>
          %swap3A_1236 = arith.constant 0 : i32
          %swap3A_1237 = arith.index_cast %swap3A_1236 : i32 to index
          %swap3A_1238 = arith.index_cast %add3A_1171 : i32 to index
          %swap3A_1239 = arith.constant 80 : index
          %swap3A_1240 = tpu.vector_load %arg15[%swap3A_1237, %swap3A_1238, %swap3A_1239] {strides = array<i32>} : memref<2x128x128xf32, #tpu.memory_space<vmem>>, vector<16xf32>,
          tpu.vector_store %arg15[%swap3A_1237, %swap3A_1238, %swap3A_1239], %mul3A_1235 {strides = array<i32>} : memref<2x128x128xf32, #tpu.memory_space<vmem>>, vector<16xf32>,
          %get3A_1241 = arith.constant 0 : i32
          %get3A_1242 = arith.index_cast %get3A_1241 : i32 to index
          %get3A_1243 = arith.index_cast %add3A_1171 : i32 to index
          %get3A_1244 = arith.constant 96 : index
          %get3A_1245 = tpu.vector_load %arg15[%get3A_1242, %get3A_1243, %get3A_1244] {strides = array<i32>} : memref<2x128x128xf32, #tpu.memory_space<vmem>>, vector<16xf32>,
          %mul3A_1246 = arith.mulf %get3A_1245, %broadcast_in_dim3A_1174 : vector<16xf32>
          %swap3A_1247 = arith.constant 0 : i32
          %swap3A_1248 = arith.index_cast %swap3A_1247 : i32 to index
          %swap3A_1249 = arith.index_cast %add3A_1171 : i32 to index
          %swap3A_1250 = arith.constant 96 : index
          %swap3A_1251 = tpu.vector_load %arg15[%swap3A_1248, %swap3A_1249, %swap3A_1250] {strides = array<i32>} : memref<2x128x128xf32, #tpu.memory_space<vmem>>, vector<16xf32>,
          tpu.vector_store %arg15[%swap3A_1248, %swap3A_1249, %swap3A_1250], %mul3A_1246 {strides = array<i32>} : memref<2x128x128xf32, #tpu.memory_space<vmem>>, vector<16xf32>,
          %get3A_1252 = arith.constant 0 : i32
          %get3A_1253 = arith.index_cast %get3A_1252 : i32 to index
          %get3A_1254 = arith.index_cast %add3A_1171 : i32 to index
          %get3A_1255 = arith.constant 112 : index
          %get3A_1256 = tpu.vector_load %arg15[%get3A_1253, %get3A_1254, %get3A_1255] {strides = array<i32>} : memref<2x128x128xf32, #tpu.memory_space<vmem>>, vector<16xf32>,
          %mul3A_1257 = arith.mulf %get3A_1256, %broadcast_in_dim3A_1174 : vector<16xf32>
          %swap3A_1258 = arith.constant 0 : i32
          %swap3A_1259 = arith.index_cast %swap3A_1258 : i32 to index
          %swap3A_1260 = arith.index_cast %add3A_1171 : i32 to index
          %swap3A_1261 = arith.constant 112 : index
          %swap3A_1262 = tpu.vector_load %arg15[%swap3A_1259, %swap3A_1260, %swap3A_1261] {strides = array<i32>} : memref<2x128x128xf32, #tpu.memory_space<vmem>>, vector<16xf32>,
          tpu.vector_store %arg15[%swap3A_1259, %swap3A_1260, %swap3A_1261], %mul3A_1257 {strides = array<i32>} : memref<2x128x128xf32, #tpu.memory_space<vmem>>, vector<16xf32>,
          %mul3A_1263 = arith.constant 16 : i32
          %mul3A_1264 = arith.muli %scan3A_88, %mul3A_1263 : i32
          %add3A_1265 = arith.constant 12 : i32
          %add3A_1266 = arith.addi %mul3A_1264, %add3A_1265 : i32
          %slice3A_1267 = vector.extract_strided_slice %exp3A {offsets = [12], sizes = [1], strides = [1]} : vector<16xf32> to vector<1xf32>
          %squeeze3A_1268 = vector.extract %slice3A_1267[0] : f32 from vector<1xf32>
          %broadcast_in_dim3A_1269 = vector.broadcast %squeeze3A_1268 : f32 to vector<16xf32>
          %get3A_1270 = arith.constant 0 : i32
          %get3A_1271 = arith.index_cast %get3A_1270 : i32 to index
          %get3A_1272 = arith.index_cast %add3A_1266 : i32 to index
          %get3A_1273 = arith.constant 0 : index
          %get3A_1274 = tpu.vector_load %arg15[%get3A_1271, %get3A_1272, %get3A_1273] {strides = array<i32>} : memref<2x128x128xf32, #tpu.memory_space<vmem>>, vector<16xf32>,
          %mul3A_1275 = arith.mulf %get3A_1274, %broadcast_in_dim3A_1269 : vector<16xf32>
          %swap3A_1276 = arith.constant 0 : i32
          %swap3A_1277 = arith.index_cast %swap3A_1276 : i32 to index
          %swap3A_1278 = arith.index_cast %add3A_1266 : i32 to index
          %swap3A_1279 = arith.constant 0 : index
          %swap3A_1280 = tpu.vector_load %arg15[%swap3A_1277, %swap3A_1278, %swap3A_1279] {strides = array<i32>} : memref<2x128x128xf32, #tpu.memory_space<vmem>>, vector<16xf32>,
          tpu.vector_store %arg15[%swap3A_1277, %swap3A_1278, %swap3A_1279], %mul3A_1275 {strides = array<i32>} : memref<2x128x128xf32, #tpu.memory_space<vmem>>, vector<16xf32>,
          %get3A_1281 = arith.constant 0 : i32
          %get3A_1282 = arith.index_cast %get3A_1281 : i32 to index
          %get3A_1283 = arith.index_cast %add3A_1266 : i32 to index
          %get3A_1284 = arith.constant 16 : index
          %get3A_1285 = tpu.vector_load %arg15[%get3A_1282, %get3A_1283, %get3A_1284] {strides = array<i32>} : memref<2x128x128xf32, #tpu.memory_space<vmem>>, vector<16xf32>,
          %mul3A_1286 = arith.mulf %get3A_1285, %broadcast_in_dim3A_1269 : vector<16xf32>
          %swap3A_1287 = arith.constant 0 : i32
          %swap3A_1288 = arith.index_cast %swap3A_1287 : i32 to index
          %swap3A_1289 = arith.index_cast %add3A_1266 : i32 to index
          %swap3A_1290 = arith.constant 16 : index
          %swap3A_1291 = tpu.vector_load %arg15[%swap3A_1288, %swap3A_1289, %swap3A_1290] {strides = array<i32>} : memref<2x128x128xf32, #tpu.memory_space<vmem>>, vector<16xf32>,
          tpu.vector_store %arg15[%swap3A_1288, %swap3A_1289, %swap3A_1290], %mul3A_1286 {strides = array<i32>} : memref<2x128x128xf32, #tpu.memory_space<vmem>>, vector<16xf32>,
          %get3A_1292 = arith.constant 0 : i32
          %get3A_1293 = arith.index_cast %get3A_1292 : i32 to index
          %get3A_1294 = arith.index_cast %add3A_1266 : i32 to index
          %get3A_1295 = arith.constant 32 : index
          %get3A_1296 = tpu.vector_load %arg15[%get3A_1293, %get3A_1294, %get3A_1295] {strides = array<i32>} : memref<2x128x128xf32, #tpu.memory_space<vmem>>, vector<16xf32>,
          %mul3A_1297 = arith.mulf %get3A_1296, %broadcast_in_dim3A_1269 : vector<16xf32>
          %swap3A_1298 = arith.constant 0 : i32
          %swap3A_1299 = arith.index_cast %swap3A_1298 : i32 to index
          %swap3A_1300 = arith.index_cast %add3A_1266 : i32 to index
          %swap3A_1301 = arith.constant 32 : index
          %swap3A_1302 = tpu.vector_load %arg15[%swap3A_1299, %swap3A_1300, %swap3A_1301] {strides = array<i32>} : memref<2x128x128xf32, #tpu.memory_space<vmem>>, vector<16xf32>,
          tpu.vector_store %arg15[%swap3A_1299, %swap3A_1300, %swap3A_1301], %mul3A_1297 {strides = array<i32>} : memref<2x128x128xf32, #tpu.memory_space<vmem>>, vector<16xf32>,
          %get3A_1303 = arith.constant 0 : i32
          %get3A_1304 = arith.index_cast %get3A_1303 : i32 to index
          %get3A_1305 = arith.index_cast %add3A_1266 : i32 to index
          %get3A_1306 = arith.constant 48 : index
          %get3A_1307 = tpu.vector_load %arg15[%get3A_1304, %get3A_1305, %get3A_1306] {strides = array<i32>} : memref<2x128x128xf32, #tpu.memory_space<vmem>>, vector<16xf32>,
          %mul3A_1308 = arith.mulf %get3A_1307, %broadcast_in_dim3A_1269 : vector<16xf32>
          %swap3A_1309 = arith.constant 0 : i32
          %swap3A_1310 = arith.index_cast %swap3A_1309 : i32 to index
          %swap3A_1311 = arith.index_cast %add3A_1266 : i32 to index
          %swap3A_1312 = arith.constant 48 : index
          %swap3A_1313 = tpu.vector_load %arg15[%swap3A_1310, %swap3A_1311, %swap3A_1312] {strides = array<i32>} : memref<2x128x128xf32, #tpu.memory_space<vmem>>, vector<16xf32>,
          tpu.vector_store %arg15[%swap3A_1310, %swap3A_1311, %swap3A_1312], %mul3A_1308 {strides = array<i32>} : memref<2x128x128xf32, #tpu.memory_space<vmem>>, vector<16xf32>,
          %get3A_1314 = arith.constant 0 : i32
          %get3A_1315 = arith.index_cast %get3A_1314 : i32 to index
          %get3A_1316 = arith.index_cast %add3A_1266 : i32 to index
          %get3A_1317 = arith.constant 64 : index
          %get3A_1318 = tpu.vector_load %arg15[%get3A_1315, %get3A_1316, %get3A_1317] {strides = array<i32>} : memref<2x128x128xf32, #tpu.memory_space<vmem>>, vector<16xf32>,
          %mul3A_1319 = arith.mulf %get3A_1318, %broadcast_in_dim3A_1269 : vector<16xf32>
          %swap3A_1320 = arith.constant 0 : i32
          %swap3A_1321 = arith.index_cast %swap3A_1320 : i32 to index
          %swap3A_1322 = arith.index_cast %add3A_1266 : i32 to index
          %swap3A_1323 = arith.constant 64 : index
          %swap3A_1324 = tpu.vector_load %arg15[%swap3A_1321, %swap3A_1322, %swap3A_1323] {strides = array<i32>} : memref<2x128x128xf32, #tpu.memory_space<vmem>>, vector<16xf32>,
          tpu.vector_store %arg15[%swap3A_1321, %swap3A_1322, %swap3A_1323], %mul3A_1319 {strides = array<i32>} : memref<2x128x128xf32, #tpu.memory_space<vmem>>, vector<16xf32>,
          %get3A_1325 = arith.constant 0 : i32
          %get3A_1326 = arith.index_cast %get3A_1325 : i32 to index
          %get3A_1327 = arith.index_cast %add3A_1266 : i32 to index
          %get3A_1328 = arith.constant 80 : index
          %get3A_1329 = tpu.vector_load %arg15[%get3A_1326, %get3A_1327, %get3A_1328] {strides = array<i32>} : memref<2x128x128xf32, #tpu.memory_space<vmem>>, vector<16xf32>,
          %mul3A_1330 = arith.mulf %get3A_1329, %broadcast_in_dim3A_1269 : vector<16xf32>
          %swap3A_1331 = arith.constant 0 : i32
          %swap3A_1332 = arith.index_cast %swap3A_1331 : i32 to index
          %swap3A_1333 = arith.index_cast %add3A_1266 : i32 to index
          %swap3A_1334 = arith.constant 80 : index
          %swap3A_1335 = tpu.vector_load %arg15[%swap3A_1332, %swap3A_1333, %swap3A_1334] {strides = array<i32>} : memref<2x128x128xf32, #tpu.memory_space<vmem>>, vector<16xf32>,
          tpu.vector_store %arg15[%swap3A_1332, %swap3A_1333, %swap3A_1334], %mul3A_1330 {strides = array<i32>} : memref<2x128x128xf32, #tpu.memory_space<vmem>>, vector<16xf32>,
          %get3A_1336 = arith.constant 0 : i32
          %get3A_1337 = arith.index_cast %get3A_1336 : i32 to index
          %get3A_1338 = arith.index_cast %add3A_1266 : i32 to index
          %get3A_1339 = arith.constant 96 : index
          %get3A_1340 = tpu.vector_load %arg15[%get3A_1337, %get3A_1338, %get3A_1339] {strides = array<i32>} : memref<2x128x128xf32, #tpu.memory_space<vmem>>, vector<16xf32>,
          %mul3A_1341 = arith.mulf %get3A_1340, %broadcast_in_dim3A_1269 : vector<16xf32>
          %swap3A_1342 = arith.constant 0 : i32
          %swap3A_1343 = arith.index_cast %swap3A_1342 : i32 to index
          %swap3A_1344 = arith.index_cast %add3A_1266 : i32 to index
          %swap3A_1345 = arith.constant 96 : index
          %swap3A_1346 = tpu.vector_load %arg15[%swap3A_1343, %swap3A_1344, %swap3A_1345] {strides = array<i32>} : memref<2x128x128xf32, #tpu.memory_space<vmem>>, vector<16xf32>,
          tpu.vector_store %arg15[%swap3A_1343, %swap3A_1344, %swap3A_1345], %mul3A_1341 {strides = array<i32>} : memref<2x128x128xf32, #tpu.memory_space<vmem>>, vector<16xf32>,
          %get3A_1347 = arith.constant 0 : i32
          %get3A_1348 = arith.index_cast %get3A_1347 : i32 to index
          %get3A_1349 = arith.index_cast %add3A_1266 : i32 to index
          %get3A_1350 = arith.constant 112 : index
          %get3A_1351 = tpu.vector_load %arg15[%get3A_1348, %get3A_1349, %get3A_1350] {strides = array<i32>} : memref<2x128x128xf32, #tpu.memory_space<vmem>>, vector<16xf32>,
          %mul3A_1352 = arith.mulf %get3A_1351, %broadcast_in_dim3A_1269 : vector<16xf32>
          %swap3A_1353 = arith.constant 0 : i32
          %swap3A_1354 = arith.index_cast %swap3A_1353 : i32 to index
          %swap3A_1355 = arith.index_cast %add3A_1266 : i32 to index
          %swap3A_1356 = arith.constant 112 : index
          %swap3A_1357 = tpu.vector_load %arg15[%swap3A_1354, %swap3A_1355, %swap3A_1356] {strides = array<i32>} : memref<2x128x128xf32, #tpu.memory_space<vmem>>, vector<16xf32>,
          tpu.vector_store %arg15[%swap3A_1354, %swap3A_1355, %swap3A_1356], %mul3A_1352 {strides = array<i32>} : memref<2x128x128xf32, #tpu.memory_space<vmem>>, vector<16xf32>,
          %mul3A_1358 = arith.constant 16 : i32
          %mul3A_1359 = arith.muli %scan3A_88, %mul3A_1358 : i32
          %add3A_1360 = arith.constant 13 : i32
          %add3A_1361 = arith.addi %mul3A_1359, %add3A_1360 : i32
          %slice3A_1362 = vector.extract_strided_slice %exp3A {offsets = [13], sizes = [1], strides = [1]} : vector<16xf32> to vector<1xf32>
          %squeeze3A_1363 = vector.extract %slice3A_1362[0] : f32 from vector<1xf32>
          %broadcast_in_dim3A_1364 = vector.broadcast %squeeze3A_1363 : f32 to vector<16xf32>
          %get3A_1365 = arith.constant 0 : i32
          %get3A_1366 = arith.index_cast %get3A_1365 : i32 to index
          %get3A_1367 = arith.index_cast %add3A_1361 : i32 to index
          %get3A_1368 = arith.constant 0 : index
          %get3A_1369 = tpu.vector_load %arg15[%get3A_1366, %get3A_1367, %get3A_1368] {strides = array<i32>} : memref<2x128x128xf32, #tpu.memory_space<vmem>>, vector<16xf32>,
          %mul3A_1370 = arith.mulf %get3A_1369, %broadcast_in_dim3A_1364 : vector<16xf32>
          %swap3A_1371 = arith.constant 0 : i32
          %swap3A_1372 = arith.index_cast %swap3A_1371 : i32 to index
          %swap3A_1373 = arith.index_cast %add3A_1361 : i32 to index
          %swap3A_1374 = arith.constant 0 : index
          %swap3A_1375 = tpu.vector_load %arg15[%swap3A_1372, %swap3A_1373, %swap3A_1374] {strides = array<i32>} : memref<2x128x128xf32, #tpu.memory_space<vmem>>, vector<16xf32>,
          tpu.vector_store %arg15[%swap3A_1372, %swap3A_1373, %swap3A_1374], %mul3A_1370 {strides = array<i32>} : memref<2x128x128xf32, #tpu.memory_space<vmem>>, vector<16xf32>,
          %get3A_1376 = arith.constant 0 : i32
          %get3A_1377 = arith.index_cast %get3A_1376 : i32 to index
          %get3A_1378 = arith.index_cast %add3A_1361 : i32 to index
          %get3A_1379 = arith.constant 16 : index
          %get3A_1380 = tpu.vector_load %arg15[%get3A_1377, %get3A_1378, %get3A_1379] {strides = array<i32>} : memref<2x128x128xf32, #tpu.memory_space<vmem>>, vector<16xf32>,
          %mul3A_1381 = arith.mulf %get3A_1380, %broadcast_in_dim3A_1364 : vector<16xf32>
          %swap3A_1382 = arith.constant 0 : i32
          %swap3A_1383 = arith.index_cast %swap3A_1382 : i32 to index
          %swap3A_1384 = arith.index_cast %add3A_1361 : i32 to index
          %swap3A_1385 = arith.constant 16 : index
          %swap3A_1386 = tpu.vector_load %arg15[%swap3A_1383, %swap3A_1384, %swap3A_1385] {strides = array<i32>} : memref<2x128x128xf32, #tpu.memory_space<vmem>>, vector<16xf32>,
          tpu.vector_store %arg15[%swap3A_1383, %swap3A_1384, %swap3A_1385], %mul3A_1381 {strides = array<i32>} : memref<2x128x128xf32, #tpu.memory_space<vmem>>, vector<16xf32>,
          %get3A_1387 = arith.constant 0 : i32
          %get3A_1388 = arith.index_cast %get3A_1387 : i32 to index
          %get3A_1389 = arith.index_cast %add3A_1361 : i32 to index
          %get3A_1390 = arith.constant 32 : index
          %get3A_1391 = tpu.vector_load %arg15[%get3A_1388, %get3A_1389, %get3A_1390] {strides = array<i32>} : memref<2x128x128xf32, #tpu.memory_space<vmem>>, vector<16xf32>,
          %mul3A_1392 = arith.mulf %get3A_1391, %broadcast_in_dim3A_1364 : vector<16xf32>
          %swap3A_1393 = arith.constant 0 : i32
          %swap3A_1394 = arith.index_cast %swap3A_1393 : i32 to index
          %swap3A_1395 = arith.index_cast %add3A_1361 : i32 to index
          %swap3A_1396 = arith.constant 32 : index
          %swap3A_1397 = tpu.vector_load %arg15[%swap3A_1394, %swap3A_1395, %swap3A_1396] {strides = array<i32>} : memref<2x128x128xf32, #tpu.memory_space<vmem>>, vector<16xf32>,
          tpu.vector_store %arg15[%swap3A_1394, %swap3A_1395, %swap3A_1396], %mul3A_1392 {strides = array<i32>} : memref<2x128x128xf32, #tpu.memory_space<vmem>>, vector<16xf32>,
          %get3A_1398 = arith.constant 0 : i32
          %get3A_1399 = arith.index_cast %get3A_1398 : i32 to index
          %get3A_1400 = arith.index_cast %add3A_1361 : i32 to index
          %get3A_1401 = arith.constant 48 : index
          %get3A_1402 = tpu.vector_load %arg15[%get3A_1399, %get3A_1400, %get3A_1401] {strides = array<i32>} : memref<2x128x128xf32, #tpu.memory_space<vmem>>, vector<16xf32>,
          %mul3A_1403 = arith.mulf %get3A_1402, %broadcast_in_dim3A_1364 : vector<16xf32>
          %swap3A_1404 = arith.constant 0 : i32
          %swap3A_1405 = arith.index_cast %swap3A_1404 : i32 to index
          %swap3A_1406 = arith.index_cast %add3A_1361 : i32 to index
          %swap3A_1407 = arith.constant 48 : index
          %swap3A_1408 = tpu.vector_load %arg15[%swap3A_1405, %swap3A_1406, %swap3A_1407] {strides = array<i32>} : memref<2x128x128xf32, #tpu.memory_space<vmem>>, vector<16xf32>,
          tpu.vector_store %arg15[%swap3A_1405, %swap3A_1406, %swap3A_1407], %mul3A_1403 {strides = array<i32>} : memref<2x128x128xf32, #tpu.memory_space<vmem>>, vector<16xf32>,
          %get3A_1409 = arith.constant 0 : i32
          %get3A_1410 = arith.index_cast %get3A_1409 : i32 to index
          %get3A_1411 = arith.index_cast %add3A_1361 : i32 to index
          %get3A_1412 = arith.constant 64 : index
          %get3A_1413 = tpu.vector_load %arg15[%get3A_1410, %get3A_1411, %get3A_1412] {strides = array<i32>} : memref<2x128x128xf32, #tpu.memory_space<vmem>>, vector<16xf32>,
          %mul3A_1414 = arith.mulf %get3A_1413, %broadcast_in_dim3A_1364 : vector<16xf32>
          %swap3A_1415 = arith.constant 0 : i32
          %swap3A_1416 = arith.index_cast %swap3A_1415 : i32 to index
          %swap3A_1417 = arith.index_cast %add3A_1361 : i32 to index
          %swap3A_1418 = arith.constant 64 : index
          %swap3A_1419 = tpu.vector_load %arg15[%swap3A_1416, %swap3A_1417, %swap3A_1418] {strides = array<i32>} : memref<2x128x128xf32, #tpu.memory_space<vmem>>, vector<16xf32>,
          tpu.vector_store %arg15[%swap3A_1416, %swap3A_1417, %swap3A_1418], %mul3A_1414 {strides = array<i32>} : memref<2x128x128xf32, #tpu.memory_space<vmem>>, vector<16xf32>,
          %get3A_1420 = arith.constant 0 : i32
          %get3A_1421 = arith.index_cast %get3A_1420 : i32 to index
          %get3A_1422 = arith.index_cast %add3A_1361 : i32 to index
          %get3A_1423 = arith.constant 80 : index
          %get3A_1424 = tpu.vector_load %arg15[%get3A_1421, %get3A_1422, %get3A_1423] {strides = array<i32>} : memref<2x128x128xf32, #tpu.memory_space<vmem>>, vector<16xf32>,
          %mul3A_1425 = arith.mulf %get3A_1424, %broadcast_in_dim3A_1364 : vector<16xf32>
          %swap3A_1426 = arith.constant 0 : i32
          %swap3A_1427 = arith.index_cast %swap3A_1426 : i32 to index
          %swap3A_1428 = arith.index_cast %add3A_1361 : i32 to index
          %swap3A_1429 = arith.constant 80 : index
          %swap3A_1430 = tpu.vector_load %arg15[%swap3A_1427, %swap3A_1428, %swap3A_1429] {strides = array<i32>} : memref<2x128x128xf32, #tpu.memory_space<vmem>>, vector<16xf32>,
          tpu.vector_store %arg15[%swap3A_1427, %swap3A_1428, %swap3A_1429], %mul3A_1425 {strides = array<i32>} : memref<2x128x128xf32, #tpu.memory_space<vmem>>, vector<16xf32>,
          %get3A_1431 = arith.constant 0 : i32
          %get3A_1432 = arith.index_cast %get3A_1431 : i32 to index
          %get3A_1433 = arith.index_cast %add3A_1361 : i32 to index
          %get3A_1434 = arith.constant 96 : index
          %get3A_1435 = tpu.vector_load %arg15[%get3A_1432, %get3A_1433, %get3A_1434] {strides = array<i32>} : memref<2x128x128xf32, #tpu.memory_space<vmem>>, vector<16xf32>,
          %mul3A_1436 = arith.mulf %get3A_1435, %broadcast_in_dim3A_1364 : vector<16xf32>
          %swap3A_1437 = arith.constant 0 : i32
          %swap3A_1438 = arith.index_cast %swap3A_1437 : i32 to index
          %swap3A_1439 = arith.index_cast %add3A_1361 : i32 to index
          %swap3A_1440 = arith.constant 96 : index
          %swap3A_1441 = tpu.vector_load %arg15[%swap3A_1438, %swap3A_1439, %swap3A_1440] {strides = array<i32>} : memref<2x128x128xf32, #tpu.memory_space<vmem>>, vector<16xf32>,
          tpu.vector_store %arg15[%swap3A_1438, %swap3A_1439, %swap3A_1440], %mul3A_1436 {strides = array<i32>} : memref<2x128x128xf32, #tpu.memory_space<vmem>>, vector<16xf32>,
          %get3A_1442 = arith.constant 0 : i32
          %get3A_1443 = arith.index_cast %get3A_1442 : i32 to index
          %get3A_1444 = arith.index_cast %add3A_1361 : i32 to index
          %get3A_1445 = arith.constant 112 : index
          %get3A_1446 = tpu.vector_load %arg15[%get3A_1443, %get3A_1444, %get3A_1445] {strides = array<i32>} : memref<2x128x128xf32, #tpu.memory_space<vmem>>, vector<16xf32>,
          %mul3A_1447 = arith.mulf %get3A_1446, %broadcast_in_dim3A_1364 : vector<16xf32>
          %swap3A_1448 = arith.constant 0 : i32
          %swap3A_1449 = arith.index_cast %swap3A_1448 : i32 to index
          %swap3A_1450 = arith.index_cast %add3A_1361 : i32 to index
          %swap3A_1451 = arith.constant 112 : index
          %swap3A_1452 = tpu.vector_load %arg15[%swap3A_1449, %swap3A_1450, %swap3A_1451] {strides = array<i32>} : memref<2x128x128xf32, #tpu.memory_space<vmem>>, vector<16xf32>,
          tpu.vector_store %arg15[%swap3A_1449, %swap3A_1450, %swap3A_1451], %mul3A_1447 {strides = array<i32>} : memref<2x128x128xf32, #tpu.memory_space<vmem>>, vector<16xf32>,
          %mul3A_1453 = arith.constant 16 : i32
          %mul3A_1454 = arith.muli %scan3A_88, %mul3A_1453 : i32
          %add3A_1455 = arith.constant 14 : i32
          %add3A_1456 = arith.addi %mul3A_1454, %add3A_1455 : i32
          %slice3A_1457 = vector.extract_strided_slice %exp3A {offsets = [14], sizes = [1], strides = [1]} : vector<16xf32> to vector<1xf32>
          %squeeze3A_1458 = vector.extract %slice3A_1457[0] : f32 from vector<1xf32>
          %broadcast_in_dim3A_1459 = vector.broadcast %squeeze3A_1458 : f32 to vector<16xf32>
          %get3A_1460 = arith.constant 0 : i32
          %get3A_1461 = arith.index_cast %get3A_1460 : i32 to index
          %get3A_1462 = arith.index_cast %add3A_1456 : i32 to index
          %get3A_1463 = arith.constant 0 : index
          %get3A_1464 = tpu.vector_load %arg15[%get3A_1461, %get3A_1462, %get3A_1463] {strides = array<i32>} : memref<2x128x128xf32, #tpu.memory_space<vmem>>, vector<16xf32>,
          %mul3A_1465 = arith.mulf %get3A_1464, %broadcast_in_dim3A_1459 : vector<16xf32>
          %swap3A_1466 = arith.constant 0 : i32
          %swap3A_1467 = arith.index_cast %swap3A_1466 : i32 to index
          %swap3A_1468 = arith.index_cast %add3A_1456 : i32 to index
          %swap3A_1469 = arith.constant 0 : index
          %swap3A_1470 = tpu.vector_load %arg15[%swap3A_1467, %swap3A_1468, %swap3A_1469] {strides = array<i32>} : memref<2x128x128xf32, #tpu.memory_space<vmem>>, vector<16xf32>,
          tpu.vector_store %arg15[%swap3A_1467, %swap3A_1468, %swap3A_1469], %mul3A_1465 {strides = array<i32>} : memref<2x128x128xf32, #tpu.memory_space<vmem>>, vector<16xf32>,
          %get3A_1471 = arith.constant 0 : i32
          %get3A_1472 = arith.index_cast %get3A_1471 : i32 to index
          %get3A_1473 = arith.index_cast %add3A_1456 : i32 to index
          %get3A_1474 = arith.constant 16 : index
          %get3A_1475 = tpu.vector_load %arg15[%get3A_1472, %get3A_1473, %get3A_1474] {strides = array<i32>} : memref<2x128x128xf32, #tpu.memory_space<vmem>>, vector<16xf32>,
          %mul3A_1476 = arith.mulf %get3A_1475, %broadcast_in_dim3A_1459 : vector<16xf32>
          %swap3A_1477 = arith.constant 0 : i32
          %swap3A_1478 = arith.index_cast %swap3A_1477 : i32 to index
          %swap3A_1479 = arith.index_cast %add3A_1456 : i32 to index
          %swap3A_1480 = arith.constant 16 : index
          %swap3A_1481 = tpu.vector_load %arg15[%swap3A_1478, %swap3A_1479, %swap3A_1480] {strides = array<i32>} : memref<2x128x128xf32, #tpu.memory_space<vmem>>, vector<16xf32>,
          tpu.vector_store %arg15[%swap3A_1478, %swap3A_1479, %swap3A_1480], %mul3A_1476 {strides = array<i32>} : memref<2x128x128xf32, #tpu.memory_space<vmem>>, vector<16xf32>,
          %get3A_1482 = arith.constant 0 : i32
          %get3A_1483 = arith.index_cast %get3A_1482 : i32 to index
          %get3A_1484 = arith.index_cast %add3A_1456 : i32 to index
          %get3A_1485 = arith.constant 32 : index
          %get3A_1486 = tpu.vector_load %arg15[%get3A_1483, %get3A_1484, %get3A_1485] {strides = array<i32>} : memref<2x128x128xf32, #tpu.memory_space<vmem>>, vector<16xf32>,
          %mul3A_1487 = arith.mulf %get3A_1486, %broadcast_in_dim3A_1459 : vector<16xf32>
          %swap3A_1488 = arith.constant 0 : i32
          %swap3A_1489 = arith.index_cast %swap3A_1488 : i32 to index
          %swap3A_1490 = arith.index_cast %add3A_1456 : i32 to index
          %swap3A_1491 = arith.constant 32 : index
          %swap3A_1492 = tpu.vector_load %arg15[%swap3A_1489, %swap3A_1490, %swap3A_1491] {strides = array<i32>} : memref<2x128x128xf32, #tpu.memory_space<vmem>>, vector<16xf32>,
          tpu.vector_store %arg15[%swap3A_1489, %swap3A_1490, %swap3A_1491], %mul3A_1487 {strides = array<i32>} : memref<2x128x128xf32, #tpu.memory_space<vmem>>, vector<16xf32>,
          %get3A_1493 = arith.constant 0 : i32
          %get3A_1494 = arith.index_cast %get3A_1493 : i32 to index
          %get3A_1495 = arith.index_cast %add3A_1456 : i32 to index
          %get3A_1496 = arith.constant 48 : index
          %get3A_1497 = tpu.vector_load %arg15[%get3A_1494, %get3A_1495, %get3A_1496] {strides = array<i32>} : memref<2x128x128xf32, #tpu.memory_space<vmem>>, vector<16xf32>,
          %mul3A_1498 = arith.mulf %get3A_1497, %broadcast_in_dim3A_1459 : vector<16xf32>
          %swap3A_1499 = arith.constant 0 : i32
          %swap3A_1500 = arith.index_cast %swap3A_1499 : i32 to index
          %swap3A_1501 = arith.index_cast %add3A_1456 : i32 to index
          %swap3A_1502 = arith.constant 48 : index
          %swap3A_1503 = tpu.vector_load %arg15[%swap3A_1500, %swap3A_1501, %swap3A_1502] {strides = array<i32>} : memref<2x128x128xf32, #tpu.memory_space<vmem>>, vector<16xf32>,
          tpu.vector_store %arg15[%swap3A_1500, %swap3A_1501, %swap3A_1502], %mul3A_1498 {strides = array<i32>} : memref<2x128x128xf32, #tpu.memory_space<vmem>>, vector<16xf32>,
          %get3A_1504 = arith.constant 0 : i32
          %get3A_1505 = arith.index_cast %get3A_1504 : i32 to index
          %get3A_1506 = arith.index_cast %add3A_1456 : i32 to index
          %get3A_1507 = arith.constant 64 : index
          %get3A_1508 = tpu.vector_load %arg15[%get3A_1505, %get3A_1506, %get3A_1507] {strides = array<i32>} : memref<2x128x128xf32, #tpu.memory_space<vmem>>, vector<16xf32>,
          %mul3A_1509 = arith.mulf %get3A_1508, %broadcast_in_dim3A_1459 : vector<16xf32>
          %swap3A_1510 = arith.constant 0 : i32
          %swap3A_1511 = arith.index_cast %swap3A_1510 : i32 to index
          %swap3A_1512 = arith.index_cast %add3A_1456 : i32 to index
          %swap3A_1513 = arith.constant 64 : index
          %swap3A_1514 = tpu.vector_load %arg15[%swap3A_1511, %swap3A_1512, %swap3A_1513] {strides = array<i32>} : memref<2x128x128xf32, #tpu.memory_space<vmem>>, vector<16xf32>,
          tpu.vector_store %arg15[%swap3A_1511, %swap3A_1512, %swap3A_1513], %mul3A_1509 {strides = array<i32>} : memref<2x128x128xf32, #tpu.memory_space<vmem>>, vector<16xf32>,
          %get3A_1515 = arith.constant 0 : i32
          %get3A_1516 = arith.index_cast %get3A_1515 : i32 to index
          %get3A_1517 = arith.index_cast %add3A_1456 : i32 to index
          %get3A_1518 = arith.constant 80 : index
          %get3A_1519 = tpu.vector_load %arg15[%get3A_1516, %get3A_1517, %get3A_1518] {strides = array<i32>} : memref<2x128x128xf32, #tpu.memory_space<vmem>>, vector<16xf32>,
          %mul3A_1520 = arith.mulf %get3A_1519, %broadcast_in_dim3A_1459 : vector<16xf32>
          %swap3A_1521 = arith.constant 0 : i32
          %swap3A_1522 = arith.index_cast %swap3A_1521 : i32 to index
          %swap3A_1523 = arith.index_cast %add3A_1456 : i32 to index
          %swap3A_1524 = arith.constant 80 : index
          %swap3A_1525 = tpu.vector_load %arg15[%swap3A_1522, %swap3A_1523, %swap3A_1524] {strides = array<i32>} : memref<2x128x128xf32, #tpu.memory_space<vmem>>, vector<16xf32>,
          tpu.vector_store %arg15[%swap3A_1522, %swap3A_1523, %swap3A_1524], %mul3A_1520 {strides = array<i32>} : memref<2x128x128xf32, #tpu.memory_space<vmem>>, vector<16xf32>,
          %get3A_1526 = arith.constant 0 : i32
          %get3A_1527 = arith.index_cast %get3A_1526 : i32 to index
          %get3A_1528 = arith.index_cast %add3A_1456 : i32 to index
          %get3A_1529 = arith.constant 96 : index
          %get3A_1530 = tpu.vector_load %arg15[%get3A_1527, %get3A_1528, %get3A_1529] {strides = array<i32>} : memref<2x128x128xf32, #tpu.memory_space<vmem>>, vector<16xf32>,
          %mul3A_1531 = arith.mulf %get3A_1530, %broadcast_in_dim3A_1459 : vector<16xf32>
          %swap3A_1532 = arith.constant 0 : i32
          %swap3A_1533 = arith.index_cast %swap3A_1532 : i32 to index
          %swap3A_1534 = arith.index_cast %add3A_1456 : i32 to index
          %swap3A_1535 = arith.constant 96 : index
          %swap3A_1536 = tpu.vector_load %arg15[%swap3A_1533, %swap3A_1534, %swap3A_1535] {strides = array<i32>} : memref<2x128x128xf32, #tpu.memory_space<vmem>>, vector<16xf32>,
          tpu.vector_store %arg15[%swap3A_1533, %swap3A_1534, %swap3A_1535], %mul3A_1531 {strides = array<i32>} : memref<2x128x128xf32, #tpu.memory_space<vmem>>, vector<16xf32>,
          %get3A_1537 = arith.constant 0 : i32
          %get3A_1538 = arith.index_cast %get3A_1537 : i32 to index
          %get3A_1539 = arith.index_cast %add3A_1456 : i32 to index
          %get3A_1540 = arith.constant 112 : index
          %get3A_1541 = tpu.vector_load %arg15[%get3A_1538, %get3A_1539, %get3A_1540] {strides = array<i32>} : memref<2x128x128xf32, #tpu.memory_space<vmem>>, vector<16xf32>,
          %mul3A_1542 = arith.mulf %get3A_1541, %broadcast_in_dim3A_1459 : vector<16xf32>
          %swap3A_1543 = arith.constant 0 : i32
          %swap3A_1544 = arith.index_cast %swap3A_1543 : i32 to index
          %swap3A_1545 = arith.index_cast %add3A_1456 : i32 to index
          %swap3A_1546 = arith.constant 112 : index
          %swap3A_1547 = tpu.vector_load %arg15[%swap3A_1544, %swap3A_1545, %swap3A_1546] {strides = array<i32>} : memref<2x128x128xf32, #tpu.memory_space<vmem>>, vector<16xf32>,
          tpu.vector_store %arg15[%swap3A_1544, %swap3A_1545, %swap3A_1546], %mul3A_1542 {strides = array<i32>} : memref<2x128x128xf32, #tpu.memory_space<vmem>>, vector<16xf32>,
          %mul3A_1548 = arith.constant 16 : i32
          %mul3A_1549 = arith.muli %scan3A_88, %mul3A_1548 : i32
          %add3A_1550 = arith.constant 15 : i32
          %add3A_1551 = arith.addi %mul3A_1549, %add3A_1550 : i32
          %slice3A_1552 = vector.extract_strided_slice %exp3A {offsets = [15], sizes = [1], strides = [1]} : vector<16xf32> to vector<1xf32>
          %squeeze3A_1553 = vector.extract %slice3A_1552[0] : f32 from vector<1xf32>
          %broadcast_in_dim3A_1554 = vector.broadcast %squeeze3A_1553 : f32 to vector<16xf32>
          %get3A_1555 = arith.constant 0 : i32
          %get3A_1556 = arith.index_cast %get3A_1555 : i32 to index
          %get3A_1557 = arith.index_cast %add3A_1551 : i32 to index
          %get3A_1558 = arith.constant 0 : index
          %get3A_1559 = tpu.vector_load %arg15[%get3A_1556, %get3A_1557, %get3A_1558] {strides = array<i32>} : memref<2x128x128xf32, #tpu.memory_space<vmem>>, vector<16xf32>,
          %mul3A_1560 = arith.mulf %get3A_1559, %broadcast_in_dim3A_1554 : vector<16xf32>
          %swap3A_1561 = arith.constant 0 : i32
          %swap3A_1562 = arith.index_cast %swap3A_1561 : i32 to index
          %swap3A_1563 = arith.index_cast %add3A_1551 : i32 to index
          %swap3A_1564 = arith.constant 0 : index
          %swap3A_1565 = tpu.vector_load %arg15[%swap3A_1562, %swap3A_1563, %swap3A_1564] {strides = array<i32>} : memref<2x128x128xf32, #tpu.memory_space<vmem>>, vector<16xf32>,
          tpu.vector_store %arg15[%swap3A_1562, %swap3A_1563, %swap3A_1564], %mul3A_1560 {strides = array<i32>} : memref<2x128x128xf32, #tpu.memory_space<vmem>>, vector<16xf32>,
          %get3A_1566 = arith.constant 0 : i32
          %get3A_1567 = arith.index_cast %get3A_1566 : i32 to index
          %get3A_1568 = arith.index_cast %add3A_1551 : i32 to index
          %get3A_1569 = arith.constant 16 : index
          %get3A_1570 = tpu.vector_load %arg15[%get3A_1567, %get3A_1568, %get3A_1569] {strides = array<i32>} : memref<2x128x128xf32, #tpu.memory_space<vmem>>, vector<16xf32>,
          %mul3A_1571 = arith.mulf %get3A_1570, %broadcast_in_dim3A_1554 : vector<16xf32>
          %swap3A_1572 = arith.constant 0 : i32
          %swap3A_1573 = arith.index_cast %swap3A_1572 : i32 to index
          %swap3A_1574 = arith.index_cast %add3A_1551 : i32 to index
          %swap3A_1575 = arith.constant 16 : index
          %swap3A_1576 = tpu.vector_load %arg15[%swap3A_1573, %swap3A_1574, %swap3A_1575] {strides = array<i32>} : memref<2x128x128xf32, #tpu.memory_space<vmem>>, vector<16xf32>,
          tpu.vector_store %arg15[%swap3A_1573, %swap3A_1574, %swap3A_1575], %mul3A_1571 {strides = array<i32>} : memref<2x128x128xf32, #tpu.memory_space<vmem>>, vector<16xf32>,
          %get3A_1577 = arith.constant 0 : i32
          %get3A_1578 = arith.index_cast %get3A_1577 : i32 to index
          %get3A_1579 = arith.index_cast %add3A_1551 : i32 to index
          %get3A_1580 = arith.constant 32 : index
          %get3A_1581 = tpu.vector_load %arg15[%get3A_1578, %get3A_1579, %get3A_1580] {strides = array<i32>} : memref<2x128x128xf32, #tpu.memory_space<vmem>>, vector<16xf32>,
          %mul3A_1582 = arith.mulf %get3A_1581, %broadcast_in_dim3A_1554 : vector<16xf32>
          %swap3A_1583 = arith.constant 0 : i32
          %swap3A_1584 = arith.index_cast %swap3A_1583 : i32 to index
          %swap3A_1585 = arith.index_cast %add3A_1551 : i32 to index
          %swap3A_1586 = arith.constant 32 : index
          %swap3A_1587 = tpu.vector_load %arg15[%swap3A_1584, %swap3A_1585, %swap3A_1586] {strides = array<i32>} : memref<2x128x128xf32, #tpu.memory_space<vmem>>, vector<16xf32>,
          tpu.vector_store %arg15[%swap3A_1584, %swap3A_1585, %swap3A_1586], %mul3A_1582 {strides = array<i32>} : memref<2x128x128xf32, #tpu.memory_space<vmem>>, vector<16xf32>,
          %get3A_1588 = arith.constant 0 : i32
          %get3A_1589 = arith.index_cast %get3A_1588 : i32 to index
          %get3A_1590 = arith.index_cast %add3A_1551 : i32 to index
          %get3A_1591 = arith.constant 48 : index
          %get3A_1592 = tpu.vector_load %arg15[%get3A_1589, %get3A_1590, %get3A_1591] {strides = array<i32>} : memref<2x128x128xf32, #tpu.memory_space<vmem>>, vector<16xf32>,
          %mul3A_1593 = arith.mulf %get3A_1592, %broadcast_in_dim3A_1554 : vector<16xf32>
          %swap3A_1594 = arith.constant 0 : i32
          %swap3A_1595 = arith.index_cast %swap3A_1594 : i32 to index
          %swap3A_1596 = arith.index_cast %add3A_1551 : i32 to index
          %swap3A_1597 = arith.constant 48 : index
          %swap3A_1598 = tpu.vector_load %arg15[%swap3A_1595, %swap3A_1596, %swap3A_1597] {strides = array<i32>} : memref<2x128x128xf32, #tpu.memory_space<vmem>>, vector<16xf32>,
          tpu.vector_store %arg15[%swap3A_1595, %swap3A_1596, %swap3A_1597], %mul3A_1593 {strides = array<i32>} : memref<2x128x128xf32, #tpu.memory_space<vmem>>, vector<16xf32>,
          %get3A_1599 = arith.constant 0 : i32
          %get3A_1600 = arith.index_cast %get3A_1599 : i32 to index
          %get3A_1601 = arith.index_cast %add3A_1551 : i32 to index
          %get3A_1602 = arith.constant 64 : index
          %get3A_1603 = tpu.vector_load %arg15[%get3A_1600, %get3A_1601, %get3A_1602] {strides = array<i32>} : memref<2x128x128xf32, #tpu.memory_space<vmem>>, vector<16xf32>,
          %mul3A_1604 = arith.mulf %get3A_1603, %broadcast_in_dim3A_1554 : vector<16xf32>
          %swap3A_1605 = arith.constant 0 : i32
          %swap3A_1606 = arith.index_cast %swap3A_1605 : i32 to index
          %swap3A_1607 = arith.index_cast %add3A_1551 : i32 to index
          %swap3A_1608 = arith.constant 64 : index
          %swap3A_1609 = tpu.vector_load %arg15[%swap3A_1606, %swap3A_1607, %swap3A_1608] {strides = array<i32>} : memref<2x128x128xf32, #tpu.memory_space<vmem>>, vector<16xf32>,
          tpu.vector_store %arg15[%swap3A_1606, %swap3A_1607, %swap3A_1608], %mul3A_1604 {strides = array<i32>} : memref<2x128x128xf32, #tpu.memory_space<vmem>>, vector<16xf32>,
          %get3A_1610 = arith.constant 0 : i32
          %get3A_1611 = arith.index_cast %get3A_1610 : i32 to index
          %get3A_1612 = arith.index_cast %add3A_1551 : i32 to index
          %get3A_1613 = arith.constant 80 : index
          %get3A_1614 = tpu.vector_load %arg15[%get3A_1611, %get3A_1612, %get3A_1613] {strides = array<i32>} : memref<2x128x128xf32, #tpu.memory_space<vmem>>, vector<16xf32>,
          %mul3A_1615 = arith.mulf %get3A_1614, %broadcast_in_dim3A_1554 : vector<16xf32>
          %swap3A_1616 = arith.constant 0 : i32
          %swap3A_1617 = arith.index_cast %swap3A_1616 : i32 to index
          %swap3A_1618 = arith.index_cast %add3A_1551 : i32 to index
          %swap3A_1619 = arith.constant 80 : index
          %swap3A_1620 = tpu.vector_load %arg15[%swap3A_1617, %swap3A_1618, %swap3A_1619] {strides = array<i32>} : memref<2x128x128xf32, #tpu.memory_space<vmem>>, vector<16xf32>,
          tpu.vector_store %arg15[%swap3A_1617, %swap3A_1618, %swap3A_1619], %mul3A_1615 {strides = array<i32>} : memref<2x128x128xf32, #tpu.memory_space<vmem>>, vector<16xf32>,
          %get3A_1621 = arith.constant 0 : i32
          %get3A_1622 = arith.index_cast %get3A_1621 : i32 to index
          %get3A_1623 = arith.index_cast %add3A_1551 : i32 to index
          %get3A_1624 = arith.constant 96 : index
          %get3A_1625 = tpu.vector_load %arg15[%get3A_1622, %get3A_1623, %get3A_1624] {strides = array<i32>} : memref<2x128x128xf32, #tpu.memory_space<vmem>>, vector<16xf32>,
          %mul3A_1626 = arith.mulf %get3A_1625, %broadcast_in_dim3A_1554 : vector<16xf32>
          %swap3A_1627 = arith.constant 0 : i32
          %swap3A_1628 = arith.index_cast %swap3A_1627 : i32 to index
          %swap3A_1629 = arith.index_cast %add3A_1551 : i32 to index
          %swap3A_1630 = arith.constant 96 : index
          %swap3A_1631 = tpu.vector_load %arg15[%swap3A_1628, %swap3A_1629, %swap3A_1630] {strides = array<i32>} : memref<2x128x128xf32, #tpu.memory_space<vmem>>, vector<16xf32>,
          tpu.vector_store %arg15[%swap3A_1628, %swap3A_1629, %swap3A_1630], %mul3A_1626 {strides = array<i32>} : memref<2x128x128xf32, #tpu.memory_space<vmem>>, vector<16xf32>,
          %get3A_1632 = arith.constant 0 : i32
          %get3A_1633 = arith.index_cast %get3A_1632 : i32 to index
          %get3A_1634 = arith.index_cast %add3A_1551 : i32 to index
          %get3A_1635 = arith.constant 112 : index
          %get3A_1636 = tpu.vector_load %arg15[%get3A_1633, %get3A_1634, %get3A_1635] {strides = array<i32>} : memref<2x128x128xf32, #tpu.memory_space<vmem>>, vector<16xf32>,
          %mul3A_1637 = arith.mulf %get3A_1636, %broadcast_in_dim3A_1554 : vector<16xf32>
          %swap3A_1638 = arith.constant 0 : i32
          %swap3A_1639 = arith.index_cast %swap3A_1638 : i32 to index
          %swap3A_1640 = arith.index_cast %add3A_1551 : i32 to index
          %swap3A_1641 = arith.constant 112 : index
          %swap3A_1642 = tpu.vector_load %arg15[%swap3A_1639, %swap3A_1640, %swap3A_1641] {strides = array<i32>} : memref<2x128x128xf32, #tpu.memory_space<vmem>>, vector<16xf32>,
          tpu.vector_store %arg15[%swap3A_1639, %swap3A_1640, %swap3A_1641], %mul3A_1637 {strides = array<i32>} : memref<2x128x128xf32, #tpu.memory_space<vmem>>, vector<16xf32>,
          %scan3A_1643 = arith.constant 0 : i32
          scf.yield %scan3A_1643 : i32
        }
        %scan3A_85 = arith.constant 8 : i32
        %run_scoped3A = arith.constant 0 : i32
        %run_scoped3A_86 = arith.constant 0 : i32
        "tpu.region"() ({
          %run_scoped3A_88 = tpu.sem_alloc : memref<!tpu.dma_semaphore, #tpu.memory_space<semaphore_mem>>
          %dma_start3A_89 = arith.constant 0 : i32
          %dma_start3A_90 = arith.constant 0 : i32
          %dma_start3A_91 = tpu.memref_slice %arg15[%run_scoped3A, %dma_start3A_89, %dma_start3A_90] : memref<2x128x128xf32, #tpu.memory_space<vmem>> -> memref<1x128x128xf32, #tpu.memory_space<vmem>>
          %dma_start3A_92 = tpu.memref_squeeze %dma_start3A_91 : memref<1x128x128xf32, #tpu.memory_space<vmem>> -> memref<128x128xf32, #tpu.memory_space<vmem>>
          %dma_start3A_93 = arith.constant 0 : i32
          %dma_start3A_94 = tpu.memref_slice %arg14[%run_scoped3A_86, %dma_start3A_93] : memref<2x128xi32, #tpu.memory_space<vmem>> -> memref<1x128xi32, #tpu.memory_space<vmem>>
          %dma_start3A_95 = tpu.memref_squeeze %dma_start3A_94 : memref<1x128xi32, #tpu.memory_space<vmem>> -> memref<128xi32, #tpu.memory_space<vmem>>
          %dma_start3A_96 = arith.constant 0 : i32
          %dma_start3A_97 = arith.constant 0 : i32
          %dma_start3A_98 = tpu.memref_slice %arg20[%dma_start3A_96, %dma_start3A_97] : memref<2560x128xf32, #tpu.memory_space<vmem_shared>> -> memref<2560x128xf32, #tpu.memory_space<vmem_shared>>
          tpu.enqueue_indirect_dma source(%dma_start3A_92 : memref<128x128xf32, #tpu.memory_space<vmem>>) target(%dma_start3A_98 : memref<2560x128xf32, #tpu.memory_space<vmem_shared>>) offsets(%dma_start3A_95 : memref<128xi32, #tpu.memory_space<vmem>>) semaphore(%run_scoped3A_88 : memref<!tpu.dma_semaphore, #tpu.memory_space<semaphore_mem>>) {add = true}
          %dma_wait3A_99 = arith.constant 0 : i32
          %dma_wait3A_100 = arith.constant 0 : i32
          %dma_wait3A_101 = tpu.memref_slice %arg15[%run_scoped3A, %dma_wait3A_99, %dma_wait3A_100] : memref<2x128x128xf32, #tpu.memory_space<vmem>> -> memref<1x128x128xf32, #tpu.memory_space<vmem>>
          %dma_wait3A_102 = tpu.memref_squeeze %dma_wait3A_101 : memref<1x128x128xf32, #tpu.memory_space<vmem>> -> memref<128x128xf32, #tpu.memory_space<vmem>>
          %dma_wait3A_103 = arith.constant 0 : i32
          %dma_wait3A_104 = tpu.memref_slice %arg14[%run_scoped3A_86, %dma_wait3A_103] : memref<2x128xi32, #tpu.memory_space<vmem>> -> memref<1x128xi32, #tpu.memory_space<vmem>>
          %dma_wait3A_105 = tpu.memref_squeeze %dma_wait3A_104 : memref<1x128xi32, #tpu.memory_space<vmem>> -> memref<128xi32, #tpu.memory_space<vmem>>
          %dma_wait3A_106 = arith.constant 0 : i32
          %dma_wait3A_107 = arith.constant 0 : i32
          %dma_wait3A_108 = tpu.memref_slice %arg20[%dma_wait3A_106, %dma_wait3A_107] : memref<2560x128xf32, #tpu.memory_space<vmem_shared>> -> memref<2560x128xf32, #tpu.memory_space<vmem_shared>>
          tpu.wait_indirect_dma semaphore(%run_scoped3A_88 : memref<!tpu.dma_semaphore, #tpu.memory_space<semaphore_mem>>) src(%dma_wait3A_102 : memref<128x128xf32, #tpu.memory_space<vmem>>) dst(%dma_wait3A_108 : memref<2560x128xf32, #tpu.memory_space<vmem_shared>>)
          tpu.yield
        }) : () -> ()
        %scan3A_87 = arith.constant 0 : i32
        scf.yield %scan3A_87 : i32
      }
      %scan3A_46 = arith.constant 162 : i32
      "tpu.region"() ({
        %run_scoped3A = tpu.sem_alloc : memref<!tpu.dma_semaphore, #tpu.memory_space<semaphore_mem>>
        %dma_start3A = arith.constant 0 : i32
        %dma_start3A_57 = arith.constant 0 : i32
        %dma_start3A_58 = tpu.memref_slice %arg21[%dma_start3A, %dma_start3A_57] : memref<32x128xf32, #tpu.memory_space<vmem_shared>> -> memref<32x128xf32, #tpu.memory_space<vmem_shared>>
        tpu.enqueue_indirect_dma source(%arg16 : memref<32x128xf32, #tpu.memory_space<vmem>>) target(%dma_start3A_58 : memref<32x128xf32, #tpu.memory_space<vmem_shared>>) offsets(%arg19 : memref<32xi32, #tpu.memory_space<vmem>>) semaphore(%run_scoped3A : memref<!tpu.dma_semaphore, #tpu.memory_space<semaphore_mem>>) {add = true}
        %dma_wait3A = arith.constant 0 : i32
        %dma_wait3A_59 = arith.constant 0 : i32
        %dma_wait3A_60 = tpu.memref_slice %arg21[%dma_wait3A, %dma_wait3A_59] : memref<32x128xf32, #tpu.memory_space<vmem_shared>> -> memref<32x128xf32, #tpu.memory_space<vmem_shared>>
        tpu.wait_indirect_dma semaphore(%run_scoped3A : memref<!tpu.dma_semaphore, #tpu.memory_space<semaphore_mem>>) src(%arg16 : memref<32x128xf32, #tpu.memory_space<vmem>>) dst(%dma_wait3A_60 : memref<32x128xf32, #tpu.memory_space<vmem_shared>>)
        tpu.yield
      }) : () -> ()
      %barrier3A_47 = arith.constant 0 : index
      tpu.barrier barrier_id(%barrier3A_47)
      "tpu.region"() ({
        %run_scoped3A = tpu.sem_alloc : memref<!tpu.dma_semaphore, #tpu.memory_space<semaphore_mem>>
        %dma_start3A = arith.constant 0 : i32
        %dma_start3A_57 = tpu.memref_slice %arg8[%add3A_21, %mul3A_0, %dma_start3A] : memref<4x2560x128xf32, #tpu.memory_space<hbm>> -> memref<1x160x128xf32, #tpu.memory_space<hbm>>
        %dma_start3A_58 = tpu.memref_squeeze %dma_start3A_57 : memref<1x160x128xf32, #tpu.memory_space<hbm>> -> memref<160x128xf32, #tpu.memory_space<hbm>>
        %dma_start3A_59 = arith.constant 0 : i32
        %dma_start3A_60 = tpu.memref_slice %arg20[%mul3A_0, %dma_start3A_59] : memref<2560x128xf32, #tpu.memory_space<vmem_shared>> -> memref<160x128xf32, #tpu.memory_space<vmem_shared>>
        tpu.enqueue_dma source(%dma_start3A_60 : memref<160x128xf32, #tpu.memory_space<vmem_shared>>) target(%dma_start3A_58 : memref<160x128xf32, #tpu.memory_space<hbm>>) target_semaphore(%run_scoped3A : memref<!tpu.dma_semaphore, #tpu.memory_space<semaphore_mem>>)
        %dma_wait3A = arith.constant 0 : i32
        %dma_wait3A_61 = tpu.memref_slice %arg8[%add3A_21, %mul3A_0, %dma_wait3A] : memref<4x2560x128xf32, #tpu.memory_space<hbm>> -> memref<1x160x128xf32, #tpu.memory_space<hbm>>
        %dma_wait3A_62 = tpu.memref_squeeze %dma_wait3A_61 : memref<1x160x128xf32, #tpu.memory_space<hbm>> -> memref<160x128xf32, #tpu.memory_space<hbm>>
        %dma_wait3A_63 = arith.constant 0 : i32
        %dma_wait3A_64 = tpu.memref_slice %arg20[%mul3A_0, %dma_wait3A_63] : memref<2560x128xf32, #tpu.memory_space<vmem_shared>> -> memref<160x128xf32, #tpu.memory_space<vmem_shared>>
        tpu.wait_dma2 semaphore(%run_scoped3A : memref<!tpu.dma_semaphore, #tpu.memory_space<semaphore_mem>>) src(%dma_wait3A_64 : memref<160x128xf32, #tpu.memory_space<vmem_shared>>) dst(%dma_wait3A_62 : memref<160x128xf32, #tpu.memory_space<hbm>>)
        tpu.yield
      }) : () -> ()
      "tpu.region"() ({
        %run_scoped3A = tpu.sem_alloc : memref<!tpu.dma_semaphore, #tpu.memory_space<semaphore_mem>>
        tpu.enqueue_dma source(%arg21 : memref<32x128xf32, #tpu.memory_space<vmem_shared>>) target(%arg17 : memref<32x128xf32, #tpu.memory_space<vmem>>) target_semaphore(%run_scoped3A : memref<!tpu.dma_semaphore, #tpu.memory_space<semaphore_mem>>)
        tpu.wait_dma2 semaphore(%run_scoped3A : memref<!tpu.dma_semaphore, #tpu.memory_space<semaphore_mem>>) src(%arg21 : memref<32x128xf32, #tpu.memory_space<vmem_shared>>) dst(%arg17 : memref<32x128xf32, #tpu.memory_space<vmem>>)
        tpu.yield
      }) : () -> ()
      %scan3A_48 = arith.constant 0 : i32
      %scan3A_49 = arith.constant 0 : i32
      %scan3A_50 = arith.constant 5 : i32
      %scan3A_51 = arith.addi %scan3A_49, %scan3A_50 : i32
      %scan3A_52 = arith.constant 1 : i32
      %scan3A_53 = scf.for %scan3A_57 = %scan3A_49 to %scan3A_51 step %scan3A_52 iter_args(%scan3A_58 = %scan3A_48) -> (i32)  : i32 {
        %mul3A_59 = arith.constant 32 : i32
        %mul3A_60 = arith.muli %scan3A_57, %mul3A_59 : i32
        %add3A_61 = arith.addi %mul3A_0, %mul3A_60 : i32
        %add3A_62 = arith.constant 0 : i32
        %add3A_63 = arith.addi %add3A_61, %add3A_62 : i32
        %shift_right_logical3A = arith.constant 7 : i32
        %shift_right_logical3A_64 = arith.shrui %add3A_63, %shift_right_logical3A : i32
        %and3A = arith.constant 127 : i32
        %and3A_65 = arith.andi %add3A_63, %and3A : i32
        %get3A = arith.index_cast %shift_right_logical3A_64 : i32 to index
        %get3A_66 = arith.index_cast %and3A_65 : i32 to index
        %get3A_67 = tpu.vector_load %arg17[%get3A, %get3A_66] {strides = array<i32>} : memref<32x128xf32, #tpu.memory_space<vmem>>, vector<16xf32>,
        %slice3A = vector.extract_strided_slice %get3A_67 {offsets = [0], sizes = [1], strides = [1]} : vector<16xf32> to vector<1xf32>
        %squeeze3A = vector.extract %slice3A[0] : f32 from vector<1xf32>
        %broadcast_in_dim3A_68 = vector.broadcast %squeeze3A : f32 to vector<16xf32>
        %swap3A_69 = arith.constant 0 : i32
        %swap3A_70 = arith.index_cast %swap3A_69 : i32 to index
        %swap3A_71 = arith.constant 0 : index
        %swap3A_72 = tpu.vector_load %arg18[%swap3A_70, %swap3A_71] {strides = array<i32>} : memref<32x128xf32, #tpu.memory_space<vmem>>, vector<16xf32>,
        tpu.vector_store %arg18[%swap3A_70, %swap3A_71], %broadcast_in_dim3A_68 {strides = array<i32>} : memref<32x128xf32, #tpu.memory_space<vmem>>, vector<16xf32>,
        %swap3A_73 = arith.constant 0 : i32
        %swap3A_74 = arith.index_cast %swap3A_73 : i32 to index
        %swap3A_75 = arith.constant 16 : index
        %swap3A_76 = tpu.vector_load %arg18[%swap3A_74, %swap3A_75] {strides = array<i32>} : memref<32x128xf32, #tpu.memory_space<vmem>>, vector<16xf32>,
        tpu.vector_store %arg18[%swap3A_74, %swap3A_75], %broadcast_in_dim3A_68 {strides = array<i32>} : memref<32x128xf32, #tpu.memory_space<vmem>>, vector<16xf32>,
        %swap3A_77 = arith.constant 0 : i32
        %swap3A_78 = arith.index_cast %swap3A_77 : i32 to index
        %swap3A_79 = arith.constant 32 : index
        %swap3A_80 = tpu.vector_load %arg18[%swap3A_78, %swap3A_79] {strides = array<i32>} : memref<32x128xf32, #tpu.memory_space<vmem>>, vector<16xf32>,
        tpu.vector_store %arg18[%swap3A_78, %swap3A_79], %broadcast_in_dim3A_68 {strides = array<i32>} : memref<32x128xf32, #tpu.memory_space<vmem>>, vector<16xf32>,
        %swap3A_81 = arith.constant 0 : i32
        %swap3A_82 = arith.index_cast %swap3A_81 : i32 to index
        %swap3A_83 = arith.constant 48 : index
        %swap3A_84 = tpu.vector_load %arg18[%swap3A_82, %swap3A_83] {strides = array<i32>} : memref<32x128xf32, #tpu.memory_space<vmem>>, vector<16xf32>,
        tpu.vector_store %arg18[%swap3A_82, %swap3A_83], %broadcast_in_dim3A_68 {strides = array<i32>} : memref<32x128xf32, #tpu.memory_space<vmem>>, vector<16xf32>,
        %swap3A_85 = arith.constant 0 : i32
        %swap3A_86 = arith.index_cast %swap3A_85 : i32 to index
        %swap3A_87 = arith.constant 64 : index
        %swap3A_88 = tpu.vector_load %arg18[%swap3A_86, %swap3A_87] {strides = array<i32>} : memref<32x128xf32, #tpu.memory_space<vmem>>, vector<16xf32>,
        tpu.vector_store %arg18[%swap3A_86, %swap3A_87], %broadcast_in_dim3A_68 {strides = array<i32>} : memref<32x128xf32, #tpu.memory_space<vmem>>, vector<16xf32>,
        %swap3A_89 = arith.constant 0 : i32
        %swap3A_90 = arith.index_cast %swap3A_89 : i32 to index
        %swap3A_91 = arith.constant 80 : index
        %swap3A_92 = tpu.vector_load %arg18[%swap3A_90, %swap3A_91] {strides = array<i32>} : memref<32x128xf32, #tpu.memory_space<vmem>>, vector<16xf32>,
        tpu.vector_store %arg18[%swap3A_90, %swap3A_91], %broadcast_in_dim3A_68 {strides = array<i32>} : memref<32x128xf32, #tpu.memory_space<vmem>>, vector<16xf32>,
        %swap3A_93 = arith.constant 0 : i32
        %swap3A_94 = arith.index_cast %swap3A_93 : i32 to index
        %swap3A_95 = arith.constant 96 : index
        %swap3A_96 = tpu.vector_load %arg18[%swap3A_94, %swap3A_95] {strides = array<i32>} : memref<32x128xf32, #tpu.memory_space<vmem>>, vector<16xf32>,
        tpu.vector_store %arg18[%swap3A_94, %swap3A_95], %broadcast_in_dim3A_68 {strides = array<i32>} : memref<32x128xf32, #tpu.memory_space<vmem>>, vector<16xf32>,
        %swap3A_97 = arith.constant 0 : i32
        %swap3A_98 = arith.index_cast %swap3A_97 : i32 to index
        %swap3A_99 = arith.constant 112 : index
        %swap3A_100 = tpu.vector_load %arg18[%swap3A_98, %swap3A_99] {strides = array<i32>} : memref<32x128xf32, #tpu.memory_space<vmem>>, vector<16xf32>,
        tpu.vector_store %arg18[%swap3A_98, %swap3A_99], %broadcast_in_dim3A_68 {strides = array<i32>} : memref<32x128xf32, #tpu.memory_space<vmem>>, vector<16xf32>,
        %slice3A_101 = vector.extract_strided_slice %get3A_67 {offsets = [1], sizes = [1], strides = [1]} : vector<16xf32> to vector<1xf32>
        %squeeze3A_102 = vector.extract %slice3A_101[0] : f32 from vector<1xf32>
        %broadcast_in_dim3A_103 = vector.broadcast %squeeze3A_102 : f32 to vector<16xf32>
        %swap3A_104 = arith.constant 1 : i32
        %swap3A_105 = arith.index_cast %swap3A_104 : i32 to index
        %swap3A_106 = arith.constant 0 : index
        %swap3A_107 = tpu.vector_load %arg18[%swap3A_105, %swap3A_106] {strides = array<i32>} : memref<32x128xf32, #tpu.memory_space<vmem>>, vector<16xf32>,
        tpu.vector_store %arg18[%swap3A_105, %swap3A_106], %broadcast_in_dim3A_103 {strides = array<i32>} : memref<32x128xf32, #tpu.memory_space<vmem>>, vector<16xf32>,
        %swap3A_108 = arith.constant 1 : i32
        %swap3A_109 = arith.index_cast %swap3A_108 : i32 to index
        %swap3A_110 = arith.constant 16 : index
        %swap3A_111 = tpu.vector_load %arg18[%swap3A_109, %swap3A_110] {strides = array<i32>} : memref<32x128xf32, #tpu.memory_space<vmem>>, vector<16xf32>,
        tpu.vector_store %arg18[%swap3A_109, %swap3A_110], %broadcast_in_dim3A_103 {strides = array<i32>} : memref<32x128xf32, #tpu.memory_space<vmem>>, vector<16xf32>,
        %swap3A_112 = arith.constant 1 : i32
        %swap3A_113 = arith.index_cast %swap3A_112 : i32 to index
        %swap3A_114 = arith.constant 32 : index
        %swap3A_115 = tpu.vector_load %arg18[%swap3A_113, %swap3A_114] {strides = array<i32>} : memref<32x128xf32, #tpu.memory_space<vmem>>, vector<16xf32>,
        tpu.vector_store %arg18[%swap3A_113, %swap3A_114], %broadcast_in_dim3A_103 {strides = array<i32>} : memref<32x128xf32, #tpu.memory_space<vmem>>, vector<16xf32>,
        %swap3A_116 = arith.constant 1 : i32
        %swap3A_117 = arith.index_cast %swap3A_116 : i32 to index
        %swap3A_118 = arith.constant 48 : index
        %swap3A_119 = tpu.vector_load %arg18[%swap3A_117, %swap3A_118] {strides = array<i32>} : memref<32x128xf32, #tpu.memory_space<vmem>>, vector<16xf32>,
        tpu.vector_store %arg18[%swap3A_117, %swap3A_118], %broadcast_in_dim3A_103 {strides = array<i32>} : memref<32x128xf32, #tpu.memory_space<vmem>>, vector<16xf32>,
        %swap3A_120 = arith.constant 1 : i32
        %swap3A_121 = arith.index_cast %swap3A_120 : i32 to index
        %swap3A_122 = arith.constant 64 : index
        %swap3A_123 = tpu.vector_load %arg18[%swap3A_121, %swap3A_122] {strides = array<i32>} : memref<32x128xf32, #tpu.memory_space<vmem>>, vector<16xf32>,
        tpu.vector_store %arg18[%swap3A_121, %swap3A_122], %broadcast_in_dim3A_103 {strides = array<i32>} : memref<32x128xf32, #tpu.memory_space<vmem>>, vector<16xf32>,
        %swap3A_124 = arith.constant 1 : i32
        %swap3A_125 = arith.index_cast %swap3A_124 : i32 to index
        %swap3A_126 = arith.constant 80 : index
        %swap3A_127 = tpu.vector_load %arg18[%swap3A_125, %swap3A_126] {strides = array<i32>} : memref<32x128xf32, #tpu.memory_space<vmem>>, vector<16xf32>,
        tpu.vector_store %arg18[%swap3A_125, %swap3A_126], %broadcast_in_dim3A_103 {strides = array<i32>} : memref<32x128xf32, #tpu.memory_space<vmem>>, vector<16xf32>,
        %swap3A_128 = arith.constant 1 : i32
        %swap3A_129 = arith.index_cast %swap3A_128 : i32 to index
        %swap3A_130 = arith.constant 96 : index
        %swap3A_131 = tpu.vector_load %arg18[%swap3A_129, %swap3A_130] {strides = array<i32>} : memref<32x128xf32, #tpu.memory_space<vmem>>, vector<16xf32>,
        tpu.vector_store %arg18[%swap3A_129, %swap3A_130], %broadcast_in_dim3A_103 {strides = array<i32>} : memref<32x128xf32, #tpu.memory_space<vmem>>, vector<16xf32>,
        %swap3A_132 = arith.constant 1 : i32
        %swap3A_133 = arith.index_cast %swap3A_132 : i32 to index
        %swap3A_134 = arith.constant 112 : index
        %swap3A_135 = tpu.vector_load %arg18[%swap3A_133, %swap3A_134] {strides = array<i32>} : memref<32x128xf32, #tpu.memory_space<vmem>>, vector<16xf32>,
        tpu.vector_store %arg18[%swap3A_133, %swap3A_134], %broadcast_in_dim3A_103 {strides = array<i32>} : memref<32x128xf32, #tpu.memory_space<vmem>>, vector<16xf32>,
        %slice3A_136 = vector.extract_strided_slice %get3A_67 {offsets = [2], sizes = [1], strides = [1]} : vector<16xf32> to vector<1xf32>
        %squeeze3A_137 = vector.extract %slice3A_136[0] : f32 from vector<1xf32>
        %broadcast_in_dim3A_138 = vector.broadcast %squeeze3A_137 : f32 to vector<16xf32>
        %swap3A_139 = arith.constant 2 : i32
        %swap3A_140 = arith.index_cast %swap3A_139 : i32 to index
        %swap3A_141 = arith.constant 0 : index
        %swap3A_142 = tpu.vector_load %arg18[%swap3A_140, %swap3A_141] {strides = array<i32>} : memref<32x128xf32, #tpu.memory_space<vmem>>, vector<16xf32>,
        tpu.vector_store %arg18[%swap3A_140, %swap3A_141], %broadcast_in_dim3A_138 {strides = array<i32>} : memref<32x128xf32, #tpu.memory_space<vmem>>, vector<16xf32>,
        %swap3A_143 = arith.constant 2 : i32
        %swap3A_144 = arith.index_cast %swap3A_143 : i32 to index
        %swap3A_145 = arith.constant 16 : index
        %swap3A_146 = tpu.vector_load %arg18[%swap3A_144, %swap3A_145] {strides = array<i32>} : memref<32x128xf32, #tpu.memory_space<vmem>>, vector<16xf32>,
        tpu.vector_store %arg18[%swap3A_144, %swap3A_145], %broadcast_in_dim3A_138 {strides = array<i32>} : memref<32x128xf32, #tpu.memory_space<vmem>>, vector<16xf32>,
        %swap3A_147 = arith.constant 2 : i32
        %swap3A_148 = arith.index_cast %swap3A_147 : i32 to index
        %swap3A_149 = arith.constant 32 : index
        %swap3A_150 = tpu.vector_load %arg18[%swap3A_148, %swap3A_149] {strides = array<i32>} : memref<32x128xf32, #tpu.memory_space<vmem>>, vector<16xf32>,
        tpu.vector_store %arg18[%swap3A_148, %swap3A_149], %broadcast_in_dim3A_138 {strides = array<i32>} : memref<32x128xf32, #tpu.memory_space<vmem>>, vector<16xf32>,
        %swap3A_151 = arith.constant 2 : i32
        %swap3A_152 = arith.index_cast %swap3A_151 : i32 to index
        %swap3A_153 = arith.constant 48 : index
        %swap3A_154 = tpu.vector_load %arg18[%swap3A_152, %swap3A_153] {strides = array<i32>} : memref<32x128xf32, #tpu.memory_space<vmem>>, vector<16xf32>,
        tpu.vector_store %arg18[%swap3A_152, %swap3A_153], %broadcast_in_dim3A_138 {strides = array<i32>} : memref<32x128xf32, #tpu.memory_space<vmem>>, vector<16xf32>,
        %swap3A_155 = arith.constant 2 : i32
        %swap3A_156 = arith.index_cast %swap3A_155 : i32 to index
        %swap3A_157 = arith.constant 64 : index
        %swap3A_158 = tpu.vector_load %arg18[%swap3A_156, %swap3A_157] {strides = array<i32>} : memref<32x128xf32, #tpu.memory_space<vmem>>, vector<16xf32>,
        tpu.vector_store %arg18[%swap3A_156, %swap3A_157], %broadcast_in_dim3A_138 {strides = array<i32>} : memref<32x128xf32, #tpu.memory_space<vmem>>, vector<16xf32>,
        %swap3A_159 = arith.constant 2 : i32
        %swap3A_160 = arith.index_cast %swap3A_159 : i32 to index
        %swap3A_161 = arith.constant 80 : index
        %swap3A_162 = tpu.vector_load %arg18[%swap3A_160, %swap3A_161] {strides = array<i32>} : memref<32x128xf32, #tpu.memory_space<vmem>>, vector<16xf32>,
        tpu.vector_store %arg18[%swap3A_160, %swap3A_161], %broadcast_in_dim3A_138 {strides = array<i32>} : memref<32x128xf32, #tpu.memory_space<vmem>>, vector<16xf32>,
        %swap3A_163 = arith.constant 2 : i32
        %swap3A_164 = arith.index_cast %swap3A_163 : i32 to index
        %swap3A_165 = arith.constant 96 : index
        %swap3A_166 = tpu.vector_load %arg18[%swap3A_164, %swap3A_165] {strides = array<i32>} : memref<32x128xf32, #tpu.memory_space<vmem>>, vector<16xf32>,
        tpu.vector_store %arg18[%swap3A_164, %swap3A_165], %broadcast_in_dim3A_138 {strides = array<i32>} : memref<32x128xf32, #tpu.memory_space<vmem>>, vector<16xf32>,
        %swap3A_167 = arith.constant 2 : i32
        %swap3A_168 = arith.index_cast %swap3A_167 : i32 to index
        %swap3A_169 = arith.constant 112 : index
        %swap3A_170 = tpu.vector_load %arg18[%swap3A_168, %swap3A_169] {strides = array<i32>} : memref<32x128xf32, #tpu.memory_space<vmem>>, vector<16xf32>,
        tpu.vector_store %arg18[%swap3A_168, %swap3A_169], %broadcast_in_dim3A_138 {strides = array<i32>} : memref<32x128xf32, #tpu.memory_space<vmem>>, vector<16xf32>,
        %slice3A_171 = vector.extract_strided_slice %get3A_67 {offsets = [3], sizes = [1], strides = [1]} : vector<16xf32> to vector<1xf32>
        %squeeze3A_172 = vector.extract %slice3A_171[0] : f32 from vector<1xf32>
        %broadcast_in_dim3A_173 = vector.broadcast %squeeze3A_172 : f32 to vector<16xf32>
        %swap3A_174 = arith.constant 3 : i32
        %swap3A_175 = arith.index_cast %swap3A_174 : i32 to index
        %swap3A_176 = arith.constant 0 : index
        %swap3A_177 = tpu.vector_load %arg18[%swap3A_175, %swap3A_176] {strides = array<i32>} : memref<32x128xf32, #tpu.memory_space<vmem>>, vector<16xf32>,
        tpu.vector_store %arg18[%swap3A_175, %swap3A_176], %broadcast_in_dim3A_173 {strides = array<i32>} : memref<32x128xf32, #tpu.memory_space<vmem>>, vector<16xf32>,
        %swap3A_178 = arith.constant 3 : i32
        %swap3A_179 = arith.index_cast %swap3A_178 : i32 to index
        %swap3A_180 = arith.constant 16 : index
        %swap3A_181 = tpu.vector_load %arg18[%swap3A_179, %swap3A_180] {strides = array<i32>} : memref<32x128xf32, #tpu.memory_space<vmem>>, vector<16xf32>,
        tpu.vector_store %arg18[%swap3A_179, %swap3A_180], %broadcast_in_dim3A_173 {strides = array<i32>} : memref<32x128xf32, #tpu.memory_space<vmem>>, vector<16xf32>,
        %swap3A_182 = arith.constant 3 : i32
        %swap3A_183 = arith.index_cast %swap3A_182 : i32 to index
        %swap3A_184 = arith.constant 32 : index
        %swap3A_185 = tpu.vector_load %arg18[%swap3A_183, %swap3A_184] {strides = array<i32>} : memref<32x128xf32, #tpu.memory_space<vmem>>, vector<16xf32>,
        tpu.vector_store %arg18[%swap3A_183, %swap3A_184], %broadcast_in_dim3A_173 {strides = array<i32>} : memref<32x128xf32, #tpu.memory_space<vmem>>, vector<16xf32>,
        %swap3A_186 = arith.constant 3 : i32
        %swap3A_187 = arith.index_cast %swap3A_186 : i32 to index
        %swap3A_188 = arith.constant 48 : index
        %swap3A_189 = tpu.vector_load %arg18[%swap3A_187, %swap3A_188] {strides = array<i32>} : memref<32x128xf32, #tpu.memory_space<vmem>>, vector<16xf32>,
        tpu.vector_store %arg18[%swap3A_187, %swap3A_188], %broadcast_in_dim3A_173 {strides = array<i32>} : memref<32x128xf32, #tpu.memory_space<vmem>>, vector<16xf32>,
        %swap3A_190 = arith.constant 3 : i32
        %swap3A_191 = arith.index_cast %swap3A_190 : i32 to index
        %swap3A_192 = arith.constant 64 : index
        %swap3A_193 = tpu.vector_load %arg18[%swap3A_191, %swap3A_192] {strides = array<i32>} : memref<32x128xf32, #tpu.memory_space<vmem>>, vector<16xf32>,
        tpu.vector_store %arg18[%swap3A_191, %swap3A_192], %broadcast_in_dim3A_173 {strides = array<i32>} : memref<32x128xf32, #tpu.memory_space<vmem>>, vector<16xf32>,
        %swap3A_194 = arith.constant 3 : i32
        %swap3A_195 = arith.index_cast %swap3A_194 : i32 to index
        %swap3A_196 = arith.constant 80 : index
        %swap3A_197 = tpu.vector_load %arg18[%swap3A_195, %swap3A_196] {strides = array<i32>} : memref<32x128xf32, #tpu.memory_space<vmem>>, vector<16xf32>,
        tpu.vector_store %arg18[%swap3A_195, %swap3A_196], %broadcast_in_dim3A_173 {strides = array<i32>} : memref<32x128xf32, #tpu.memory_space<vmem>>, vector<16xf32>,
        %swap3A_198 = arith.constant 3 : i32
        %swap3A_199 = arith.index_cast %swap3A_198 : i32 to index
        %swap3A_200 = arith.constant 96 : index
        %swap3A_201 = tpu.vector_load %arg18[%swap3A_199, %swap3A_200] {strides = array<i32>} : memref<32x128xf32, #tpu.memory_space<vmem>>, vector<16xf32>,
        tpu.vector_store %arg18[%swap3A_199, %swap3A_200], %broadcast_in_dim3A_173 {strides = array<i32>} : memref<32x128xf32, #tpu.memory_space<vmem>>, vector<16xf32>,
        %swap3A_202 = arith.constant 3 : i32
        %swap3A_203 = arith.index_cast %swap3A_202 : i32 to index
        %swap3A_204 = arith.constant 112 : index
        %swap3A_205 = tpu.vector_load %arg18[%swap3A_203, %swap3A_204] {strides = array<i32>} : memref<32x128xf32, #tpu.memory_space<vmem>>, vector<16xf32>,
        tpu.vector_store %arg18[%swap3A_203, %swap3A_204], %broadcast_in_dim3A_173 {strides = array<i32>} : memref<32x128xf32, #tpu.memory_space<vmem>>, vector<16xf32>,
        %slice3A_206 = vector.extract_strided_slice %get3A_67 {offsets = [4], sizes = [1], strides = [1]} : vector<16xf32> to vector<1xf32>
        %squeeze3A_207 = vector.extract %slice3A_206[0] : f32 from vector<1xf32>
        %broadcast_in_dim3A_208 = vector.broadcast %squeeze3A_207 : f32 to vector<16xf32>
        %swap3A_209 = arith.constant 4 : i32
        %swap3A_210 = arith.index_cast %swap3A_209 : i32 to index
        %swap3A_211 = arith.constant 0 : index
        %swap3A_212 = tpu.vector_load %arg18[%swap3A_210, %swap3A_211] {strides = array<i32>} : memref<32x128xf32, #tpu.memory_space<vmem>>, vector<16xf32>,
        tpu.vector_store %arg18[%swap3A_210, %swap3A_211], %broadcast_in_dim3A_208 {strides = array<i32>} : memref<32x128xf32, #tpu.memory_space<vmem>>, vector<16xf32>,
        %swap3A_213 = arith.constant 4 : i32
        %swap3A_214 = arith.index_cast %swap3A_213 : i32 to index
        %swap3A_215 = arith.constant 16 : index
        %swap3A_216 = tpu.vector_load %arg18[%swap3A_214, %swap3A_215] {strides = array<i32>} : memref<32x128xf32, #tpu.memory_space<vmem>>, vector<16xf32>,
        tpu.vector_store %arg18[%swap3A_214, %swap3A_215], %broadcast_in_dim3A_208 {strides = array<i32>} : memref<32x128xf32, #tpu.memory_space<vmem>>, vector<16xf32>,
        %swap3A_217 = arith.constant 4 : i32
        %swap3A_218 = arith.index_cast %swap3A_217 : i32 to index
        %swap3A_219 = arith.constant 32 : index
        %swap3A_220 = tpu.vector_load %arg18[%swap3A_218, %swap3A_219] {strides = array<i32>} : memref<32x128xf32, #tpu.memory_space<vmem>>, vector<16xf32>,
        tpu.vector_store %arg18[%swap3A_218, %swap3A_219], %broadcast_in_dim3A_208 {strides = array<i32>} : memref<32x128xf32, #tpu.memory_space<vmem>>, vector<16xf32>,
        %swap3A_221 = arith.constant 4 : i32
        %swap3A_222 = arith.index_cast %swap3A_221 : i32 to index
        %swap3A_223 = arith.constant 48 : index
        %swap3A_224 = tpu.vector_load %arg18[%swap3A_222, %swap3A_223] {strides = array<i32>} : memref<32x128xf32, #tpu.memory_space<vmem>>, vector<16xf32>,
        tpu.vector_store %arg18[%swap3A_222, %swap3A_223], %broadcast_in_dim3A_208 {strides = array<i32>} : memref<32x128xf32, #tpu.memory_space<vmem>>, vector<16xf32>,
        %swap3A_225 = arith.constant 4 : i32
        %swap3A_226 = arith.index_cast %swap3A_225 : i32 to index
        %swap3A_227 = arith.constant 64 : index
        %swap3A_228 = tpu.vector_load %arg18[%swap3A_226, %swap3A_227] {strides = array<i32>} : memref<32x128xf32, #tpu.memory_space<vmem>>, vector<16xf32>,
        tpu.vector_store %arg18[%swap3A_226, %swap3A_227], %broadcast_in_dim3A_208 {strides = array<i32>} : memref<32x128xf32, #tpu.memory_space<vmem>>, vector<16xf32>,
        %swap3A_229 = arith.constant 4 : i32
        %swap3A_230 = arith.index_cast %swap3A_229 : i32 to index
        %swap3A_231 = arith.constant 80 : index
        %swap3A_232 = tpu.vector_load %arg18[%swap3A_230, %swap3A_231] {strides = array<i32>} : memref<32x128xf32, #tpu.memory_space<vmem>>, vector<16xf32>,
        tpu.vector_store %arg18[%swap3A_230, %swap3A_231], %broadcast_in_dim3A_208 {strides = array<i32>} : memref<32x128xf32, #tpu.memory_space<vmem>>, vector<16xf32>,
        %swap3A_233 = arith.constant 4 : i32
        %swap3A_234 = arith.index_cast %swap3A_233 : i32 to index
        %swap3A_235 = arith.constant 96 : index
        %swap3A_236 = tpu.vector_load %arg18[%swap3A_234, %swap3A_235] {strides = array<i32>} : memref<32x128xf32, #tpu.memory_space<vmem>>, vector<16xf32>,
        tpu.vector_store %arg18[%swap3A_234, %swap3A_235], %broadcast_in_dim3A_208 {strides = array<i32>} : memref<32x128xf32, #tpu.memory_space<vmem>>, vector<16xf32>,
        %swap3A_237 = arith.constant 4 : i32
        %swap3A_238 = arith.index_cast %swap3A_237 : i32 to index
        %swap3A_239 = arith.constant 112 : index
        %swap3A_240 = tpu.vector_load %arg18[%swap3A_238, %swap3A_239] {strides = array<i32>} : memref<32x128xf32, #tpu.memory_space<vmem>>, vector<16xf32>,
        tpu.vector_store %arg18[%swap3A_238, %swap3A_239], %broadcast_in_dim3A_208 {strides = array<i32>} : memref<32x128xf32, #tpu.memory_space<vmem>>, vector<16xf32>,
        %slice3A_241 = vector.extract_strided_slice %get3A_67 {offsets = [5], sizes = [1], strides = [1]} : vector<16xf32> to vector<1xf32>
        %squeeze3A_242 = vector.extract %slice3A_241[0] : f32 from vector<1xf32>
        %broadcast_in_dim3A_243 = vector.broadcast %squeeze3A_242 : f32 to vector<16xf32>
        %swap3A_244 = arith.constant 5 : i32
        %swap3A_245 = arith.index_cast %swap3A_244 : i32 to index
        %swap3A_246 = arith.constant 0 : index
        %swap3A_247 = tpu.vector_load %arg18[%swap3A_245, %swap3A_246] {strides = array<i32>} : memref<32x128xf32, #tpu.memory_space<vmem>>, vector<16xf32>,
        tpu.vector_store %arg18[%swap3A_245, %swap3A_246], %broadcast_in_dim3A_243 {strides = array<i32>} : memref<32x128xf32, #tpu.memory_space<vmem>>, vector<16xf32>,
        %swap3A_248 = arith.constant 5 : i32
        %swap3A_249 = arith.index_cast %swap3A_248 : i32 to index
        %swap3A_250 = arith.constant 16 : index
        %swap3A_251 = tpu.vector_load %arg18[%swap3A_249, %swap3A_250] {strides = array<i32>} : memref<32x128xf32, #tpu.memory_space<vmem>>, vector<16xf32>,
        tpu.vector_store %arg18[%swap3A_249, %swap3A_250], %broadcast_in_dim3A_243 {strides = array<i32>} : memref<32x128xf32, #tpu.memory_space<vmem>>, vector<16xf32>,
        %swap3A_252 = arith.constant 5 : i32
        %swap3A_253 = arith.index_cast %swap3A_252 : i32 to index
        %swap3A_254 = arith.constant 32 : index
        %swap3A_255 = tpu.vector_load %arg18[%swap3A_253, %swap3A_254] {strides = array<i32>} : memref<32x128xf32, #tpu.memory_space<vmem>>, vector<16xf32>,
        tpu.vector_store %arg18[%swap3A_253, %swap3A_254], %broadcast_in_dim3A_243 {strides = array<i32>} : memref<32x128xf32, #tpu.memory_space<vmem>>, vector<16xf32>,
        %swap3A_256 = arith.constant 5 : i32
        %swap3A_257 = arith.index_cast %swap3A_256 : i32 to index
        %swap3A_258 = arith.constant 48 : index
        %swap3A_259 = tpu.vector_load %arg18[%swap3A_257, %swap3A_258] {strides = array<i32>} : memref<32x128xf32, #tpu.memory_space<vmem>>, vector<16xf32>,
        tpu.vector_store %arg18[%swap3A_257, %swap3A_258], %broadcast_in_dim3A_243 {strides = array<i32>} : memref<32x128xf32, #tpu.memory_space<vmem>>, vector<16xf32>,
        %swap3A_260 = arith.constant 5 : i32
        %swap3A_261 = arith.index_cast %swap3A_260 : i32 to index
        %swap3A_262 = arith.constant 64 : index
        %swap3A_263 = tpu.vector_load %arg18[%swap3A_261, %swap3A_262] {strides = array<i32>} : memref<32x128xf32, #tpu.memory_space<vmem>>, vector<16xf32>,
        tpu.vector_store %arg18[%swap3A_261, %swap3A_262], %broadcast_in_dim3A_243 {strides = array<i32>} : memref<32x128xf32, #tpu.memory_space<vmem>>, vector<16xf32>,
        %swap3A_264 = arith.constant 5 : i32
        %swap3A_265 = arith.index_cast %swap3A_264 : i32 to index
        %swap3A_266 = arith.constant 80 : index
        %swap3A_267 = tpu.vector_load %arg18[%swap3A_265, %swap3A_266] {strides = array<i32>} : memref<32x128xf32, #tpu.memory_space<vmem>>, vector<16xf32>,
        tpu.vector_store %arg18[%swap3A_265, %swap3A_266], %broadcast_in_dim3A_243 {strides = array<i32>} : memref<32x128xf32, #tpu.memory_space<vmem>>, vector<16xf32>,
        %swap3A_268 = arith.constant 5 : i32
        %swap3A_269 = arith.index_cast %swap3A_268 : i32 to index
        %swap3A_270 = arith.constant 96 : index
        %swap3A_271 = tpu.vector_load %arg18[%swap3A_269, %swap3A_270] {strides = array<i32>} : memref<32x128xf32, #tpu.memory_space<vmem>>, vector<16xf32>,
        tpu.vector_store %arg18[%swap3A_269, %swap3A_270], %broadcast_in_dim3A_243 {strides = array<i32>} : memref<32x128xf32, #tpu.memory_space<vmem>>, vector<16xf32>,
        %swap3A_272 = arith.constant 5 : i32
        %swap3A_273 = arith.index_cast %swap3A_272 : i32 to index
        %swap3A_274 = arith.constant 112 : index
        %swap3A_275 = tpu.vector_load %arg18[%swap3A_273, %swap3A_274] {strides = array<i32>} : memref<32x128xf32, #tpu.memory_space<vmem>>, vector<16xf32>,
        tpu.vector_store %arg18[%swap3A_273, %swap3A_274], %broadcast_in_dim3A_243 {strides = array<i32>} : memref<32x128xf32, #tpu.memory_space<vmem>>, vector<16xf32>,
        %slice3A_276 = vector.extract_strided_slice %get3A_67 {offsets = [6], sizes = [1], strides = [1]} : vector<16xf32> to vector<1xf32>
        %squeeze3A_277 = vector.extract %slice3A_276[0] : f32 from vector<1xf32>
        %broadcast_in_dim3A_278 = vector.broadcast %squeeze3A_277 : f32 to vector<16xf32>
        %swap3A_279 = arith.constant 6 : i32
        %swap3A_280 = arith.index_cast %swap3A_279 : i32 to index
        %swap3A_281 = arith.constant 0 : index
        %swap3A_282 = tpu.vector_load %arg18[%swap3A_280, %swap3A_281] {strides = array<i32>} : memref<32x128xf32, #tpu.memory_space<vmem>>, vector<16xf32>,
        tpu.vector_store %arg18[%swap3A_280, %swap3A_281], %broadcast_in_dim3A_278 {strides = array<i32>} : memref<32x128xf32, #tpu.memory_space<vmem>>, vector<16xf32>,
        %swap3A_283 = arith.constant 6 : i32
        %swap3A_284 = arith.index_cast %swap3A_283 : i32 to index
        %swap3A_285 = arith.constant 16 : index
        %swap3A_286 = tpu.vector_load %arg18[%swap3A_284, %swap3A_285] {strides = array<i32>} : memref<32x128xf32, #tpu.memory_space<vmem>>, vector<16xf32>,
        tpu.vector_store %arg18[%swap3A_284, %swap3A_285], %broadcast_in_dim3A_278 {strides = array<i32>} : memref<32x128xf32, #tpu.memory_space<vmem>>, vector<16xf32>,
        %swap3A_287 = arith.constant 6 : i32
        %swap3A_288 = arith.index_cast %swap3A_287 : i32 to index
        %swap3A_289 = arith.constant 32 : index
        %swap3A_290 = tpu.vector_load %arg18[%swap3A_288, %swap3A_289] {strides = array<i32>} : memref<32x128xf32, #tpu.memory_space<vmem>>, vector<16xf32>,
        tpu.vector_store %arg18[%swap3A_288, %swap3A_289], %broadcast_in_dim3A_278 {strides = array<i32>} : memref<32x128xf32, #tpu.memory_space<vmem>>, vector<16xf32>,
        %swap3A_291 = arith.constant 6 : i32
        %swap3A_292 = arith.index_cast %swap3A_291 : i32 to index
        %swap3A_293 = arith.constant 48 : index
        %swap3A_294 = tpu.vector_load %arg18[%swap3A_292, %swap3A_293] {strides = array<i32>} : memref<32x128xf32, #tpu.memory_space<vmem>>, vector<16xf32>,
        tpu.vector_store %arg18[%swap3A_292, %swap3A_293], %broadcast_in_dim3A_278 {strides = array<i32>} : memref<32x128xf32, #tpu.memory_space<vmem>>, vector<16xf32>,
        %swap3A_295 = arith.constant 6 : i32
        %swap3A_296 = arith.index_cast %swap3A_295 : i32 to index
        %swap3A_297 = arith.constant 64 : index
        %swap3A_298 = tpu.vector_load %arg18[%swap3A_296, %swap3A_297] {strides = array<i32>} : memref<32x128xf32, #tpu.memory_space<vmem>>, vector<16xf32>,
        tpu.vector_store %arg18[%swap3A_296, %swap3A_297], %broadcast_in_dim3A_278 {strides = array<i32>} : memref<32x128xf32, #tpu.memory_space<vmem>>, vector<16xf32>,
        %swap3A_299 = arith.constant 6 : i32
        %swap3A_300 = arith.index_cast %swap3A_299 : i32 to index
        %swap3A_301 = arith.constant 80 : index
        %swap3A_302 = tpu.vector_load %arg18[%swap3A_300, %swap3A_301] {strides = array<i32>} : memref<32x128xf32, #tpu.memory_space<vmem>>, vector<16xf32>,
        tpu.vector_store %arg18[%swap3A_300, %swap3A_301], %broadcast_in_dim3A_278 {strides = array<i32>} : memref<32x128xf32, #tpu.memory_space<vmem>>, vector<16xf32>,
        %swap3A_303 = arith.constant 6 : i32
        %swap3A_304 = arith.index_cast %swap3A_303 : i32 to index
        %swap3A_305 = arith.constant 96 : index
        %swap3A_306 = tpu.vector_load %arg18[%swap3A_304, %swap3A_305] {strides = array<i32>} : memref<32x128xf32, #tpu.memory_space<vmem>>, vector<16xf32>,
        tpu.vector_store %arg18[%swap3A_304, %swap3A_305], %broadcast_in_dim3A_278 {strides = array<i32>} : memref<32x128xf32, #tpu.memory_space<vmem>>, vector<16xf32>,
        %swap3A_307 = arith.constant 6 : i32
        %swap3A_308 = arith.index_cast %swap3A_307 : i32 to index
        %swap3A_309 = arith.constant 112 : index
        %swap3A_310 = tpu.vector_load %arg18[%swap3A_308, %swap3A_309] {strides = array<i32>} : memref<32x128xf32, #tpu.memory_space<vmem>>, vector<16xf32>,
        tpu.vector_store %arg18[%swap3A_308, %swap3A_309], %broadcast_in_dim3A_278 {strides = array<i32>} : memref<32x128xf32, #tpu.memory_space<vmem>>, vector<16xf32>,
        %slice3A_311 = vector.extract_strided_slice %get3A_67 {offsets = [7], sizes = [1], strides = [1]} : vector<16xf32> to vector<1xf32>
        %squeeze3A_312 = vector.extract %slice3A_311[0] : f32 from vector<1xf32>
        %broadcast_in_dim3A_313 = vector.broadcast %squeeze3A_312 : f32 to vector<16xf32>
        %swap3A_314 = arith.constant 7 : i32
        %swap3A_315 = arith.index_cast %swap3A_314 : i32 to index
        %swap3A_316 = arith.constant 0 : index
        %swap3A_317 = tpu.vector_load %arg18[%swap3A_315, %swap3A_316] {strides = array<i32>} : memref<32x128xf32, #tpu.memory_space<vmem>>, vector<16xf32>,
        tpu.vector_store %arg18[%swap3A_315, %swap3A_316], %broadcast_in_dim3A_313 {strides = array<i32>} : memref<32x128xf32, #tpu.memory_space<vmem>>, vector<16xf32>,
        %swap3A_318 = arith.constant 7 : i32
        %swap3A_319 = arith.index_cast %swap3A_318 : i32 to index
        %swap3A_320 = arith.constant 16 : index
        %swap3A_321 = tpu.vector_load %arg18[%swap3A_319, %swap3A_320] {strides = array<i32>} : memref<32x128xf32, #tpu.memory_space<vmem>>, vector<16xf32>,
        tpu.vector_store %arg18[%swap3A_319, %swap3A_320], %broadcast_in_dim3A_313 {strides = array<i32>} : memref<32x128xf32, #tpu.memory_space<vmem>>, vector<16xf32>,
        %swap3A_322 = arith.constant 7 : i32
        %swap3A_323 = arith.index_cast %swap3A_322 : i32 to index
        %swap3A_324 = arith.constant 32 : index
        %swap3A_325 = tpu.vector_load %arg18[%swap3A_323, %swap3A_324] {strides = array<i32>} : memref<32x128xf32, #tpu.memory_space<vmem>>, vector<16xf32>,
        tpu.vector_store %arg18[%swap3A_323, %swap3A_324], %broadcast_in_dim3A_313 {strides = array<i32>} : memref<32x128xf32, #tpu.memory_space<vmem>>, vector<16xf32>,
        %swap3A_326 = arith.constant 7 : i32
        %swap3A_327 = arith.index_cast %swap3A_326 : i32 to index
        %swap3A_328 = arith.constant 48 : index
        %swap3A_329 = tpu.vector_load %arg18[%swap3A_327, %swap3A_328] {strides = array<i32>} : memref<32x128xf32, #tpu.memory_space<vmem>>, vector<16xf32>,
        tpu.vector_store %arg18[%swap3A_327, %swap3A_328], %broadcast_in_dim3A_313 {strides = array<i32>} : memref<32x128xf32, #tpu.memory_space<vmem>>, vector<16xf32>,
        %swap3A_330 = arith.constant 7 : i32
        %swap3A_331 = arith.index_cast %swap3A_330 : i32 to index
        %swap3A_332 = arith.constant 64 : index
        %swap3A_333 = tpu.vector_load %arg18[%swap3A_331, %swap3A_332] {strides = array<i32>} : memref<32x128xf32, #tpu.memory_space<vmem>>, vector<16xf32>,
        tpu.vector_store %arg18[%swap3A_331, %swap3A_332], %broadcast_in_dim3A_313 {strides = array<i32>} : memref<32x128xf32, #tpu.memory_space<vmem>>, vector<16xf32>,
        %swap3A_334 = arith.constant 7 : i32
        %swap3A_335 = arith.index_cast %swap3A_334 : i32 to index
        %swap3A_336 = arith.constant 80 : index
        %swap3A_337 = tpu.vector_load %arg18[%swap3A_335, %swap3A_336] {strides = array<i32>} : memref<32x128xf32, #tpu.memory_space<vmem>>, vector<16xf32>,
        tpu.vector_store %arg18[%swap3A_335, %swap3A_336], %broadcast_in_dim3A_313 {strides = array<i32>} : memref<32x128xf32, #tpu.memory_space<vmem>>, vector<16xf32>,
        %swap3A_338 = arith.constant 7 : i32
        %swap3A_339 = arith.index_cast %swap3A_338 : i32 to index
        %swap3A_340 = arith.constant 96 : index
        %swap3A_341 = tpu.vector_load %arg18[%swap3A_339, %swap3A_340] {strides = array<i32>} : memref<32x128xf32, #tpu.memory_space<vmem>>, vector<16xf32>,
        tpu.vector_store %arg18[%swap3A_339, %swap3A_340], %broadcast_in_dim3A_313 {strides = array<i32>} : memref<32x128xf32, #tpu.memory_space<vmem>>, vector<16xf32>,
        %swap3A_342 = arith.constant 7 : i32
        %swap3A_343 = arith.index_cast %swap3A_342 : i32 to index
        %swap3A_344 = arith.constant 112 : index
        %swap3A_345 = tpu.vector_load %arg18[%swap3A_343, %swap3A_344] {strides = array<i32>} : memref<32x128xf32, #tpu.memory_space<vmem>>, vector<16xf32>,
        tpu.vector_store %arg18[%swap3A_343, %swap3A_344], %broadcast_in_dim3A_313 {strides = array<i32>} : memref<32x128xf32, #tpu.memory_space<vmem>>, vector<16xf32>,
        %slice3A_346 = vector.extract_strided_slice %get3A_67 {offsets = [8], sizes = [1], strides = [1]} : vector<16xf32> to vector<1xf32>
        %squeeze3A_347 = vector.extract %slice3A_346[0] : f32 from vector<1xf32>
        %broadcast_in_dim3A_348 = vector.broadcast %squeeze3A_347 : f32 to vector<16xf32>
        %swap3A_349 = arith.constant 8 : i32
        %swap3A_350 = arith.index_cast %swap3A_349 : i32 to index
        %swap3A_351 = arith.constant 0 : index
        %swap3A_352 = tpu.vector_load %arg18[%swap3A_350, %swap3A_351] {strides = array<i32>} : memref<32x128xf32, #tpu.memory_space<vmem>>, vector<16xf32>,
        tpu.vector_store %arg18[%swap3A_350, %swap3A_351], %broadcast_in_dim3A_348 {strides = array<i32>} : memref<32x128xf32, #tpu.memory_space<vmem>>, vector<16xf32>,
        %swap3A_353 = arith.constant 8 : i32
        %swap3A_354 = arith.index_cast %swap3A_353 : i32 to index
        %swap3A_355 = arith.constant 16 : index
        %swap3A_356 = tpu.vector_load %arg18[%swap3A_354, %swap3A_355] {strides = array<i32>} : memref<32x128xf32, #tpu.memory_space<vmem>>, vector<16xf32>,
        tpu.vector_store %arg18[%swap3A_354, %swap3A_355], %broadcast_in_dim3A_348 {strides = array<i32>} : memref<32x128xf32, #tpu.memory_space<vmem>>, vector<16xf32>,
        %swap3A_357 = arith.constant 8 : i32
        %swap3A_358 = arith.index_cast %swap3A_357 : i32 to index
        %swap3A_359 = arith.constant 32 : index
        %swap3A_360 = tpu.vector_load %arg18[%swap3A_358, %swap3A_359] {strides = array<i32>} : memref<32x128xf32, #tpu.memory_space<vmem>>, vector<16xf32>,
        tpu.vector_store %arg18[%swap3A_358, %swap3A_359], %broadcast_in_dim3A_348 {strides = array<i32>} : memref<32x128xf32, #tpu.memory_space<vmem>>, vector<16xf32>,
        %swap3A_361 = arith.constant 8 : i32
        %swap3A_362 = arith.index_cast %swap3A_361 : i32 to index
        %swap3A_363 = arith.constant 48 : index
        %swap3A_364 = tpu.vector_load %arg18[%swap3A_362, %swap3A_363] {strides = array<i32>} : memref<32x128xf32, #tpu.memory_space<vmem>>, vector<16xf32>,
        tpu.vector_store %arg18[%swap3A_362, %swap3A_363], %broadcast_in_dim3A_348 {strides = array<i32>} : memref<32x128xf32, #tpu.memory_space<vmem>>, vector<16xf32>,
        %swap3A_365 = arith.constant 8 : i32
        %swap3A_366 = arith.index_cast %swap3A_365 : i32 to index
        %swap3A_367 = arith.constant 64 : index
        %swap3A_368 = tpu.vector_load %arg18[%swap3A_366, %swap3A_367] {strides = array<i32>} : memref<32x128xf32, #tpu.memory_space<vmem>>, vector<16xf32>,
        tpu.vector_store %arg18[%swap3A_366, %swap3A_367], %broadcast_in_dim3A_348 {strides = array<i32>} : memref<32x128xf32, #tpu.memory_space<vmem>>, vector<16xf32>,
        %swap3A_369 = arith.constant 8 : i32
        %swap3A_370 = arith.index_cast %swap3A_369 : i32 to index
        %swap3A_371 = arith.constant 80 : index
        %swap3A_372 = tpu.vector_load %arg18[%swap3A_370, %swap3A_371] {strides = array<i32>} : memref<32x128xf32, #tpu.memory_space<vmem>>, vector<16xf32>,
        tpu.vector_store %arg18[%swap3A_370, %swap3A_371], %broadcast_in_dim3A_348 {strides = array<i32>} : memref<32x128xf32, #tpu.memory_space<vmem>>, vector<16xf32>,
        %swap3A_373 = arith.constant 8 : i32
        %swap3A_374 = arith.index_cast %swap3A_373 : i32 to index
        %swap3A_375 = arith.constant 96 : index
        %swap3A_376 = tpu.vector_load %arg18[%swap3A_374, %swap3A_375] {strides = array<i32>} : memref<32x128xf32, #tpu.memory_space<vmem>>, vector<16xf32>,
        tpu.vector_store %arg18[%swap3A_374, %swap3A_375], %broadcast_in_dim3A_348 {strides = array<i32>} : memref<32x128xf32, #tpu.memory_space<vmem>>, vector<16xf32>,
        %swap3A_377 = arith.constant 8 : i32
        %swap3A_378 = arith.index_cast %swap3A_377 : i32 to index
        %swap3A_379 = arith.constant 112 : index
        %swap3A_380 = tpu.vector_load %arg18[%swap3A_378, %swap3A_379] {strides = array<i32>} : memref<32x128xf32, #tpu.memory_space<vmem>>, vector<16xf32>,
        tpu.vector_store %arg18[%swap3A_378, %swap3A_379], %broadcast_in_dim3A_348 {strides = array<i32>} : memref<32x128xf32, #tpu.memory_space<vmem>>, vector<16xf32>,
        %slice3A_381 = vector.extract_strided_slice %get3A_67 {offsets = [9], sizes = [1], strides = [1]} : vector<16xf32> to vector<1xf32>
        %squeeze3A_382 = vector.extract %slice3A_381[0] : f32 from vector<1xf32>
        %broadcast_in_dim3A_383 = vector.broadcast %squeeze3A_382 : f32 to vector<16xf32>
        %swap3A_384 = arith.constant 9 : i32
        %swap3A_385 = arith.index_cast %swap3A_384 : i32 to index
        %swap3A_386 = arith.constant 0 : index
        %swap3A_387 = tpu.vector_load %arg18[%swap3A_385, %swap3A_386] {strides = array<i32>} : memref<32x128xf32, #tpu.memory_space<vmem>>, vector<16xf32>,
        tpu.vector_store %arg18[%swap3A_385, %swap3A_386], %broadcast_in_dim3A_383 {strides = array<i32>} : memref<32x128xf32, #tpu.memory_space<vmem>>, vector<16xf32>,
        %swap3A_388 = arith.constant 9 : i32
        %swap3A_389 = arith.index_cast %swap3A_388 : i32 to index
        %swap3A_390 = arith.constant 16 : index
        %swap3A_391 = tpu.vector_load %arg18[%swap3A_389, %swap3A_390] {strides = array<i32>} : memref<32x128xf32, #tpu.memory_space<vmem>>, vector<16xf32>,
        tpu.vector_store %arg18[%swap3A_389, %swap3A_390], %broadcast_in_dim3A_383 {strides = array<i32>} : memref<32x128xf32, #tpu.memory_space<vmem>>, vector<16xf32>,
        %swap3A_392 = arith.constant 9 : i32
        %swap3A_393 = arith.index_cast %swap3A_392 : i32 to index
        %swap3A_394 = arith.constant 32 : index
        %swap3A_395 = tpu.vector_load %arg18[%swap3A_393, %swap3A_394] {strides = array<i32>} : memref<32x128xf32, #tpu.memory_space<vmem>>, vector<16xf32>,
        tpu.vector_store %arg18[%swap3A_393, %swap3A_394], %broadcast_in_dim3A_383 {strides = array<i32>} : memref<32x128xf32, #tpu.memory_space<vmem>>, vector<16xf32>,
        %swap3A_396 = arith.constant 9 : i32
        %swap3A_397 = arith.index_cast %swap3A_396 : i32 to index
        %swap3A_398 = arith.constant 48 : index
        %swap3A_399 = tpu.vector_load %arg18[%swap3A_397, %swap3A_398] {strides = array<i32>} : memref<32x128xf32, #tpu.memory_space<vmem>>, vector<16xf32>,
        tpu.vector_store %arg18[%swap3A_397, %swap3A_398], %broadcast_in_dim3A_383 {strides = array<i32>} : memref<32x128xf32, #tpu.memory_space<vmem>>, vector<16xf32>,
        %swap3A_400 = arith.constant 9 : i32
        %swap3A_401 = arith.index_cast %swap3A_400 : i32 to index
        %swap3A_402 = arith.constant 64 : index
        %swap3A_403 = tpu.vector_load %arg18[%swap3A_401, %swap3A_402] {strides = array<i32>} : memref<32x128xf32, #tpu.memory_space<vmem>>, vector<16xf32>,
        tpu.vector_store %arg18[%swap3A_401, %swap3A_402], %broadcast_in_dim3A_383 {strides = array<i32>} : memref<32x128xf32, #tpu.memory_space<vmem>>, vector<16xf32>,
        %swap3A_404 = arith.constant 9 : i32
        %swap3A_405 = arith.index_cast %swap3A_404 : i32 to index
        %swap3A_406 = arith.constant 80 : index
        %swap3A_407 = tpu.vector_load %arg18[%swap3A_405, %swap3A_406] {strides = array<i32>} : memref<32x128xf32, #tpu.memory_space<vmem>>, vector<16xf32>,
        tpu.vector_store %arg18[%swap3A_405, %swap3A_406], %broadcast_in_dim3A_383 {strides = array<i32>} : memref<32x128xf32, #tpu.memory_space<vmem>>, vector<16xf32>,
        %swap3A_408 = arith.constant 9 : i32
        %swap3A_409 = arith.index_cast %swap3A_408 : i32 to index
        %swap3A_410 = arith.constant 96 : index
        %swap3A_411 = tpu.vector_load %arg18[%swap3A_409, %swap3A_410] {strides = array<i32>} : memref<32x128xf32, #tpu.memory_space<vmem>>, vector<16xf32>,
        tpu.vector_store %arg18[%swap3A_409, %swap3A_410], %broadcast_in_dim3A_383 {strides = array<i32>} : memref<32x128xf32, #tpu.memory_space<vmem>>, vector<16xf32>,
        %swap3A_412 = arith.constant 9 : i32
        %swap3A_413 = arith.index_cast %swap3A_412 : i32 to index
        %swap3A_414 = arith.constant 112 : index
        %swap3A_415 = tpu.vector_load %arg18[%swap3A_413, %swap3A_414] {strides = array<i32>} : memref<32x128xf32, #tpu.memory_space<vmem>>, vector<16xf32>,
        tpu.vector_store %arg18[%swap3A_413, %swap3A_414], %broadcast_in_dim3A_383 {strides = array<i32>} : memref<32x128xf32, #tpu.memory_space<vmem>>, vector<16xf32>,
        %slice3A_416 = vector.extract_strided_slice %get3A_67 {offsets = [10], sizes = [1], strides = [1]} : vector<16xf32> to vector<1xf32>
        %squeeze3A_417 = vector.extract %slice3A_416[0] : f32 from vector<1xf32>
        %broadcast_in_dim3A_418 = vector.broadcast %squeeze3A_417 : f32 to vector<16xf32>
        %swap3A_419 = arith.constant 10 : i32
        %swap3A_420 = arith.index_cast %swap3A_419 : i32 to index
        %swap3A_421 = arith.constant 0 : index
        %swap3A_422 = tpu.vector_load %arg18[%swap3A_420, %swap3A_421] {strides = array<i32>} : memref<32x128xf32, #tpu.memory_space<vmem>>, vector<16xf32>,
        tpu.vector_store %arg18[%swap3A_420, %swap3A_421], %broadcast_in_dim3A_418 {strides = array<i32>} : memref<32x128xf32, #tpu.memory_space<vmem>>, vector<16xf32>,
        %swap3A_423 = arith.constant 10 : i32
        %swap3A_424 = arith.index_cast %swap3A_423 : i32 to index
        %swap3A_425 = arith.constant 16 : index
        %swap3A_426 = tpu.vector_load %arg18[%swap3A_424, %swap3A_425] {strides = array<i32>} : memref<32x128xf32, #tpu.memory_space<vmem>>, vector<16xf32>,
        tpu.vector_store %arg18[%swap3A_424, %swap3A_425], %broadcast_in_dim3A_418 {strides = array<i32>} : memref<32x128xf32, #tpu.memory_space<vmem>>, vector<16xf32>,
        %swap3A_427 = arith.constant 10 : i32
        %swap3A_428 = arith.index_cast %swap3A_427 : i32 to index
        %swap3A_429 = arith.constant 32 : index
        %swap3A_430 = tpu.vector_load %arg18[%swap3A_428, %swap3A_429] {strides = array<i32>} : memref<32x128xf32, #tpu.memory_space<vmem>>, vector<16xf32>,
        tpu.vector_store %arg18[%swap3A_428, %swap3A_429], %broadcast_in_dim3A_418 {strides = array<i32>} : memref<32x128xf32, #tpu.memory_space<vmem>>, vector<16xf32>,
        %swap3A_431 = arith.constant 10 : i32
        %swap3A_432 = arith.index_cast %swap3A_431 : i32 to index
        %swap3A_433 = arith.constant 48 : index
        %swap3A_434 = tpu.vector_load %arg18[%swap3A_432, %swap3A_433] {strides = array<i32>} : memref<32x128xf32, #tpu.memory_space<vmem>>, vector<16xf32>,
        tpu.vector_store %arg18[%swap3A_432, %swap3A_433], %broadcast_in_dim3A_418 {strides = array<i32>} : memref<32x128xf32, #tpu.memory_space<vmem>>, vector<16xf32>,
        %swap3A_435 = arith.constant 10 : i32
        %swap3A_436 = arith.index_cast %swap3A_435 : i32 to index
        %swap3A_437 = arith.constant 64 : index
        %swap3A_438 = tpu.vector_load %arg18[%swap3A_436, %swap3A_437] {strides = array<i32>} : memref<32x128xf32, #tpu.memory_space<vmem>>, vector<16xf32>,
        tpu.vector_store %arg18[%swap3A_436, %swap3A_437], %broadcast_in_dim3A_418 {strides = array<i32>} : memref<32x128xf32, #tpu.memory_space<vmem>>, vector<16xf32>,
        %swap3A_439 = arith.constant 10 : i32
        %swap3A_440 = arith.index_cast %swap3A_439 : i32 to index
        %swap3A_441 = arith.constant 80 : index
        %swap3A_442 = tpu.vector_load %arg18[%swap3A_440, %swap3A_441] {strides = array<i32>} : memref<32x128xf32, #tpu.memory_space<vmem>>, vector<16xf32>,
        tpu.vector_store %arg18[%swap3A_440, %swap3A_441], %broadcast_in_dim3A_418 {strides = array<i32>} : memref<32x128xf32, #tpu.memory_space<vmem>>, vector<16xf32>,
        %swap3A_443 = arith.constant 10 : i32
        %swap3A_444 = arith.index_cast %swap3A_443 : i32 to index
        %swap3A_445 = arith.constant 96 : index
        %swap3A_446 = tpu.vector_load %arg18[%swap3A_444, %swap3A_445] {strides = array<i32>} : memref<32x128xf32, #tpu.memory_space<vmem>>, vector<16xf32>,
        tpu.vector_store %arg18[%swap3A_444, %swap3A_445], %broadcast_in_dim3A_418 {strides = array<i32>} : memref<32x128xf32, #tpu.memory_space<vmem>>, vector<16xf32>,
        %swap3A_447 = arith.constant 10 : i32
        %swap3A_448 = arith.index_cast %swap3A_447 : i32 to index
        %swap3A_449 = arith.constant 112 : index
        %swap3A_450 = tpu.vector_load %arg18[%swap3A_448, %swap3A_449] {strides = array<i32>} : memref<32x128xf32, #tpu.memory_space<vmem>>, vector<16xf32>,
        tpu.vector_store %arg18[%swap3A_448, %swap3A_449], %broadcast_in_dim3A_418 {strides = array<i32>} : memref<32x128xf32, #tpu.memory_space<vmem>>, vector<16xf32>,
        %slice3A_451 = vector.extract_strided_slice %get3A_67 {offsets = [11], sizes = [1], strides = [1]} : vector<16xf32> to vector<1xf32>
        %squeeze3A_452 = vector.extract %slice3A_451[0] : f32 from vector<1xf32>
        %broadcast_in_dim3A_453 = vector.broadcast %squeeze3A_452 : f32 to vector<16xf32>
        %swap3A_454 = arith.constant 11 : i32
        %swap3A_455 = arith.index_cast %swap3A_454 : i32 to index
        %swap3A_456 = arith.constant 0 : index
        %swap3A_457 = tpu.vector_load %arg18[%swap3A_455, %swap3A_456] {strides = array<i32>} : memref<32x128xf32, #tpu.memory_space<vmem>>, vector<16xf32>,
        tpu.vector_store %arg18[%swap3A_455, %swap3A_456], %broadcast_in_dim3A_453 {strides = array<i32>} : memref<32x128xf32, #tpu.memory_space<vmem>>, vector<16xf32>,
        %swap3A_458 = arith.constant 11 : i32
        %swap3A_459 = arith.index_cast %swap3A_458 : i32 to index
        %swap3A_460 = arith.constant 16 : index
        %swap3A_461 = tpu.vector_load %arg18[%swap3A_459, %swap3A_460] {strides = array<i32>} : memref<32x128xf32, #tpu.memory_space<vmem>>, vector<16xf32>,
        tpu.vector_store %arg18[%swap3A_459, %swap3A_460], %broadcast_in_dim3A_453 {strides = array<i32>} : memref<32x128xf32, #tpu.memory_space<vmem>>, vector<16xf32>,
        %swap3A_462 = arith.constant 11 : i32
        %swap3A_463 = arith.index_cast %swap3A_462 : i32 to index
        %swap3A_464 = arith.constant 32 : index
        %swap3A_465 = tpu.vector_load %arg18[%swap3A_463, %swap3A_464] {strides = array<i32>} : memref<32x128xf32, #tpu.memory_space<vmem>>, vector<16xf32>,
        tpu.vector_store %arg18[%swap3A_463, %swap3A_464], %broadcast_in_dim3A_453 {strides = array<i32>} : memref<32x128xf32, #tpu.memory_space<vmem>>, vector<16xf32>,
        %swap3A_466 = arith.constant 11 : i32
        %swap3A_467 = arith.index_cast %swap3A_466 : i32 to index
        %swap3A_468 = arith.constant 48 : index
        %swap3A_469 = tpu.vector_load %arg18[%swap3A_467, %swap3A_468] {strides = array<i32>} : memref<32x128xf32, #tpu.memory_space<vmem>>, vector<16xf32>,
        tpu.vector_store %arg18[%swap3A_467, %swap3A_468], %broadcast_in_dim3A_453 {strides = array<i32>} : memref<32x128xf32, #tpu.memory_space<vmem>>, vector<16xf32>,
        %swap3A_470 = arith.constant 11 : i32
        %swap3A_471 = arith.index_cast %swap3A_470 : i32 to index
        %swap3A_472 = arith.constant 64 : index
        %swap3A_473 = tpu.vector_load %arg18[%swap3A_471, %swap3A_472] {strides = array<i32>} : memref<32x128xf32, #tpu.memory_space<vmem>>, vector<16xf32>,
        tpu.vector_store %arg18[%swap3A_471, %swap3A_472], %broadcast_in_dim3A_453 {strides = array<i32>} : memref<32x128xf32, #tpu.memory_space<vmem>>, vector<16xf32>,
        %swap3A_474 = arith.constant 11 : i32
        %swap3A_475 = arith.index_cast %swap3A_474 : i32 to index
        %swap3A_476 = arith.constant 80 : index
        %swap3A_477 = tpu.vector_load %arg18[%swap3A_475, %swap3A_476] {strides = array<i32>} : memref<32x128xf32, #tpu.memory_space<vmem>>, vector<16xf32>,
        tpu.vector_store %arg18[%swap3A_475, %swap3A_476], %broadcast_in_dim3A_453 {strides = array<i32>} : memref<32x128xf32, #tpu.memory_space<vmem>>, vector<16xf32>,
        %swap3A_478 = arith.constant 11 : i32
        %swap3A_479 = arith.index_cast %swap3A_478 : i32 to index
        %swap3A_480 = arith.constant 96 : index
        %swap3A_481 = tpu.vector_load %arg18[%swap3A_479, %swap3A_480] {strides = array<i32>} : memref<32x128xf32, #tpu.memory_space<vmem>>, vector<16xf32>,
        tpu.vector_store %arg18[%swap3A_479, %swap3A_480], %broadcast_in_dim3A_453 {strides = array<i32>} : memref<32x128xf32, #tpu.memory_space<vmem>>, vector<16xf32>,
        %swap3A_482 = arith.constant 11 : i32
        %swap3A_483 = arith.index_cast %swap3A_482 : i32 to index
        %swap3A_484 = arith.constant 112 : index
        %swap3A_485 = tpu.vector_load %arg18[%swap3A_483, %swap3A_484] {strides = array<i32>} : memref<32x128xf32, #tpu.memory_space<vmem>>, vector<16xf32>,
        tpu.vector_store %arg18[%swap3A_483, %swap3A_484], %broadcast_in_dim3A_453 {strides = array<i32>} : memref<32x128xf32, #tpu.memory_space<vmem>>, vector<16xf32>,
        %slice3A_486 = vector.extract_strided_slice %get3A_67 {offsets = [12], sizes = [1], strides = [1]} : vector<16xf32> to vector<1xf32>
        %squeeze3A_487 = vector.extract %slice3A_486[0] : f32 from vector<1xf32>
        %broadcast_in_dim3A_488 = vector.broadcast %squeeze3A_487 : f32 to vector<16xf32>
        %swap3A_489 = arith.constant 12 : i32
        %swap3A_490 = arith.index_cast %swap3A_489 : i32 to index
        %swap3A_491 = arith.constant 0 : index
        %swap3A_492 = tpu.vector_load %arg18[%swap3A_490, %swap3A_491] {strides = array<i32>} : memref<32x128xf32, #tpu.memory_space<vmem>>, vector<16xf32>,
        tpu.vector_store %arg18[%swap3A_490, %swap3A_491], %broadcast_in_dim3A_488 {strides = array<i32>} : memref<32x128xf32, #tpu.memory_space<vmem>>, vector<16xf32>,
        %swap3A_493 = arith.constant 12 : i32
        %swap3A_494 = arith.index_cast %swap3A_493 : i32 to index
        %swap3A_495 = arith.constant 16 : index
        %swap3A_496 = tpu.vector_load %arg18[%swap3A_494, %swap3A_495] {strides = array<i32>} : memref<32x128xf32, #tpu.memory_space<vmem>>, vector<16xf32>,
        tpu.vector_store %arg18[%swap3A_494, %swap3A_495], %broadcast_in_dim3A_488 {strides = array<i32>} : memref<32x128xf32, #tpu.memory_space<vmem>>, vector<16xf32>,
        %swap3A_497 = arith.constant 12 : i32
        %swap3A_498 = arith.index_cast %swap3A_497 : i32 to index
        %swap3A_499 = arith.constant 32 : index
        %swap3A_500 = tpu.vector_load %arg18[%swap3A_498, %swap3A_499] {strides = array<i32>} : memref<32x128xf32, #tpu.memory_space<vmem>>, vector<16xf32>,
        tpu.vector_store %arg18[%swap3A_498, %swap3A_499], %broadcast_in_dim3A_488 {strides = array<i32>} : memref<32x128xf32, #tpu.memory_space<vmem>>, vector<16xf32>,
        %swap3A_501 = arith.constant 12 : i32
        %swap3A_502 = arith.index_cast %swap3A_501 : i32 to index
        %swap3A_503 = arith.constant 48 : index
        %swap3A_504 = tpu.vector_load %arg18[%swap3A_502, %swap3A_503] {strides = array<i32>} : memref<32x128xf32, #tpu.memory_space<vmem>>, vector<16xf32>,
        tpu.vector_store %arg18[%swap3A_502, %swap3A_503], %broadcast_in_dim3A_488 {strides = array<i32>} : memref<32x128xf32, #tpu.memory_space<vmem>>, vector<16xf32>,
        %swap3A_505 = arith.constant 12 : i32
        %swap3A_506 = arith.index_cast %swap3A_505 : i32 to index
        %swap3A_507 = arith.constant 64 : index
        %swap3A_508 = tpu.vector_load %arg18[%swap3A_506, %swap3A_507] {strides = array<i32>} : memref<32x128xf32, #tpu.memory_space<vmem>>, vector<16xf32>,
        tpu.vector_store %arg18[%swap3A_506, %swap3A_507], %broadcast_in_dim3A_488 {strides = array<i32>} : memref<32x128xf32, #tpu.memory_space<vmem>>, vector<16xf32>,
        %swap3A_509 = arith.constant 12 : i32
        %swap3A_510 = arith.index_cast %swap3A_509 : i32 to index
        %swap3A_511 = arith.constant 80 : index
        %swap3A_512 = tpu.vector_load %arg18[%swap3A_510, %swap3A_511] {strides = array<i32>} : memref<32x128xf32, #tpu.memory_space<vmem>>, vector<16xf32>,
        tpu.vector_store %arg18[%swap3A_510, %swap3A_511], %broadcast_in_dim3A_488 {strides = array<i32>} : memref<32x128xf32, #tpu.memory_space<vmem>>, vector<16xf32>,
        %swap3A_513 = arith.constant 12 : i32
        %swap3A_514 = arith.index_cast %swap3A_513 : i32 to index
        %swap3A_515 = arith.constant 96 : index
        %swap3A_516 = tpu.vector_load %arg18[%swap3A_514, %swap3A_515] {strides = array<i32>} : memref<32x128xf32, #tpu.memory_space<vmem>>, vector<16xf32>,
        tpu.vector_store %arg18[%swap3A_514, %swap3A_515], %broadcast_in_dim3A_488 {strides = array<i32>} : memref<32x128xf32, #tpu.memory_space<vmem>>, vector<16xf32>,
        %swap3A_517 = arith.constant 12 : i32
        %swap3A_518 = arith.index_cast %swap3A_517 : i32 to index
        %swap3A_519 = arith.constant 112 : index
        %swap3A_520 = tpu.vector_load %arg18[%swap3A_518, %swap3A_519] {strides = array<i32>} : memref<32x128xf32, #tpu.memory_space<vmem>>, vector<16xf32>,
        tpu.vector_store %arg18[%swap3A_518, %swap3A_519], %broadcast_in_dim3A_488 {strides = array<i32>} : memref<32x128xf32, #tpu.memory_space<vmem>>, vector<16xf32>,
        %slice3A_521 = vector.extract_strided_slice %get3A_67 {offsets = [13], sizes = [1], strides = [1]} : vector<16xf32> to vector<1xf32>
        %squeeze3A_522 = vector.extract %slice3A_521[0] : f32 from vector<1xf32>
        %broadcast_in_dim3A_523 = vector.broadcast %squeeze3A_522 : f32 to vector<16xf32>
        %swap3A_524 = arith.constant 13 : i32
        %swap3A_525 = arith.index_cast %swap3A_524 : i32 to index
        %swap3A_526 = arith.constant 0 : index
        %swap3A_527 = tpu.vector_load %arg18[%swap3A_525, %swap3A_526] {strides = array<i32>} : memref<32x128xf32, #tpu.memory_space<vmem>>, vector<16xf32>,
        tpu.vector_store %arg18[%swap3A_525, %swap3A_526], %broadcast_in_dim3A_523 {strides = array<i32>} : memref<32x128xf32, #tpu.memory_space<vmem>>, vector<16xf32>,
        %swap3A_528 = arith.constant 13 : i32
        %swap3A_529 = arith.index_cast %swap3A_528 : i32 to index
        %swap3A_530 = arith.constant 16 : index
        %swap3A_531 = tpu.vector_load %arg18[%swap3A_529, %swap3A_530] {strides = array<i32>} : memref<32x128xf32, #tpu.memory_space<vmem>>, vector<16xf32>,
        tpu.vector_store %arg18[%swap3A_529, %swap3A_530], %broadcast_in_dim3A_523 {strides = array<i32>} : memref<32x128xf32, #tpu.memory_space<vmem>>, vector<16xf32>,
        %swap3A_532 = arith.constant 13 : i32
        %swap3A_533 = arith.index_cast %swap3A_532 : i32 to index
        %swap3A_534 = arith.constant 32 : index
        %swap3A_535 = tpu.vector_load %arg18[%swap3A_533, %swap3A_534] {strides = array<i32>} : memref<32x128xf32, #tpu.memory_space<vmem>>, vector<16xf32>,
        tpu.vector_store %arg18[%swap3A_533, %swap3A_534], %broadcast_in_dim3A_523 {strides = array<i32>} : memref<32x128xf32, #tpu.memory_space<vmem>>, vector<16xf32>,
        %swap3A_536 = arith.constant 13 : i32
        %swap3A_537 = arith.index_cast %swap3A_536 : i32 to index
        %swap3A_538 = arith.constant 48 : index
        %swap3A_539 = tpu.vector_load %arg18[%swap3A_537, %swap3A_538] {strides = array<i32>} : memref<32x128xf32, #tpu.memory_space<vmem>>, vector<16xf32>,
        tpu.vector_store %arg18[%swap3A_537, %swap3A_538], %broadcast_in_dim3A_523 {strides = array<i32>} : memref<32x128xf32, #tpu.memory_space<vmem>>, vector<16xf32>,
        %swap3A_540 = arith.constant 13 : i32
        %swap3A_541 = arith.index_cast %swap3A_540 : i32 to index
        %swap3A_542 = arith.constant 64 : index
        %swap3A_543 = tpu.vector_load %arg18[%swap3A_541, %swap3A_542] {strides = array<i32>} : memref<32x128xf32, #tpu.memory_space<vmem>>, vector<16xf32>,
        tpu.vector_store %arg18[%swap3A_541, %swap3A_542], %broadcast_in_dim3A_523 {strides = array<i32>} : memref<32x128xf32, #tpu.memory_space<vmem>>, vector<16xf32>,
        %swap3A_544 = arith.constant 13 : i32
        %swap3A_545 = arith.index_cast %swap3A_544 : i32 to index
        %swap3A_546 = arith.constant 80 : index
        %swap3A_547 = tpu.vector_load %arg18[%swap3A_545, %swap3A_546] {strides = array<i32>} : memref<32x128xf32, #tpu.memory_space<vmem>>, vector<16xf32>,
        tpu.vector_store %arg18[%swap3A_545, %swap3A_546], %broadcast_in_dim3A_523 {strides = array<i32>} : memref<32x128xf32, #tpu.memory_space<vmem>>, vector<16xf32>,
        %swap3A_548 = arith.constant 13 : i32
        %swap3A_549 = arith.index_cast %swap3A_548 : i32 to index
        %swap3A_550 = arith.constant 96 : index
        %swap3A_551 = tpu.vector_load %arg18[%swap3A_549, %swap3A_550] {strides = array<i32>} : memref<32x128xf32, #tpu.memory_space<vmem>>, vector<16xf32>,
        tpu.vector_store %arg18[%swap3A_549, %swap3A_550], %broadcast_in_dim3A_523 {strides = array<i32>} : memref<32x128xf32, #tpu.memory_space<vmem>>, vector<16xf32>,
        %swap3A_552 = arith.constant 13 : i32
        %swap3A_553 = arith.index_cast %swap3A_552 : i32 to index
        %swap3A_554 = arith.constant 112 : index
        %swap3A_555 = tpu.vector_load %arg18[%swap3A_553, %swap3A_554] {strides = array<i32>} : memref<32x128xf32, #tpu.memory_space<vmem>>, vector<16xf32>,
        tpu.vector_store %arg18[%swap3A_553, %swap3A_554], %broadcast_in_dim3A_523 {strides = array<i32>} : memref<32x128xf32, #tpu.memory_space<vmem>>, vector<16xf32>,
        %slice3A_556 = vector.extract_strided_slice %get3A_67 {offsets = [14], sizes = [1], strides = [1]} : vector<16xf32> to vector<1xf32>
        %squeeze3A_557 = vector.extract %slice3A_556[0] : f32 from vector<1xf32>
        %broadcast_in_dim3A_558 = vector.broadcast %squeeze3A_557 : f32 to vector<16xf32>
        %swap3A_559 = arith.constant 14 : i32
        %swap3A_560 = arith.index_cast %swap3A_559 : i32 to index
        %swap3A_561 = arith.constant 0 : index
        %swap3A_562 = tpu.vector_load %arg18[%swap3A_560, %swap3A_561] {strides = array<i32>} : memref<32x128xf32, #tpu.memory_space<vmem>>, vector<16xf32>,
        tpu.vector_store %arg18[%swap3A_560, %swap3A_561], %broadcast_in_dim3A_558 {strides = array<i32>} : memref<32x128xf32, #tpu.memory_space<vmem>>, vector<16xf32>,
        %swap3A_563 = arith.constant 14 : i32
        %swap3A_564 = arith.index_cast %swap3A_563 : i32 to index
        %swap3A_565 = arith.constant 16 : index
        %swap3A_566 = tpu.vector_load %arg18[%swap3A_564, %swap3A_565] {strides = array<i32>} : memref<32x128xf32, #tpu.memory_space<vmem>>, vector<16xf32>,
        tpu.vector_store %arg18[%swap3A_564, %swap3A_565], %broadcast_in_dim3A_558 {strides = array<i32>} : memref<32x128xf32, #tpu.memory_space<vmem>>, vector<16xf32>,
        %swap3A_567 = arith.constant 14 : i32
        %swap3A_568 = arith.index_cast %swap3A_567 : i32 to index
        %swap3A_569 = arith.constant 32 : index
        %swap3A_570 = tpu.vector_load %arg18[%swap3A_568, %swap3A_569] {strides = array<i32>} : memref<32x128xf32, #tpu.memory_space<vmem>>, vector<16xf32>,
        tpu.vector_store %arg18[%swap3A_568, %swap3A_569], %broadcast_in_dim3A_558 {strides = array<i32>} : memref<32x128xf32, #tpu.memory_space<vmem>>, vector<16xf32>,
        %swap3A_571 = arith.constant 14 : i32
        %swap3A_572 = arith.index_cast %swap3A_571 : i32 to index
        %swap3A_573 = arith.constant 48 : index
        %swap3A_574 = tpu.vector_load %arg18[%swap3A_572, %swap3A_573] {strides = array<i32>} : memref<32x128xf32, #tpu.memory_space<vmem>>, vector<16xf32>,
        tpu.vector_store %arg18[%swap3A_572, %swap3A_573], %broadcast_in_dim3A_558 {strides = array<i32>} : memref<32x128xf32, #tpu.memory_space<vmem>>, vector<16xf32>,
        %swap3A_575 = arith.constant 14 : i32
        %swap3A_576 = arith.index_cast %swap3A_575 : i32 to index
        %swap3A_577 = arith.constant 64 : index
        %swap3A_578 = tpu.vector_load %arg18[%swap3A_576, %swap3A_577] {strides = array<i32>} : memref<32x128xf32, #tpu.memory_space<vmem>>, vector<16xf32>,
        tpu.vector_store %arg18[%swap3A_576, %swap3A_577], %broadcast_in_dim3A_558 {strides = array<i32>} : memref<32x128xf32, #tpu.memory_space<vmem>>, vector<16xf32>,
        %swap3A_579 = arith.constant 14 : i32
        %swap3A_580 = arith.index_cast %swap3A_579 : i32 to index
        %swap3A_581 = arith.constant 80 : index
        %swap3A_582 = tpu.vector_load %arg18[%swap3A_580, %swap3A_581] {strides = array<i32>} : memref<32x128xf32, #tpu.memory_space<vmem>>, vector<16xf32>,
        tpu.vector_store %arg18[%swap3A_580, %swap3A_581], %broadcast_in_dim3A_558 {strides = array<i32>} : memref<32x128xf32, #tpu.memory_space<vmem>>, vector<16xf32>,
        %swap3A_583 = arith.constant 14 : i32
        %swap3A_584 = arith.index_cast %swap3A_583 : i32 to index
        %swap3A_585 = arith.constant 96 : index
        %swap3A_586 = tpu.vector_load %arg18[%swap3A_584, %swap3A_585] {strides = array<i32>} : memref<32x128xf32, #tpu.memory_space<vmem>>, vector<16xf32>,
        tpu.vector_store %arg18[%swap3A_584, %swap3A_585], %broadcast_in_dim3A_558 {strides = array<i32>} : memref<32x128xf32, #tpu.memory_space<vmem>>, vector<16xf32>,
        %swap3A_587 = arith.constant 14 : i32
        %swap3A_588 = arith.index_cast %swap3A_587 : i32 to index
        %swap3A_589 = arith.constant 112 : index
        %swap3A_590 = tpu.vector_load %arg18[%swap3A_588, %swap3A_589] {strides = array<i32>} : memref<32x128xf32, #tpu.memory_space<vmem>>, vector<16xf32>,
        tpu.vector_store %arg18[%swap3A_588, %swap3A_589], %broadcast_in_dim3A_558 {strides = array<i32>} : memref<32x128xf32, #tpu.memory_space<vmem>>, vector<16xf32>,
        %slice3A_591 = vector.extract_strided_slice %get3A_67 {offsets = [15], sizes = [1], strides = [1]} : vector<16xf32> to vector<1xf32>
        %squeeze3A_592 = vector.extract %slice3A_591[0] : f32 from vector<1xf32>
        %broadcast_in_dim3A_593 = vector.broadcast %squeeze3A_592 : f32 to vector<16xf32>
        %swap3A_594 = arith.constant 15 : i32
        %swap3A_595 = arith.index_cast %swap3A_594 : i32 to index
        %swap3A_596 = arith.constant 0 : index
        %swap3A_597 = tpu.vector_load %arg18[%swap3A_595, %swap3A_596] {strides = array<i32>} : memref<32x128xf32, #tpu.memory_space<vmem>>, vector<16xf32>,
        tpu.vector_store %arg18[%swap3A_595, %swap3A_596], %broadcast_in_dim3A_593 {strides = array<i32>} : memref<32x128xf32, #tpu.memory_space<vmem>>, vector<16xf32>,
        %swap3A_598 = arith.constant 15 : i32
        %swap3A_599 = arith.index_cast %swap3A_598 : i32 to index
        %swap3A_600 = arith.constant 16 : index
        %swap3A_601 = tpu.vector_load %arg18[%swap3A_599, %swap3A_600] {strides = array<i32>} : memref<32x128xf32, #tpu.memory_space<vmem>>, vector<16xf32>,
        tpu.vector_store %arg18[%swap3A_599, %swap3A_600], %broadcast_in_dim3A_593 {strides = array<i32>} : memref<32x128xf32, #tpu.memory_space<vmem>>, vector<16xf32>,
        %swap3A_602 = arith.constant 15 : i32
        %swap3A_603 = arith.index_cast %swap3A_602 : i32 to index
        %swap3A_604 = arith.constant 32 : index
        %swap3A_605 = tpu.vector_load %arg18[%swap3A_603, %swap3A_604] {strides = array<i32>} : memref<32x128xf32, #tpu.memory_space<vmem>>, vector<16xf32>,
        tpu.vector_store %arg18[%swap3A_603, %swap3A_604], %broadcast_in_dim3A_593 {strides = array<i32>} : memref<32x128xf32, #tpu.memory_space<vmem>>, vector<16xf32>,
        %swap3A_606 = arith.constant 15 : i32
        %swap3A_607 = arith.index_cast %swap3A_606 : i32 to index
        %swap3A_608 = arith.constant 48 : index
        %swap3A_609 = tpu.vector_load %arg18[%swap3A_607, %swap3A_608] {strides = array<i32>} : memref<32x128xf32, #tpu.memory_space<vmem>>, vector<16xf32>,
        tpu.vector_store %arg18[%swap3A_607, %swap3A_608], %broadcast_in_dim3A_593 {strides = array<i32>} : memref<32x128xf32, #tpu.memory_space<vmem>>, vector<16xf32>,
        %swap3A_610 = arith.constant 15 : i32
        %swap3A_611 = arith.index_cast %swap3A_610 : i32 to index
        %swap3A_612 = arith.constant 64 : index
        %swap3A_613 = tpu.vector_load %arg18[%swap3A_611, %swap3A_612] {strides = array<i32>} : memref<32x128xf32, #tpu.memory_space<vmem>>, vector<16xf32>,
        tpu.vector_store %arg18[%swap3A_611, %swap3A_612], %broadcast_in_dim3A_593 {strides = array<i32>} : memref<32x128xf32, #tpu.memory_space<vmem>>, vector<16xf32>,
        %swap3A_614 = arith.constant 15 : i32
        %swap3A_615 = arith.index_cast %swap3A_614 : i32 to index
        %swap3A_616 = arith.constant 80 : index
        %swap3A_617 = tpu.vector_load %arg18[%swap3A_615, %swap3A_616] {strides = array<i32>} : memref<32x128xf32, #tpu.memory_space<vmem>>, vector<16xf32>,
        tpu.vector_store %arg18[%swap3A_615, %swap3A_616], %broadcast_in_dim3A_593 {strides = array<i32>} : memref<32x128xf32, #tpu.memory_space<vmem>>, vector<16xf32>,
        %swap3A_618 = arith.constant 15 : i32
        %swap3A_619 = arith.index_cast %swap3A_618 : i32 to index
        %swap3A_620 = arith.constant 96 : index
        %swap3A_621 = tpu.vector_load %arg18[%swap3A_619, %swap3A_620] {strides = array<i32>} : memref<32x128xf32, #tpu.memory_space<vmem>>, vector<16xf32>,
        tpu.vector_store %arg18[%swap3A_619, %swap3A_620], %broadcast_in_dim3A_593 {strides = array<i32>} : memref<32x128xf32, #tpu.memory_space<vmem>>, vector<16xf32>,
        %swap3A_622 = arith.constant 15 : i32
        %swap3A_623 = arith.index_cast %swap3A_622 : i32 to index
        %swap3A_624 = arith.constant 112 : index
        %swap3A_625 = tpu.vector_load %arg18[%swap3A_623, %swap3A_624] {strides = array<i32>} : memref<32x128xf32, #tpu.memory_space<vmem>>, vector<16xf32>,
        tpu.vector_store %arg18[%swap3A_623, %swap3A_624], %broadcast_in_dim3A_593 {strides = array<i32>} : memref<32x128xf32, #tpu.memory_space<vmem>>, vector<16xf32>,
        %mul3A_626 = arith.constant 32 : i32
        %mul3A_627 = arith.muli %scan3A_57, %mul3A_626 : i32
        %add3A_628 = arith.addi %mul3A_0, %mul3A_627 : i32
        %add3A_629 = arith.constant 16 : i32
        %add3A_630 = arith.addi %add3A_628, %add3A_629 : i32
        %shift_right_logical3A_631 = arith.constant 7 : i32
        %shift_right_logical3A_632 = arith.shrui %add3A_630, %shift_right_logical3A_631 : i32
        %and3A_633 = arith.constant 127 : i32
        %and3A_634 = arith.andi %add3A_630, %and3A_633 : i32
        %get3A_635 = arith.index_cast %shift_right_logical3A_632 : i32 to index
        %get3A_636 = arith.index_cast %and3A_634 : i32 to index
        %get3A_637 = tpu.vector_load %arg17[%get3A_635, %get3A_636] {strides = array<i32>} : memref<32x128xf32, #tpu.memory_space<vmem>>, vector<16xf32>,
        %slice3A_638 = vector.extract_strided_slice %get3A_637 {offsets = [0], sizes = [1], strides = [1]} : vector<16xf32> to vector<1xf32>
        %squeeze3A_639 = vector.extract %slice3A_638[0] : f32 from vector<1xf32>
        %broadcast_in_dim3A_640 = vector.broadcast %squeeze3A_639 : f32 to vector<16xf32>
        %swap3A_641 = arith.constant 16 : i32
        %swap3A_642 = arith.index_cast %swap3A_641 : i32 to index
        %swap3A_643 = arith.constant 0 : index
        %swap3A_644 = tpu.vector_load %arg18[%swap3A_642, %swap3A_643] {strides = array<i32>} : memref<32x128xf32, #tpu.memory_space<vmem>>, vector<16xf32>,
        tpu.vector_store %arg18[%swap3A_642, %swap3A_643], %broadcast_in_dim3A_640 {strides = array<i32>} : memref<32x128xf32, #tpu.memory_space<vmem>>, vector<16xf32>,
        %swap3A_645 = arith.constant 16 : i32
        %swap3A_646 = arith.index_cast %swap3A_645 : i32 to index
        %swap3A_647 = arith.constant 16 : index
        %swap3A_648 = tpu.vector_load %arg18[%swap3A_646, %swap3A_647] {strides = array<i32>} : memref<32x128xf32, #tpu.memory_space<vmem>>, vector<16xf32>,
        tpu.vector_store %arg18[%swap3A_646, %swap3A_647], %broadcast_in_dim3A_640 {strides = array<i32>} : memref<32x128xf32, #tpu.memory_space<vmem>>, vector<16xf32>,
        %swap3A_649 = arith.constant 16 : i32
        %swap3A_650 = arith.index_cast %swap3A_649 : i32 to index
        %swap3A_651 = arith.constant 32 : index
        %swap3A_652 = tpu.vector_load %arg18[%swap3A_650, %swap3A_651] {strides = array<i32>} : memref<32x128xf32, #tpu.memory_space<vmem>>, vector<16xf32>,
        tpu.vector_store %arg18[%swap3A_650, %swap3A_651], %broadcast_in_dim3A_640 {strides = array<i32>} : memref<32x128xf32, #tpu.memory_space<vmem>>, vector<16xf32>,
        %swap3A_653 = arith.constant 16 : i32
        %swap3A_654 = arith.index_cast %swap3A_653 : i32 to index
        %swap3A_655 = arith.constant 48 : index
        %swap3A_656 = tpu.vector_load %arg18[%swap3A_654, %swap3A_655] {strides = array<i32>} : memref<32x128xf32, #tpu.memory_space<vmem>>, vector<16xf32>,
        tpu.vector_store %arg18[%swap3A_654, %swap3A_655], %broadcast_in_dim3A_640 {strides = array<i32>} : memref<32x128xf32, #tpu.memory_space<vmem>>, vector<16xf32>,
        %swap3A_657 = arith.constant 16 : i32
        %swap3A_658 = arith.index_cast %swap3A_657 : i32 to index
        %swap3A_659 = arith.constant 64 : index
        %swap3A_660 = tpu.vector_load %arg18[%swap3A_658, %swap3A_659] {strides = array<i32>} : memref<32x128xf32, #tpu.memory_space<vmem>>, vector<16xf32>,
        tpu.vector_store %arg18[%swap3A_658, %swap3A_659], %broadcast_in_dim3A_640 {strides = array<i32>} : memref<32x128xf32, #tpu.memory_space<vmem>>, vector<16xf32>,
        %swap3A_661 = arith.constant 16 : i32
        %swap3A_662 = arith.index_cast %swap3A_661 : i32 to index
        %swap3A_663 = arith.constant 80 : index
        %swap3A_664 = tpu.vector_load %arg18[%swap3A_662, %swap3A_663] {strides = array<i32>} : memref<32x128xf32, #tpu.memory_space<vmem>>, vector<16xf32>,
        tpu.vector_store %arg18[%swap3A_662, %swap3A_663], %broadcast_in_dim3A_640 {strides = array<i32>} : memref<32x128xf32, #tpu.memory_space<vmem>>, vector<16xf32>,
        %swap3A_665 = arith.constant 16 : i32
        %swap3A_666 = arith.index_cast %swap3A_665 : i32 to index
        %swap3A_667 = arith.constant 96 : index
        %swap3A_668 = tpu.vector_load %arg18[%swap3A_666, %swap3A_667] {strides = array<i32>} : memref<32x128xf32, #tpu.memory_space<vmem>>, vector<16xf32>,
        tpu.vector_store %arg18[%swap3A_666, %swap3A_667], %broadcast_in_dim3A_640 {strides = array<i32>} : memref<32x128xf32, #tpu.memory_space<vmem>>, vector<16xf32>,
        %swap3A_669 = arith.constant 16 : i32
        %swap3A_670 = arith.index_cast %swap3A_669 : i32 to index
        %swap3A_671 = arith.constant 112 : index
        %swap3A_672 = tpu.vector_load %arg18[%swap3A_670, %swap3A_671] {strides = array<i32>} : memref<32x128xf32, #tpu.memory_space<vmem>>, vector<16xf32>,
        tpu.vector_store %arg18[%swap3A_670, %swap3A_671], %broadcast_in_dim3A_640 {strides = array<i32>} : memref<32x128xf32, #tpu.memory_space<vmem>>, vector<16xf32>,
        %slice3A_673 = vector.extract_strided_slice %get3A_637 {offsets = [1], sizes = [1], strides = [1]} : vector<16xf32> to vector<1xf32>
        %squeeze3A_674 = vector.extract %slice3A_673[0] : f32 from vector<1xf32>
        %broadcast_in_dim3A_675 = vector.broadcast %squeeze3A_674 : f32 to vector<16xf32>
        %swap3A_676 = arith.constant 17 : i32
        %swap3A_677 = arith.index_cast %swap3A_676 : i32 to index
        %swap3A_678 = arith.constant 0 : index
        %swap3A_679 = tpu.vector_load %arg18[%swap3A_677, %swap3A_678] {strides = array<i32>} : memref<32x128xf32, #tpu.memory_space<vmem>>, vector<16xf32>,
        tpu.vector_store %arg18[%swap3A_677, %swap3A_678], %broadcast_in_dim3A_675 {strides = array<i32>} : memref<32x128xf32, #tpu.memory_space<vmem>>, vector<16xf32>,
        %swap3A_680 = arith.constant 17 : i32
        %swap3A_681 = arith.index_cast %swap3A_680 : i32 to index
        %swap3A_682 = arith.constant 16 : index
        %swap3A_683 = tpu.vector_load %arg18[%swap3A_681, %swap3A_682] {strides = array<i32>} : memref<32x128xf32, #tpu.memory_space<vmem>>, vector<16xf32>,
        tpu.vector_store %arg18[%swap3A_681, %swap3A_682], %broadcast_in_dim3A_675 {strides = array<i32>} : memref<32x128xf32, #tpu.memory_space<vmem>>, vector<16xf32>,
        %swap3A_684 = arith.constant 17 : i32
        %swap3A_685 = arith.index_cast %swap3A_684 : i32 to index
        %swap3A_686 = arith.constant 32 : index
        %swap3A_687 = tpu.vector_load %arg18[%swap3A_685, %swap3A_686] {strides = array<i32>} : memref<32x128xf32, #tpu.memory_space<vmem>>, vector<16xf32>,
        tpu.vector_store %arg18[%swap3A_685, %swap3A_686], %broadcast_in_dim3A_675 {strides = array<i32>} : memref<32x128xf32, #tpu.memory_space<vmem>>, vector<16xf32>,
        %swap3A_688 = arith.constant 17 : i32
        %swap3A_689 = arith.index_cast %swap3A_688 : i32 to index
        %swap3A_690 = arith.constant 48 : index
        %swap3A_691 = tpu.vector_load %arg18[%swap3A_689, %swap3A_690] {strides = array<i32>} : memref<32x128xf32, #tpu.memory_space<vmem>>, vector<16xf32>,
        tpu.vector_store %arg18[%swap3A_689, %swap3A_690], %broadcast_in_dim3A_675 {strides = array<i32>} : memref<32x128xf32, #tpu.memory_space<vmem>>, vector<16xf32>,
        %swap3A_692 = arith.constant 17 : i32
        %swap3A_693 = arith.index_cast %swap3A_692 : i32 to index
        %swap3A_694 = arith.constant 64 : index
        %swap3A_695 = tpu.vector_load %arg18[%swap3A_693, %swap3A_694] {strides = array<i32>} : memref<32x128xf32, #tpu.memory_space<vmem>>, vector<16xf32>,
        tpu.vector_store %arg18[%swap3A_693, %swap3A_694], %broadcast_in_dim3A_675 {strides = array<i32>} : memref<32x128xf32, #tpu.memory_space<vmem>>, vector<16xf32>,
        %swap3A_696 = arith.constant 17 : i32
        %swap3A_697 = arith.index_cast %swap3A_696 : i32 to index
        %swap3A_698 = arith.constant 80 : index
        %swap3A_699 = tpu.vector_load %arg18[%swap3A_697, %swap3A_698] {strides = array<i32>} : memref<32x128xf32, #tpu.memory_space<vmem>>, vector<16xf32>,
        tpu.vector_store %arg18[%swap3A_697, %swap3A_698], %broadcast_in_dim3A_675 {strides = array<i32>} : memref<32x128xf32, #tpu.memory_space<vmem>>, vector<16xf32>,
        %swap3A_700 = arith.constant 17 : i32
        %swap3A_701 = arith.index_cast %swap3A_700 : i32 to index
        %swap3A_702 = arith.constant 96 : index
        %swap3A_703 = tpu.vector_load %arg18[%swap3A_701, %swap3A_702] {strides = array<i32>} : memref<32x128xf32, #tpu.memory_space<vmem>>, vector<16xf32>,
        tpu.vector_store %arg18[%swap3A_701, %swap3A_702], %broadcast_in_dim3A_675 {strides = array<i32>} : memref<32x128xf32, #tpu.memory_space<vmem>>, vector<16xf32>,
        %swap3A_704 = arith.constant 17 : i32
        %swap3A_705 = arith.index_cast %swap3A_704 : i32 to index
        %swap3A_706 = arith.constant 112 : index
        %swap3A_707 = tpu.vector_load %arg18[%swap3A_705, %swap3A_706] {strides = array<i32>} : memref<32x128xf32, #tpu.memory_space<vmem>>, vector<16xf32>,
        tpu.vector_store %arg18[%swap3A_705, %swap3A_706], %broadcast_in_dim3A_675 {strides = array<i32>} : memref<32x128xf32, #tpu.memory_space<vmem>>, vector<16xf32>,
        %slice3A_708 = vector.extract_strided_slice %get3A_637 {offsets = [2], sizes = [1], strides = [1]} : vector<16xf32> to vector<1xf32>
        %squeeze3A_709 = vector.extract %slice3A_708[0] : f32 from vector<1xf32>
        %broadcast_in_dim3A_710 = vector.broadcast %squeeze3A_709 : f32 to vector<16xf32>
        %swap3A_711 = arith.constant 18 : i32
        %swap3A_712 = arith.index_cast %swap3A_711 : i32 to index
        %swap3A_713 = arith.constant 0 : index
        %swap3A_714 = tpu.vector_load %arg18[%swap3A_712, %swap3A_713] {strides = array<i32>} : memref<32x128xf32, #tpu.memory_space<vmem>>, vector<16xf32>,
        tpu.vector_store %arg18[%swap3A_712, %swap3A_713], %broadcast_in_dim3A_710 {strides = array<i32>} : memref<32x128xf32, #tpu.memory_space<vmem>>, vector<16xf32>,
        %swap3A_715 = arith.constant 18 : i32
        %swap3A_716 = arith.index_cast %swap3A_715 : i32 to index
        %swap3A_717 = arith.constant 16 : index
        %swap3A_718 = tpu.vector_load %arg18[%swap3A_716, %swap3A_717] {strides = array<i32>} : memref<32x128xf32, #tpu.memory_space<vmem>>, vector<16xf32>,
        tpu.vector_store %arg18[%swap3A_716, %swap3A_717], %broadcast_in_dim3A_710 {strides = array<i32>} : memref<32x128xf32, #tpu.memory_space<vmem>>, vector<16xf32>,
        %swap3A_719 = arith.constant 18 : i32
        %swap3A_720 = arith.index_cast %swap3A_719 : i32 to index
        %swap3A_721 = arith.constant 32 : index
        %swap3A_722 = tpu.vector_load %arg18[%swap3A_720, %swap3A_721] {strides = array<i32>} : memref<32x128xf32, #tpu.memory_space<vmem>>, vector<16xf32>,
        tpu.vector_store %arg18[%swap3A_720, %swap3A_721], %broadcast_in_dim3A_710 {strides = array<i32>} : memref<32x128xf32, #tpu.memory_space<vmem>>, vector<16xf32>,
        %swap3A_723 = arith.constant 18 : i32
        %swap3A_724 = arith.index_cast %swap3A_723 : i32 to index
        %swap3A_725 = arith.constant 48 : index
        %swap3A_726 = tpu.vector_load %arg18[%swap3A_724, %swap3A_725] {strides = array<i32>} : memref<32x128xf32, #tpu.memory_space<vmem>>, vector<16xf32>,
        tpu.vector_store %arg18[%swap3A_724, %swap3A_725], %broadcast_in_dim3A_710 {strides = array<i32>} : memref<32x128xf32, #tpu.memory_space<vmem>>, vector<16xf32>,
        %swap3A_727 = arith.constant 18 : i32
        %swap3A_728 = arith.index_cast %swap3A_727 : i32 to index
        %swap3A_729 = arith.constant 64 : index
        %swap3A_730 = tpu.vector_load %arg18[%swap3A_728, %swap3A_729] {strides = array<i32>} : memref<32x128xf32, #tpu.memory_space<vmem>>, vector<16xf32>,
        tpu.vector_store %arg18[%swap3A_728, %swap3A_729], %broadcast_in_dim3A_710 {strides = array<i32>} : memref<32x128xf32, #tpu.memory_space<vmem>>, vector<16xf32>,
        %swap3A_731 = arith.constant 18 : i32
        %swap3A_732 = arith.index_cast %swap3A_731 : i32 to index
        %swap3A_733 = arith.constant 80 : index
        %swap3A_734 = tpu.vector_load %arg18[%swap3A_732, %swap3A_733] {strides = array<i32>} : memref<32x128xf32, #tpu.memory_space<vmem>>, vector<16xf32>,
        tpu.vector_store %arg18[%swap3A_732, %swap3A_733], %broadcast_in_dim3A_710 {strides = array<i32>} : memref<32x128xf32, #tpu.memory_space<vmem>>, vector<16xf32>,
        %swap3A_735 = arith.constant 18 : i32
        %swap3A_736 = arith.index_cast %swap3A_735 : i32 to index
        %swap3A_737 = arith.constant 96 : index
        %swap3A_738 = tpu.vector_load %arg18[%swap3A_736, %swap3A_737] {strides = array<i32>} : memref<32x128xf32, #tpu.memory_space<vmem>>, vector<16xf32>,
        tpu.vector_store %arg18[%swap3A_736, %swap3A_737], %broadcast_in_dim3A_710 {strides = array<i32>} : memref<32x128xf32, #tpu.memory_space<vmem>>, vector<16xf32>,
        %swap3A_739 = arith.constant 18 : i32
        %swap3A_740 = arith.index_cast %swap3A_739 : i32 to index
        %swap3A_741 = arith.constant 112 : index
        %swap3A_742 = tpu.vector_load %arg18[%swap3A_740, %swap3A_741] {strides = array<i32>} : memref<32x128xf32, #tpu.memory_space<vmem>>, vector<16xf32>,
        tpu.vector_store %arg18[%swap3A_740, %swap3A_741], %broadcast_in_dim3A_710 {strides = array<i32>} : memref<32x128xf32, #tpu.memory_space<vmem>>, vector<16xf32>,
        %slice3A_743 = vector.extract_strided_slice %get3A_637 {offsets = [3], sizes = [1], strides = [1]} : vector<16xf32> to vector<1xf32>
        %squeeze3A_744 = vector.extract %slice3A_743[0] : f32 from vector<1xf32>
        %broadcast_in_dim3A_745 = vector.broadcast %squeeze3A_744 : f32 to vector<16xf32>
        %swap3A_746 = arith.constant 19 : i32
        %swap3A_747 = arith.index_cast %swap3A_746 : i32 to index
        %swap3A_748 = arith.constant 0 : index
        %swap3A_749 = tpu.vector_load %arg18[%swap3A_747, %swap3A_748] {strides = array<i32>} : memref<32x128xf32, #tpu.memory_space<vmem>>, vector<16xf32>,
        tpu.vector_store %arg18[%swap3A_747, %swap3A_748], %broadcast_in_dim3A_745 {strides = array<i32>} : memref<32x128xf32, #tpu.memory_space<vmem>>, vector<16xf32>,
        %swap3A_750 = arith.constant 19 : i32
        %swap3A_751 = arith.index_cast %swap3A_750 : i32 to index
        %swap3A_752 = arith.constant 16 : index
        %swap3A_753 = tpu.vector_load %arg18[%swap3A_751, %swap3A_752] {strides = array<i32>} : memref<32x128xf32, #tpu.memory_space<vmem>>, vector<16xf32>,
        tpu.vector_store %arg18[%swap3A_751, %swap3A_752], %broadcast_in_dim3A_745 {strides = array<i32>} : memref<32x128xf32, #tpu.memory_space<vmem>>, vector<16xf32>,
        %swap3A_754 = arith.constant 19 : i32
        %swap3A_755 = arith.index_cast %swap3A_754 : i32 to index
        %swap3A_756 = arith.constant 32 : index
        %swap3A_757 = tpu.vector_load %arg18[%swap3A_755, %swap3A_756] {strides = array<i32>} : memref<32x128xf32, #tpu.memory_space<vmem>>, vector<16xf32>,
        tpu.vector_store %arg18[%swap3A_755, %swap3A_756], %broadcast_in_dim3A_745 {strides = array<i32>} : memref<32x128xf32, #tpu.memory_space<vmem>>, vector<16xf32>,
        %swap3A_758 = arith.constant 19 : i32
        %swap3A_759 = arith.index_cast %swap3A_758 : i32 to index
        %swap3A_760 = arith.constant 48 : index
        %swap3A_761 = tpu.vector_load %arg18[%swap3A_759, %swap3A_760] {strides = array<i32>} : memref<32x128xf32, #tpu.memory_space<vmem>>, vector<16xf32>,
        tpu.vector_store %arg18[%swap3A_759, %swap3A_760], %broadcast_in_dim3A_745 {strides = array<i32>} : memref<32x128xf32, #tpu.memory_space<vmem>>, vector<16xf32>,
        %swap3A_762 = arith.constant 19 : i32
        %swap3A_763 = arith.index_cast %swap3A_762 : i32 to index
        %swap3A_764 = arith.constant 64 : index
        %swap3A_765 = tpu.vector_load %arg18[%swap3A_763, %swap3A_764] {strides = array<i32>} : memref<32x128xf32, #tpu.memory_space<vmem>>, vector<16xf32>,
        tpu.vector_store %arg18[%swap3A_763, %swap3A_764], %broadcast_in_dim3A_745 {strides = array<i32>} : memref<32x128xf32, #tpu.memory_space<vmem>>, vector<16xf32>,
        %swap3A_766 = arith.constant 19 : i32
        %swap3A_767 = arith.index_cast %swap3A_766 : i32 to index
        %swap3A_768 = arith.constant 80 : index
        %swap3A_769 = tpu.vector_load %arg18[%swap3A_767, %swap3A_768] {strides = array<i32>} : memref<32x128xf32, #tpu.memory_space<vmem>>, vector<16xf32>,
        tpu.vector_store %arg18[%swap3A_767, %swap3A_768], %broadcast_in_dim3A_745 {strides = array<i32>} : memref<32x128xf32, #tpu.memory_space<vmem>>, vector<16xf32>,
        %swap3A_770 = arith.constant 19 : i32
        %swap3A_771 = arith.index_cast %swap3A_770 : i32 to index
        %swap3A_772 = arith.constant 96 : index
        %swap3A_773 = tpu.vector_load %arg18[%swap3A_771, %swap3A_772] {strides = array<i32>} : memref<32x128xf32, #tpu.memory_space<vmem>>, vector<16xf32>,
        tpu.vector_store %arg18[%swap3A_771, %swap3A_772], %broadcast_in_dim3A_745 {strides = array<i32>} : memref<32x128xf32, #tpu.memory_space<vmem>>, vector<16xf32>,
        %swap3A_774 = arith.constant 19 : i32
        %swap3A_775 = arith.index_cast %swap3A_774 : i32 to index
        %swap3A_776 = arith.constant 112 : index
        %swap3A_777 = tpu.vector_load %arg18[%swap3A_775, %swap3A_776] {strides = array<i32>} : memref<32x128xf32, #tpu.memory_space<vmem>>, vector<16xf32>,
        tpu.vector_store %arg18[%swap3A_775, %swap3A_776], %broadcast_in_dim3A_745 {strides = array<i32>} : memref<32x128xf32, #tpu.memory_space<vmem>>, vector<16xf32>,
        %slice3A_778 = vector.extract_strided_slice %get3A_637 {offsets = [4], sizes = [1], strides = [1]} : vector<16xf32> to vector<1xf32>
        %squeeze3A_779 = vector.extract %slice3A_778[0] : f32 from vector<1xf32>
        %broadcast_in_dim3A_780 = vector.broadcast %squeeze3A_779 : f32 to vector<16xf32>
        %swap3A_781 = arith.constant 20 : i32
        %swap3A_782 = arith.index_cast %swap3A_781 : i32 to index
        %swap3A_783 = arith.constant 0 : index
        %swap3A_784 = tpu.vector_load %arg18[%swap3A_782, %swap3A_783] {strides = array<i32>} : memref<32x128xf32, #tpu.memory_space<vmem>>, vector<16xf32>,
        tpu.vector_store %arg18[%swap3A_782, %swap3A_783], %broadcast_in_dim3A_780 {strides = array<i32>} : memref<32x128xf32, #tpu.memory_space<vmem>>, vector<16xf32>,
        %swap3A_785 = arith.constant 20 : i32
        %swap3A_786 = arith.index_cast %swap3A_785 : i32 to index
        %swap3A_787 = arith.constant 16 : index
        %swap3A_788 = tpu.vector_load %arg18[%swap3A_786, %swap3A_787] {strides = array<i32>} : memref<32x128xf32, #tpu.memory_space<vmem>>, vector<16xf32>,
        tpu.vector_store %arg18[%swap3A_786, %swap3A_787], %broadcast_in_dim3A_780 {strides = array<i32>} : memref<32x128xf32, #tpu.memory_space<vmem>>, vector<16xf32>,
        %swap3A_789 = arith.constant 20 : i32
        %swap3A_790 = arith.index_cast %swap3A_789 : i32 to index
        %swap3A_791 = arith.constant 32 : index
        %swap3A_792 = tpu.vector_load %arg18[%swap3A_790, %swap3A_791] {strides = array<i32>} : memref<32x128xf32, #tpu.memory_space<vmem>>, vector<16xf32>,
        tpu.vector_store %arg18[%swap3A_790, %swap3A_791], %broadcast_in_dim3A_780 {strides = array<i32>} : memref<32x128xf32, #tpu.memory_space<vmem>>, vector<16xf32>,
        %swap3A_793 = arith.constant 20 : i32
        %swap3A_794 = arith.index_cast %swap3A_793 : i32 to index
        %swap3A_795 = arith.constant 48 : index
        %swap3A_796 = tpu.vector_load %arg18[%swap3A_794, %swap3A_795] {strides = array<i32>} : memref<32x128xf32, #tpu.memory_space<vmem>>, vector<16xf32>,
        tpu.vector_store %arg18[%swap3A_794, %swap3A_795], %broadcast_in_dim3A_780 {strides = array<i32>} : memref<32x128xf32, #tpu.memory_space<vmem>>, vector<16xf32>,
        %swap3A_797 = arith.constant 20 : i32
        %swap3A_798 = arith.index_cast %swap3A_797 : i32 to index
        %swap3A_799 = arith.constant 64 : index
        %swap3A_800 = tpu.vector_load %arg18[%swap3A_798, %swap3A_799] {strides = array<i32>} : memref<32x128xf32, #tpu.memory_space<vmem>>, vector<16xf32>,
        tpu.vector_store %arg18[%swap3A_798, %swap3A_799], %broadcast_in_dim3A_780 {strides = array<i32>} : memref<32x128xf32, #tpu.memory_space<vmem>>, vector<16xf32>,
        %swap3A_801 = arith.constant 20 : i32
        %swap3A_802 = arith.index_cast %swap3A_801 : i32 to index
        %swap3A_803 = arith.constant 80 : index
        %swap3A_804 = tpu.vector_load %arg18[%swap3A_802, %swap3A_803] {strides = array<i32>} : memref<32x128xf32, #tpu.memory_space<vmem>>, vector<16xf32>,
        tpu.vector_store %arg18[%swap3A_802, %swap3A_803], %broadcast_in_dim3A_780 {strides = array<i32>} : memref<32x128xf32, #tpu.memory_space<vmem>>, vector<16xf32>,
        %swap3A_805 = arith.constant 20 : i32
        %swap3A_806 = arith.index_cast %swap3A_805 : i32 to index
        %swap3A_807 = arith.constant 96 : index
        %swap3A_808 = tpu.vector_load %arg18[%swap3A_806, %swap3A_807] {strides = array<i32>} : memref<32x128xf32, #tpu.memory_space<vmem>>, vector<16xf32>,
        tpu.vector_store %arg18[%swap3A_806, %swap3A_807], %broadcast_in_dim3A_780 {strides = array<i32>} : memref<32x128xf32, #tpu.memory_space<vmem>>, vector<16xf32>,
        %swap3A_809 = arith.constant 20 : i32
        %swap3A_810 = arith.index_cast %swap3A_809 : i32 to index
        %swap3A_811 = arith.constant 112 : index
        %swap3A_812 = tpu.vector_load %arg18[%swap3A_810, %swap3A_811] {strides = array<i32>} : memref<32x128xf32, #tpu.memory_space<vmem>>, vector<16xf32>,
        tpu.vector_store %arg18[%swap3A_810, %swap3A_811], %broadcast_in_dim3A_780 {strides = array<i32>} : memref<32x128xf32, #tpu.memory_space<vmem>>, vector<16xf32>,
        %slice3A_813 = vector.extract_strided_slice %get3A_637 {offsets = [5], sizes = [1], strides = [1]} : vector<16xf32> to vector<1xf32>
        %squeeze3A_814 = vector.extract %slice3A_813[0] : f32 from vector<1xf32>
        %broadcast_in_dim3A_815 = vector.broadcast %squeeze3A_814 : f32 to vector<16xf32>
        %swap3A_816 = arith.constant 21 : i32
        %swap3A_817 = arith.index_cast %swap3A_816 : i32 to index
        %swap3A_818 = arith.constant 0 : index
        %swap3A_819 = tpu.vector_load %arg18[%swap3A_817, %swap3A_818] {strides = array<i32>} : memref<32x128xf32, #tpu.memory_space<vmem>>, vector<16xf32>,
        tpu.vector_store %arg18[%swap3A_817, %swap3A_818], %broadcast_in_dim3A_815 {strides = array<i32>} : memref<32x128xf32, #tpu.memory_space<vmem>>, vector<16xf32>,
        %swap3A_820 = arith.constant 21 : i32
        %swap3A_821 = arith.index_cast %swap3A_820 : i32 to index
        %swap3A_822 = arith.constant 16 : index
        %swap3A_823 = tpu.vector_load %arg18[%swap3A_821, %swap3A_822] {strides = array<i32>} : memref<32x128xf32, #tpu.memory_space<vmem>>, vector<16xf32>,
        tpu.vector_store %arg18[%swap3A_821, %swap3A_822], %broadcast_in_dim3A_815 {strides = array<i32>} : memref<32x128xf32, #tpu.memory_space<vmem>>, vector<16xf32>,
        %swap3A_824 = arith.constant 21 : i32
        %swap3A_825 = arith.index_cast %swap3A_824 : i32 to index
        %swap3A_826 = arith.constant 32 : index
        %swap3A_827 = tpu.vector_load %arg18[%swap3A_825, %swap3A_826] {strides = array<i32>} : memref<32x128xf32, #tpu.memory_space<vmem>>, vector<16xf32>,
        tpu.vector_store %arg18[%swap3A_825, %swap3A_826], %broadcast_in_dim3A_815 {strides = array<i32>} : memref<32x128xf32, #tpu.memory_space<vmem>>, vector<16xf32>,
        %swap3A_828 = arith.constant 21 : i32
        %swap3A_829 = arith.index_cast %swap3A_828 : i32 to index
        %swap3A_830 = arith.constant 48 : index
        %swap3A_831 = tpu.vector_load %arg18[%swap3A_829, %swap3A_830] {strides = array<i32>} : memref<32x128xf32, #tpu.memory_space<vmem>>, vector<16xf32>,
        tpu.vector_store %arg18[%swap3A_829, %swap3A_830], %broadcast_in_dim3A_815 {strides = array<i32>} : memref<32x128xf32, #tpu.memory_space<vmem>>, vector<16xf32>,
        %swap3A_832 = arith.constant 21 : i32
        %swap3A_833 = arith.index_cast %swap3A_832 : i32 to index
        %swap3A_834 = arith.constant 64 : index
        %swap3A_835 = tpu.vector_load %arg18[%swap3A_833, %swap3A_834] {strides = array<i32>} : memref<32x128xf32, #tpu.memory_space<vmem>>, vector<16xf32>,
        tpu.vector_store %arg18[%swap3A_833, %swap3A_834], %broadcast_in_dim3A_815 {strides = array<i32>} : memref<32x128xf32, #tpu.memory_space<vmem>>, vector<16xf32>,
        %swap3A_836 = arith.constant 21 : i32
        %swap3A_837 = arith.index_cast %swap3A_836 : i32 to index
        %swap3A_838 = arith.constant 80 : index
        %swap3A_839 = tpu.vector_load %arg18[%swap3A_837, %swap3A_838] {strides = array<i32>} : memref<32x128xf32, #tpu.memory_space<vmem>>, vector<16xf32>,
        tpu.vector_store %arg18[%swap3A_837, %swap3A_838], %broadcast_in_dim3A_815 {strides = array<i32>} : memref<32x128xf32, #tpu.memory_space<vmem>>, vector<16xf32>,
        %swap3A_840 = arith.constant 21 : i32
        %swap3A_841 = arith.index_cast %swap3A_840 : i32 to index
        %swap3A_842 = arith.constant 96 : index
        %swap3A_843 = tpu.vector_load %arg18[%swap3A_841, %swap3A_842] {strides = array<i32>} : memref<32x128xf32, #tpu.memory_space<vmem>>, vector<16xf32>,
        tpu.vector_store %arg18[%swap3A_841, %swap3A_842], %broadcast_in_dim3A_815 {strides = array<i32>} : memref<32x128xf32, #tpu.memory_space<vmem>>, vector<16xf32>,
        %swap3A_844 = arith.constant 21 : i32
        %swap3A_845 = arith.index_cast %swap3A_844 : i32 to index
        %swap3A_846 = arith.constant 112 : index
        %swap3A_847 = tpu.vector_load %arg18[%swap3A_845, %swap3A_846] {strides = array<i32>} : memref<32x128xf32, #tpu.memory_space<vmem>>, vector<16xf32>,
        tpu.vector_store %arg18[%swap3A_845, %swap3A_846], %broadcast_in_dim3A_815 {strides = array<i32>} : memref<32x128xf32, #tpu.memory_space<vmem>>, vector<16xf32>,
        %slice3A_848 = vector.extract_strided_slice %get3A_637 {offsets = [6], sizes = [1], strides = [1]} : vector<16xf32> to vector<1xf32>
        %squeeze3A_849 = vector.extract %slice3A_848[0] : f32 from vector<1xf32>
        %broadcast_in_dim3A_850 = vector.broadcast %squeeze3A_849 : f32 to vector<16xf32>
        %swap3A_851 = arith.constant 22 : i32
        %swap3A_852 = arith.index_cast %swap3A_851 : i32 to index
        %swap3A_853 = arith.constant 0 : index
        %swap3A_854 = tpu.vector_load %arg18[%swap3A_852, %swap3A_853] {strides = array<i32>} : memref<32x128xf32, #tpu.memory_space<vmem>>, vector<16xf32>,
        tpu.vector_store %arg18[%swap3A_852, %swap3A_853], %broadcast_in_dim3A_850 {strides = array<i32>} : memref<32x128xf32, #tpu.memory_space<vmem>>, vector<16xf32>,
        %swap3A_855 = arith.constant 22 : i32
        %swap3A_856 = arith.index_cast %swap3A_855 : i32 to index
        %swap3A_857 = arith.constant 16 : index
        %swap3A_858 = tpu.vector_load %arg18[%swap3A_856, %swap3A_857] {strides = array<i32>} : memref<32x128xf32, #tpu.memory_space<vmem>>, vector<16xf32>,
        tpu.vector_store %arg18[%swap3A_856, %swap3A_857], %broadcast_in_dim3A_850 {strides = array<i32>} : memref<32x128xf32, #tpu.memory_space<vmem>>, vector<16xf32>,
        %swap3A_859 = arith.constant 22 : i32
        %swap3A_860 = arith.index_cast %swap3A_859 : i32 to index
        %swap3A_861 = arith.constant 32 : index
        %swap3A_862 = tpu.vector_load %arg18[%swap3A_860, %swap3A_861] {strides = array<i32>} : memref<32x128xf32, #tpu.memory_space<vmem>>, vector<16xf32>,
        tpu.vector_store %arg18[%swap3A_860, %swap3A_861], %broadcast_in_dim3A_850 {strides = array<i32>} : memref<32x128xf32, #tpu.memory_space<vmem>>, vector<16xf32>,
        %swap3A_863 = arith.constant 22 : i32
        %swap3A_864 = arith.index_cast %swap3A_863 : i32 to index
        %swap3A_865 = arith.constant 48 : index
        %swap3A_866 = tpu.vector_load %arg18[%swap3A_864, %swap3A_865] {strides = array<i32>} : memref<32x128xf32, #tpu.memory_space<vmem>>, vector<16xf32>,
        tpu.vector_store %arg18[%swap3A_864, %swap3A_865], %broadcast_in_dim3A_850 {strides = array<i32>} : memref<32x128xf32, #tpu.memory_space<vmem>>, vector<16xf32>,
        %swap3A_867 = arith.constant 22 : i32
        %swap3A_868 = arith.index_cast %swap3A_867 : i32 to index
        %swap3A_869 = arith.constant 64 : index
        %swap3A_870 = tpu.vector_load %arg18[%swap3A_868, %swap3A_869] {strides = array<i32>} : memref<32x128xf32, #tpu.memory_space<vmem>>, vector<16xf32>,
        tpu.vector_store %arg18[%swap3A_868, %swap3A_869], %broadcast_in_dim3A_850 {strides = array<i32>} : memref<32x128xf32, #tpu.memory_space<vmem>>, vector<16xf32>,
        %swap3A_871 = arith.constant 22 : i32
        %swap3A_872 = arith.index_cast %swap3A_871 : i32 to index
        %swap3A_873 = arith.constant 80 : index
        %swap3A_874 = tpu.vector_load %arg18[%swap3A_872, %swap3A_873] {strides = array<i32>} : memref<32x128xf32, #tpu.memory_space<vmem>>, vector<16xf32>,
        tpu.vector_store %arg18[%swap3A_872, %swap3A_873], %broadcast_in_dim3A_850 {strides = array<i32>} : memref<32x128xf32, #tpu.memory_space<vmem>>, vector<16xf32>,
        %swap3A_875 = arith.constant 22 : i32
        %swap3A_876 = arith.index_cast %swap3A_875 : i32 to index
        %swap3A_877 = arith.constant 96 : index
        %swap3A_878 = tpu.vector_load %arg18[%swap3A_876, %swap3A_877] {strides = array<i32>} : memref<32x128xf32, #tpu.memory_space<vmem>>, vector<16xf32>,
        tpu.vector_store %arg18[%swap3A_876, %swap3A_877], %broadcast_in_dim3A_850 {strides = array<i32>} : memref<32x128xf32, #tpu.memory_space<vmem>>, vector<16xf32>,
        %swap3A_879 = arith.constant 22 : i32
        %swap3A_880 = arith.index_cast %swap3A_879 : i32 to index
        %swap3A_881 = arith.constant 112 : index
        %swap3A_882 = tpu.vector_load %arg18[%swap3A_880, %swap3A_881] {strides = array<i32>} : memref<32x128xf32, #tpu.memory_space<vmem>>, vector<16xf32>,
        tpu.vector_store %arg18[%swap3A_880, %swap3A_881], %broadcast_in_dim3A_850 {strides = array<i32>} : memref<32x128xf32, #tpu.memory_space<vmem>>, vector<16xf32>,
        %slice3A_883 = vector.extract_strided_slice %get3A_637 {offsets = [7], sizes = [1], strides = [1]} : vector<16xf32> to vector<1xf32>
        %squeeze3A_884 = vector.extract %slice3A_883[0] : f32 from vector<1xf32>
        %broadcast_in_dim3A_885 = vector.broadcast %squeeze3A_884 : f32 to vector<16xf32>
        %swap3A_886 = arith.constant 23 : i32
        %swap3A_887 = arith.index_cast %swap3A_886 : i32 to index
        %swap3A_888 = arith.constant 0 : index
        %swap3A_889 = tpu.vector_load %arg18[%swap3A_887, %swap3A_888] {strides = array<i32>} : memref<32x128xf32, #tpu.memory_space<vmem>>, vector<16xf32>,
        tpu.vector_store %arg18[%swap3A_887, %swap3A_888], %broadcast_in_dim3A_885 {strides = array<i32>} : memref<32x128xf32, #tpu.memory_space<vmem>>, vector<16xf32>,
        %swap3A_890 = arith.constant 23 : i32
        %swap3A_891 = arith.index_cast %swap3A_890 : i32 to index
        %swap3A_892 = arith.constant 16 : index
        %swap3A_893 = tpu.vector_load %arg18[%swap3A_891, %swap3A_892] {strides = array<i32>} : memref<32x128xf32, #tpu.memory_space<vmem>>, vector<16xf32>,
        tpu.vector_store %arg18[%swap3A_891, %swap3A_892], %broadcast_in_dim3A_885 {strides = array<i32>} : memref<32x128xf32, #tpu.memory_space<vmem>>, vector<16xf32>,
        %swap3A_894 = arith.constant 23 : i32
        %swap3A_895 = arith.index_cast %swap3A_894 : i32 to index
        %swap3A_896 = arith.constant 32 : index
        %swap3A_897 = tpu.vector_load %arg18[%swap3A_895, %swap3A_896] {strides = array<i32>} : memref<32x128xf32, #tpu.memory_space<vmem>>, vector<16xf32>,
        tpu.vector_store %arg18[%swap3A_895, %swap3A_896], %broadcast_in_dim3A_885 {strides = array<i32>} : memref<32x128xf32, #tpu.memory_space<vmem>>, vector<16xf32>,
        %swap3A_898 = arith.constant 23 : i32
        %swap3A_899 = arith.index_cast %swap3A_898 : i32 to index
        %swap3A_900 = arith.constant 48 : index
        %swap3A_901 = tpu.vector_load %arg18[%swap3A_899, %swap3A_900] {strides = array<i32>} : memref<32x128xf32, #tpu.memory_space<vmem>>, vector<16xf32>,
        tpu.vector_store %arg18[%swap3A_899, %swap3A_900], %broadcast_in_dim3A_885 {strides = array<i32>} : memref<32x128xf32, #tpu.memory_space<vmem>>, vector<16xf32>,
        %swap3A_902 = arith.constant 23 : i32
        %swap3A_903 = arith.index_cast %swap3A_902 : i32 to index
        %swap3A_904 = arith.constant 64 : index
        %swap3A_905 = tpu.vector_load %arg18[%swap3A_903, %swap3A_904] {strides = array<i32>} : memref<32x128xf32, #tpu.memory_space<vmem>>, vector<16xf32>,
        tpu.vector_store %arg18[%swap3A_903, %swap3A_904], %broadcast_in_dim3A_885 {strides = array<i32>} : memref<32x128xf32, #tpu.memory_space<vmem>>, vector<16xf32>,
        %swap3A_906 = arith.constant 23 : i32
        %swap3A_907 = arith.index_cast %swap3A_906 : i32 to index
        %swap3A_908 = arith.constant 80 : index
        %swap3A_909 = tpu.vector_load %arg18[%swap3A_907, %swap3A_908] {strides = array<i32>} : memref<32x128xf32, #tpu.memory_space<vmem>>, vector<16xf32>,
        tpu.vector_store %arg18[%swap3A_907, %swap3A_908], %broadcast_in_dim3A_885 {strides = array<i32>} : memref<32x128xf32, #tpu.memory_space<vmem>>, vector<16xf32>,
        %swap3A_910 = arith.constant 23 : i32
        %swap3A_911 = arith.index_cast %swap3A_910 : i32 to index
        %swap3A_912 = arith.constant 96 : index
        %swap3A_913 = tpu.vector_load %arg18[%swap3A_911, %swap3A_912] {strides = array<i32>} : memref<32x128xf32, #tpu.memory_space<vmem>>, vector<16xf32>,
        tpu.vector_store %arg18[%swap3A_911, %swap3A_912], %broadcast_in_dim3A_885 {strides = array<i32>} : memref<32x128xf32, #tpu.memory_space<vmem>>, vector<16xf32>,
        %swap3A_914 = arith.constant 23 : i32
        %swap3A_915 = arith.index_cast %swap3A_914 : i32 to index
        %swap3A_916 = arith.constant 112 : index
        %swap3A_917 = tpu.vector_load %arg18[%swap3A_915, %swap3A_916] {strides = array<i32>} : memref<32x128xf32, #tpu.memory_space<vmem>>, vector<16xf32>,
        tpu.vector_store %arg18[%swap3A_915, %swap3A_916], %broadcast_in_dim3A_885 {strides = array<i32>} : memref<32x128xf32, #tpu.memory_space<vmem>>, vector<16xf32>,
        %slice3A_918 = vector.extract_strided_slice %get3A_637 {offsets = [8], sizes = [1], strides = [1]} : vector<16xf32> to vector<1xf32>
        %squeeze3A_919 = vector.extract %slice3A_918[0] : f32 from vector<1xf32>
        %broadcast_in_dim3A_920 = vector.broadcast %squeeze3A_919 : f32 to vector<16xf32>
        %swap3A_921 = arith.constant 24 : i32
        %swap3A_922 = arith.index_cast %swap3A_921 : i32 to index
        %swap3A_923 = arith.constant 0 : index
        %swap3A_924 = tpu.vector_load %arg18[%swap3A_922, %swap3A_923] {strides = array<i32>} : memref<32x128xf32, #tpu.memory_space<vmem>>, vector<16xf32>,
        tpu.vector_store %arg18[%swap3A_922, %swap3A_923], %broadcast_in_dim3A_920 {strides = array<i32>} : memref<32x128xf32, #tpu.memory_space<vmem>>, vector<16xf32>,
        %swap3A_925 = arith.constant 24 : i32
        %swap3A_926 = arith.index_cast %swap3A_925 : i32 to index
        %swap3A_927 = arith.constant 16 : index
        %swap3A_928 = tpu.vector_load %arg18[%swap3A_926, %swap3A_927] {strides = array<i32>} : memref<32x128xf32, #tpu.memory_space<vmem>>, vector<16xf32>,
        tpu.vector_store %arg18[%swap3A_926, %swap3A_927], %broadcast_in_dim3A_920 {strides = array<i32>} : memref<32x128xf32, #tpu.memory_space<vmem>>, vector<16xf32>,
        %swap3A_929 = arith.constant 24 : i32
        %swap3A_930 = arith.index_cast %swap3A_929 : i32 to index
        %swap3A_931 = arith.constant 32 : index
        %swap3A_932 = tpu.vector_load %arg18[%swap3A_930, %swap3A_931] {strides = array<i32>} : memref<32x128xf32, #tpu.memory_space<vmem>>, vector<16xf32>,
        tpu.vector_store %arg18[%swap3A_930, %swap3A_931], %broadcast_in_dim3A_920 {strides = array<i32>} : memref<32x128xf32, #tpu.memory_space<vmem>>, vector<16xf32>,
        %swap3A_933 = arith.constant 24 : i32
        %swap3A_934 = arith.index_cast %swap3A_933 : i32 to index
        %swap3A_935 = arith.constant 48 : index
        %swap3A_936 = tpu.vector_load %arg18[%swap3A_934, %swap3A_935] {strides = array<i32>} : memref<32x128xf32, #tpu.memory_space<vmem>>, vector<16xf32>,
        tpu.vector_store %arg18[%swap3A_934, %swap3A_935], %broadcast_in_dim3A_920 {strides = array<i32>} : memref<32x128xf32, #tpu.memory_space<vmem>>, vector<16xf32>,
        %swap3A_937 = arith.constant 24 : i32
        %swap3A_938 = arith.index_cast %swap3A_937 : i32 to index
        %swap3A_939 = arith.constant 64 : index
        %swap3A_940 = tpu.vector_load %arg18[%swap3A_938, %swap3A_939] {strides = array<i32>} : memref<32x128xf32, #tpu.memory_space<vmem>>, vector<16xf32>,
        tpu.vector_store %arg18[%swap3A_938, %swap3A_939], %broadcast_in_dim3A_920 {strides = array<i32>} : memref<32x128xf32, #tpu.memory_space<vmem>>, vector<16xf32>,
        %swap3A_941 = arith.constant 24 : i32
        %swap3A_942 = arith.index_cast %swap3A_941 : i32 to index
        %swap3A_943 = arith.constant 80 : index
        %swap3A_944 = tpu.vector_load %arg18[%swap3A_942, %swap3A_943] {strides = array<i32>} : memref<32x128xf32, #tpu.memory_space<vmem>>, vector<16xf32>,
        tpu.vector_store %arg18[%swap3A_942, %swap3A_943], %broadcast_in_dim3A_920 {strides = array<i32>} : memref<32x128xf32, #tpu.memory_space<vmem>>, vector<16xf32>,
        %swap3A_945 = arith.constant 24 : i32
        %swap3A_946 = arith.index_cast %swap3A_945 : i32 to index
        %swap3A_947 = arith.constant 96 : index
        %swap3A_948 = tpu.vector_load %arg18[%swap3A_946, %swap3A_947] {strides = array<i32>} : memref<32x128xf32, #tpu.memory_space<vmem>>, vector<16xf32>,
        tpu.vector_store %arg18[%swap3A_946, %swap3A_947], %broadcast_in_dim3A_920 {strides = array<i32>} : memref<32x128xf32, #tpu.memory_space<vmem>>, vector<16xf32>,
        %swap3A_949 = arith.constant 24 : i32
        %swap3A_950 = arith.index_cast %swap3A_949 : i32 to index
        %swap3A_951 = arith.constant 112 : index
        %swap3A_952 = tpu.vector_load %arg18[%swap3A_950, %swap3A_951] {strides = array<i32>} : memref<32x128xf32, #tpu.memory_space<vmem>>, vector<16xf32>,
        tpu.vector_store %arg18[%swap3A_950, %swap3A_951], %broadcast_in_dim3A_920 {strides = array<i32>} : memref<32x128xf32, #tpu.memory_space<vmem>>, vector<16xf32>,
        %slice3A_953 = vector.extract_strided_slice %get3A_637 {offsets = [9], sizes = [1], strides = [1]} : vector<16xf32> to vector<1xf32>
        %squeeze3A_954 = vector.extract %slice3A_953[0] : f32 from vector<1xf32>
        %broadcast_in_dim3A_955 = vector.broadcast %squeeze3A_954 : f32 to vector<16xf32>
        %swap3A_956 = arith.constant 25 : i32
        %swap3A_957 = arith.index_cast %swap3A_956 : i32 to index
        %swap3A_958 = arith.constant 0 : index
        %swap3A_959 = tpu.vector_load %arg18[%swap3A_957, %swap3A_958] {strides = array<i32>} : memref<32x128xf32, #tpu.memory_space<vmem>>, vector<16xf32>,
        tpu.vector_store %arg18[%swap3A_957, %swap3A_958], %broadcast_in_dim3A_955 {strides = array<i32>} : memref<32x128xf32, #tpu.memory_space<vmem>>, vector<16xf32>,
        %swap3A_960 = arith.constant 25 : i32
        %swap3A_961 = arith.index_cast %swap3A_960 : i32 to index
        %swap3A_962 = arith.constant 16 : index
        %swap3A_963 = tpu.vector_load %arg18[%swap3A_961, %swap3A_962] {strides = array<i32>} : memref<32x128xf32, #tpu.memory_space<vmem>>, vector<16xf32>,
        tpu.vector_store %arg18[%swap3A_961, %swap3A_962], %broadcast_in_dim3A_955 {strides = array<i32>} : memref<32x128xf32, #tpu.memory_space<vmem>>, vector<16xf32>,
        %swap3A_964 = arith.constant 25 : i32
        %swap3A_965 = arith.index_cast %swap3A_964 : i32 to index
        %swap3A_966 = arith.constant 32 : index
        %swap3A_967 = tpu.vector_load %arg18[%swap3A_965, %swap3A_966] {strides = array<i32>} : memref<32x128xf32, #tpu.memory_space<vmem>>, vector<16xf32>,
        tpu.vector_store %arg18[%swap3A_965, %swap3A_966], %broadcast_in_dim3A_955 {strides = array<i32>} : memref<32x128xf32, #tpu.memory_space<vmem>>, vector<16xf32>,
        %swap3A_968 = arith.constant 25 : i32
        %swap3A_969 = arith.index_cast %swap3A_968 : i32 to index
        %swap3A_970 = arith.constant 48 : index
        %swap3A_971 = tpu.vector_load %arg18[%swap3A_969, %swap3A_970] {strides = array<i32>} : memref<32x128xf32, #tpu.memory_space<vmem>>, vector<16xf32>,
        tpu.vector_store %arg18[%swap3A_969, %swap3A_970], %broadcast_in_dim3A_955 {strides = array<i32>} : memref<32x128xf32, #tpu.memory_space<vmem>>, vector<16xf32>,
        %swap3A_972 = arith.constant 25 : i32
        %swap3A_973 = arith.index_cast %swap3A_972 : i32 to index
        %swap3A_974 = arith.constant 64 : index
        %swap3A_975 = tpu.vector_load %arg18[%swap3A_973, %swap3A_974] {strides = array<i32>} : memref<32x128xf32, #tpu.memory_space<vmem>>, vector<16xf32>,
        tpu.vector_store %arg18[%swap3A_973, %swap3A_974], %broadcast_in_dim3A_955 {strides = array<i32>} : memref<32x128xf32, #tpu.memory_space<vmem>>, vector<16xf32>,
        %swap3A_976 = arith.constant 25 : i32
        %swap3A_977 = arith.index_cast %swap3A_976 : i32 to index
        %swap3A_978 = arith.constant 80 : index
        %swap3A_979 = tpu.vector_load %arg18[%swap3A_977, %swap3A_978] {strides = array<i32>} : memref<32x128xf32, #tpu.memory_space<vmem>>, vector<16xf32>,
        tpu.vector_store %arg18[%swap3A_977, %swap3A_978], %broadcast_in_dim3A_955 {strides = array<i32>} : memref<32x128xf32, #tpu.memory_space<vmem>>, vector<16xf32>,
        %swap3A_980 = arith.constant 25 : i32
        %swap3A_981 = arith.index_cast %swap3A_980 : i32 to index
        %swap3A_982 = arith.constant 96 : index
        %swap3A_983 = tpu.vector_load %arg18[%swap3A_981, %swap3A_982] {strides = array<i32>} : memref<32x128xf32, #tpu.memory_space<vmem>>, vector<16xf32>,
        tpu.vector_store %arg18[%swap3A_981, %swap3A_982], %broadcast_in_dim3A_955 {strides = array<i32>} : memref<32x128xf32, #tpu.memory_space<vmem>>, vector<16xf32>,
        %swap3A_984 = arith.constant 25 : i32
        %swap3A_985 = arith.index_cast %swap3A_984 : i32 to index
        %swap3A_986 = arith.constant 112 : index
        %swap3A_987 = tpu.vector_load %arg18[%swap3A_985, %swap3A_986] {strides = array<i32>} : memref<32x128xf32, #tpu.memory_space<vmem>>, vector<16xf32>,
        tpu.vector_store %arg18[%swap3A_985, %swap3A_986], %broadcast_in_dim3A_955 {strides = array<i32>} : memref<32x128xf32, #tpu.memory_space<vmem>>, vector<16xf32>,
        %slice3A_988 = vector.extract_strided_slice %get3A_637 {offsets = [10], sizes = [1], strides = [1]} : vector<16xf32> to vector<1xf32>
        %squeeze3A_989 = vector.extract %slice3A_988[0] : f32 from vector<1xf32>
        %broadcast_in_dim3A_990 = vector.broadcast %squeeze3A_989 : f32 to vector<16xf32>
        %swap3A_991 = arith.constant 26 : i32
        %swap3A_992 = arith.index_cast %swap3A_991 : i32 to index
        %swap3A_993 = arith.constant 0 : index
        %swap3A_994 = tpu.vector_load %arg18[%swap3A_992, %swap3A_993] {strides = array<i32>} : memref<32x128xf32, #tpu.memory_space<vmem>>, vector<16xf32>,
        tpu.vector_store %arg18[%swap3A_992, %swap3A_993], %broadcast_in_dim3A_990 {strides = array<i32>} : memref<32x128xf32, #tpu.memory_space<vmem>>, vector<16xf32>,
        %swap3A_995 = arith.constant 26 : i32
        %swap3A_996 = arith.index_cast %swap3A_995 : i32 to index
        %swap3A_997 = arith.constant 16 : index
        %swap3A_998 = tpu.vector_load %arg18[%swap3A_996, %swap3A_997] {strides = array<i32>} : memref<32x128xf32, #tpu.memory_space<vmem>>, vector<16xf32>,
        tpu.vector_store %arg18[%swap3A_996, %swap3A_997], %broadcast_in_dim3A_990 {strides = array<i32>} : memref<32x128xf32, #tpu.memory_space<vmem>>, vector<16xf32>,
        %swap3A_999 = arith.constant 26 : i32
        %swap3A_1000 = arith.index_cast %swap3A_999 : i32 to index
        %swap3A_1001 = arith.constant 32 : index
        %swap3A_1002 = tpu.vector_load %arg18[%swap3A_1000, %swap3A_1001] {strides = array<i32>} : memref<32x128xf32, #tpu.memory_space<vmem>>, vector<16xf32>,
        tpu.vector_store %arg18[%swap3A_1000, %swap3A_1001], %broadcast_in_dim3A_990 {strides = array<i32>} : memref<32x128xf32, #tpu.memory_space<vmem>>, vector<16xf32>,
        %swap3A_1003 = arith.constant 26 : i32
        %swap3A_1004 = arith.index_cast %swap3A_1003 : i32 to index
        %swap3A_1005 = arith.constant 48 : index
        %swap3A_1006 = tpu.vector_load %arg18[%swap3A_1004, %swap3A_1005] {strides = array<i32>} : memref<32x128xf32, #tpu.memory_space<vmem>>, vector<16xf32>,
        tpu.vector_store %arg18[%swap3A_1004, %swap3A_1005], %broadcast_in_dim3A_990 {strides = array<i32>} : memref<32x128xf32, #tpu.memory_space<vmem>>, vector<16xf32>,
        %swap3A_1007 = arith.constant 26 : i32
        %swap3A_1008 = arith.index_cast %swap3A_1007 : i32 to index
        %swap3A_1009 = arith.constant 64 : index
        %swap3A_1010 = tpu.vector_load %arg18[%swap3A_1008, %swap3A_1009] {strides = array<i32>} : memref<32x128xf32, #tpu.memory_space<vmem>>, vector<16xf32>,
        tpu.vector_store %arg18[%swap3A_1008, %swap3A_1009], %broadcast_in_dim3A_990 {strides = array<i32>} : memref<32x128xf32, #tpu.memory_space<vmem>>, vector<16xf32>,
        %swap3A_1011 = arith.constant 26 : i32
        %swap3A_1012 = arith.index_cast %swap3A_1011 : i32 to index
        %swap3A_1013 = arith.constant 80 : index
        %swap3A_1014 = tpu.vector_load %arg18[%swap3A_1012, %swap3A_1013] {strides = array<i32>} : memref<32x128xf32, #tpu.memory_space<vmem>>, vector<16xf32>,
        tpu.vector_store %arg18[%swap3A_1012, %swap3A_1013], %broadcast_in_dim3A_990 {strides = array<i32>} : memref<32x128xf32, #tpu.memory_space<vmem>>, vector<16xf32>,
        %swap3A_1015 = arith.constant 26 : i32
        %swap3A_1016 = arith.index_cast %swap3A_1015 : i32 to index
        %swap3A_1017 = arith.constant 96 : index
        %swap3A_1018 = tpu.vector_load %arg18[%swap3A_1016, %swap3A_1017] {strides = array<i32>} : memref<32x128xf32, #tpu.memory_space<vmem>>, vector<16xf32>,
        tpu.vector_store %arg18[%swap3A_1016, %swap3A_1017], %broadcast_in_dim3A_990 {strides = array<i32>} : memref<32x128xf32, #tpu.memory_space<vmem>>, vector<16xf32>,
        %swap3A_1019 = arith.constant 26 : i32
        %swap3A_1020 = arith.index_cast %swap3A_1019 : i32 to index
        %swap3A_1021 = arith.constant 112 : index
        %swap3A_1022 = tpu.vector_load %arg18[%swap3A_1020, %swap3A_1021] {strides = array<i32>} : memref<32x128xf32, #tpu.memory_space<vmem>>, vector<16xf32>,
        tpu.vector_store %arg18[%swap3A_1020, %swap3A_1021], %broadcast_in_dim3A_990 {strides = array<i32>} : memref<32x128xf32, #tpu.memory_space<vmem>>, vector<16xf32>,
        %slice3A_1023 = vector.extract_strided_slice %get3A_637 {offsets = [11], sizes = [1], strides = [1]} : vector<16xf32> to vector<1xf32>
        %squeeze3A_1024 = vector.extract %slice3A_1023[0] : f32 from vector<1xf32>
        %broadcast_in_dim3A_1025 = vector.broadcast %squeeze3A_1024 : f32 to vector<16xf32>
        %swap3A_1026 = arith.constant 27 : i32
        %swap3A_1027 = arith.index_cast %swap3A_1026 : i32 to index
        %swap3A_1028 = arith.constant 0 : index
        %swap3A_1029 = tpu.vector_load %arg18[%swap3A_1027, %swap3A_1028] {strides = array<i32>} : memref<32x128xf32, #tpu.memory_space<vmem>>, vector<16xf32>,
        tpu.vector_store %arg18[%swap3A_1027, %swap3A_1028], %broadcast_in_dim3A_1025 {strides = array<i32>} : memref<32x128xf32, #tpu.memory_space<vmem>>, vector<16xf32>,
        %swap3A_1030 = arith.constant 27 : i32
        %swap3A_1031 = arith.index_cast %swap3A_1030 : i32 to index
        %swap3A_1032 = arith.constant 16 : index
        %swap3A_1033 = tpu.vector_load %arg18[%swap3A_1031, %swap3A_1032] {strides = array<i32>} : memref<32x128xf32, #tpu.memory_space<vmem>>, vector<16xf32>,
        tpu.vector_store %arg18[%swap3A_1031, %swap3A_1032], %broadcast_in_dim3A_1025 {strides = array<i32>} : memref<32x128xf32, #tpu.memory_space<vmem>>, vector<16xf32>,
        %swap3A_1034 = arith.constant 27 : i32
        %swap3A_1035 = arith.index_cast %swap3A_1034 : i32 to index
        %swap3A_1036 = arith.constant 32 : index
        %swap3A_1037 = tpu.vector_load %arg18[%swap3A_1035, %swap3A_1036] {strides = array<i32>} : memref<32x128xf32, #tpu.memory_space<vmem>>, vector<16xf32>,
        tpu.vector_store %arg18[%swap3A_1035, %swap3A_1036], %broadcast_in_dim3A_1025 {strides = array<i32>} : memref<32x128xf32, #tpu.memory_space<vmem>>, vector<16xf32>,
        %swap3A_1038 = arith.constant 27 : i32
        %swap3A_1039 = arith.index_cast %swap3A_1038 : i32 to index
        %swap3A_1040 = arith.constant 48 : index
        %swap3A_1041 = tpu.vector_load %arg18[%swap3A_1039, %swap3A_1040] {strides = array<i32>} : memref<32x128xf32, #tpu.memory_space<vmem>>, vector<16xf32>,
        tpu.vector_store %arg18[%swap3A_1039, %swap3A_1040], %broadcast_in_dim3A_1025 {strides = array<i32>} : memref<32x128xf32, #tpu.memory_space<vmem>>, vector<16xf32>,
        %swap3A_1042 = arith.constant 27 : i32
        %swap3A_1043 = arith.index_cast %swap3A_1042 : i32 to index
        %swap3A_1044 = arith.constant 64 : index
        %swap3A_1045 = tpu.vector_load %arg18[%swap3A_1043, %swap3A_1044] {strides = array<i32>} : memref<32x128xf32, #tpu.memory_space<vmem>>, vector<16xf32>,
        tpu.vector_store %arg18[%swap3A_1043, %swap3A_1044], %broadcast_in_dim3A_1025 {strides = array<i32>} : memref<32x128xf32, #tpu.memory_space<vmem>>, vector<16xf32>,
        %swap3A_1046 = arith.constant 27 : i32
        %swap3A_1047 = arith.index_cast %swap3A_1046 : i32 to index
        %swap3A_1048 = arith.constant 80 : index
        %swap3A_1049 = tpu.vector_load %arg18[%swap3A_1047, %swap3A_1048] {strides = array<i32>} : memref<32x128xf32, #tpu.memory_space<vmem>>, vector<16xf32>,
        tpu.vector_store %arg18[%swap3A_1047, %swap3A_1048], %broadcast_in_dim3A_1025 {strides = array<i32>} : memref<32x128xf32, #tpu.memory_space<vmem>>, vector<16xf32>,
        %swap3A_1050 = arith.constant 27 : i32
        %swap3A_1051 = arith.index_cast %swap3A_1050 : i32 to index
        %swap3A_1052 = arith.constant 96 : index
        %swap3A_1053 = tpu.vector_load %arg18[%swap3A_1051, %swap3A_1052] {strides = array<i32>} : memref<32x128xf32, #tpu.memory_space<vmem>>, vector<16xf32>,
        tpu.vector_store %arg18[%swap3A_1051, %swap3A_1052], %broadcast_in_dim3A_1025 {strides = array<i32>} : memref<32x128xf32, #tpu.memory_space<vmem>>, vector<16xf32>,
        %swap3A_1054 = arith.constant 27 : i32
        %swap3A_1055 = arith.index_cast %swap3A_1054 : i32 to index
        %swap3A_1056 = arith.constant 112 : index
        %swap3A_1057 = tpu.vector_load %arg18[%swap3A_1055, %swap3A_1056] {strides = array<i32>} : memref<32x128xf32, #tpu.memory_space<vmem>>, vector<16xf32>,
        tpu.vector_store %arg18[%swap3A_1055, %swap3A_1056], %broadcast_in_dim3A_1025 {strides = array<i32>} : memref<32x128xf32, #tpu.memory_space<vmem>>, vector<16xf32>,
        %slice3A_1058 = vector.extract_strided_slice %get3A_637 {offsets = [12], sizes = [1], strides = [1]} : vector<16xf32> to vector<1xf32>
        %squeeze3A_1059 = vector.extract %slice3A_1058[0] : f32 from vector<1xf32>
        %broadcast_in_dim3A_1060 = vector.broadcast %squeeze3A_1059 : f32 to vector<16xf32>
        %swap3A_1061 = arith.constant 28 : i32
        %swap3A_1062 = arith.index_cast %swap3A_1061 : i32 to index
        %swap3A_1063 = arith.constant 0 : index
        %swap3A_1064 = tpu.vector_load %arg18[%swap3A_1062, %swap3A_1063] {strides = array<i32>} : memref<32x128xf32, #tpu.memory_space<vmem>>, vector<16xf32>,
        tpu.vector_store %arg18[%swap3A_1062, %swap3A_1063], %broadcast_in_dim3A_1060 {strides = array<i32>} : memref<32x128xf32, #tpu.memory_space<vmem>>, vector<16xf32>,
        %swap3A_1065 = arith.constant 28 : i32
        %swap3A_1066 = arith.index_cast %swap3A_1065 : i32 to index
        %swap3A_1067 = arith.constant 16 : index
        %swap3A_1068 = tpu.vector_load %arg18[%swap3A_1066, %swap3A_1067] {strides = array<i32>} : memref<32x128xf32, #tpu.memory_space<vmem>>, vector<16xf32>,
        tpu.vector_store %arg18[%swap3A_1066, %swap3A_1067], %broadcast_in_dim3A_1060 {strides = array<i32>} : memref<32x128xf32, #tpu.memory_space<vmem>>, vector<16xf32>,
        %swap3A_1069 = arith.constant 28 : i32
        %swap3A_1070 = arith.index_cast %swap3A_1069 : i32 to index
        %swap3A_1071 = arith.constant 32 : index
        %swap3A_1072 = tpu.vector_load %arg18[%swap3A_1070, %swap3A_1071] {strides = array<i32>} : memref<32x128xf32, #tpu.memory_space<vmem>>, vector<16xf32>,
        tpu.vector_store %arg18[%swap3A_1070, %swap3A_1071], %broadcast_in_dim3A_1060 {strides = array<i32>} : memref<32x128xf32, #tpu.memory_space<vmem>>, vector<16xf32>,
        %swap3A_1073 = arith.constant 28 : i32
        %swap3A_1074 = arith.index_cast %swap3A_1073 : i32 to index
        %swap3A_1075 = arith.constant 48 : index
        %swap3A_1076 = tpu.vector_load %arg18[%swap3A_1074, %swap3A_1075] {strides = array<i32>} : memref<32x128xf32, #tpu.memory_space<vmem>>, vector<16xf32>,
        tpu.vector_store %arg18[%swap3A_1074, %swap3A_1075], %broadcast_in_dim3A_1060 {strides = array<i32>} : memref<32x128xf32, #tpu.memory_space<vmem>>, vector<16xf32>,
        %swap3A_1077 = arith.constant 28 : i32
        %swap3A_1078 = arith.index_cast %swap3A_1077 : i32 to index
        %swap3A_1079 = arith.constant 64 : index
        %swap3A_1080 = tpu.vector_load %arg18[%swap3A_1078, %swap3A_1079] {strides = array<i32>} : memref<32x128xf32, #tpu.memory_space<vmem>>, vector<16xf32>,
        tpu.vector_store %arg18[%swap3A_1078, %swap3A_1079], %broadcast_in_dim3A_1060 {strides = array<i32>} : memref<32x128xf32, #tpu.memory_space<vmem>>, vector<16xf32>,
        %swap3A_1081 = arith.constant 28 : i32
        %swap3A_1082 = arith.index_cast %swap3A_1081 : i32 to index
        %swap3A_1083 = arith.constant 80 : index
        %swap3A_1084 = tpu.vector_load %arg18[%swap3A_1082, %swap3A_1083] {strides = array<i32>} : memref<32x128xf32, #tpu.memory_space<vmem>>, vector<16xf32>,
        tpu.vector_store %arg18[%swap3A_1082, %swap3A_1083], %broadcast_in_dim3A_1060 {strides = array<i32>} : memref<32x128xf32, #tpu.memory_space<vmem>>, vector<16xf32>,
        %swap3A_1085 = arith.constant 28 : i32
        %swap3A_1086 = arith.index_cast %swap3A_1085 : i32 to index
        %swap3A_1087 = arith.constant 96 : index
        %swap3A_1088 = tpu.vector_load %arg18[%swap3A_1086, %swap3A_1087] {strides = array<i32>} : memref<32x128xf32, #tpu.memory_space<vmem>>, vector<16xf32>,
        tpu.vector_store %arg18[%swap3A_1086, %swap3A_1087], %broadcast_in_dim3A_1060 {strides = array<i32>} : memref<32x128xf32, #tpu.memory_space<vmem>>, vector<16xf32>,
        %swap3A_1089 = arith.constant 28 : i32
        %swap3A_1090 = arith.index_cast %swap3A_1089 : i32 to index
        %swap3A_1091 = arith.constant 112 : index
        %swap3A_1092 = tpu.vector_load %arg18[%swap3A_1090, %swap3A_1091] {strides = array<i32>} : memref<32x128xf32, #tpu.memory_space<vmem>>, vector<16xf32>,
        tpu.vector_store %arg18[%swap3A_1090, %swap3A_1091], %broadcast_in_dim3A_1060 {strides = array<i32>} : memref<32x128xf32, #tpu.memory_space<vmem>>, vector<16xf32>,
        %slice3A_1093 = vector.extract_strided_slice %get3A_637 {offsets = [13], sizes = [1], strides = [1]} : vector<16xf32> to vector<1xf32>
        %squeeze3A_1094 = vector.extract %slice3A_1093[0] : f32 from vector<1xf32>
        %broadcast_in_dim3A_1095 = vector.broadcast %squeeze3A_1094 : f32 to vector<16xf32>
        %swap3A_1096 = arith.constant 29 : i32
        %swap3A_1097 = arith.index_cast %swap3A_1096 : i32 to index
        %swap3A_1098 = arith.constant 0 : index
        %swap3A_1099 = tpu.vector_load %arg18[%swap3A_1097, %swap3A_1098] {strides = array<i32>} : memref<32x128xf32, #tpu.memory_space<vmem>>, vector<16xf32>,
        tpu.vector_store %arg18[%swap3A_1097, %swap3A_1098], %broadcast_in_dim3A_1095 {strides = array<i32>} : memref<32x128xf32, #tpu.memory_space<vmem>>, vector<16xf32>,
        %swap3A_1100 = arith.constant 29 : i32
        %swap3A_1101 = arith.index_cast %swap3A_1100 : i32 to index
        %swap3A_1102 = arith.constant 16 : index
        %swap3A_1103 = tpu.vector_load %arg18[%swap3A_1101, %swap3A_1102] {strides = array<i32>} : memref<32x128xf32, #tpu.memory_space<vmem>>, vector<16xf32>,
        tpu.vector_store %arg18[%swap3A_1101, %swap3A_1102], %broadcast_in_dim3A_1095 {strides = array<i32>} : memref<32x128xf32, #tpu.memory_space<vmem>>, vector<16xf32>,
        %swap3A_1104 = arith.constant 29 : i32
        %swap3A_1105 = arith.index_cast %swap3A_1104 : i32 to index
        %swap3A_1106 = arith.constant 32 : index
        %swap3A_1107 = tpu.vector_load %arg18[%swap3A_1105, %swap3A_1106] {strides = array<i32>} : memref<32x128xf32, #tpu.memory_space<vmem>>, vector<16xf32>,
        tpu.vector_store %arg18[%swap3A_1105, %swap3A_1106], %broadcast_in_dim3A_1095 {strides = array<i32>} : memref<32x128xf32, #tpu.memory_space<vmem>>, vector<16xf32>,
        %swap3A_1108 = arith.constant 29 : i32
        %swap3A_1109 = arith.index_cast %swap3A_1108 : i32 to index
        %swap3A_1110 = arith.constant 48 : index
        %swap3A_1111 = tpu.vector_load %arg18[%swap3A_1109, %swap3A_1110] {strides = array<i32>} : memref<32x128xf32, #tpu.memory_space<vmem>>, vector<16xf32>,
        tpu.vector_store %arg18[%swap3A_1109, %swap3A_1110], %broadcast_in_dim3A_1095 {strides = array<i32>} : memref<32x128xf32, #tpu.memory_space<vmem>>, vector<16xf32>,
        %swap3A_1112 = arith.constant 29 : i32
        %swap3A_1113 = arith.index_cast %swap3A_1112 : i32 to index
        %swap3A_1114 = arith.constant 64 : index
        %swap3A_1115 = tpu.vector_load %arg18[%swap3A_1113, %swap3A_1114] {strides = array<i32>} : memref<32x128xf32, #tpu.memory_space<vmem>>, vector<16xf32>,
        tpu.vector_store %arg18[%swap3A_1113, %swap3A_1114], %broadcast_in_dim3A_1095 {strides = array<i32>} : memref<32x128xf32, #tpu.memory_space<vmem>>, vector<16xf32>,
        %swap3A_1116 = arith.constant 29 : i32
        %swap3A_1117 = arith.index_cast %swap3A_1116 : i32 to index
        %swap3A_1118 = arith.constant 80 : index
        %swap3A_1119 = tpu.vector_load %arg18[%swap3A_1117, %swap3A_1118] {strides = array<i32>} : memref<32x128xf32, #tpu.memory_space<vmem>>, vector<16xf32>,
        tpu.vector_store %arg18[%swap3A_1117, %swap3A_1118], %broadcast_in_dim3A_1095 {strides = array<i32>} : memref<32x128xf32, #tpu.memory_space<vmem>>, vector<16xf32>,
        %swap3A_1120 = arith.constant 29 : i32
        %swap3A_1121 = arith.index_cast %swap3A_1120 : i32 to index
        %swap3A_1122 = arith.constant 96 : index
        %swap3A_1123 = tpu.vector_load %arg18[%swap3A_1121, %swap3A_1122] {strides = array<i32>} : memref<32x128xf32, #tpu.memory_space<vmem>>, vector<16xf32>,
        tpu.vector_store %arg18[%swap3A_1121, %swap3A_1122], %broadcast_in_dim3A_1095 {strides = array<i32>} : memref<32x128xf32, #tpu.memory_space<vmem>>, vector<16xf32>,
        %swap3A_1124 = arith.constant 29 : i32
        %swap3A_1125 = arith.index_cast %swap3A_1124 : i32 to index
        %swap3A_1126 = arith.constant 112 : index
        %swap3A_1127 = tpu.vector_load %arg18[%swap3A_1125, %swap3A_1126] {strides = array<i32>} : memref<32x128xf32, #tpu.memory_space<vmem>>, vector<16xf32>,
        tpu.vector_store %arg18[%swap3A_1125, %swap3A_1126], %broadcast_in_dim3A_1095 {strides = array<i32>} : memref<32x128xf32, #tpu.memory_space<vmem>>, vector<16xf32>,
        %slice3A_1128 = vector.extract_strided_slice %get3A_637 {offsets = [14], sizes = [1], strides = [1]} : vector<16xf32> to vector<1xf32>
        %squeeze3A_1129 = vector.extract %slice3A_1128[0] : f32 from vector<1xf32>
        %broadcast_in_dim3A_1130 = vector.broadcast %squeeze3A_1129 : f32 to vector<16xf32>
        %swap3A_1131 = arith.constant 30 : i32
        %swap3A_1132 = arith.index_cast %swap3A_1131 : i32 to index
        %swap3A_1133 = arith.constant 0 : index
        %swap3A_1134 = tpu.vector_load %arg18[%swap3A_1132, %swap3A_1133] {strides = array<i32>} : memref<32x128xf32, #tpu.memory_space<vmem>>, vector<16xf32>,
        tpu.vector_store %arg18[%swap3A_1132, %swap3A_1133], %broadcast_in_dim3A_1130 {strides = array<i32>} : memref<32x128xf32, #tpu.memory_space<vmem>>, vector<16xf32>,
        %swap3A_1135 = arith.constant 30 : i32
        %swap3A_1136 = arith.index_cast %swap3A_1135 : i32 to index
        %swap3A_1137 = arith.constant 16 : index
        %swap3A_1138 = tpu.vector_load %arg18[%swap3A_1136, %swap3A_1137] {strides = array<i32>} : memref<32x128xf32, #tpu.memory_space<vmem>>, vector<16xf32>,
        tpu.vector_store %arg18[%swap3A_1136, %swap3A_1137], %broadcast_in_dim3A_1130 {strides = array<i32>} : memref<32x128xf32, #tpu.memory_space<vmem>>, vector<16xf32>,
        %swap3A_1139 = arith.constant 30 : i32
        %swap3A_1140 = arith.index_cast %swap3A_1139 : i32 to index
        %swap3A_1141 = arith.constant 32 : index
        %swap3A_1142 = tpu.vector_load %arg18[%swap3A_1140, %swap3A_1141] {strides = array<i32>} : memref<32x128xf32, #tpu.memory_space<vmem>>, vector<16xf32>,
        tpu.vector_store %arg18[%swap3A_1140, %swap3A_1141], %broadcast_in_dim3A_1130 {strides = array<i32>} : memref<32x128xf32, #tpu.memory_space<vmem>>, vector<16xf32>,
        %swap3A_1143 = arith.constant 30 : i32
        %swap3A_1144 = arith.index_cast %swap3A_1143 : i32 to index
        %swap3A_1145 = arith.constant 48 : index
        %swap3A_1146 = tpu.vector_load %arg18[%swap3A_1144, %swap3A_1145] {strides = array<i32>} : memref<32x128xf32, #tpu.memory_space<vmem>>, vector<16xf32>,
        tpu.vector_store %arg18[%swap3A_1144, %swap3A_1145], %broadcast_in_dim3A_1130 {strides = array<i32>} : memref<32x128xf32, #tpu.memory_space<vmem>>, vector<16xf32>,
        %swap3A_1147 = arith.constant 30 : i32
        %swap3A_1148 = arith.index_cast %swap3A_1147 : i32 to index
        %swap3A_1149 = arith.constant 64 : index
        %swap3A_1150 = tpu.vector_load %arg18[%swap3A_1148, %swap3A_1149] {strides = array<i32>} : memref<32x128xf32, #tpu.memory_space<vmem>>, vector<16xf32>,
        tpu.vector_store %arg18[%swap3A_1148, %swap3A_1149], %broadcast_in_dim3A_1130 {strides = array<i32>} : memref<32x128xf32, #tpu.memory_space<vmem>>, vector<16xf32>,
        %swap3A_1151 = arith.constant 30 : i32
        %swap3A_1152 = arith.index_cast %swap3A_1151 : i32 to index
        %swap3A_1153 = arith.constant 80 : index
        %swap3A_1154 = tpu.vector_load %arg18[%swap3A_1152, %swap3A_1153] {strides = array<i32>} : memref<32x128xf32, #tpu.memory_space<vmem>>, vector<16xf32>,
        tpu.vector_store %arg18[%swap3A_1152, %swap3A_1153], %broadcast_in_dim3A_1130 {strides = array<i32>} : memref<32x128xf32, #tpu.memory_space<vmem>>, vector<16xf32>,
        %swap3A_1155 = arith.constant 30 : i32
        %swap3A_1156 = arith.index_cast %swap3A_1155 : i32 to index
        %swap3A_1157 = arith.constant 96 : index
        %swap3A_1158 = tpu.vector_load %arg18[%swap3A_1156, %swap3A_1157] {strides = array<i32>} : memref<32x128xf32, #tpu.memory_space<vmem>>, vector<16xf32>,
        tpu.vector_store %arg18[%swap3A_1156, %swap3A_1157], %broadcast_in_dim3A_1130 {strides = array<i32>} : memref<32x128xf32, #tpu.memory_space<vmem>>, vector<16xf32>,
        %swap3A_1159 = arith.constant 30 : i32
        %swap3A_1160 = arith.index_cast %swap3A_1159 : i32 to index
        %swap3A_1161 = arith.constant 112 : index
        %swap3A_1162 = tpu.vector_load %arg18[%swap3A_1160, %swap3A_1161] {strides = array<i32>} : memref<32x128xf32, #tpu.memory_space<vmem>>, vector<16xf32>,
        tpu.vector_store %arg18[%swap3A_1160, %swap3A_1161], %broadcast_in_dim3A_1130 {strides = array<i32>} : memref<32x128xf32, #tpu.memory_space<vmem>>, vector<16xf32>,
        %slice3A_1163 = vector.extract_strided_slice %get3A_637 {offsets = [15], sizes = [1], strides = [1]} : vector<16xf32> to vector<1xf32>
        %squeeze3A_1164 = vector.extract %slice3A_1163[0] : f32 from vector<1xf32>
        %broadcast_in_dim3A_1165 = vector.broadcast %squeeze3A_1164 : f32 to vector<16xf32>
        %swap3A_1166 = arith.constant 31 : i32
        %swap3A_1167 = arith.index_cast %swap3A_1166 : i32 to index
        %swap3A_1168 = arith.constant 0 : index
        %swap3A_1169 = tpu.vector_load %arg18[%swap3A_1167, %swap3A_1168] {strides = array<i32>} : memref<32x128xf32, #tpu.memory_space<vmem>>, vector<16xf32>,
        tpu.vector_store %arg18[%swap3A_1167, %swap3A_1168], %broadcast_in_dim3A_1165 {strides = array<i32>} : memref<32x128xf32, #tpu.memory_space<vmem>>, vector<16xf32>,
        %swap3A_1170 = arith.constant 31 : i32
        %swap3A_1171 = arith.index_cast %swap3A_1170 : i32 to index
        %swap3A_1172 = arith.constant 16 : index
        %swap3A_1173 = tpu.vector_load %arg18[%swap3A_1171, %swap3A_1172] {strides = array<i32>} : memref<32x128xf32, #tpu.memory_space<vmem>>, vector<16xf32>,
        tpu.vector_store %arg18[%swap3A_1171, %swap3A_1172], %broadcast_in_dim3A_1165 {strides = array<i32>} : memref<32x128xf32, #tpu.memory_space<vmem>>, vector<16xf32>,
        %swap3A_1174 = arith.constant 31 : i32
        %swap3A_1175 = arith.index_cast %swap3A_1174 : i32 to index
        %swap3A_1176 = arith.constant 32 : index
        %swap3A_1177 = tpu.vector_load %arg18[%swap3A_1175, %swap3A_1176] {strides = array<i32>} : memref<32x128xf32, #tpu.memory_space<vmem>>, vector<16xf32>,
        tpu.vector_store %arg18[%swap3A_1175, %swap3A_1176], %broadcast_in_dim3A_1165 {strides = array<i32>} : memref<32x128xf32, #tpu.memory_space<vmem>>, vector<16xf32>,
        %swap3A_1178 = arith.constant 31 : i32
        %swap3A_1179 = arith.index_cast %swap3A_1178 : i32 to index
        %swap3A_1180 = arith.constant 48 : index
        %swap3A_1181 = tpu.vector_load %arg18[%swap3A_1179, %swap3A_1180] {strides = array<i32>} : memref<32x128xf32, #tpu.memory_space<vmem>>, vector<16xf32>,
        tpu.vector_store %arg18[%swap3A_1179, %swap3A_1180], %broadcast_in_dim3A_1165 {strides = array<i32>} : memref<32x128xf32, #tpu.memory_space<vmem>>, vector<16xf32>,
        %swap3A_1182 = arith.constant 31 : i32
        %swap3A_1183 = arith.index_cast %swap3A_1182 : i32 to index
        %swap3A_1184 = arith.constant 64 : index
        %swap3A_1185 = tpu.vector_load %arg18[%swap3A_1183, %swap3A_1184] {strides = array<i32>} : memref<32x128xf32, #tpu.memory_space<vmem>>, vector<16xf32>,
        tpu.vector_store %arg18[%swap3A_1183, %swap3A_1184], %broadcast_in_dim3A_1165 {strides = array<i32>} : memref<32x128xf32, #tpu.memory_space<vmem>>, vector<16xf32>,
        %swap3A_1186 = arith.constant 31 : i32
        %swap3A_1187 = arith.index_cast %swap3A_1186 : i32 to index
        %swap3A_1188 = arith.constant 80 : index
        %swap3A_1189 = tpu.vector_load %arg18[%swap3A_1187, %swap3A_1188] {strides = array<i32>} : memref<32x128xf32, #tpu.memory_space<vmem>>, vector<16xf32>,
        tpu.vector_store %arg18[%swap3A_1187, %swap3A_1188], %broadcast_in_dim3A_1165 {strides = array<i32>} : memref<32x128xf32, #tpu.memory_space<vmem>>, vector<16xf32>,
        %swap3A_1190 = arith.constant 31 : i32
        %swap3A_1191 = arith.index_cast %swap3A_1190 : i32 to index
        %swap3A_1192 = arith.constant 96 : index
        %swap3A_1193 = tpu.vector_load %arg18[%swap3A_1191, %swap3A_1192] {strides = array<i32>} : memref<32x128xf32, #tpu.memory_space<vmem>>, vector<16xf32>,
        tpu.vector_store %arg18[%swap3A_1191, %swap3A_1192], %broadcast_in_dim3A_1165 {strides = array<i32>} : memref<32x128xf32, #tpu.memory_space<vmem>>, vector<16xf32>,
        %swap3A_1194 = arith.constant 31 : i32
        %swap3A_1195 = arith.index_cast %swap3A_1194 : i32 to index
        %swap3A_1196 = arith.constant 112 : index
        %swap3A_1197 = tpu.vector_load %arg18[%swap3A_1195, %swap3A_1196] {strides = array<i32>} : memref<32x128xf32, #tpu.memory_space<vmem>>, vector<16xf32>,
        tpu.vector_store %arg18[%swap3A_1195, %swap3A_1196], %broadcast_in_dim3A_1165 {strides = array<i32>} : memref<32x128xf32, #tpu.memory_space<vmem>>, vector<16xf32>,
        %mul3A_1198 = arith.constant 32 : i32
        %mul3A_1199 = arith.muli %scan3A_57, %mul3A_1198 : i32
        %add3A_1200 = arith.addi %mul3A_0, %mul3A_1199 : i32
        "tpu.region"() ({
          %run_scoped3A = tpu.sem_alloc : memref<!tpu.dma_semaphore, #tpu.memory_space<semaphore_mem>>
          %dma_start3A = arith.constant 0 : i32
          %dma_start3A_1202 = tpu.memref_slice %arg9[%add3A_21, %add3A_1200, %dma_start3A] : memref<4x2560x128xf32, #tpu.memory_space<hbm>> -> memref<1x32x128xf32, #tpu.memory_space<hbm>>
          %dma_start3A_1203 = tpu.memref_squeeze %dma_start3A_1202 : memref<1x32x128xf32, #tpu.memory_space<hbm>> -> memref<32x128xf32, #tpu.memory_space<hbm>>
          %dma_start3A_1204 = arith.constant 0 : i32
          %dma_start3A_1205 = tpu.memref_slice %arg9[%add3A_21, %add3A_1200, %dma_start3A_1204] : memref<4x2560x128xf32, #tpu.memory_space<hbm>> -> memref<1x32x128xf32, #tpu.memory_space<hbm>>
          %dma_start3A_1206 = tpu.memref_squeeze %dma_start3A_1205 : memref<1x32x128xf32, #tpu.memory_space<hbm>> -> memref<32x128xf32, #tpu.memory_space<hbm>>
          tpu.enqueue_dma source(%arg18 : memref<32x128xf32, #tpu.memory_space<vmem>>) target(%dma_start3A_1206 : memref<32x128xf32, #tpu.memory_space<hbm>>) target_semaphore(%run_scoped3A : memref<!tpu.dma_semaphore, #tpu.memory_space<semaphore_mem>>)
          %dma_wait3A = arith.constant 0 : i32
          %dma_wait3A_1207 = tpu.memref_slice %arg9[%add3A_21, %add3A_1200, %dma_wait3A] : memref<4x2560x128xf32, #tpu.memory_space<hbm>> -> memref<1x32x128xf32, #tpu.memory_space<hbm>>
          %dma_wait3A_1208 = tpu.memref_squeeze %dma_wait3A_1207 : memref<1x32x128xf32, #tpu.memory_space<hbm>> -> memref<32x128xf32, #tpu.memory_space<hbm>>
          %dma_wait3A_1209 = arith.constant 0 : i32
          %dma_wait3A_1210 = tpu.memref_slice %arg9[%add3A_21, %add3A_1200, %dma_wait3A_1209] : memref<4x2560x128xf32, #tpu.memory_space<hbm>> -> memref<1x32x128xf32, #tpu.memory_space<hbm>>
          %dma_wait3A_1211 = tpu.memref_squeeze %dma_wait3A_1210 : memref<1x32x128xf32, #tpu.memory_space<hbm>> -> memref<32x128xf32, #tpu.memory_space<hbm>>
          tpu.wait_dma2 semaphore(%run_scoped3A : memref<!tpu.dma_semaphore, #tpu.memory_space<semaphore_mem>>) src(%arg18 : memref<32x128xf32, #tpu.memory_space<vmem>>) dst(%dma_wait3A_1211 : memref<32x128xf32, #tpu.memory_space<hbm>>)
          tpu.yield
        }) : () -> ()
        %scan3A_1201 = arith.constant 0 : i32
        scf.yield %scan3A_1201 : i32
      }
      %scan3A_54 = arith.constant 5 : i32
      %barrier3A_55 = arith.constant 0 : index
      tpu.barrier barrier_id(%barrier3A_55)
      %scan3A_56 = arith.constant 0 : i32
      scf.yield %scan3A_56 : i32
    }
    %scan3A_16 = arith.constant 2 : i32
    return
  }
}

module attributes {stable_mosaic.version = 14 : i64} {
  func.func @_proj_body(%arg0: i32, %arg1: memref<1000x128xf32, #tpu.memory_space<vmem>>, %arg2: memref<128x128xf32, #tpu.memory_space<vmem>>, %arg3: memref<128x128xf32, #tpu.memory_space<vmem>>, %arg4: memref<1000x128xf32, #tpu.memory_space<vmem>>, %arg5: memref<1000x128xf32, #tpu.memory_space<vmem>>) attributes {dimension_semantics = [#tpu.dimension_semantics<arbitrary>], iteration_bounds = array<i64: 10>, scalar_prefetch = 0 : i64, scratch_operands = 0 : i64, tpu.core_type = #tpu.core_type<tc>, window_params = [{transform_indices = @transform_0, window_bounds = array<i64: 1000, 128>}, {pipeline_mode = #tpu.pipeline_mode<synchronous>, transform_indices = @transform_1, window_bounds = array<i64: 128, 128>}, {pipeline_mode = #tpu.pipeline_mode<synchronous>, transform_indices = @transform_2, window_bounds = array<i64: 128, 128>}, {transform_indices = @transform_3, window_bounds = array<i64: 1000, 128>}, {transform_indices = @transform_4, window_bounds = array<i64: 1000, 128>}]} {
    %get3A = arith.constant 0 : index
    %get3A_0 = arith.constant 0 : index
    %get3A_1 = vector.load %arg1[%get3A, %get3A_0] : memref<1000x128xf32, #tpu.memory_space<vmem>>, vector<1000x128xf32>
    %get3A_2 = arith.constant 0 : index
    %get3A_3 = arith.constant 0 : index
    %get3A_4 = vector.load %arg2[%get3A_2, %get3A_3] : memref<128x128xf32, #tpu.memory_space<vmem>>, vector<128x128xf32>
    %dot_general3A = arith.constant dense<0.000000e+00> : vector<1000x128xf32>
    %dot_general3A_5 = tpu.matmul %get3A_1, %get3A_4, %dot_general3A {dimension_numbers = #tpu.dot_dimension_numbers<[1], [0], [0], [1], [0, 0, 1, 1], [], []>, transpose_lhs_hint = false} : vector<1000x128xf32>, vector<128x128xf32>, vector<1000x128xf32> -> vector<1000x128xf32>
    %swap3A = arith.constant 0 : index
    %swap3A_6 = arith.constant 0 : index
    %swap3A_7 = vector.load %arg4[%swap3A, %swap3A_6] : memref<1000x128xf32, #tpu.memory_space<vmem>>, vector<1000x128xf32>
    tpu.vector_store %arg4[%swap3A, %swap3A_6], %dot_general3A_5 {strides = array<i32>} : memref<1000x128xf32, #tpu.memory_space<vmem>>, vector<1000x128xf32>,
    %get3A_8 = arith.constant 0 : index
    %get3A_9 = arith.constant 0 : index
    %get3A_10 = vector.load %arg3[%get3A_8, %get3A_9] : memref<128x128xf32, #tpu.memory_space<vmem>>, vector<128x128xf32>
    %dot_general3A_11 = arith.constant dense<0.000000e+00> : vector<1000x128xf32>
    %dot_general3A_12 = tpu.matmul %dot_general3A_5, %get3A_10, %dot_general3A_11 {dimension_numbers = #tpu.dot_dimension_numbers<[1], [0], [0], [1], [0, 0, 1, 1], [], []>, transpose_lhs_hint = false} : vector<1000x128xf32>, vector<128x128xf32>, vector<1000x128xf32> -> vector<1000x128xf32>
    %swap3A_13 = arith.constant 0 : index
    %swap3A_14 = arith.constant 0 : index
    %swap3A_15 = vector.load %arg5[%swap3A_13, %swap3A_14] : memref<1000x128xf32, #tpu.memory_space<vmem>>, vector<1000x128xf32>
    tpu.vector_store %arg5[%swap3A_13, %swap3A_14], %dot_general3A_12 {strides = array<i32>} : memref<1000x128xf32, #tpu.memory_space<vmem>>, vector<1000x128xf32>,
    return
  }
  func.func @transform_0(%arg0: i32) -> (i32, i32) {
    %c0_i32 = arith.constant 0 : i32
    %c0_i32_0 = arith.constant 0 : i32
    return %arg0, %c0_i32 : i32, i32
  }
  func.func @transform_1(%arg0: i32) -> (i32, i32) {
    %c0_i32 = arith.constant 0 : i32
    %c0_i32_0 = arith.constant 0 : i32
    %c0_i32_1 = arith.constant 0 : i32
    return %c0_i32, %c0_i32_0 : i32, i32
  }
  func.func @transform_2(%arg0: i32) -> (i32, i32) {
    %c0_i32 = arith.constant 0 : i32
    %c0_i32_0 = arith.constant 0 : i32
    %c0_i32_1 = arith.constant 0 : i32
    return %c0_i32, %c0_i32_0 : i32, i32
  }
  func.func @transform_3(%arg0: i32) -> (i32, i32) {
    %c0_i32 = arith.constant 0 : i32
    %c0_i32_0 = arith.constant 0 : i32
    return %arg0, %c0_i32 : i32, i32
  }
  func.func @transform_4(%arg0: i32) -> (i32, i32) {
    %c0_i32 = arith.constant 0 : i32
    %c0_i32_0 = arith.constant 0 : i32
    return %arg0, %c0_i32 : i32, i32
  }
}

module attributes {stable_mosaic.version = 14 : i64} {
  func.func @_fin_body(%arg0: i32, %arg1: memref<1024x128xf32, #tpu.memory_space<vmem>>, %arg2: memref<1024x128xf32, #tpu.memory_space<vmem>>, %arg3: memref<1x128xf32, #tpu.memory_space<vmem>>, %arg4: memref<1024x128xf32, #tpu.memory_space<vmem>>) attributes {dimension_semantics = [#tpu.dimension_semantics<arbitrary>], iteration_bounds = array<i64: 10>, scalar_prefetch = 0 : i64, scratch_operands = 0 : i64, tpu.core_type = #tpu.core_type<tc>, window_params = [{transform_indices = @transform_0, window_bounds = array<i64: 1024, 128>}, {transform_indices = @transform_1, window_bounds = array<i64: 1024, 128>}, {pipeline_mode = #tpu.pipeline_mode<synchronous>, transform_indices = @transform_2, window_bounds = array<i64: 1, 128>}, {transform_indices = @transform_3, window_bounds = array<i64: 1024, 128>}]} {
    %get3A = arith.constant 0 : index
    %get3A_0 = arith.constant 0 : index
    %get3A_1 = vector.load %arg1[%get3A, %get3A_0] : memref<1024x128xf32, #tpu.memory_space<vmem>>, vector<1024x128xf32>
    %get3A_2 = arith.constant 0 : index
    %get3A_3 = arith.constant 0 : index
    %get3A_4 = vector.load %arg2[%get3A_2, %get3A_3] : memref<1024x128xf32, #tpu.memory_space<vmem>>, vector<1024x128xf32>
    %add3A = arith.constant 1.000000e-16 : f32
    %add3A_5 = vector.broadcast %add3A : f32 to vector<1024x128xf32>
    %add3A_6 = arith.addf %get3A_4, %add3A_5 : vector<1024x128xf32>
    %div3A = arith.divf %get3A_1, %add3A_6 : vector<1024x128xf32>
    %get3A_7 = arith.constant 0 : index
    %get3A_8 = arith.constant 0 : index
    %get3A_9 = vector.load %arg3[%get3A_7, %get3A_8] : memref<1x128xf32, #tpu.memory_space<vmem>>, vector<1x128xf32>
    %add3A_10 = vector.broadcast %get3A_9 : vector<1x128xf32> to vector<1024x128xf32>
    %add3A_11 = arith.addf %div3A, %add3A_10 : vector<1024x128xf32>
    %swap3A = arith.constant 0 : index
    %swap3A_12 = arith.constant 0 : index
    %swap3A_13 = vector.load %arg4[%swap3A, %swap3A_12] : memref<1024x128xf32, #tpu.memory_space<vmem>>, vector<1024x128xf32>
    tpu.vector_store %arg4[%swap3A, %swap3A_12], %add3A_11 {strides = array<i32>} : memref<1024x128xf32, #tpu.memory_space<vmem>>, vector<1024x128xf32>,
    return
  }
  func.func @transform_0(%arg0: i32) -> (i32, i32) {
    %c0_i32 = arith.constant 0 : i32
    %c0_i32_0 = arith.constant 0 : i32
    return %arg0, %c0_i32 : i32, i32
  }
  func.func @transform_1(%arg0: i32) -> (i32, i32) {
    %c0_i32 = arith.constant 0 : i32
    %c0_i32_0 = arith.constant 0 : i32
    return %arg0, %c0_i32 : i32, i32
  }
  func.func @transform_2(%arg0: i32) -> (i32, i32) {
    %c0_i32 = arith.constant 0 : i32
    %c0_i32_0 = arith.constant 0 : i32
    %c0_i32_1 = arith.constant 0 : i32
    return %c0_i32, %c0_i32_0 : i32, i32
  }
  func.func @transform_3(%arg0: i32) -> (i32, i32) {
    %c0_i32 = arith.constant 0 : i32
    %c0_i32_0 = arith.constant 0 : i32
    return %arg0, %c0_i32 : i32, i32
  }
}

</mosaic_0001>

<sc_bundles>
// kernel: kernel.5.cloned.1.call-start
scs
__scs_entry_jumppad:
0x0: {  	(pc) =	sbr.rel $0x88, $3  }
0x1: {  	(tag) =	ssettag $0x0;
	lr =	simm.s32 $0x1  }
0x2: {  	[smem:$0x3F9B] =	sst lr;
	_ =	strace $0xD0000000  }
0x3: {  	_ = 	snop  }
0x4: {  	_ = 	snop  }
0x5: {  	_ = 	snop  }
0x6: {  	_ = 	snop  }
0x7: {  	_ = 	snop  }
__scs_overlays_trampoline_lowered:
0x8: {  	[smem:$0x3FAA] =	sst s0  }
0x9: {  	[smem:$0x3FAB] =	sst s1  }
0xa: {  	[smem:$0x3FAC] =	sst s2  }
0xb: {  	[smem:$0x3FAD] =	sst s3  }
0xc: {  	[smem:$0x3FAE] =	sst s4  }
0xd: {  	[smem:$0x3FAF] =	sst s5  }
0xe: {  	[smem:$0x3FB0] =	sst s6  }
0xf: {  	[smem:$0x3FB1] =	sst s7  }
0x10: {  	[smem:$0x3FB2] =	sst s8  }
0x11: {  	[smem:$0x3FB3] =	sst s9;
	s0 =	simm.s32 @!p0 $0x0  }
0x12: {  	s1 =	sld [smem:$0x3F99];
	s0 =	simm.s32 @p0 $0x1  }
0x13: {  	[smem:$0x3FB4] =	sst s0;
	s0 =	simm.s32 @!p1 $0x0  }
0x14: {  	s2 =	sld [smem:$0x3F98];
	s0 =	simm.s32 @p1 $0x1  }
0x15: {  	[smem:$0x3FB5] =	sst s0;
	s0 =	simm.s32 @!p2 $0x0  }
0x16: {  	s3 =	sld [smem:$0x3FDB];
	s0 =	simm.s32 @p2 $0x1  }
0x17: {  	s4 =	simm.s32 $0x1BF5;
	[smem:$0x3FB7] =	sst s0  }
0x18: {  	s0 =	sld [smem:$0x3F9A];
	_ =	swait.ge [sflag:s4], $0x0  }
0x19: {  	s7 =	sld [smem:$0x3F9B]  }
0x1a: {  	s8 =	sadd.s32 $0xFFFFE003, lr  }
0x1b: {  	s9 =	sadd.s32 $0xFFFFFEF7, lr;
	s5 =	simm.s32 $0xFFFFFFFF;
	p2 =	slt.u32 s8, $0xFFFFF086  }
0x1c: {  	p1 =	slt.u32 s9, $0xF7A;
	s5 =	simm.s32 @!p2 $0x0  }
0x1d: {  	s5 =	simm.s32 @p1 $0x1;
	p0 =	seq.s32 s7, s2  }
0x1e: {  	s7 =	smul.u32 @!p0 $0xF7A, s2;
	p2 =	seq.s32 @!p0 s5, $0x0  }
0x1f: {  	s9 =	smul.u32 $0xF7A, s1;
	s8 =	simm.s32 @!p0 $0x1BF5;
	p2 =	por !p2, p0  }
0x20: {  	[sflag:s8] =	ssyncset.s32 @!p0 $0xFFFFF086;
	s6 =	sadd.s32 @!p0 s3, s7;
	s7 =	simm.s32 @!p0 $0x108  }
0x21: {  	s3 =	sadd.s32 s3, s9;
	s6 =	sadd.s32 @!p0 $0x88, s6;
	s7 =	simm.s32 @p2 $0x1082  }
0x22: {  	[simem:s7], [sflag:s8] =	dma.local @!p0 [hbm:s6], $0xF7A  }
0x23: {  	s9 =	sor.u32 $0xD0000000, s2;
	s6 =	simm.s32 $0x108;
	_ =	swait.ge @!p0 [sflag:s8], $0x0  }
0x24: {  	s3 =	sadd.s32 $0x88, s3;
	s6 =	simm.s32 @!p1 $0x1082;
	[sflag:s4] =	ssyncset.s32 $0xFFFFF086  }
0x25: {  	[simem:s6], [sflag:s4] =	dma.local [hbm:s3], $0xF7A  }
0x26: {  	[smem:$0x3F9B] =	sst s1;
	(tag) =	ssettag s2;
	_ =	strace s9  }
0x27: {  	s1 =	sld [smem:$0x3FAB]  }
0x28: {  	s2 =	sld [smem:$0x3FAC]  }
0x29: {  	s4 =	sld [smem:$0x3FAE]  }
0x2a: {  	p0 =	seq.s32 s5, $0x0;
	s5 =	sld [smem:$0x3FAF]  }
0x2b: {  	s6 =	sld [smem:$0x3FB0]  }
0x2c: {  	s7 =	sld [smem:$0x3FB1]  }
0x2d: {  	s3 =	simm.s32 $0x108;
	s8 =	sld [smem:$0x3FB2]  }
0x2e: {  	s3 =	simm.s32 @!p0 $0x1082;
	s9 =	sld [smem:$0x3FB3]  }
0x2f: {  	lr =	sadd.s32 s0, s3;
	s0 =	sld [smem:$0x3FAA]  }
0x30: {  	s3 =	sld [smem:$0x3FAD]  }
0x31: {  	[smem:$0x3FB6] =	sst s10  }
0x32: {  	s10 =	sld [smem:$0x3FB4];
	_ =	sdelay $0x3  }
0x33: {  	p0 =	seq.s32 s10, $0x1;
	s10 =	sld [smem:$0x3FB6];
	_ =	sdelay $0x3  }
0x34: {  	[smem:$0x3FB6] =	sst s10  }
0x35: {  	s10 =	sld [smem:$0x3FB5];
	_ =	sdelay $0x3  }
0x36: {  	p1 =	seq.s32 s10, $0x1;
	s10 =	sld [smem:$0x3FB6];
	_ =	sdelay $0x3  }
0x37: {  	[smem:$0x3FB6] =	sst s10  }
0x38: {  	s10 =	sld [smem:$0x3FB7]  }
0x39: {  	_ = 	snop;
	(pc) =	sbr.ind lr, $3  }
0x3a: {  	_ = 	snop  }
0x3b: {  	_ = 	snop  }
0x3c: {  	p2 =	seq.s32 s10, $0x1;
	s10 =	sld [smem:$0x3FB6]  }
0x3d: {  	_ =	shalt  }
0x3e: {  	_ =	shalt  }
0x3f: {  	_ =	shalt  }
0x40: {  	_ =	shalt  }
0x41: {  	_ =	shalt  }
0x42: {  	_ =	shalt  }
0x43: {  	_ =	shalt  }
0x44: {  	_ =	shalt  }
0x45: {  	_ =	shalt  }
0x46: {  	_ =	shalt  }
0x47: {  	_ =	shalt  }
0x48: {  	_ =	shalt  }
0x49: {  	_ =	shalt  }
0x4a: {  	_ =	shalt  }
0x4b: {  	_ =	shalt  }
0x4c: {  	_ =	shalt  }
0x4d: {  	_ =	shalt  }
0x4e: {  	_ =	shalt  }
0x4f: {  	_ =	shalt  }
0x50: {  	_ =	shalt  }
0x51: {  	_ =	shalt  }
0x52: {  	_ =	shalt  }
0x53: {  	_ =	shalt  }
0x54: {  	_ =	shalt  }
0x55: {  	_ =	shalt  }
0x56: {  	_ =	shalt  }
0x57: {  	_ =	shalt  }
0x58: {  	_ =	shalt  }
0x59: {  	_ =	shalt  }
0x5a: {  	_ =	shalt  }
0x5b: {  	_ =	shalt  }
0x5c: {  	_ =	shalt  }
0x5d: {  	_ =	shalt  }
0x5e: {  	_ =	shalt  }
0x5f: {  	_ =	shalt  }
0x60: {  	_ =	shalt  }
0x61: {  	_ =	shalt  }
0x62: {  	_ =	shalt  }
0x63: {  	_ =	shalt  }
0x64: {  	_ =	shalt  }
0x65: {  	_ =	shalt  }
0x66: {  	_ =	shalt  }
0x67: {  	_ =	shalt  }
0x68: {  	_ =	shalt  }
0x69: {  	_ =	shalt  }
0x6a: {  	_ =	shalt  }
0x6b: {  	_ =	shalt  }
0x6c: {  	_ =	shalt  }
0x6d: {  	_ =	shalt  }
0x6e: {  	_ =	shalt  }
0x6f: {  	_ =	shalt  }
0x70: {  	_ =	shalt  }
0x71: {  	_ =	shalt  }
0x72: {  	_ =	shalt  }
0x73: {  	_ =	shalt  }
0x74: {  	_ =	shalt  }
0x75: {  	_ =	shalt  }
0x76: {  	_ =	shalt  }
0x77: {  	_ =	shalt  }
0x78: {  	_ =	shalt  }
0x79: {  	_ =	shalt  }
0x7a: {  	_ =	shalt  }
0x7b: {  	_ =	shalt  }
0x7c: {  	_ =	shalt  }
0x7d: {  	_ =	shalt  }
0x7e: {  	_ =	shalt  }
0x7f: {  	_ =	shalt  }
0x80: {  	_ =	shalt  }
0x81: {  	_ =	shalt  }
0x82: {  	_ =	shalt  }
0x83: {  	_ =	shalt  }
0x84: {  	_ =	shalt  }
0x85: {  	_ =	shalt  }
0x86: {  	_ =	shalt  }
0x87: {  	_ =	shalt  }
.Lfunc_end0:
.L_simem_size_0:
called_computation_lowered:
.L_overlay_start_0:
0x88: {  	s2 =	sld [smem:$0x3FD9]  }
0x89: {  	s3 =	sld [smem:$0x3FFE];
	_ =	sdelay $0x1  }
0x8a: {  	s1 =	srdreg.scid  }
0x8b: {  	s0 =	sand.u32 $0x1, s1  }
0x8c: {  	s17 =	sshll.u32 s0, $0xA;
	s2 =	sadd.s32 s3, s2  }
0x8d: {  	s2 =	sadd.s32 s2, s17  }
0x8e: {  	[smem:$0x3FC2] =	sst s2  }
0x8f: {  	_ = 	snop  }
0x90: {  	s2 =	sld [smem:$0x3FD0];
	(tm) =	ssettm $0x1  }
0x91: {  	s18 =	sld [smem:$0x3FFB];
	_ =	sdelay $0x3  }
0x92: {  	_ =	strace s18  }
0x93: {  	s3 =	sld [smem:$0x3FFC];
	_ =	sdelay $0x3  }
0x94: {  	_ =	strace s3  }
0x95: {  	s3 =	sld [smem:$0x3FFD];
	_ =	sdelay $0x3  }
0x96: {  	_ =	strace s3  }
0x97: {  	_ =	strace $0x8FFFFFFF  }
0x98: {  	s19 =	sld [smem:$0x3FDB];
	_ =	sdelay $0x1  }
0x99: {  	s4 =	simm.s32 $_scs_section_size  }
0x9a: {  	s5 =	simm.s32 $_size__tile_overlayer_lowered;
	s6 =	simm.s32 $_tile_overlayer_lowered  }
0x9b: {  	s22 =	simm.s32 $0x1BFF;
	s21 =	sshll.u32 s6, $0x1;
	s3 =	sadd.s32 s4, s19  }
0x9c: {  	s7 =	simm.s32 $0x0;
	s20 =	sshll.u32 s5, $0x1;
	s5 =	sadd.s32 s21, s3  }
0x9d: {  	[timem:s7], [sflag:s22] =	dma.local [hbm:s5], s20  }
0x9e: {  	_ =	swait.ge [sflag:s22], s20  }
0x9f: {  	s4 =	ssub.s32 $0x0, s20;
	[sflag:s22] =	ssyncset.done $0x0  }
0xa0: {  	[sflag:s22] =	ssyncadd.s32 s4;
	_ =	sdelay $0x1  }
0xa1: {  	s23 =	simm.s32 $0x1B8B  }
0xa2: {  	_ =	swait.ge [sflag:s23], $0x1  }
0xa3: {  	[sflag:s23] =	ssyncset.done $0x0  }
0xa4: {  	s25 =	simm.s32 $0x1B8E;
	s24 =	sld [smem:$0x3FFE];
	[sflag:s23] =	ssyncadd.s32 $0xFFFFFFFF  }
0xa5: {  	s26 =	simm.s32 $execute0_lowered;
	[smem:$0x3FD2] =	sst s25  }
0xa6: {  	s5 =	sshll.u32 s26, $0x1;
	_ =	strace $0x80000046;
	[dreg:$0x1] =	wrdreg $0xFFFFFFFF  }
0xa7: {  	s28 =	simm.s32 $_size_execute0_lowered;
	s3 =	sadd.s32 s3, s5;
	[dreg:$0x0] =	wrdreg $0x0  }
0xa8: {  	s5 =	sshll.u32 s28, $0x1;
	[dreg:$0x2] =	wrdreg s3  }
0xa9: {  	[dreg:$0x3] =	wrdreg s5  }
0xaa: {  	[dreg:$0x4] =	wrdreg $0xC0  }
0xab: {  	_ =	task [dreg:s7], $0x5FFFF  }
0xac: {  	[dreg:$0x1] =	wrdreg $0xFFFFFFFF  }
0xad: {  	[dreg:$0x0] =	wrdreg $0x60  }
0xae: {  	[dreg:$0x2] =	wrdreg s2  }
0xaf: {  	[dreg:$0x3] =	wrdreg s24  }
0xb0: {  	[dreg:$0x4] =	wrdreg $0x1A8800  }
0xb1: {  	[dreg:$0x5] =	wrdreg $0x1F8800  }
0xb2: {  	[dreg:$0x6] =	wrdreg $0x9  }
0xb3: {  	_ =	task.clear_ibuf [dreg:s7], $0x7FFFF;
	_ =	strace $0x90000046  }
0xb4: {  	s29 =	simm.s32 $0x9;
	_ =	strace $0x80000048  }
0xb5: {  	_ =	swait.ge [sflag:s29], $0x1  }
0xb6: {  	[sflag:s29] =	ssyncadd.s32 $0xFFFFFFFF  }
0xb7: {  	_ =	strace $0x90000048  }
0xb8: {  	_ =	sfence  }
0xb9: {  	s30 =	sld [smem:$0x0];
	_ =	sdelay $0x2  }
0xba: {  	s31 =	sshll.u32 s1, $0xD;
	s1 =	sshrl.u32 s1, $0x2  }
0xbb: {  	s3 =	sand.u32 $0x4000, s31;
	s1 =	sadd.s32 s1, s30  }
0xbc: {  	s0 =	sor.u32 s3, s0;
	s1 =	sshll.u32 s1, $0x11  }
0xbd: {  	s0 =	sor.u32 s1, s0  }
0xbe: {  	s0 =	sadd.s32 $0x8F2B, s0  }
0xbf: {  	[sflag:s0] =	ssyncadd.remote.s32 $0x1  }
0xc0: {  	_ =	sfence.sel $0xFFFF  }
0xc1: {  	[dreg:$0x0] =	wrdreg $0xFFFFFFFF;
	(pc) =	sbr.abs _section_cstart, $3  }
0xc2: {  	[dreg:$0x1] =	wrdreg $0xFFFFFFFF  }
0xc3: {  	_ =	task.clear_ibuf [dreg:s7], $0x2FFFF;
	_ =	strace $0x9FFFFFFF  }
0xc4: {  	(tm) =	ssettm $0x7FFFFFFF  }
0xc5: {  	_ =	shalt  }
tec
execute0_lowered:
.L_overlay_start_1:
0x0: {  	(tag) =	ssettag $0x1  }
0x1: {  	s1 =	rddreg [dreg:$0x0]  }
0x2: {  	s0 =	rddreg [dreg:$0x1]  }
0x3: {  	s2 =	rddreg [dreg:$0x2]  }
0x4: {  	s3 =	rddreg [dreg:$0x3];
	s4 =	simm.s32 $0x0;
	s20 =	srdreg.scid  }
0x5: {  	s16 =	stileid.u32;
	s17 =	simm.s32 $0x2780;
	s28 =	simm.s32 $0x80  }
0x6: {  	s29 =	simm.s32 $0xF800;
	s30 =	simm.s32 $0x1;
	s31 =	simm.s32 $0x17800  }
0x7: {  	[smem:$0x7FF] =	sst s4;
	s5 =	sadd.s32 $0x15600, s0;
	s21 =	smul.u32 $0xA80, s16  }
0x8: {  	s6 =	sadd.s32 $0x15000, s0;
	s8 =	sand.u32 $0x1, s20;
	s12 =	smul.u32 $0x14000, s16  }
0x9: {  	s9 =	sadd.s32 $0x15C00, s0;
	s10 =	sadd.s32 $0x15E00, s0;
	s24 =	smul.u32 $0x280, s16  }
0xa: {  	s11 =	sadd.s32 $0x3DE00, s0;
	s23 =	sshll.u32 s16, $0x8;
	s14 =	smul.u32 $0x5000, s16  }
0xb: {  	s18 =	sshll.u32 s16, $0x6;
	_ =	strace $0x80000047;
	[dreg:$0x5] =	wrdreg s5  }
0xc: {  	s16 =	simm.s32 $0x2;
	[dreg:$0x6] =	wrdreg s6;
	s5 =	ssub.s32 $0x2, s8  }
0xd: {  	s6 =	sadd.s32 s23, s3;
	s18 =	sor.u32 $0x1C02, s18;
	s7 =	sshrl.u32 s5, $0x1  }
0xe: {  	s0 =	sadd.s32 s0, s21;
	s22 =	sshrl.u32 s12, $0x2;
	s5 =	ssub.s32 s5, s7  }
0xf: {  	[dreg:$0x7] =	wrdreg s0;
	s0 =	sadd.s32 $0xA800, s0;
	s7 =	sshrl.u32 s24, $0x2  }
0x10: {  	s24 =	sshrl.u32 s6, $0x3;
	s6 =	simm.s32 $0x19800;
	[dreg:$0x8] =	wrdreg s0  }
0x11: {  	s0 =	sadd.s32 s22, s2;
	s5 =	smax.u32 s5, $0x1;
	s7 =	sadd.s32 $0x18800, s7  }
0x12: {  	[dreg:$0x9] =	wrdreg s5;
	s25 =	sadd.s32 $0x1000, s0;
	s26 =	sadd.s32 $0x2000, s0;
	v1 =	vmov s7  }
0x13: {  	s13 =	sadd.s32 $0x3000, s0;
	s15 =	sadd.s32 $0x4000, s0;
	s19 =	sshrl.u32 s0, $0x3  }
0x14: {  	v0 =	vlaneseq.u32;
	s0 =	simm.s32 $0xF700;
	s7 =	simm.s32 $0x0;
	s20 =	sshrl.u32 s25, $0x3  }
0x15: {  	v3 =	vimm.f32 $0.0e+00;
	v2 =	vor.u32 $0x10, v0;
	s21 =	sshrl.u32 s26, $0x3;
	s22 =	sshrl.u32 s13, $0x3;
	s23 =	sshrl.u32 s15, $0x3  }
.LBB2_1:
0x16: {  	[dreg:$0xa] =	wrdreg s7  }
0x17: {  	s5 =	rddreg [dreg:$0x5]  }
0x18: {  	[tilespmem:s4], [sflag:$0x2] =	stream.linear.gather [hbm4b:s5+s4], $0x2780, $0x38;
	[tilespmem:$0x1F980] =	vst v63  }
0x19: {  	_ =	swait.ge [sflag:s16], $0x2780  }
0x1a: {  	[sflag:s16] =	ssyncset.done $0x0  }
0x1b: {  	s12 =	rddreg [dreg:$0x6];
	[sflag:s16] =	ssyncadd.s32 $0xFFFFD880  }
0x1c: {  	[tilespmem:s17], [sflag:$0x2] =	stream.linear.gather [hbm4b:s12+s4], $0x2780, $0x38;
	[tilespmem:$0x1F980] =	vst v63  }
0x1d: {  	_ =	swait.ge [sflag:s16], $0x2780  }
0x1e: {  	[sflag:s16] =	ssyncset.done $0x0  }
0x1f: {  	s15 =	simm.s32 $0x4F00;
	s13 =	rddreg [dreg:$0x7];
	[sflag:s16] =	ssyncadd.s32 $0xFFFFD880  }
0x20: {  	[tilespmem:s15], [sflag:$0x2] =	stream.linear.gather [hbm4b:s13+s4], $0x5200, $0x38;
	[tilespmem:$0x1F980] =	vst v63  }
0x21: {  	_ =	swait.ge [sflag:s16], $0x5200  }
0x22: {  	[sflag:s16] =	ssyncset.done $0x0  }
0x23: {  	s26 =	simm.s32 $0xA300;
	s25 =	rddreg [dreg:$0x8];
	[sflag:s16] =	ssyncadd.s32 $0xFFFFAE00  }
0x24: {  	[tilespmem:s26], [sflag:$0x2] =	stream.linear.gather [hbm4b:s25+s4], $0x5200, $0x38;
	[tilespmem:$0x1F980] =	vst v63  }
0x25: {  	_ =	swait.ge [sflag:s16], $0x5200  }
0x26: {  	[sflag:s16] =	ssyncset.done $0x0  }
0x27: {  	[sflag:s16] =	ssyncadd.s32 $0xFFFFAE00  }
0x28: {  	[tilespmem:$0x1A800] =	vst v0  }
0x29: {  	p1 =	por $0x1, $0x1;
	s13 =	simm.s32 $0x0;
	[tilespmem:$0x1A810] =	vst v2  }
.LBB2_2:
0x2a: {  	[spmem:s19], [sflag:s18] =	dma.local [hbm:s9], $0x200  }
0x2b: {  	_ =	swait.ge [sflag:s16], $0x200  }
0x2c: {  	[sflag:s16] =	ssyncset.done $0x0  }
0x2d: {  	[sflag:s16] =	ssyncadd.s32 $0xFFFFFE00  }
0x2e: {  	[spmem:s20], [sflag:s18] =	dma.local [hbm:s9], $0x200  }
0x2f: {  	_ =	swait.ge [sflag:s16], $0x200  }
0x30: {  	[sflag:s16] =	ssyncset.done $0x0  }
0x31: {  	[sflag:s16] =	ssyncadd.s32 $0xFFFFFE00  }
0x32: {  	[spmem:s21], [sflag:s18] =	dma.local [hbm:s9], $0x200  }
0x33: {  	_ =	swait.ge [sflag:s16], $0x200  }
0x34: {  	[sflag:s16] =	ssyncset.done $0x0  }
0x35: {  	[sflag:s16] =	ssyncadd.s32 $0xFFFFFE00  }
0x36: {  	[spmem:s22], [sflag:s18] =	dma.local [hbm:s9], $0x200  }
0x37: {  	_ =	swait.ge [sflag:s16], $0x200  }
0x38: {  	[sflag:s16] =	ssyncset.done $0x0  }
0x39: {  	[sflag:s16] =	ssyncadd.s32 $0xFFFFFE00  }
0x3a: {  	[spmem:s23], [sflag:s18] =	dma.local [hbm:s9], $0x200  }
0x3b: {  	_ =	swait.ge [sflag:s16], $0x200  }
0x3c: {  	[sflag:s16] =	ssyncset.done $0x0  }
0x3d: {  	[sflag:s16] =	ssyncadd.s32 $0xFFFFFE00  }
0x3e: {  	[spmem:s24], [sflag:s18] =	dma.local [hbm:s9], $0x20  }
0x3f: {  	_ =	swait.ge [sflag:s16], $0x20  }
0x40: {  	p0 =	por p1, p1;
	[sflag:s16] =	ssyncset.done $0x0  }
0x41: {  	s5 =	simm.s32 $0x0;
	s7 =	simm.s32 $0x200;
	[sflag:s16] =	ssyncadd.s32 $0xFFFFFFE0  }
.LBB2_3:
0x42: {  	p1 =	sne.s32 s7, $0x3E00;
	[tilespmem:s5+$0x17870] =	vst v3  }
0x43: {  	[tilespmem:s5+$0x17800] =	vst v3  }
0x44: {  	[tilespmem:s5+$0x17810] =	vst v3  }
.Ltmp0:
0x45: {  	[tilespmem:s5+$0x17820] =	vst v3;
	(pc) =	sbr.rel @p1 .LBB2_3-.Ltmp0, $4  }
0x46: {  	[tilespmem:s5+$0x17830] =	vst v3  }
0x47: {  	[tilespmem:s5+$0x17840] =	vst v3  }
0x48: {  	[tilespmem:s5+$0x17850] =	vst v3  }
0x49: {  	[tilespmem:s5+$0x17860] =	vst v3;
	s5 =	sshra.s32 s7, $0x2;
	s7 =	sadd.s32 $0x200, s7  }
0x4a: {  	[tilespmem:s5+$0x17870] =	vst v3  }
0x4b: {  	[tilespmem:s5+$0x17800] =	vst v3  }
0x4c: {  	[tilespmem:s5+$0x17810] =	vst v3  }
0x4d: {  	[tilespmem:s5+$0x17820] =	vst v3  }
0x4e: {  	[tilespmem:s5+$0x17830] =	vst v3  }
0x4f: {  	[tilespmem:s5+$0x17840] =	vst v3;
	s15 =	sor.u32 s8, s13  }
0x50: {  	[tilespmem:s5+$0x17850] =	vst v3;
	s7 =	smul.u32 $0xFFFFF63C, s15  }
0x51: {  	[tilespmem:s5+$0x17860] =	vst v3  }
0x52: {  	s12 =	simm.s32 $0x0;
	[bflag:$0x0] =	sbarrier.arrive $0xFFFF;
	v4 =	vmov s7  }
.LBB2_5:
0x53: {  	s7 =	sshll.u32 s12, $0x7  }
0x54: {  	s5 =	sadd.s32 $0x4F00, s7  }
0x55: {  	[tilespmem:s29], [sflag:$0x1] =	stream.indirect.gather [hbm4b:s1+s28], $0x80, s5, s28, $0xb8;
	[tilespmem:$0x1F980] =	vst v63  }
0x56: {  	_ =	swait.ge [sflag:s30], $0x4000  }
0x57: {  	[sflag:s30] =	ssyncset.done $0x0  }
0x58: {  	s5 =	simm.s32 $0x0;
	[sflag:s30] =	ssyncadd.s32 $0xFFFFC000  }
.LBB2_6:
0x59: {  	s25 =	sshll.u32 s5, $0x4  }
0x5a: {  	s26 =	sor.u32 s7, s25  }
0x5b: {  	v5 =	vld [tilespmem:s26+$0x4F00]  }
0x5c: {  	v6 =	vld [tilespmem:s26+$0xA300];
	_ =	sdelay $0x6  }
0x5d: {  	v5 =	vld.idx.msk [tilespmem:v5+s4+$0x0], $0xffff  }
0x5e: {  	v7 =	vld.idx.msk [tilespmem:v6+s17+$0x0], $0xffff;
	_ =	sdelay $0x4  }
0x5f: {  	v5 =	vadd.f32 v7, v5;
	_ =	sdelay $0x1  }
0x60: {  	v7 =	vmul.f32 $2.000000030e-01, v5  }
0x61: {  	vm0 =	vge.f32 v5, $0.0e+00  }
0x62: {  	v5 =	vsel vm0, v5, v7  }
0x63: {  	v5 =	vmul.f32 $1.442695020e+00, v5;
	_ =	sdelay $0x1  }
0x64: {  	(erf) = vpow2.f32 v5;
	_ =	sdelay $0x3  }
0x65: {  	v5 =	vadd.s32 v4, v6  }
0x66: {  	v6 =	vmin.u32 v5, $0x9C4;
	_ =	sdelay $0x3  }
0x67: {  	s26 =	sshll.u32 s5, $0xB;
	[tilespmem:s25+$0xF700] =	vst v6;
	v5 =	vpop (erf)  }
0x68: {  	s25 =	sand.u32 $0x3FFFF800, s26;
	[tilespmem:v6+s31+$0x0] =	vst.idx.add.f32.msk $0xffff, v5  }
0x69: {  	v6 =	vld [tilespmem:s25+$0xF800]  }
0x6a: {  	v7 =	vld [tilespmem:s25+$0xF810]  }
0x6b: {  	v8 =	vld [tilespmem:s25+$0xF820]  }
0x6c: {  	v9 =	vbroadcast v5, $0x0;
	v10 =	vld [tilespmem:s25+$0xF830]  }
0x6d: {  	v11 =	vld [tilespmem:s25+$0xF840]  }
0x6e: {  	v12 =	vld [tilespmem:s25+$0xF850];
	v6 =	vmul.f32 v9, v6  }
0x6f: {  	v13 =	vld [tilespmem:s25+$0xF860];
	v7 =	vmul.f32 v9, v7  }
0x70: {  	v26 =	vld [tilespmem:s25+$0xF870];
	[tilespmem:s25+$0xF800] =	vst v6;
	v6 =	vmul.f32 v8, v9  }
0x71: {  	v27 =	vld [tilespmem:s25+$0xF880];
	[tilespmem:s25+$0xF810] =	vst v7;
	v7 =	vmul.f32 v10, v9  }
0x72: {  	v28 =	vld [tilespmem:s25+$0xF890];
	[tilespmem:s25+$0xF820] =	vst v6;
	v6 =	vmul.f32 v11, v9  }
0x73: {  	v29 =	vld [tilespmem:s25+$0xF8A0];
	[tilespmem:s25+$0xF830] =	vst v7;
	v7 =	vmul.f32 v12, v9  }
0x74: {  	v30 =	vbroadcast v5, $0x1;
	v14 =	vld [tilespmem:s25+$0xF8B0];
	[tilespmem:s25+$0xF840] =	vst v6;
	v6 =	vmul.f32 v13, v9  }
0x75: {  	v31 =	vld [tilespmem:s25+$0xF8C0];
	[tilespmem:s25+$0xF850] =	vst v7;
	v7 =	vmul.f32 v26, v9  }
0x76: {  	v32 =	vld [tilespmem:s25+$0xF8D0];
	[tilespmem:s25+$0xF860] =	vst v6;
	v6 =	vmul.f32 v27, v30  }
0x77: {  	v33 =	vld [tilespmem:s25+$0xF8E0];
	[tilespmem:s25+$0xF870] =	vst v7;
	v7 =	vmul.f32 v28, v30  }
0x78: {  	v34 =	vld [tilespmem:s25+$0xF8F0];
	[tilespmem:s25+$0xF880] =	vst v6;
	v6 =	vmul.f32 v29, v30  }
0x79: {  	v35 =	vld [tilespmem:s25+$0xF900];
	[tilespmem:s25+$0xF890] =	vst v7;
	v7 =	vmul.f32 v14, v30  }
0x7a: {  	v36 =	vld [tilespmem:s25+$0xF910];
	[tilespmem:s25+$0xF8A0] =	vst v6;
	v6 =	vmul.f32 v31, v30  }
0x7b: {  	v37 =	vld [tilespmem:s25+$0xF920];
	[tilespmem:s25+$0xF8B0] =	vst v7;
	v7 =	vmul.f32 v32, v30  }
0x7c: {  	v38 =	vbroadcast v5, $0x2;
	v39 =	vld [tilespmem:s25+$0xF930];
	[tilespmem:s25+$0xF8C0] =	vst v6;
	v6 =	vmul.f32 v33, v30  }
0x7d: {  	v40 =	vld [tilespmem:s25+$0xF940];
	[tilespmem:s25+$0xF8D0] =	vst v7;
	v7 =	vmul.f32 v34, v30  }
0x7e: {  	v41 =	vld [tilespmem:s25+$0xF950];
	[tilespmem:s25+$0xF8E0] =	vst v6;
	v6 =	vmul.f32 v35, v38  }
0x7f: {  	v42 =	vld [tilespmem:s25+$0xF960];
	[tilespmem:s25+$0xF8F0] =	vst v7;
	v7 =	vmul.f32 v36, v38  }
0x80: {  	v43 =	vld [tilespmem:s25+$0xF970];
	[tilespmem:s25+$0xF900] =	vst v6;
	v6 =	vmul.f32 v37, v38  }
0x81: {  	v44 =	vld [tilespmem:s25+$0xF980];
	[tilespmem:s25+$0xF910] =	vst v7;
	v7 =	vmul.f32 v39, v38  }
0x82: {  	v45 =	vld [tilespmem:s25+$0xF990];
	[tilespmem:s25+$0xF920] =	vst v6;
	v6 =	vmul.f32 v40, v38  }
0x83: {  	v46 =	vld [tilespmem:s25+$0xF9A0];
	[tilespmem:s25+$0xF930] =	vst v7;
	v7 =	vmul.f32 v41, v38  }
0x84: {  	v47 =	vbroadcast v5, $0x3;
	v48 =	vld [tilespmem:s25+$0xF9B0];
	[tilespmem:s25+$0xF940] =	vst v6;
	v6 =	vmul.f32 v42, v38  }
0x85: {  	v49 =	vld [tilespmem:s25+$0xF9C0];
	[tilespmem:s25+$0xF950] =	vst v7;
	v7 =	vmul.f32 v43, v38  }
0x86: {  	v50 =	vld [tilespmem:s25+$0xF9D0];
	[tilespmem:s25+$0xF960] =	vst v6;
	v6 =	vmul.f32 v44, v47  }
0x87: {  	v51 =	vld [tilespmem:s25+$0xF9E0];
	[tilespmem:s25+$0xF970] =	vst v7;
	v7 =	vmul.f32 v45, v47  }
0x88: {  	v52 =	vld [tilespmem:s25+$0xF9F0];
	[tilespmem:s25+$0xF980] =	vst v6;
	v6 =	vmul.f32 v46, v47  }
0x89: {  	v53 =	vld [tilespmem:s25+$0xFA00];
	[tilespmem:s25+$0xF990] =	vst v7;
	v7 =	vmul.f32 v48, v47  }
0x8a: {  	v54 =	vld [tilespmem:s25+$0xFA10];
	[tilespmem:s25+$0xF9A0] =	vst v6;
	v6 =	vmul.f32 v49, v47  }
0x8b: {  	v55 =	vld [tilespmem:s25+$0xFA20];
	[tilespmem:s25+$0xF9B0] =	vst v7;
	v7 =	vmul.f32 v50, v47  }
0x8c: {  	v56 =	vbroadcast v5, $0x4;
	v57 =	vld [tilespmem:s25+$0xFA30];
	[tilespmem:s25+$0xF9C0] =	vst v6;
	v6 =	vmul.f32 v51, v47  }
0x8d: {  	v58 =	vld [tilespmem:s25+$0xFA40];
	[tilespmem:s25+$0xF9D0] =	vst v7;
	v7 =	vmul.f32 v52, v47  }
0x8e: {  	v59 =	vld [tilespmem:s25+$0xFA50];
	[tilespmem:s25+$0xF9E0] =	vst v6;
	v6 =	vmul.f32 v53, v56  }
0x8f: {  	v60 =	vld [tilespmem:s25+$0xFA60];
	[tilespmem:s25+$0xF9F0] =	vst v7;
	v7 =	vmul.f32 v54, v56  }
0x90: {  	v61 =	vld [tilespmem:s25+$0xFA70];
	[tilespmem:s25+$0xFA00] =	vst v6;
	v6 =	vmul.f32 v55, v56  }
0x91: {  	v62 =	vld [tilespmem:s25+$0xFA80];
	[tilespmem:s25+$0xFA10] =	vst v7;
	v7 =	vmul.f32 v57, v56  }
0x92: {  	v63 =	vld [tilespmem:s25+$0xFA90];
	[tilespmem:s25+$0xFA20] =	vst v6;
	v6 =	vmul.f32 v58, v56  }
0x93: {  	v16 =	vld [tilespmem:s25+$0xFAA0];
	[tilespmem:s25+$0xFA30] =	vst v7;
	v7 =	vmul.f32 v59, v56  }
0x94: {  	v17 =	vbroadcast v5, $0x5;
	v18 =	vld [tilespmem:s25+$0xFAB0];
	[tilespmem:s25+$0xFA40] =	vst v6;
	v6 =	vmul.f32 v60, v56  }
0x95: {  	v19 =	vld [tilespmem:s25+$0xFAC0];
	[tilespmem:s25+$0xFA50] =	vst v7;
	v7 =	vmul.f32 v61, v56  }
0x96: {  	v20 =	vld [tilespmem:s25+$0xFAD0];
	[tilespmem:s25+$0xFA60] =	vst v6;
	v6 =	vmul.f32 v62, v17  }
0x97: {  	v21 =	vld [tilespmem:s25+$0xFAE0];
	[tilespmem:s25+$0xFA70] =	vst v7;
	v7 =	vmul.f32 v63, v17  }
0x98: {  	v22 =	vld [tilespmem:s25+$0xFAF0];
	[tilespmem:s25+$0xFA80] =	vst v6;
	v6 =	vmul.f32 v16, v17  }
0x99: {  	v23 =	vld [tilespmem:s25+$0xFB00];
	[tilespmem:s25+$0xFA90] =	vst v7;
	v7 =	vmul.f32 v18, v17  }
0x9a: {  	v24 =	vld [tilespmem:s25+$0xFB10];
	[tilespmem:s25+$0xFAA0] =	vst v6;
	v6 =	vmul.f32 v19, v17  }
0x9b: {  	v25 =	vld [tilespmem:s25+$0xFB20];
	[tilespmem:s25+$0xFAB0] =	vst v7;
	v7 =	vmul.f32 v20, v17  }
0x9c: {  	v26 =	vbroadcast v5, $0x6;
	v27 =	vld [tilespmem:s25+$0xFB30];
	[tilespmem:s25+$0xFAC0] =	vst v6;
	v6 =	vmul.f32 v21, v17  }
0x9d: {  	v28 =	vld [tilespmem:s25+$0xFB40];
	[tilespmem:s25+$0xFAD0] =	vst v7;
	v7 =	vmul.f32 v22, v17  }
0x9e: {  	v29 =	vld [tilespmem:s25+$0xFB50];
	[tilespmem:s25+$0xFAE0] =	vst v6;
	v6 =	vmul.f32 v23, v26  }
0x9f: {  	v30 =	vld [tilespmem:s25+$0xFB60];
	[tilespmem:s25+$0xFAF0] =	vst v7;
	v7 =	vmul.f32 v24, v26  }
0xa0: {  	v31 =	vld [tilespmem:s25+$0xFB70];
	[tilespmem:s25+$0xFB00] =	vst v6;
	v6 =	vmul.f32 v25, v26  }
0xa1: {  	v32 =	vld [tilespmem:s25+$0xFB80];
	[tilespmem:s25+$0xFB10] =	vst v7;
	v7 =	vmul.f32 v27, v26  }
0xa2: {  	v33 =	vld [tilespmem:s25+$0xFB90];
	[tilespmem:s25+$0xFB20] =	vst v6;
	v6 =	vmul.f32 v28, v26  }
0xa3: {  	v34 =	vld [tilespmem:s25+$0xFBA0];
	[tilespmem:s25+$0xFB30] =	vst v7;
	v7 =	vmul.f32 v29, v26  }
0xa4: {  	v35 =	vbroadcast v5, $0x7;
	v36 =	vld [tilespmem:s25+$0xFBB0];
	[tilespmem:s25+$0xFB40] =	vst v6;
	v6 =	vmul.f32 v30, v26  }
0xa5: {  	v37 =	vld [tilespmem:s25+$0xFBC0];
	[tilespmem:s25+$0xFB50] =	vst v7;
	v7 =	vmul.f32 v31, v26  }
0xa6: {  	v38 =	vld [tilespmem:s25+$0xFBD0];
	[tilespmem:s25+$0xFB60] =	vst v6;
	v6 =	vmul.f32 v32, v35  }
0xa7: {  	v39 =	vld [tilespmem:s25+$0xFBE0];
	[tilespmem:s25+$0xFB70] =	vst v7;
	v7 =	vmul.f32 v33, v35  }
0xa8: {  	v40 =	vld [tilespmem:s25+$0xFBF0];
	[tilespmem:s25+$0xFB80] =	vst v6;
	v6 =	vmul.f32 v34, v35  }
0xa9: {  	v41 =	vld [tilespmem:s25+$0xFC00];
	[tilespmem:s25+$0xFB90] =	vst v7;
	v7 =	vmul.f32 v36, v35  }
0xaa: {  	v42 =	vld [tilespmem:s25+$0xFC10];
	[tilespmem:s25+$0xFBA0] =	vst v6;
	v6 =	vmul.f32 v37, v35  }
0xab: {  	v43 =	vld [tilespmem:s25+$0xFC20];
	[tilespmem:s25+$0xFBB0] =	vst v7;
	v7 =	vmul.f32 v38, v35  }
0xac: {  	v44 =	vbroadcast v5, $0x8;
	v45 =	vld [tilespmem:s25+$0xFC30];
	[tilespmem:s25+$0xFBC0] =	vst v6;
	v6 =	vmul.f32 v39, v35  }
0xad: {  	v46 =	vld [tilespmem:s25+$0xFC40];
	[tilespmem:s25+$0xFBD0] =	vst v7;
	v7 =	vmul.f32 v40, v35  }
0xae: {  	v47 =	vld [tilespmem:s25+$0xFC50];
	[tilespmem:s25+$0xFBE0] =	vst v6;
	v6 =	vmul.f32 v41, v44  }
0xaf: {  	v48 =	vld [tilespmem:s25+$0xFC60];
	[tilespmem:s25+$0xFBF0] =	vst v7;
	v7 =	vmul.f32 v42, v44  }
0xb0: {  	v49 =	vld [tilespmem:s25+$0xFC70];
	[tilespmem:s25+$0xFC00] =	vst v6;
	v6 =	vmul.f32 v43, v44  }
0xb1: {  	v50 =	vld [tilespmem:s25+$0xFC80];
	[tilespmem:s25+$0xFC10] =	vst v7;
	v7 =	vmul.f32 v45, v44  }
0xb2: {  	v51 =	vld [tilespmem:s25+$0xFC90];
	[tilespmem:s25+$0xFC20] =	vst v6;
	v6 =	vmul.f32 v46, v44  }
0xb3: {  	v52 =	vld [tilespmem:s25+$0xFCA0];
	[tilespmem:s25+$0xFC30] =	vst v7;
	v7 =	vmul.f32 v47, v44  }
0xb4: {  	v53 =	vbroadcast v5, $0x9;
	v54 =	vld [tilespmem:s25+$0xFCB0];
	[tilespmem:s25+$0xFC40] =	vst v6;
	v6 =	vmul.f32 v48, v44  }
0xb5: {  	v55 =	vld [tilespmem:s25+$0xFCC0];
	[tilespmem:s25+$0xFC50] =	vst v7;
	v7 =	vmul.f32 v49, v44  }
0xb6: {  	v56 =	vld [tilespmem:s25+$0xFCD0];
	[tilespmem:s25+$0xFC60] =	vst v6;
	v6 =	vmul.f32 v50, v53  }
0xb7: {  	v57 =	vld [tilespmem:s25+$0xFCE0];
	[tilespmem:s25+$0xFC70] =	vst v7;
	v7 =	vmul.f32 v51, v53  }
0xb8: {  	v58 =	vld [tilespmem:s25+$0xFCF0];
	[tilespmem:s25+$0xFC80] =	vst v6;
	v6 =	vmul.f32 v52, v53  }
0xb9: {  	v59 =	vld [tilespmem:s25+$0xFD00];
	[tilespmem:s25+$0xFC90] =	vst v7;
	v7 =	vmul.f32 v54, v53  }
0xba: {  	v60 =	vld [tilespmem:s25+$0xFD10];
	[tilespmem:s25+$0xFCA0] =	vst v6;
	v6 =	vmul.f32 v55, v53  }
0xbb: {  	v61 =	vld [tilespmem:s25+$0xFD20];
	[tilespmem:s25+$0xFCB0] =	vst v7;
	v7 =	vmul.f32 v56, v53  }
0xbc: {  	v62 =	vbroadcast v5, $0xA;
	v63 =	vld [tilespmem:s25+$0xFD30];
	[tilespmem:s25+$0xFCC0] =	vst v6;
	v6 =	vmul.f32 v57, v53  }
0xbd: {  	v16 =	vld [tilespmem:s25+$0xFD40];
	[tilespmem:s25+$0xFCD0] =	vst v7;
	v7 =	vmul.f32 v58, v53  }
0xbe: {  	v17 =	vld [tilespmem:s25+$0xFD50];
	[tilespmem:s25+$0xFCE0] =	vst v6;
	v6 =	vmul.f32 v59, v62  }
0xbf: {  	v18 =	vld [tilespmem:s25+$0xFD60];
	[tilespmem:s25+$0xFCF0] =	vst v7;
	v7 =	vmul.f32 v60, v62  }
0xc0: {  	v19 =	vld [tilespmem:s25+$0xFD70];
	[tilespmem:s25+$0xFD00] =	vst v6;
	v6 =	vmul.f32 v61, v62  }
0xc1: {  	v20 =	vld [tilespmem:s25+$0xFD80];
	[tilespmem:s25+$0xFD10] =	vst v7;
	v7 =	vmul.f32 v63, v62  }
0xc2: {  	v21 =	vld [tilespmem:s25+$0xFD90];
	[tilespmem:s25+$0xFD20] =	vst v6;
	v6 =	vmul.f32 v16, v62  }
0xc3: {  	v22 =	vld [tilespmem:s25+$0xFDA0];
	[tilespmem:s25+$0xFD30] =	vst v7;
	v7 =	vmul.f32 v17, v62  }
0xc4: {  	v23 =	vbroadcast v5, $0xB;
	v24 =	vld [tilespmem:s25+$0xFDB0];
	[tilespmem:s25+$0xFD40] =	vst v6;
	v6 =	vmul.f32 v18, v62  }
0xc5: {  	v25 =	vld [tilespmem:s25+$0xFDC0];
	[tilespmem:s25+$0xFD50] =	vst v7;
	v7 =	vmul.f32 v19, v62  }
0xc6: {  	v26 =	vld [tilespmem:s25+$0xFDD0];
	[tilespmem:s25+$0xFD60] =	vst v6;
	v6 =	vmul.f32 v20, v23  }
0xc7: {  	v27 =	vld [tilespmem:s25+$0xFDE0];
	[tilespmem:s25+$0xFD70] =	vst v7;
	v7 =	vmul.f32 v21, v23  }
0xc8: {  	v28 =	vld [tilespmem:s25+$0xFDF0];
	[tilespmem:s25+$0xFD80] =	vst v6;
	v6 =	vmul.f32 v22, v23  }
0xc9: {  	v29 =	vld [tilespmem:s25+$0xFE00];
	[tilespmem:s25+$0xFD90] =	vst v7;
	v7 =	vmul.f32 v24, v23  }
0xca: {  	v30 =	vld [tilespmem:s25+$0xFE10];
	[tilespmem:s25+$0xFDA0] =	vst v6;
	v6 =	vmul.f32 v25, v23  }
0xcb: {  	v31 =	vld [tilespmem:s25+$0xFE20];
	[tilespmem:s25+$0xFDB0] =	vst v7;
	v7 =	vmul.f32 v26, v23  }
0xcc: {  	v32 =	vbroadcast v5, $0xC;
	v33 =	vld [tilespmem:s25+$0xFE30];
	[tilespmem:s25+$0xFDC0] =	vst v6;
	v6 =	vmul.f32 v27, v23  }
0xcd: {  	v34 =	vld [tilespmem:s25+$0xFE40];
	[tilespmem:s25+$0xFDD0] =	vst v7;
	v7 =	vmul.f32 v28, v23  }
0xce: {  	v35 =	vld [tilespmem:s25+$0xFE50];
	[tilespmem:s25+$0xFDE0] =	vst v6;
	v6 =	vmul.f32 v29, v32  }
0xcf: {  	v36 =	vld [tilespmem:s25+$0xFE60];
	[tilespmem:s25+$0xFDF0] =	vst v7;
	v7 =	vmul.f32 v30, v32  }
0xd0: {  	v37 =	vld [tilespmem:s25+$0xFE70];
	[tilespmem:s25+$0xFE00] =	vst v6;
	v6 =	vmul.f32 v31, v32  }
0xd1: {  	v38 =	vld [tilespmem:s25+$0xFE80];
	[tilespmem:s25+$0xFE10] =	vst v7;
	v7 =	vmul.f32 v33, v32  }
0xd2: {  	v39 =	vld [tilespmem:s25+$0xFE90];
	[tilespmem:s25+$0xFE20] =	vst v6;
	v6 =	vmul.f32 v34, v32  }
0xd3: {  	v40 =	vld [tilespmem:s25+$0xFEA0];
	[tilespmem:s25+$0xFE30] =	vst v7;
	v7 =	vmul.f32 v35, v32  }
0xd4: {  	v41 =	vbroadcast v5, $0xD;
	v42 =	vld [tilespmem:s25+$0xFEB0];
	[tilespmem:s25+$0xFE40] =	vst v6;
	v6 =	vmul.f32 v36, v32  }
0xd5: {  	v43 =	vld [tilespmem:s25+$0xFEC0];
	[tilespmem:s25+$0xFE50] =	vst v7;
	v7 =	vmul.f32 v37, v32  }
0xd6: {  	v44 =	vld [tilespmem:s25+$0xFED0];
	[tilespmem:s25+$0xFE60] =	vst v6;
	v6 =	vmul.f32 v38, v41  }
0xd7: {  	v45 =	vld [tilespmem:s25+$0xFEE0];
	[tilespmem:s25+$0xFE70] =	vst v7;
	v7 =	vmul.f32 v39, v41  }
0xd8: {  	v46 =	vld [tilespmem:s25+$0xFEF0];
	[tilespmem:s25+$0xFE80] =	vst v6;
	v6 =	vmul.f32 v40, v41  }
0xd9: {  	v47 =	vld [tilespmem:s25+$0xFF00];
	[tilespmem:s25+$0xFE90] =	vst v7;
	v7 =	vmul.f32 v42, v41  }
0xda: {  	v48 =	vld [tilespmem:s25+$0xFF10];
	[tilespmem:s25+$0xFEA0] =	vst v6;
	v6 =	vmul.f32 v43, v41  }
0xdb: {  	v49 =	vld [tilespmem:s25+$0xFF20];
	[tilespmem:s25+$0xFEB0] =	vst v7;
	v7 =	vmul.f32 v44, v41  }
0xdc: {  	v50 =	vbroadcast v5, $0xE;
	v51 =	vld [tilespmem:s25+$0xFF30];
	[tilespmem:s25+$0xFEC0] =	vst v6;
	v6 =	vmul.f32 v45, v41  }
0xdd: {  	v52 =	vld [tilespmem:s25+$0xFF40];
	[tilespmem:s25+$0xFED0] =	vst v7;
	v7 =	vmul.f32 v46, v41  }
0xde: {  	v53 =	vld [tilespmem:s25+$0xFF50];
	[tilespmem:s25+$0xFEE0] =	vst v6;
	v6 =	vmul.f32 v47, v50  }
0xdf: {  	v54 =	vld [tilespmem:s25+$0xFF60];
	[tilespmem:s25+$0xFEF0] =	vst v7;
	v7 =	vmul.f32 v48, v50  }
0xe0: {  	v55 =	vld [tilespmem:s25+$0xFF70];
	[tilespmem:s25+$0xFF00] =	vst v6;
	v6 =	vmul.f32 v49, v50  }
0xe1: {  	v56 =	vld [tilespmem:s25+$0xFF80];
	[tilespmem:s25+$0xFF10] =	vst v7;
	v7 =	vmul.f32 v51, v50  }
0xe2: {  	v57 =	vld [tilespmem:s25+$0xFF90];
	[tilespmem:s25+$0xFF20] =	vst v6;
	v6 =	vmul.f32 v52, v50  }
0xe3: {  	v58 =	vld [tilespmem:s25+$0xFFA0];
	[tilespmem:s25+$0xFF30] =	vst v7;
	v7 =	vmul.f32 v53, v50  }
0xe4: {  	v5 =	vbroadcast v5, $0xF;
	v59 =	vld [tilespmem:s25+$0xFFB0];
	[tilespmem:s25+$0xFF40] =	vst v6;
	v6 =	vmul.f32 v54, v50  }
0xe5: {  	v60 =	vld [tilespmem:s25+$0xFFC0];
	[tilespmem:s25+$0xFF50] =	vst v7;
	v7 =	vmul.f32 v55, v50  }
0xe6: {  	v61 =	vld [tilespmem:s25+$0xFFD0];
	[tilespmem:s25+$0xFF60] =	vst v6;
	v6 =	vmul.f32 v56, v5  }
0xe7: {  	v62 =	vld [tilespmem:s25+$0xFFE0];
	[tilespmem:s25+$0xFF70] =	vst v7;
	v7 =	vmul.f32 v57, v5  }
0xe8: {  	v63 =	vld [tilespmem:s25+$0xFFF0];
	[tilespmem:s25+$0xFF80] =	vst v6;
	v6 =	vmul.f32 v58, v5  }
0xe9: {  	[tilespmem:s25+$0xFF90] =	vst v7;
	v7 =	vmul.f32 v59, v5  }
0xea: {  	p1 =	sne.s32 s5, $0x7;
	[tilespmem:s25+$0xFFA0] =	vst v6;
	v6 =	vmul.f32 v60, v5  }
.Ltmp1:
0xeb: {  	[tilespmem:s25+$0xFFB0] =	vst v7;
	v7 =	vmul.f32 v61, v5;
	(pc) =	sbr.rel @p1 .LBB2_6-.Ltmp1, $4  }
0xec: {  	[tilespmem:s25+$0xFFC0] =	vst v6;
	v6 =	vmul.f32 v62, v5  }
0xed: {  	[tilespmem:s25+$0xFFD0] =	vst v7;
	v5 =	vmul.f32 v63, v5  }
0xee: {  	[tilespmem:s25+$0xFFE0] =	vst v6  }
0xef: {  	s5 =	sadd.s32 $0x1, s5;
	[tilespmem:s25+$0xFFF0] =	vst v5  }
0xf0: {  	s12 =	sadd.s32 $0x1, s12  }
0xf1: {  	p1 =	sne.s32 s12, $0xA2  }
.Ltmp2:
0xf2: {  	_ = 	snop;
	(pc) =	sbr.rel @p1 .LBB2_5-.Ltmp2, $4  }
0xf3: {  	[spmem:s2] =	stream.indirect.scatter.add.f32 [tilespmem:s29], [sflag:$0x2], $0x80, s0, s28, $0xb8;
	[tilespmem:$0x1F980] =	vst v63  }
0xf4: {  	_ =	swait.ge [sflag:s16], $0x4000  }
0xf5: {  	[sflag:s16] =	ssyncset.done $0x0  }
0xf6: {  	[sflag:s16] =	ssyncadd.s32 $0xFFFFC000  }
0xf7: {  	s5 =	simm.s32 $0x20;
	s7 =	simm.s32 $0x1A800;
	s15 =	smul.u32 $0x50000, s15  }
0xf8: {  	[spmem:s3] =	stream.indirect.scatter.add.f32 [tilespmem:s31], [sflag:$0x2], $0x80, s7, s5, $0xb8;
	[tilespmem:$0x1F980] =	vst v63  }
0xf9: {  	_ =	swait.ge [sflag:s16], $0x1000  }
0xfa: {  	s5 =	sadd.s32 s14, s15;
	[sflag:s16] =	ssyncset.done $0x0  }
0xfb: {  	s5 =	sshrl.u32 s5, $0x3;
	[sflag:s16] =	ssyncadd.s32 $0xFFFFF000  }
0xfc: {  	s5 =	sadd.s32 s10, s5;
	[bflag:$0x0] =	sbarrier.arrive $0xFFFF  }
0xfd: {  	[hbm:s5], [sflag:s18] =	dma.local [spmem:s19], $0xA00  }
0xfe: {  	_ =	swait.ge [sflag:s16], $0xA00  }
0xff: {  	s25 =	sadd.s32 s13, s8;
	[sflag:s16] =	ssyncset.done $0x0  }
0x100: {  	s26 =	simm.s32 $0x18800;
	s5 =	smul.u32 $0x50000, s25;
	[sflag:s16] =	ssyncadd.s32 $0xFFFFF600  }
0x101: {  	[tilespmem:s26], [sflag:$0x2] =	stream.linear.gather [spmem:s3], $0x1000, $0x38;
	[tilespmem:$0x1F980] =	vst v63  }
0x102: {  	s5 =	sadd.s32 s5, s14;
	_ =	swait.ge [sflag:s16], $0x1000  }
0x103: {  	s5 =	sshrl.u32 s5, $0x3;
	[sflag:s16] =	ssyncset.done $0x0  }
0x104: {  	s7 =	simm.s32 $0x0;
	s5 =	sadd.s32 s5, s11;
	[sflag:s16] =	ssyncadd.s32 $0xFFFFF000  }
.LBB2_9:
0x105: {  	s12 =	sshra.s32 s7, $0x2  }
0x106: {  	v4 =	vld.idx.msk [tilespmem:v1+s12+$0x0 ss:$0x1], $0xffff;
	_ =	sdelay $0x4  }
0x107: {  	v5 =	vbroadcast v4, $0x0;
	_ =	sdelay $0x1  }
0x108: {  	[tilespmem:$0x19800] =	vst v5  }
0x109: {  	[tilespmem:$0x19810] =	vst v5  }
0x10a: {  	[tilespmem:$0x19820] =	vst v5  }
0x10b: {  	[tilespmem:$0x19830] =	vst v5  }
0x10c: {  	[tilespmem:$0x19840] =	vst v5  }
0x10d: {  	[tilespmem:$0x19850] =	vst v5  }
0x10e: {  	v6 =	vbroadcast v4, $0x1;
	[tilespmem:$0x19860] =	vst v5  }
0x10f: {  	[tilespmem:$0x19870] =	vst v5  }
0x110: {  	[tilespmem:$0x19880] =	vst v6  }
0x111: {  	[tilespmem:$0x19890] =	vst v6  }
0x112: {  	[tilespmem:$0x198A0] =	vst v6  }
0x113: {  	[tilespmem:$0x198B0] =	vst v6  }
0x114: {  	[tilespmem:$0x198C0] =	vst v6  }
0x115: {  	[tilespmem:$0x198D0] =	vst v6  }
0x116: {  	v51 =	vbroadcast v4, $0x3;
	[tilespmem:$0x198E0] =	vst v6  }
0x117: {  	[tilespmem:$0x198F0] =	vst v6  }
0x118: {  	[tilespmem:$0x19980] =	vst v51  }
0x119: {  	[tilespmem:$0x19990] =	vst v51  }
0x11a: {  	[tilespmem:$0x199A0] =	vst v51  }
0x11b: {  	[tilespmem:$0x199B0] =	vst v51  }
0x11c: {  	[tilespmem:$0x199C0] =	vst v51  }
0x11d: {  	[tilespmem:$0x199D0] =	vst v51  }
0x11e: {  	v52 =	vbroadcast v4, $0x5;
	[tilespmem:$0x199E0] =	vst v51  }
0x11f: {  	[tilespmem:$0x199F0] =	vst v51  }
0x120: {  	[tilespmem:$0x19A80] =	vst v52  }
0x121: {  	[tilespmem:$0x19A90] =	vst v52  }
0x122: {  	[tilespmem:$0x19AA0] =	vst v52  }
0x123: {  	[tilespmem:$0x19AB0] =	vst v52  }
0x124: {  	[tilespmem:$0x19AC0] =	vst v52  }
0x125: {  	[tilespmem:$0x19AD0] =	vst v52  }
0x126: {  	v53 =	vbroadcast v4, $0x7;
	[tilespmem:$0x19AE0] =	vst v52  }
0x127: {  	[tilespmem:$0x19AF0] =	vst v52  }
0x128: {  	[tilespmem:$0x19B80] =	vst v53  }
0x129: {  	[tilespmem:$0x19B90] =	vst v53  }
0x12a: {  	[tilespmem:$0x19BA0] =	vst v53  }
0x12b: {  	[tilespmem:$0x19BB0] =	vst v53  }
0x12c: {  	[tilespmem:$0x19BC0] =	vst v53  }
0x12d: {  	[tilespmem:$0x19BD0] =	vst v53  }
0x12e: {  	v54 =	vbroadcast v4, $0x9;
	[tilespmem:$0x19BE0] =	vst v53  }
0x12f: {  	[tilespmem:$0x19BF0] =	vst v53  }
0x130: {  	[tilespmem:$0x19C80] =	vst v54  }
0x131: {  	[tilespmem:$0x19C90] =	vst v54  }
0x132: {  	[tilespmem:$0x19CA0] =	vst v54  }
0x133: {  	[tilespmem:$0x19CB0] =	vst v54  }
0x134: {  	[tilespmem:$0x19CC0] =	vst v54  }
0x135: {  	[tilespmem:$0x19CD0] =	vst v54  }
0x136: {  	v55 =	vbroadcast v4, $0xB;
	[tilespmem:$0x19CE0] =	vst v54  }
0x137: {  	[tilespmem:$0x19CF0] =	vst v54  }
0x138: {  	[tilespmem:$0x19D80] =	vst v55  }
0x139: {  	[tilespmem:$0x19D90] =	vst v55  }
0x13a: {  	[tilespmem:$0x19DA0] =	vst v55  }
0x13b: {  	[tilespmem:$0x19DB0] =	vst v55  }
0x13c: {  	[tilespmem:$0x19DC0] =	vst v55  }
0x13d: {  	[tilespmem:$0x19DD0] =	vst v55  }
0x13e: {  	v56 =	vbroadcast v4, $0xD;
	[tilespmem:$0x19DE0] =	vst v55  }
0x13f: {  	[tilespmem:$0x19DF0] =	vst v55  }
0x140: {  	v5 =	vbroadcast v4, $0x2;
	[tilespmem:$0x19E80] =	vst v56  }
0x141: {  	[tilespmem:$0x19E90] =	vst v56  }
0x142: {  	[tilespmem:$0x19900] =	vst v5  }
0x143: {  	[tilespmem:$0x19910] =	vst v5  }
0x144: {  	[tilespmem:$0x19920] =	vst v5  }
0x145: {  	[tilespmem:$0x19930] =	vst v5  }
0x146: {  	[tilespmem:$0x19940] =	vst v5  }
0x147: {  	[tilespmem:$0x19950] =	vst v5  }
0x148: {  	[tilespmem:$0x19960] =	vst v5  }
0x149: {  	[tilespmem:$0x19970] =	vst v5;
	v5 =	vbroadcast v4, $0x4  }
0x14a: {  	[tilespmem:$0x19EA0] =	vst v56  }
0x14b: {  	[tilespmem:$0x19A00] =	vst v5  }
0x14c: {  	[tilespmem:$0x19A10] =	vst v5  }
0x14d: {  	[tilespmem:$0x19A20] =	vst v5  }
0x14e: {  	[tilespmem:$0x19A30] =	vst v5  }
0x14f: {  	[tilespmem:$0x19A40] =	vst v5  }
0x150: {  	[tilespmem:$0x19A50] =	vst v5  }
0x151: {  	[tilespmem:$0x19A60] =	vst v5  }
0x152: {  	[tilespmem:$0x19A70] =	vst v5;
	v5 =	vbroadcast v4, $0x6  }
0x153: {  	[tilespmem:$0x19EB0] =	vst v56  }
0x154: {  	[tilespmem:$0x19B00] =	vst v5  }
0x155: {  	[tilespmem:$0x19B10] =	vst v5  }
0x156: {  	[tilespmem:$0x19B20] =	vst v5  }
0x157: {  	[tilespmem:$0x19B30] =	vst v5  }
0x158: {  	[tilespmem:$0x19B40] =	vst v5  }
0x159: {  	[tilespmem:$0x19B50] =	vst v5  }
0x15a: {  	[tilespmem:$0x19B60] =	vst v5  }
0x15b: {  	[tilespmem:$0x19B70] =	vst v5;
	v5 =	vbroadcast v4, $0x8  }
0x15c: {  	[tilespmem:$0x19EC0] =	vst v56  }
0x15d: {  	[tilespmem:$0x19C00] =	vst v5  }
0x15e: {  	[tilespmem:$0x19C10] =	vst v5  }
0x15f: {  	[tilespmem:$0x19C20] =	vst v5  }
0x160: {  	[tilespmem:$0x19C30] =	vst v5  }
0x161: {  	[tilespmem:$0x19C40] =	vst v5  }
0x162: {  	[tilespmem:$0x19C50] =	vst v5  }
0x163: {  	[tilespmem:$0x19C60] =	vst v5  }
0x164: {  	[tilespmem:$0x19C70] =	vst v5;
	v5 =	vbroadcast v4, $0xA  }
0x165: {  	[tilespmem:$0x19ED0] =	vst v56  }
0x166: {  	[tilespmem:$0x19D00] =	vst v5  }
0x167: {  	[tilespmem:$0x19D10] =	vst v5  }
0x168: {  	[tilespmem:$0x19D20] =	vst v5  }
0x169: {  	[tilespmem:$0x19D30] =	vst v5  }
0x16a: {  	[tilespmem:$0x19D40] =	vst v5  }
0x16b: {  	[tilespmem:$0x19D50] =	vst v5  }
0x16c: {  	[tilespmem:$0x19D60] =	vst v5  }
0x16d: {  	[tilespmem:$0x19D70] =	vst v5;
	v5 =	vbroadcast v4, $0xC  }
0x16e: {  	[tilespmem:$0x19EE0] =	vst v56  }
0x16f: {  	[tilespmem:$0x19E00] =	vst v5  }
0x170: {  	[tilespmem:$0x19E10] =	vst v5  }
0x171: {  	[tilespmem:$0x19E20] =	vst v5  }
0x172: {  	[tilespmem:$0x19E30] =	vst v5  }
0x173: {  	[tilespmem:$0x19E40] =	vst v5  }
0x174: {  	[tilespmem:$0x19E50] =	vst v5  }
0x175: {  	[tilespmem:$0x19E60] =	vst v5  }
0x176: {  	[tilespmem:$0x19E70] =	vst v5;
	v5 =	vbroadcast v4, $0xE  }
0x177: {  	[tilespmem:$0x19EF0] =	vst v56  }
0x178: {  	[tilespmem:$0x19F00] =	vst v5  }
0x179: {  	[tilespmem:$0x19F10] =	vst v5  }
0x17a: {  	[tilespmem:$0x19F20] =	vst v5  }
0x17b: {  	[tilespmem:$0x19F30] =	vst v5  }
0x17c: {  	[tilespmem:$0x19F40] =	vst v5  }
0x17d: {  	[tilespmem:$0x19F50] =	vst v5  }
0x17e: {  	v4 =	vbroadcast v4, $0xF;
	[tilespmem:$0x19F60] =	vst v5  }
0x17f: {  	[tilespmem:$0x19F70] =	vst v5  }
0x180: {  	[tilespmem:$0x19F80] =	vst v4  }
0x181: {  	[tilespmem:$0x19F90] =	vst v4  }
0x182: {  	[tilespmem:$0x19FA0] =	vst v4  }
0x183: {  	[tilespmem:$0x19FB0] =	vst v4  }
0x184: {  	[tilespmem:$0x19FC0] =	vst v4  }
0x185: {  	[tilespmem:$0x19FD0] =	vst v4  }
0x186: {  	[tilespmem:$0x19FE0] =	vst v4  }
0x187: {  	[tilespmem:$0x19FF0] =	vst v4  }
0x188: {  	v4 =	vld.idx.msk [tilespmem:v1+s12+$0x10 ss:$0x1], $0xffff;
	_ =	sdelay $0x4  }
0x189: {  	v5 =	vbroadcast v4, $0x0;
	_ =	sdelay $0x1  }
0x18a: {  	[tilespmem:$0x1A000] =	vst v5  }
0x18b: {  	[tilespmem:$0x1A010] =	vst v5  }
0x18c: {  	[tilespmem:$0x1A020] =	vst v5  }
0x18d: {  	[tilespmem:$0x1A030] =	vst v5  }
0x18e: {  	[tilespmem:$0x1A040] =	vst v5  }
0x18f: {  	[tilespmem:$0x1A050] =	vst v5  }
0x190: {  	v57 =	vbroadcast v4, $0x1;
	[tilespmem:$0x1A060] =	vst v5  }
0x191: {  	[tilespmem:$0x1A070] =	vst v5  }
0x192: {  	[tilespmem:$0x1A080] =	vst v57  }
0x193: {  	[tilespmem:$0x1A090] =	vst v57  }
0x194: {  	[tilespmem:$0x1A0A0] =	vst v57  }
0x195: {  	[tilespmem:$0x1A0B0] =	vst v57  }
0x196: {  	[tilespmem:$0x1A0C0] =	vst v57  }
0x197: {  	[tilespmem:$0x1A0D0] =	vst v57  }
0x198: {  	v58 =	vbroadcast v4, $0x3;
	[tilespmem:$0x1A0E0] =	vst v57  }
0x199: {  	[tilespmem:$0x1A0F0] =	vst v57  }
0x19a: {  	[tilespmem:$0x1A180] =	vst v58  }
0x19b: {  	[tilespmem:$0x1A190] =	vst v58  }
0x19c: {  	[tilespmem:$0x1A1A0] =	vst v58  }
0x19d: {  	[tilespmem:$0x1A1B0] =	vst v58  }
0x19e: {  	[tilespmem:$0x1A1C0] =	vst v58  }
0x19f: {  	[tilespmem:$0x1A1D0] =	vst v58  }
0x1a0: {  	v59 =	vbroadcast v4, $0x5;
	[tilespmem:$0x1A1E0] =	vst v58  }
0x1a1: {  	[tilespmem:$0x1A1F0] =	vst v58  }
0x1a2: {  	[tilespmem:$0x1A280] =	vst v59  }
0x1a3: {  	[tilespmem:$0x1A290] =	vst v59  }
0x1a4: {  	[tilespmem:$0x1A2A0] =	vst v59  }
0x1a5: {  	[tilespmem:$0x1A2B0] =	vst v59  }
0x1a6: {  	[tilespmem:$0x1A2C0] =	vst v59  }
0x1a7: {  	[tilespmem:$0x1A2D0] =	vst v59  }
0x1a8: {  	v60 =	vbroadcast v4, $0x7;
	[tilespmem:$0x1A2E0] =	vst v59  }
0x1a9: {  	[tilespmem:$0x1A2F0] =	vst v59  }
0x1aa: {  	[tilespmem:$0x1A380] =	vst v60  }
0x1ab: {  	[tilespmem:$0x1A390] =	vst v60  }
0x1ac: {  	[tilespmem:$0x1A3A0] =	vst v60  }
0x1ad: {  	[tilespmem:$0x1A3B0] =	vst v60  }
0x1ae: {  	[tilespmem:$0x1A3C0] =	vst v60  }
0x1af: {  	[tilespmem:$0x1A3D0] =	vst v60  }
0x1b0: {  	v61 =	vbroadcast v4, $0x9;
	[tilespmem:$0x1A3E0] =	vst v60  }
0x1b1: {  	[tilespmem:$0x1A3F0] =	vst v60  }
0x1b2: {  	[tilespmem:$0x1A480] =	vst v61  }
0x1b3: {  	[tilespmem:$0x1A490] =	vst v61  }
0x1b4: {  	[tilespmem:$0x1A4A0] =	vst v61  }
0x1b5: {  	[tilespmem:$0x1A4B0] =	vst v61  }
0x1b6: {  	[tilespmem:$0x1A4C0] =	vst v61  }
0x1b7: {  	[tilespmem:$0x1A4D0] =	vst v61  }
0x1b8: {  	v62 =	vbroadcast v4, $0xB;
	[tilespmem:$0x1A4E0] =	vst v61  }
0x1b9: {  	[tilespmem:$0x1A4F0] =	vst v61  }
0x1ba: {  	[tilespmem:$0x1A580] =	vst v62  }
0x1bb: {  	[tilespmem:$0x1A590] =	vst v62  }
0x1bc: {  	[tilespmem:$0x1A5A0] =	vst v62  }
0x1bd: {  	[tilespmem:$0x1A5B0] =	vst v62  }
0x1be: {  	[tilespmem:$0x1A5C0] =	vst v62  }
0x1bf: {  	[tilespmem:$0x1A5D0] =	vst v62  }
0x1c0: {  	v63 =	vbroadcast v4, $0xD;
	[tilespmem:$0x1A5E0] =	vst v62  }
0x1c1: {  	[tilespmem:$0x1A5F0] =	vst v62  }
0x1c2: {  	v5 =	vbroadcast v4, $0x2;
	[tilespmem:$0x1A680] =	vst v63  }
0x1c3: {  	[tilespmem:$0x1A690] =	vst v63  }
0x1c4: {  	[tilespmem:$0x1A100] =	vst v5  }
0x1c5: {  	[tilespmem:$0x1A110] =	vst v5  }
0x1c6: {  	[tilespmem:$0x1A120] =	vst v5  }
0x1c7: {  	[tilespmem:$0x1A130] =	vst v5  }
0x1c8: {  	[tilespmem:$0x1A140] =	vst v5  }
0x1c9: {  	[tilespmem:$0x1A150] =	vst v5  }
0x1ca: {  	[tilespmem:$0x1A160] =	vst v5  }
0x1cb: {  	[tilespmem:$0x1A170] =	vst v5;
	v5 =	vbroadcast v4, $0x4  }
0x1cc: {  	[tilespmem:$0x1A6A0] =	vst v63  }
0x1cd: {  	[tilespmem:$0x1A200] =	vst v5  }
0x1ce: {  	[tilespmem:$0x1A210] =	vst v5  }
0x1cf: {  	[tilespmem:$0x1A220] =	vst v5  }
0x1d0: {  	[tilespmem:$0x1A230] =	vst v5  }
0x1d1: {  	[tilespmem:$0x1A240] =	vst v5  }
0x1d2: {  	[tilespmem:$0x1A250] =	vst v5  }
0x1d3: {  	[tilespmem:$0x1A260] =	vst v5  }
0x1d4: {  	[tilespmem:$0x1A270] =	vst v5;
	v5 =	vbroadcast v4, $0x6  }
0x1d5: {  	[tilespmem:$0x1A6B0] =	vst v63  }
0x1d6: {  	[tilespmem:$0x1A300] =	vst v5  }
0x1d7: {  	[tilespmem:$0x1A310] =	vst v5  }
0x1d8: {  	[tilespmem:$0x1A320] =	vst v5  }
0x1d9: {  	[tilespmem:$0x1A330] =	vst v5  }
0x1da: {  	[tilespmem:$0x1A340] =	vst v5  }
0x1db: {  	[tilespmem:$0x1A350] =	vst v5  }
0x1dc: {  	[tilespmem:$0x1A360] =	vst v5  }
0x1dd: {  	[tilespmem:$0x1A370] =	vst v5;
	v5 =	vbroadcast v4, $0x8  }
0x1de: {  	[tilespmem:$0x1A6C0] =	vst v63  }
0x1df: {  	[tilespmem:$0x1A400] =	vst v5  }
0x1e0: {  	[tilespmem:$0x1A410] =	vst v5  }
0x1e1: {  	[tilespmem:$0x1A420] =	vst v5  }
0x1e2: {  	[tilespmem:$0x1A430] =	vst v5  }
0x1e3: {  	[tilespmem:$0x1A440] =	vst v5  }
0x1e4: {  	[tilespmem:$0x1A450] =	vst v5  }
0x1e5: {  	[tilespmem:$0x1A460] =	vst v5  }
0x1e6: {  	[tilespmem:$0x1A470] =	vst v5;
	v5 =	vbroadcast v4, $0xA  }
0x1e7: {  	[tilespmem:$0x1A6D0] =	vst v63  }
0x1e8: {  	[tilespmem:$0x1A500] =	vst v5  }
0x1e9: {  	[tilespmem:$0x1A510] =	vst v5  }
0x1ea: {  	[tilespmem:$0x1A520] =	vst v5  }
0x1eb: {  	[tilespmem:$0x1A530] =	vst v5  }
0x1ec: {  	[tilespmem:$0x1A540] =	vst v5  }
0x1ed: {  	[tilespmem:$0x1A550] =	vst v5  }
0x1ee: {  	[tilespmem:$0x1A560] =	vst v5  }
0x1ef: {  	[tilespmem:$0x1A570] =	vst v5;
	v5 =	vbroadcast v4, $0xC  }
0x1f0: {  	[tilespmem:$0x1A6E0] =	vst v63  }
0x1f1: {  	[tilespmem:$0x1A600] =	vst v5  }
0x1f2: {  	[tilespmem:$0x1A610] =	vst v5  }
0x1f3: {  	[tilespmem:$0x1A620] =	vst v5  }
0x1f4: {  	[tilespmem:$0x1A630] =	vst v5  }
0x1f5: {  	[tilespmem:$0x1A640] =	vst v5  }
0x1f6: {  	[tilespmem:$0x1A650] =	vst v5  }
0x1f7: {  	[tilespmem:$0x1A660] =	vst v5  }
0x1f8: {  	[tilespmem:$0x1A670] =	vst v5;
	v5 =	vbroadcast v4, $0xE  }
0x1f9: {  	[tilespmem:$0x1A6F0] =	vst v63  }
0x1fa: {  	[tilespmem:$0x1A700] =	vst v5  }
0x1fb: {  	[tilespmem:$0x1A710] =	vst v5  }
0x1fc: {  	[tilespmem:$0x1A720] =	vst v5  }
0x1fd: {  	[tilespmem:$0x1A730] =	vst v5  }
0x1fe: {  	[tilespmem:$0x1A740] =	vst v5  }
0x1ff: {  	[tilespmem:$0x1A750] =	vst v5  }
0x200: {  	v4 =	vbroadcast v4, $0xF;
	[tilespmem:$0x1A760] =	vst v5  }
0x201: {  	[tilespmem:$0x1A770] =	vst v5  }
0x202: {  	[tilespmem:$0x1A780] =	vst v4  }
0x203: {  	[tilespmem:$0x1A790] =	vst v4  }
0x204: {  	[tilespmem:$0x1A7A0] =	vst v4  }
0x205: {  	[tilespmem:$0x1A7B0] =	vst v4  }
0x206: {  	[tilespmem:$0x1A7C0] =	vst v4  }
0x207: {  	[tilespmem:$0x1A7D0] =	vst v4  }
0x208: {  	p1 =	sne.s32 s7, $0x200;
	[tilespmem:$0x1A7E0] =	vst v4  }
.Ltmp3:
0x209: {  	[tilespmem:$0x1A7F0] =	vst v4;
	(pc) =	sbr.rel @p1 .LBB2_9-.Ltmp3, $4  }
0x20a: {  	[hbm4b:s5+s4] =	stream.linear.scatter [tilespmem:s6], [sflag:$0x2], $0x1000, $0x38;
	[tilespmem:$0x1F980] =	vst v63  }
0x20b: {  	_ =	swait.ge [sflag:s16], $0x1000  }
0x20c: {  	[sflag:s16] =	ssyncset.done $0x0  }
0x20d: {  	s7 =	sadd.s32 $0x80, s7;
	s5 =	sadd.s32 $0x200, s5;
	[sflag:s16] =	ssyncadd.s32 $0xFFFFF000  }
.Ltmp4:
0x20e: {  	(pc) =	sbr.rel @p0 .LBB2_2-.Ltmp4, $3  }
0x20f: {  	_ =	sdelay $0x1  }
0x210: {  	[bflag:$0x0] =	sbarrier.arrive $0xFFFF  }
0x211: {  	s13 =	simm.s32 $0x2;
	p1 =	por $0x0, $0x0  }
0x212: {  	s7 =	rddreg [dreg:$0xa]  }
0x213: {  	s5 =	rddreg [dreg:$0x9];
	s7 =	sadd.s32 $0x1, s7  }
0x214: {  	p0 =	sne.s32 s7, s5  }
.Ltmp5:
0x215: {  	_ = 	snop;
	(pc) =	sbr.rel @p0 .LBB2_1-.Ltmp5, $1  }
0x216: {  	_ =	sdelay $0x3  }
0x217: {  	_ =	sfence.sel $0x180000  }
0x218: {  	[bflag:$0x0] =	sbarrier.arrive $0xFFFF  }
0x219: {  	_ =	strace $0x90000047  }
0x21a: {  	s0 =	stileid.u32;
	[bflag:$0x2] =	sbarrier.arrive $0xFFFF  }
0x21b: {  	p0 =	sne.s32 s0, $0x0;
	s0 =	rddreg [dreg:$0x4]  }
0x21c: {  	s0 =	sadd.s32 @!p0 $0x100000, s0  }
0x21d: {  	[sflag:s0] =	ssyncadd.tile.s32 @!p0 $0x1;
	_ =	shalt  }
.Lfunc_end2:
_tile_overlayer_lowered:
.L_overlay_start_2:
0x21e: {  	(tag) =	ssettag $0x2  }
0x21f: {  	s0 =	rddreg [dreg:$0x0];
	s2 =	stileid.u32  }
0x220: {  	s1 =	rddreg [dreg:$0x1];
	p0 =	sne.s32 s2, $0x0  }
0x221: {  	s3 =	rddreg [dreg:$0x2];
	[bflag:$0x3] =	sbarrier.arrive $0xFFFF;
	s2 =	simm.s32 @!p0 $0x1C02  }
0x222: {  	[timem:s3], [sflag:s2] =	dma.local @!p0 [hbm:s0], s1  }
0x223: {  	s0 =	simm.s32 @!p0 $0x2  }
0x224: {  	_ =	swait.ge @!p0 [sflag:s0], s1  }
0x225: {  	s1 =	ssub.s32 @!p0 $0x0, s1;
	[sflag:s0] =	ssyncset.done @!p0 $0x0  }
0x226: {  	[sflag:s0] =	ssyncadd.s32 @!p0 s1  }
0x227: {  	[bflag:$0x3] =	sbarrier.arrive $0xFFFF  }
0x228: {  	_ =	shalt  }

</sc_bundles>
